<compile_context>
chip_gen: v7x
topology: tpu7x:2x2x1
jax: 0.10.2.dev20260603
libtpu: 0.0.44.dev20260713+nightly
codegen_flags: <defaults>
</compile_context>

<pallas_src>
import functools

import jax
import jax.numpy as jnp
from jax import lax
from jax.experimental import pallas as pl
from jax.experimental.pallas import tpu as pltpu
from jax.experimental.pallas import tpu_sc as plsc

NEG = -1e30
N_PAD = 10240
C1 = 192
C2 = 288
BN_A = 256
BN_B = 512
BN_C = 512



def _tc_a_body(x_ref, w_ref, asv_ref, adv_ref, h_ref, as_ref, ad_ref):
    h = jnp.dot(x_ref[...], w_ref[...], preferred_element_type=jnp.float32)
    h_ref[0] = h
    h4 = h.reshape(BN_A, 4, 32)
    as_ref[0] = (h4 * asv_ref[...]).sum(-1)
    ad_ref[0] = (h4 * adv_ref[...]).sum(-1)


def _tc_a(x_p, w_p, asv, adv):
    grid = (2, N_PAD // BN_A)
    return pl.pallas_call(
        _tc_a_body,
        grid=grid,
        in_specs=[
            pl.BlockSpec((BN_A, 768), lambda c, i: (i, 0)),
            pl.BlockSpec((768, 128), lambda c, i: (0, c)),
            pl.BlockSpec((1, 4, 32), lambda c, i: (c, 0, 0)),
            pl.BlockSpec((1, 4, 32), lambda c, i: (c, 0, 0)),
        ],
        out_specs=[
            pl.BlockSpec((1, BN_A, 128), lambda c, i: (c, i, 0)),
            pl.BlockSpec((1, BN_A, 4), lambda c, i: (c, i, 0)),
            pl.BlockSpec((1, BN_A, 4), lambda c, i: (c, i, 0)),
        ],
        out_shape=[
            jax.ShapeDtypeStruct((2, N_PAD, 128), jnp.float32),
            jax.ShapeDtypeStruct((2, N_PAD, 4), jnp.float32),
            jax.ShapeDtypeStruct((2, N_PAD, 4), jnp.float32),
        ],
    )(x_p, w_p, asv, adv)



def _sc1_body(src_ref, dst_ref, comb0_ref, comb1_ref, hcat_ref,
              u_out, den_out,
              u_sp, den_sp, comb_sp, t512, zidx8, bflat, sidx, didx, gidx,
              si4, di4, exf, rrows, zidx, sem, sem2):
    core = lax.axis_index("c")
    sub = lax.axis_index("s")
    T = src_ref.shape[0] // 16
    rpt = N_PAD // 16
    rs = sub * rpt
    iota16 = lax.broadcasted_iota(jnp.int32, (16,), 0)
    e16 = iota16 // 4
    j16 = iota16 % 4
    zero16 = jnp.zeros((16,), jnp.float32)
    zi16 = jnp.zeros((16,), jnp.int32)

    def fillc(c, _):
        off = rs * 8 + c * 512
        @pl.when(core == 0)
        def _():
            pltpu.sync_copy(comb0_ref.at[pl.ds(off, 512)], t512)

        @pl.when(core == 1)
        def _():
            pltpu.sync_copy(comb1_ref.at[pl.ds(off, 512)], t512)

        for v in range(32):
            zidx8[pl.ds(16 * v, 16)] = iota16 + (off + 16 * v)
        pltpu.sync_copy(t512, comb_sp.at[zidx8])
        return 0
    lax.fori_loop(0, rpt * 8 // 512, fillc, 0)

    def zt(i, _):
        t512[pl.ds(16 * i, 16)] = zero16
        return 0
    lax.fori_loop(0, 32, zt, 0)

    def zden(c, _):
        off = rs * 8 + c * 512
        for v in range(32):
            zidx8[pl.ds(16 * v, 16)] = iota16 + (off + 16 * v)
        pltpu.sync_copy(t512, den_sp.at[zidx8])
        return 0
    lax.fori_loop(0, rpt * 8 // 512, zden, 0)

    def zsrc(r, _):
        for v in range(8):
            rrows[r, pl.ds(16 * v, 16)] = zero16
        return 0
    lax.fori_loop(0, C1, zsrc, 0)

    for off in (0, C1, 2 * C1, rpt - C1):
        b = rs + off
        for v in range(C1 // 16):
            zidx[pl.ds(16 * v, 16)] = iota16 + (b + 16 * v)
        pltpu.sync_copy(rrows, u_sp.at[zidx])
    plsc.subcore_barrier()

    noff = core * N_PAD

    def chunk(k, _):
        base = sub * T + k * C1
        pltpu.sync_copy(src_ref.at[pl.ds(base, C1)], sidx)
        pltpu.sync_copy(dst_ref.at[pl.ds(base, C1)], didx)

        def addl(i, _):
            gidx[pl.ds(i * 16, 16)] = sidx[pl.ds(i * 16, 16)] + noff
            return 0
        lax.fori_loop(0, C1 // 16, addl, 0)

        def mkidx(i, _):
            si = plsc.load_gather(sidx, [4 * i + e16])
            di = plsc.load_gather(didx, [4 * i + e16])
            si4[pl.ds(16 * i, 16)] = si * 8 + j16
            di4[pl.ds(16 * i, 16)] = di * 8 + (j16 + 4)
            return 0
        lax.fori_loop(0, C1 // 4, mkidx, 0)

        ga = pltpu.async_copy(comb_sp.at[si4], exf, sem)
        gb = pltpu.async_copy(comb_sp.at[di4], bflat, sem)
        gh = pltpu.async_copy(hcat_ref.at[gidx], rrows, sem2)
        ga.wait()
        gb.wait()

        def quad(i, _):
            a = exf[pl.ds(16 * i, 16)]
            b = bflat[pl.ds(16 * i, 16)]
            s = a + b
            ex = jnp.exp(jnp.maximum(s, 0.2 * s))
            exf[pl.ds(16 * i, 16)] = ex
            return 0
        lax.fori_loop(0, C1 // 4, quad, 0)
        gh.wait()

        def edge(r, _):
            for jj in range(4):
                w = plsc.load_gather(exf, [zi16 + (r * 4 + jj)])
                sl0 = pl.ds(32 * jj, 16)
                sl1 = pl.ds(32 * jj + 16, 16)
                rrows[r, sl0] = rrows[r, sl0] * w
                rrows[r, sl1] = rrows[r, sl1] * w
            return 0
        lax.fori_loop(0, C1, edge, 0)

        pltpu.sync_copy(exf, den_sp.at[di4], add=True)
        pltpu.sync_copy(rrows, u_sp.at[didx], add=True)
        return 0

    lax.fori_loop(0, T // C1, chunk, 0)
    plsc.subcore_barrier()

    pltpu.sync_copy(u_sp.at[pl.ds(rs, rpt)],
                    u_out.at[core, pl.ds(rs, rpt)])
    pltpu.sync_copy(den_sp.at[pl.ds(rs * 8, rpt * 8)],
                    den_out.at[core, pl.ds(rs * 8, rpt * 8)])


def _sc1(src_p, dst_p, comb0, comb1, hcat):
    mesh = plsc.VectorSubcoreMesh(core_axis_name="c", subcore_axis_name="s")
    f = pl.kernel(
        _sc1_body,
        out_type=[
            jax.ShapeDtypeStruct((2, N_PAD, 128), jnp.float32),
            jax.ShapeDtypeStruct((2, N_PAD * 8), jnp.float32),
        ],
        mesh=mesh,
        scratch_types=[
            pltpu.VMEM_SHARED((N_PAD, 128), jnp.float32),
            pltpu.VMEM_SHARED((N_PAD * 8,), jnp.float32),
            pltpu.VMEM_SHARED((N_PAD * 8,), jnp.float32),
            pltpu.VMEM((512,), jnp.float32),
            pltpu.VMEM((512,), jnp.int32),
            pltpu.VMEM((C1 * 4,), jnp.float32),
            pltpu.VMEM((C1,), jnp.int32),
            pltpu.VMEM((C1,), jnp.int32),
            pltpu.VMEM((C1,), jnp.int32),
            pltpu.VMEM((C1 * 4,), jnp.int32),
            pltpu.VMEM((C1 * 4,), jnp.int32),
            pltpu.VMEM((C1 * 4,), jnp.float32),
            pltpu.VMEM((C1, 128), jnp.float32),
            pltpu.VMEM((C1,), jnp.int32),
            pltpu.SemaphoreType.DMA,
            pltpu.SemaphoreType.DMA,
        ],
        compiler_params=pltpu.CompilerParams(needs_layout_passes=False),
    )
    return f(src_p, dst_p, comb0, comb1, hcat)



def _tc_b_body(u_ref, d_ref, b1_ref, w2_ref, as2_ref, ad2_ref,
               h2_ref, ta2_ref, tb2_ref):
    i = pl.program_id(0)
    u = u_ref[...]
    h1 = jnp.concatenate([u[0], u[1]], axis=-1)
    d = d_ref[...]
    den8 = jnp.concatenate([d[0][:, 4:8], d[1][:, 4:8]], axis=-1)
    drep = jnp.broadcast_to(den8[:, :, None], (BN_B, 8, 32)).reshape(BN_B, 256)
    h1 = h1 / (drep + 1e-16) + b1_ref[...]
    h1 = jnp.where(h1 > 0, h1, jnp.exp(h1) - 1.0)
    h2 = jnp.dot(h1, w2_ref[...], preferred_element_type=jnp.float32)
    h2_ref[...] = h2
    asrc2 = (h2[:, :16] * as2_ref[...]).sum(-1)
    adst2 = (h2[:, :16] * ad2_ref[...]).sum(-1)
    col = lax.broadcasted_iota(jnp.int32, (BN_B, 16), 1)
    rown = lax.broadcasted_iota(jnp.int32, (BN_B, 16), 0) + i * BN_B
    ta2_ref[...] = jnp.where(col == 0, asrc2[:, None], NEG)
    tb2_ref[...] = jnp.where(col == 0,
                             jnp.where(rown < 10000, adst2[:, None], NEG),
                             0.0)


def _tc_b(u1, den1, b1r, w2p, as2v, ad2v):
    grid = (N_PAD // BN_B,)
    return pl.pallas_call(
        _tc_b_body,
        grid=grid,
        in_specs=[
            pl.BlockSpec((2, BN_B, 128), lambda i: (0, i, 0)),
            pl.BlockSpec((2, BN_B, 8), lambda i: (0, i, 0)),
            pl.BlockSpec((1, 256), lambda i: (0, 0)),
            pl.BlockSpec((256, 128), lambda i: (0, 0)),
            pl.BlockSpec((1, 16), lambda i: (0, 0)),
            pl.BlockSpec((1, 16), lambda i: (0, 0)),
        ],
        out_specs=[
            pl.BlockSpec((BN_B, 128), lambda i: (i, 0)),
            pl.BlockSpec((BN_B, 16), lambda i: (i, 0)),
            pl.BlockSpec((BN_B, 16), lambda i: (i, 0)),
        ],
        out_shape=[
            jax.ShapeDtypeStruct((N_PAD, 128), jnp.float32),
            jax.ShapeDtypeStruct((N_PAD, 16), jnp.float32),
            jax.ShapeDtypeStruct((N_PAD, 16), jnp.float32),
        ],
    )(u1, den1, b1r, w2p, as2v, ad2v)



def _sc2_body(src_ref, dst_ref, comb2_ref, h2_ref,
              u2_out, d2_out,
              u2_sp, d2_sp, comb_sp, t640, zidx640, sidx, didx, si2, di2,
              exf2, bflat2, hrows, zidx, sem, sem2):
    core = lax.axis_index("c")
    sub = lax.axis_index("s")
    half = src_ref.shape[0] // 2
    T = half // 16
    rpt = N_PAD // 16
    rs = sub * rpt
    iota16 = lax.broadcasted_iota(jnp.int32, (16,), 0)
    zero16 = jnp.zeros((16,), jnp.float32)
    zi16 = jnp.zeros((16,), jnp.int32)

    for c in range(2):
        off = rs * 2 + c * 640
        pltpu.sync_copy(comb2_ref.at[pl.ds(off, 640)], t640)
        for v in range(40):
            zidx640[pl.ds(16 * v, 16)] = iota16 + (off + 16 * v)
        pltpu.sync_copy(t640, comb_sp.at[zidx640])

    def zt(i, _):
        t640[pl.ds(16 * i, 16)] = zero16
        return 0
    lax.fori_loop(0, 40, zt, 0)
    for v in range(40):
        zidx640[pl.ds(16 * v, 16)] = iota16 + (rs + 16 * v)
    pltpu.sync_copy(t640, d2_sp.at[zidx640])

    def zsrc(r, _):
        for v in range(8):
            hrows[r, pl.ds(16 * v, 16)] = zero16
        return 0
    lax.fori_loop(0, C2, zsrc, 0)
    for off in (0, C2, rpt - C2):
        b = rs + off
        for v in range(C2 // 16):
            zidx[pl.ds(16 * v, 16)] = iota16 + (b + 16 * v)
        pltpu.sync_copy(hrows, u2_sp.at[zidx])
    plsc.subcore_barrier()

    def chunk(k, _):
        base = core * half + sub * T + k * C2
        pltpu.sync_copy(src_ref.at[pl.ds(base, C2)], sidx)
        pltpu.sync_copy(dst_ref.at[pl.ds(base, C2)], didx)

        def mkidx(i, _):
            sl = pl.ds(16 * i, 16)
            si2[sl] = sidx[sl] * 2
            di2[sl] = didx[sl] * 2 + 1
            return 0
        lax.fori_loop(0, C2 // 16, mkidx, 0)

        ga = pltpu.async_copy(comb_sp.at[si2], exf2, sem)
        gb = pltpu.async_copy(comb_sp.at[di2], bflat2, sem)
        gh = pltpu.async_copy(h2_ref.at[sidx], hrows, sem2)
        ga.wait()
        gb.wait()

        def sx(i, _):
            sl = pl.ds(16 * i, 16)
            s = exf2[sl] + bflat2[sl]
            exf2[sl] = jnp.exp(jnp.maximum(s, 0.2 * s))
            return 0
        lax.fori_loop(0, C2 // 16, sx, 0)
        gh.wait()

        def edge(r, _):
            w = plsc.load_gather(exf2, [zi16 + r])
            hrows[r, pl.ds(0, 16)] = hrows[r, pl.ds(0, 16)] * w
            return 0
        lax.fori_loop(0, C2, edge, 0)

        pltpu.sync_copy(exf2, d2_sp.at[didx], add=True)
        pltpu.sync_copy(hrows, u2_sp.at[didx], add=True)
        return 0

    lax.fori_loop(0, T // C2, chunk, 0)
    plsc.subcore_barrier()

    pltpu.sync_copy(u2_sp.at[pl.ds(rs, rpt)],
                    u2_out.at[core, pl.ds(rs, rpt)])
    pltpu.sync_copy(d2_sp.at[pl.ds(rs, rpt)],
                    d2_out.at[core, pl.ds(rs, rpt)])


def _sc2(src_p, dst_p, comb2, h2p):
    mesh = plsc.VectorSubcoreMesh(core_axis_name="c", subcore_axis_name="s")
    f = pl.kernel(
        _sc2_body,
        out_type=[
            jax.ShapeDtypeStruct((2, N_PAD, 128), jnp.float32),
            jax.ShapeDtypeStruct((2, N_PAD), jnp.float32),
        ],
        mesh=mesh,
        scratch_types=[
            pltpu.VMEM_SHARED((N_PAD, 128), jnp.float32),
            pltpu.VMEM_SHARED((N_PAD,), jnp.float32),
            pltpu.VMEM_SHARED((N_PAD * 2,), jnp.float32),
            pltpu.VMEM((640,), jnp.float32),
            pltpu.VMEM((640,), jnp.int32),
            pltpu.VMEM((C2,), jnp.int32),
            pltpu.VMEM((C2,), jnp.int32),
            pltpu.VMEM((C2,), jnp.int32),
            pltpu.VMEM((C2,), jnp.int32),
            pltpu.VMEM((C2,), jnp.float32),
            pltpu.VMEM((C2,), jnp.float32),
            pltpu.VMEM((C2, 128), jnp.float32),
            pltpu.VMEM((C2,), jnp.int32),
            pltpu.SemaphoreType.DMA,
            pltpu.SemaphoreType.DMA,
        ],
        compiler_params=pltpu.CompilerParams(needs_layout_passes=False),
    )
    return f(src_p, dst_p, comb2, h2p)



def _tc_c_body(u_ref, d_ref, b2_ref, o_ref):
    u = u_ref[...]
    d = d_ref[...]
    usum = (u[0] + u[1])[:, :16]
    dsum = d[0][:, 0:1] + d[1][:, 0:1]
    o_ref[...] = usum / (dsum + 1e-16) + b2_ref[...]


def _tc_c(u2p, d2p, b2r):
    grid = (N_PAD // BN_C,)
    return pl.pallas_call(
        _tc_c_body,
        grid=grid,
        in_specs=[
            pl.BlockSpec((2, BN_C, 128), lambda i: (0, i, 0)),
            pl.BlockSpec((2, BN_C, 1), lambda i: (0, i, 0)),
            pl.BlockSpec((1, 16), lambda i: (0, 0)),
        ],
        out_specs=pl.BlockSpec((BN_C, 16), lambda i: (i, 0)),
        out_shape=jax.ShapeDtypeStruct((N_PAD, 16), jnp.float32),
    )(u2p, d2p, b2r)



def kernel(x, edge_index, W1, att_src1, att_dst1, b1, W2, att_src2,
           att_dst2, b2):
    N = x.shape[0]
    E0 = edge_index.shape[1]
    loops = jnp.arange(N, dtype=edge_index.dtype)
    ei = jnp.concatenate([edge_index, jnp.stack([loops, loops])], axis=1)
    src, dst = ei[0], ei[1]
    E = E0 + N
    step = 16 * C1
    e_pad = ((E + step - 1) // step) * step
    assert e_pad % (32 * C2) == 0

    src_p = jnp.concatenate([src, jnp.zeros((e_pad - E,), jnp.int32)])
    dst_p = jnp.concatenate([dst, jnp.full((e_pad - E,), N, jnp.int32)])

    x_p = jnp.zeros((N_PAD, 768), jnp.float32).at[:N, :767].set(x)
    w1p = jnp.zeros((768, 256), jnp.float32).at[:767].set(W1)
    h_split, a_src2d, a_dst2d = _tc_a(x_p, w1p, att_src1.reshape(2, 4, 32),
                                      att_dst1.reshape(2, 4, 32))
    hcat = h_split.reshape(2 * N_PAD, 128)
    ad_neg = a_dst2d.at[:, N:, :].set(NEG)
    comb0 = jnp.concatenate([a_src2d[0], ad_neg[0]], axis=-1).reshape(-1)
    comb1 = jnp.concatenate([a_src2d[1], ad_neg[1]], axis=-1).reshape(-1)

    u1, den1 = _sc1(src_p, dst_p, comb0, comb1, hcat)
    den1r = den1.reshape(2, N_PAD, 8)

    w2p = jnp.zeros((256, 128), jnp.float32).at[:, :10].set(W2)
    as2v = jnp.zeros((1, 16), jnp.float32).at[0, :10].set(att_src2.reshape(10))
    ad2v = jnp.zeros((1, 16), jnp.float32).at[0, :10].set(att_dst2.reshape(10))
    h2p, ta2, tb2 = _tc_b(u1, den1r, b1.reshape(1, 256), w2p, as2v, ad2v)

    comb2 = jnp.stack([ta2[:, 0], tb2[:, 0]], axis=-1).reshape(-1)
    u2p, d2p = _sc2(src_p, dst_p, comb2, h2p)

    b2r = jnp.zeros((1, 16), jnp.float32).at[0, :10].set(b2)
    outp = _tc_c(u2p, d2p[:, :, None], b2r)
    return outp[:N, :10]

# --- scband reference (transcript-rebuilt; emitter-appended) ---
"""Pipeline reference for scband-gat-20091857011053 (READ-ONLY COPY).

The authoritative reference and input builder live on the scoring server;
editing this copy changes nothing except your own understanding.
"""

import jax, jax.numpy as jnp
import numpy as np


def gat_conv(x, src, dst, N, W, att_src, att_dst, bias, heads, out_ch, concat):
    # PyG GATConv (eval mode, no dropout): linear projection, per-head additive attention,
    # leaky_relu(0.2), softmax over incoming edges per dst node, weighted scatter-sum.
    h = (x @ W).reshape(N, heads, out_ch)
    a_src = (h * att_src).sum(-1)  # [N, heads]
    a_dst = (h * att_dst).sum(-1)  # [N, heads]
    alpha = a_src[src] + a_dst[dst]  # [E, heads] (edge gather)
    alpha = jax.nn.leaky_relu(alpha, negative_slope=0.2)
    amax = jax.ops.segment_max(alpha, dst, num_segments=N)
    amax = jnp.where(jnp.isfinite(amax), amax, 0.0)
    ex = jnp.exp(alpha - amax[dst])
    denom = jax.ops.segment_sum(ex, dst, num_segments=N)
    a = ex / (denom[dst] + 1e-16)
    msg = h[src] * a[:, :, None]  # [E, heads, out_ch] (edge gather)
    out = jax.ops.segment_sum(msg, dst, num_segments=N)  # scatter-add
    if concat:
        out = out.reshape(N, heads * out_ch)
    else:
        out = out.mean(axis=1)
    return out + bias


def setup_inputs(seed: int = 0):
    key = jax.random.key(seed)
    ks = jax.random.split(key, 10)
    N, E = 10000, 320000
    x = jax.random.normal(ks[0], (N, 767), dtype=jnp.float32)
    edge_index = jax.random.randint(ks[1], (2, E), 0, N, dtype=jnp.int32)
    # conv1: GATConv(767, 32, heads=8, concat=True) -> out dim 256
    W1 = jax.random.normal(ks[2], (767, 256), dtype=jnp.float32) * 0.05
    att_src1 = jax.random.normal(ks[3], (1, 8, 32), dtype=jnp.float32) * 0.05
    att_dst1 = jax.random.normal(ks[4], (1, 8, 32), dtype=jnp.float32) * 0.05
    b1 = jnp.zeros((256,), dtype=jnp.float32)
    # conv2: GATConv(256, 10, heads=1, concat=False)
    W2 = jax.random.normal(ks[5], (256, 10), dtype=jnp.float32) * 0.05
    att_src2 = jax.random.normal(ks[6], (1, 1, 10), dtype=jnp.float32) * 0.05
    att_dst2 = jax.random.normal(ks[7], (1, 1, 10), dtype=jnp.float32) * 0.05
    b2 = jnp.zeros((10,), dtype=jnp.float32)
    return {"x": x, "edge_index": edge_index, "W1": W1, "att_src1": att_src1,
            "att_dst1": att_dst1, "b1": b1, "W2": W2, "att_src2": att_src2,
            "att_dst2": att_dst2, "b2": b2}


def reference(x, edge_index, W1, att_src1, att_dst1, b1, W2, att_src2, att_dst2, b2):
    N = x.shape[0]
    # PyG GATConv default add_self_loops=True
    loops = jnp.arange(N, dtype=edge_index.dtype)
    ei = jnp.concatenate([edge_index, jnp.stack([loops, loops])], axis=1)
    src, dst = ei[0], ei[1]
    h1 = gat_conv(x, src, dst, N, W1, att_src1, att_dst1, b1, 8, 32, True)
    h1 = jax.nn.elu(h1)
    # eval mode: F.dropout(training=False) is identity
    out = gat_conv(h1, src, dst, N, W2, att_src2, att_dst2, b2, 1, 10, False)
    return out

if __name__ == "__main__":
    import jax
    _d = setup_inputs()
    print(jax.jit(kernel)(*tuple(_d.values())))

</pallas_src>

<mosaic_0001>
#map = affine_map<(d0, d1) -> (0)>
#map1 = affine_map<(d0, d1) -> (0, 0)>
#map2 = affine_map<(d0, d1) -> (0, 0, 0)>
module attributes {stable_mosaic.version = 14 : i64} {
  func.func @_sc2_body(%arg0: i32, %arg1: i32, %arg2: memref<331776xi32, #tpu.memory_space<hbm>>, %arg3: memref<331776xi32, #tpu.memory_space<hbm>>, %arg4: memref<20480xf32, #tpu.memory_space<hbm>>, %arg5: memref<10240x128xf32, #tpu.memory_space<hbm>>, %arg6: memref<2x10240x128xf32, #tpu.memory_space<hbm>>, %arg7: memref<2x10240xf32, #tpu.memory_space<hbm>>, %arg8: memref<10240x128xf32, #tpu.memory_space<vmem_shared>>, %arg9: memref<10240xf32, #tpu.memory_space<vmem_shared>>, %arg10: memref<20480xf32, #tpu.memory_space<vmem_shared>>, %arg11: memref<640xf32, #tpu.memory_space<vmem>>, %arg12: memref<640xi32, #tpu.memory_space<vmem>>, %arg13: memref<288xi32, #tpu.memory_space<vmem>>, %arg14: memref<288xi32, #tpu.memory_space<vmem>>, %arg15: memref<288xi32, #tpu.memory_space<vmem>>, %arg16: memref<288xi32, #tpu.memory_space<vmem>>, %arg17: memref<288xf32, #tpu.memory_space<vmem>>, %arg18: memref<288xf32, #tpu.memory_space<vmem>>, %arg19: memref<288x128xf32, #tpu.memory_space<vmem>>, %arg20: memref<288xi32, #tpu.memory_space<vmem>>, %arg21: memref<!tpu.dma_semaphore, #tpu.memory_space<semaphore_mem>>, %arg22: memref<!tpu.dma_semaphore, #tpu.memory_space<semaphore_mem>>) attributes {dimension_semantics = [#tpu.dimension_semantics<core_parallel>, #tpu.dimension_semantics<subcore_parallel>], iteration_bounds = array<i64: 2, 16>, scalar_prefetch = 0 : i64, scratch_operands = 15 : i64, tpu.core_type = #tpu.core_type<sc_vector_subcore>, window_params = [{transform_indices = #map}, {transform_indices = #map}, {transform_indices = #map}, {transform_indices = #map1}, {transform_indices = #map2}, {transform_indices = #map1}]} {
    %mul3A = arith.constant 640 : i32
    %mul3A_0 = arith.muli %arg1, %mul3A : i32
    %iota3A = tpu.iota {dimensions = array<i32: 0>} : vector<16xi32>
    %broadcast_in_dim3A = arith.constant 0.000000e+00 : f32
    %broadcast_in_dim3A_1 = vector.broadcast %broadcast_in_dim3A : f32 to vector<16xf32>
    %broadcast_in_dim3A_2 = arith.constant 0 : i32
    %broadcast_in_dim3A_3 = vector.broadcast %broadcast_in_dim3A_2 : i32 to vector<16xi32>
    %mul3A_4 = arith.constant 2 : i32
    %mul3A_5 = arith.muli %mul3A_0, %mul3A_4 : i32
    %add3A = arith.constant 0 : i32
    %add3A_6 = arith.addi %mul3A_5, %add3A : i32
    "tpu.region"() ({
      %run_scoped3A = tpu.sem_alloc : memref<!tpu.dma_semaphore, #tpu.memory_space<semaphore_mem>>
      %dma_start3A = tpu.memref_slice %arg4[%add3A_6] : memref<20480xf32, #tpu.memory_space<hbm>> -> memref<640xf32, #tpu.memory_space<hbm>>
      %dma_start3A_1081 = tpu.memref_slice %arg4[%add3A_6] : memref<20480xf32, #tpu.memory_space<hbm>> -> memref<640xf32, #tpu.memory_space<hbm>>
      tpu.enqueue_dma source(%dma_start3A_1081 : memref<640xf32, #tpu.memory_space<hbm>>) target(%arg11 : memref<640xf32, #tpu.memory_space<vmem>>) target_semaphore(%run_scoped3A : memref<!tpu.dma_semaphore, #tpu.memory_space<semaphore_mem>>)
      %dma_wait3A = tpu.memref_slice %arg4[%add3A_6] : memref<20480xf32, #tpu.memory_space<hbm>> -> memref<640xf32, #tpu.memory_space<hbm>>
      %dma_wait3A_1082 = tpu.memref_slice %arg4[%add3A_6] : memref<20480xf32, #tpu.memory_space<hbm>> -> memref<640xf32, #tpu.memory_space<hbm>>
      tpu.wait_dma2 semaphore(%run_scoped3A : memref<!tpu.dma_semaphore, #tpu.memory_space<semaphore_mem>>) src(%dma_wait3A_1082 : memref<640xf32, #tpu.memory_space<hbm>>) dst(%arg11 : memref<640xf32, #tpu.memory_space<vmem>>)
      tpu.yield
    }) : () -> ()
    %add3A_7 = arith.constant 0 : i32
    %add3A_8 = arith.addi %add3A_6, %add3A_7 : i32
    %add3A_9 = vector.broadcast %add3A_8 : i32 to vector<16xi32>
    %add3A_10 = arith.addi %iota3A, %add3A_9 : vector<16xi32>
    %swap3A = arith.constant 0 : index
    %swap3A_11 = tpu.vector_load %arg12[%swap3A] {strides = array<i32>} : memref<640xi32, #tpu.memory_space<vmem>>, vector<16xi32>,
    tpu.vector_store %arg12[%swap3A], %add3A_10 {strides = array<i32>} : memref<640xi32, #tpu.memory_space<vmem>>, vector<16xi32>,
    %add3A_12 = arith.constant 16 : i32
    %add3A_13 = arith.addi %add3A_6, %add3A_12 : i32
    %add3A_14 = vector.broadcast %add3A_13 : i32 to vector<16xi32>
    %add3A_15 = arith.addi %iota3A, %add3A_14 : vector<16xi32>
    %swap3A_16 = arith.constant 16 : index
    %swap3A_17 = tpu.vector_load %arg12[%swap3A_16] {strides = array<i32>} : memref<640xi32, #tpu.memory_space<vmem>>, vector<16xi32>,
    tpu.vector_store %arg12[%swap3A_16], %add3A_15 {strides = array<i32>} : memref<640xi32, #tpu.memory_space<vmem>>, vector<16xi32>,
    %add3A_18 = arith.constant 32 : i32
    %add3A_19 = arith.addi %add3A_6, %add3A_18 : i32
    %add3A_20 = vector.broadcast %add3A_19 : i32 to vector<16xi32>
    %add3A_21 = arith.addi %iota3A, %add3A_20 : vector<16xi32>
    %swap3A_22 = arith.constant 32 : index
    %swap3A_23 = tpu.vector_load %arg12[%swap3A_22] {strides = array<i32>} : memref<640xi32, #tpu.memory_space<vmem>>, vector<16xi32>,
    tpu.vector_store %arg12[%swap3A_22], %add3A_21 {strides = array<i32>} : memref<640xi32, #tpu.memory_space<vmem>>, vector<16xi32>,
    %add3A_24 = arith.constant 48 : i32
    %add3A_25 = arith.addi %add3A_6, %add3A_24 : i32
    %add3A_26 = vector.broadcast %add3A_25 : i32 to vector<16xi32>
    %add3A_27 = arith.addi %iota3A, %add3A_26 : vector<16xi32>
    %swap3A_28 = arith.constant 48 : index
    %swap3A_29 = tpu.vector_load %arg12[%swap3A_28] {strides = array<i32>} : memref<640xi32, #tpu.memory_space<vmem>>, vector<16xi32>,
    tpu.vector_store %arg12[%swap3A_28], %add3A_27 {strides = array<i32>} : memref<640xi32, #tpu.memory_space<vmem>>, vector<16xi32>,
    %add3A_30 = arith.constant 64 : i32
    %add3A_31 = arith.addi %add3A_6, %add3A_30 : i32
    %add3A_32 = vector.broadcast %add3A_31 : i32 to vector<16xi32>
    %add3A_33 = arith.addi %iota3A, %add3A_32 : vector<16xi32>
    %swap3A_34 = arith.constant 64 : index
    %swap3A_35 = tpu.vector_load %arg12[%swap3A_34] {strides = array<i32>} : memref<640xi32, #tpu.memory_space<vmem>>, vector<16xi32>,
    tpu.vector_store %arg12[%swap3A_34], %add3A_33 {strides = array<i32>} : memref<640xi32, #tpu.memory_space<vmem>>, vector<16xi32>,
    %add3A_36 = arith.constant 80 : i32
    %add3A_37 = arith.addi %add3A_6, %add3A_36 : i32
    %add3A_38 = vector.broadcast %add3A_37 : i32 to vector<16xi32>
    %add3A_39 = arith.addi %iota3A, %add3A_38 : vector<16xi32>
    %swap3A_40 = arith.constant 80 : index
    %swap3A_41 = tpu.vector_load %arg12[%swap3A_40] {strides = array<i32>} : memref<640xi32, #tpu.memory_space<vmem>>, vector<16xi32>,
    tpu.vector_store %arg12[%swap3A_40], %add3A_39 {strides = array<i32>} : memref<640xi32, #tpu.memory_space<vmem>>, vector<16xi32>,
    %add3A_42 = arith.constant 96 : i32
    %add3A_43 = arith.addi %add3A_6, %add3A_42 : i32
    %add3A_44 = vector.broadcast %add3A_43 : i32 to vector<16xi32>
    %add3A_45 = arith.addi %iota3A, %add3A_44 : vector<16xi32>
    %swap3A_46 = arith.constant 96 : index
    %swap3A_47 = tpu.vector_load %arg12[%swap3A_46] {strides = array<i32>} : memref<640xi32, #tpu.memory_space<vmem>>, vector<16xi32>,
    tpu.vector_store %arg12[%swap3A_46], %add3A_45 {strides = array<i32>} : memref<640xi32, #tpu.memory_space<vmem>>, vector<16xi32>,
    %add3A_48 = arith.constant 112 : i32
    %add3A_49 = arith.addi %add3A_6, %add3A_48 : i32
    %add3A_50 = vector.broadcast %add3A_49 : i32 to vector<16xi32>
    %add3A_51 = arith.addi %iota3A, %add3A_50 : vector<16xi32>
    %swap3A_52 = arith.constant 112 : index
    %swap3A_53 = tpu.vector_load %arg12[%swap3A_52] {strides = array<i32>} : memref<640xi32, #tpu.memory_space<vmem>>, vector<16xi32>,
    tpu.vector_store %arg12[%swap3A_52], %add3A_51 {strides = array<i32>} : memref<640xi32, #tpu.memory_space<vmem>>, vector<16xi32>,
    %add3A_54 = arith.constant 128 : i32
    %add3A_55 = arith.addi %add3A_6, %add3A_54 : i32
    %add3A_56 = vector.broadcast %add3A_55 : i32 to vector<16xi32>
    %add3A_57 = arith.addi %iota3A, %add3A_56 : vector<16xi32>
    %swap3A_58 = arith.constant 128 : index
    %swap3A_59 = tpu.vector_load %arg12[%swap3A_58] {strides = array<i32>} : memref<640xi32, #tpu.memory_space<vmem>>, vector<16xi32>,
    tpu.vector_store %arg12[%swap3A_58], %add3A_57 {strides = array<i32>} : memref<640xi32, #tpu.memory_space<vmem>>, vector<16xi32>,
    %add3A_60 = arith.constant 144 : i32
    %add3A_61 = arith.addi %add3A_6, %add3A_60 : i32
    %add3A_62 = vector.broadcast %add3A_61 : i32 to vector<16xi32>
    %add3A_63 = arith.addi %iota3A, %add3A_62 : vector<16xi32>
    %swap3A_64 = arith.constant 144 : index
    %swap3A_65 = tpu.vector_load %arg12[%swap3A_64] {strides = array<i32>} : memref<640xi32, #tpu.memory_space<vmem>>, vector<16xi32>,
    tpu.vector_store %arg12[%swap3A_64], %add3A_63 {strides = array<i32>} : memref<640xi32, #tpu.memory_space<vmem>>, vector<16xi32>,
    %add3A_66 = arith.constant 160 : i32
    %add3A_67 = arith.addi %add3A_6, %add3A_66 : i32
    %add3A_68 = vector.broadcast %add3A_67 : i32 to vector<16xi32>
    %add3A_69 = arith.addi %iota3A, %add3A_68 : vector<16xi32>
    %swap3A_70 = arith.constant 160 : index
    %swap3A_71 = tpu.vector_load %arg12[%swap3A_70] {strides = array<i32>} : memref<640xi32, #tpu.memory_space<vmem>>, vector<16xi32>,
    tpu.vector_store %arg12[%swap3A_70], %add3A_69 {strides = array<i32>} : memref<640xi32, #tpu.memory_space<vmem>>, vector<16xi32>,
    %add3A_72 = arith.constant 176 : i32
    %add3A_73 = arith.addi %add3A_6, %add3A_72 : i32
    %add3A_74 = vector.broadcast %add3A_73 : i32 to vector<16xi32>
    %add3A_75 = arith.addi %iota3A, %add3A_74 : vector<16xi32>
    %swap3A_76 = arith.constant 176 : index
    %swap3A_77 = tpu.vector_load %arg12[%swap3A_76] {strides = array<i32>} : memref<640xi32, #tpu.memory_space<vmem>>, vector<16xi32>,
    tpu.vector_store %arg12[%swap3A_76], %add3A_75 {strides = array<i32>} : memref<640xi32, #tpu.memory_space<vmem>>, vector<16xi32>,
    %add3A_78 = arith.constant 192 : i32
    %add3A_79 = arith.addi %add3A_6, %add3A_78 : i32
    %add3A_80 = vector.broadcast %add3A_79 : i32 to vector<16xi32>
    %add3A_81 = arith.addi %iota3A, %add3A_80 : vector<16xi32>
    %swap3A_82 = arith.constant 192 : index
    %swap3A_83 = tpu.vector_load %arg12[%swap3A_82] {strides = array<i32>} : memref<640xi32, #tpu.memory_space<vmem>>, vector<16xi32>,
    tpu.vector_store %arg12[%swap3A_82], %add3A_81 {strides = array<i32>} : memref<640xi32, #tpu.memory_space<vmem>>, vector<16xi32>,
    %add3A_84 = arith.constant 208 : i32
    %add3A_85 = arith.addi %add3A_6, %add3A_84 : i32
    %add3A_86 = vector.broadcast %add3A_85 : i32 to vector<16xi32>
    %add3A_87 = arith.addi %iota3A, %add3A_86 : vector<16xi32>
    %swap3A_88 = arith.constant 208 : index
    %swap3A_89 = tpu.vector_load %arg12[%swap3A_88] {strides = array<i32>} : memref<640xi32, #tpu.memory_space<vmem>>, vector<16xi32>,
    tpu.vector_store %arg12[%swap3A_88], %add3A_87 {strides = array<i32>} : memref<640xi32, #tpu.memory_space<vmem>>, vector<16xi32>,
    %add3A_90 = arith.constant 224 : i32
    %add3A_91 = arith.addi %add3A_6, %add3A_90 : i32
    %add3A_92 = vector.broadcast %add3A_91 : i32 to vector<16xi32>
    %add3A_93 = arith.addi %iota3A, %add3A_92 : vector<16xi32>
    %swap3A_94 = arith.constant 224 : index
    %swap3A_95 = tpu.vector_load %arg12[%swap3A_94] {strides = array<i32>} : memref<640xi32, #tpu.memory_space<vmem>>, vector<16xi32>,
    tpu.vector_store %arg12[%swap3A_94], %add3A_93 {strides = array<i32>} : memref<640xi32, #tpu.memory_space<vmem>>, vector<16xi32>,
    %add3A_96 = arith.constant 240 : i32
    %add3A_97 = arith.addi %add3A_6, %add3A_96 : i32
    %add3A_98 = vector.broadcast %add3A_97 : i32 to vector<16xi32>
    %add3A_99 = arith.addi %iota3A, %add3A_98 : vector<16xi32>
    %swap3A_100 = arith.constant 240 : index
    %swap3A_101 = tpu.vector_load %arg12[%swap3A_100] {strides = array<i32>} : memref<640xi32, #tpu.memory_space<vmem>>, vector<16xi32>,
    tpu.vector_store %arg12[%swap3A_100], %add3A_99 {strides = array<i32>} : memref<640xi32, #tpu.memory_space<vmem>>, vector<16xi32>,
    %add3A_102 = arith.constant 256 : i32
    %add3A_103 = arith.addi %add3A_6, %add3A_102 : i32
    %add3A_104 = vector.broadcast %add3A_103 : i32 to vector<16xi32>
    %add3A_105 = arith.addi %iota3A, %add3A_104 : vector<16xi32>
    %swap3A_106 = arith.constant 256 : index
    %swap3A_107 = tpu.vector_load %arg12[%swap3A_106] {strides = array<i32>} : memref<640xi32, #tpu.memory_space<vmem>>, vector<16xi32>,
    tpu.vector_store %arg12[%swap3A_106], %add3A_105 {strides = array<i32>} : memref<640xi32, #tpu.memory_space<vmem>>, vector<16xi32>,
    %add3A_108 = arith.constant 272 : i32
    %add3A_109 = arith.addi %add3A_6, %add3A_108 : i32
    %add3A_110 = vector.broadcast %add3A_109 : i32 to vector<16xi32>
    %add3A_111 = arith.addi %iota3A, %add3A_110 : vector<16xi32>
    %swap3A_112 = arith.constant 272 : index
    %swap3A_113 = tpu.vector_load %arg12[%swap3A_112] {strides = array<i32>} : memref<640xi32, #tpu.memory_space<vmem>>, vector<16xi32>,
    tpu.vector_store %arg12[%swap3A_112], %add3A_111 {strides = array<i32>} : memref<640xi32, #tpu.memory_space<vmem>>, vector<16xi32>,
    %add3A_114 = arith.constant 288 : i32
    %add3A_115 = arith.addi %add3A_6, %add3A_114 : i32
    %add3A_116 = vector.broadcast %add3A_115 : i32 to vector<16xi32>
    %add3A_117 = arith.addi %iota3A, %add3A_116 : vector<16xi32>
    %swap3A_118 = arith.constant 288 : index
    %swap3A_119 = tpu.vector_load %arg12[%swap3A_118] {strides = array<i32>} : memref<640xi32, #tpu.memory_space<vmem>>, vector<16xi32>,
    tpu.vector_store %arg12[%swap3A_118], %add3A_117 {strides = array<i32>} : memref<640xi32, #tpu.memory_space<vmem>>, vector<16xi32>,
    %add3A_120 = arith.constant 304 : i32
    %add3A_121 = arith.addi %add3A_6, %add3A_120 : i32
    %add3A_122 = vector.broadcast %add3A_121 : i32 to vector<16xi32>
    %add3A_123 = arith.addi %iota3A, %add3A_122 : vector<16xi32>
    %swap3A_124 = arith.constant 304 : index
    %swap3A_125 = tpu.vector_load %arg12[%swap3A_124] {strides = array<i32>} : memref<640xi32, #tpu.memory_space<vmem>>, vector<16xi32>,
    tpu.vector_store %arg12[%swap3A_124], %add3A_123 {strides = array<i32>} : memref<640xi32, #tpu.memory_space<vmem>>, vector<16xi32>,
    %add3A_126 = arith.constant 320 : i32
    %add3A_127 = arith.addi %add3A_6, %add3A_126 : i32
    %add3A_128 = vector.broadcast %add3A_127 : i32 to vector<16xi32>
    %add3A_129 = arith.addi %iota3A, %add3A_128 : vector<16xi32>
    %swap3A_130 = arith.constant 320 : index
    %swap3A_131 = tpu.vector_load %arg12[%swap3A_130] {strides = array<i32>} : memref<640xi32, #tpu.memory_space<vmem>>, vector<16xi32>,
    tpu.vector_store %arg12[%swap3A_130], %add3A_129 {strides = array<i32>} : memref<640xi32, #tpu.memory_space<vmem>>, vector<16xi32>,
    %add3A_132 = arith.constant 336 : i32
    %add3A_133 = arith.addi %add3A_6, %add3A_132 : i32
    %add3A_134 = vector.broadcast %add3A_133 : i32 to vector<16xi32>
    %add3A_135 = arith.addi %iota3A, %add3A_134 : vector<16xi32>
    %swap3A_136 = arith.constant 336 : index
    %swap3A_137 = tpu.vector_load %arg12[%swap3A_136] {strides = array<i32>} : memref<640xi32, #tpu.memory_space<vmem>>, vector<16xi32>,
    tpu.vector_store %arg12[%swap3A_136], %add3A_135 {strides = array<i32>} : memref<640xi32, #tpu.memory_space<vmem>>, vector<16xi32>,
    %add3A_138 = arith.constant 352 : i32
    %add3A_139 = arith.addi %add3A_6, %add3A_138 : i32
    %add3A_140 = vector.broadcast %add3A_139 : i32 to vector<16xi32>
    %add3A_141 = arith.addi %iota3A, %add3A_140 : vector<16xi32>
    %swap3A_142 = arith.constant 352 : index
    %swap3A_143 = tpu.vector_load %arg12[%swap3A_142] {strides = array<i32>} : memref<640xi32, #tpu.memory_space<vmem>>, vector<16xi32>,
    tpu.vector_store %arg12[%swap3A_142], %add3A_141 {strides = array<i32>} : memref<640xi32, #tpu.memory_space<vmem>>, vector<16xi32>,
    %add3A_144 = arith.constant 368 : i32
    %add3A_145 = arith.addi %add3A_6, %add3A_144 : i32
    %add3A_146 = vector.broadcast %add3A_145 : i32 to vector<16xi32>
    %add3A_147 = arith.addi %iota3A, %add3A_146 : vector<16xi32>
    %swap3A_148 = arith.constant 368 : index
    %swap3A_149 = tpu.vector_load %arg12[%swap3A_148] {strides = array<i32>} : memref<640xi32, #tpu.memory_space<vmem>>, vector<16xi32>,
    tpu.vector_store %arg12[%swap3A_148], %add3A_147 {strides = array<i32>} : memref<640xi32, #tpu.memory_space<vmem>>, vector<16xi32>,
    %add3A_150 = arith.constant 384 : i32
    %add3A_151 = arith.addi %add3A_6, %add3A_150 : i32
    %add3A_152 = vector.broadcast %add3A_151 : i32 to vector<16xi32>
    %add3A_153 = arith.addi %iota3A, %add3A_152 : vector<16xi32>
    %swap3A_154 = arith.constant 384 : index
    %swap3A_155 = tpu.vector_load %arg12[%swap3A_154] {strides = array<i32>} : memref<640xi32, #tpu.memory_space<vmem>>, vector<16xi32>,
    tpu.vector_store %arg12[%swap3A_154], %add3A_153 {strides = array<i32>} : memref<640xi32, #tpu.memory_space<vmem>>, vector<16xi32>,
    %add3A_156 = arith.constant 400 : i32
    %add3A_157 = arith.addi %add3A_6, %add3A_156 : i32
    %add3A_158 = vector.broadcast %add3A_157 : i32 to vector<16xi32>
    %add3A_159 = arith.addi %iota3A, %add3A_158 : vector<16xi32>
    %swap3A_160 = arith.constant 400 : index
    %swap3A_161 = tpu.vector_load %arg12[%swap3A_160] {strides = array<i32>} : memref<640xi32, #tpu.memory_space<vmem>>, vector<16xi32>,
    tpu.vector_store %arg12[%swap3A_160], %add3A_159 {strides = array<i32>} : memref<640xi32, #tpu.memory_space<vmem>>, vector<16xi32>,
    %add3A_162 = arith.constant 416 : i32
    %add3A_163 = arith.addi %add3A_6, %add3A_162 : i32
    %add3A_164 = vector.broadcast %add3A_163 : i32 to vector<16xi32>
    %add3A_165 = arith.addi %iota3A, %add3A_164 : vector<16xi32>
    %swap3A_166 = arith.constant 416 : index
    %swap3A_167 = tpu.vector_load %arg12[%swap3A_166] {strides = array<i32>} : memref<640xi32, #tpu.memory_space<vmem>>, vector<16xi32>,
    tpu.vector_store %arg12[%swap3A_166], %add3A_165 {strides = array<i32>} : memref<640xi32, #tpu.memory_space<vmem>>, vector<16xi32>,
    %add3A_168 = arith.constant 432 : i32
    %add3A_169 = arith.addi %add3A_6, %add3A_168 : i32
    %add3A_170 = vector.broadcast %add3A_169 : i32 to vector<16xi32>
    %add3A_171 = arith.addi %iota3A, %add3A_170 : vector<16xi32>
    %swap3A_172 = arith.constant 432 : index
    %swap3A_173 = tpu.vector_load %arg12[%swap3A_172] {strides = array<i32>} : memref<640xi32, #tpu.memory_space<vmem>>, vector<16xi32>,
    tpu.vector_store %arg12[%swap3A_172], %add3A_171 {strides = array<i32>} : memref<640xi32, #tpu.memory_space<vmem>>, vector<16xi32>,
    %add3A_174 = arith.constant 448 : i32
    %add3A_175 = arith.addi %add3A_6, %add3A_174 : i32
    %add3A_176 = vector.broadcast %add3A_175 : i32 to vector<16xi32>
    %add3A_177 = arith.addi %iota3A, %add3A_176 : vector<16xi32>
    %swap3A_178 = arith.constant 448 : index
    %swap3A_179 = tpu.vector_load %arg12[%swap3A_178] {strides = array<i32>} : memref<640xi32, #tpu.memory_space<vmem>>, vector<16xi32>,
    tpu.vector_store %arg12[%swap3A_178], %add3A_177 {strides = array<i32>} : memref<640xi32, #tpu.memory_space<vmem>>, vector<16xi32>,
    %add3A_180 = arith.constant 464 : i32
    %add3A_181 = arith.addi %add3A_6, %add3A_180 : i32
    %add3A_182 = vector.broadcast %add3A_181 : i32 to vector<16xi32>
    %add3A_183 = arith.addi %iota3A, %add3A_182 : vector<16xi32>
    %swap3A_184 = arith.constant 464 : index
    %swap3A_185 = tpu.vector_load %arg12[%swap3A_184] {strides = array<i32>} : memref<640xi32, #tpu.memory_space<vmem>>, vector<16xi32>,
    tpu.vector_store %arg12[%swap3A_184], %add3A_183 {strides = array<i32>} : memref<640xi32, #tpu.memory_space<vmem>>, vector<16xi32>,
    %add3A_186 = arith.constant 480 : i32
    %add3A_187 = arith.addi %add3A_6, %add3A_186 : i32
    %add3A_188 = vector.broadcast %add3A_187 : i32 to vector<16xi32>
    %add3A_189 = arith.addi %iota3A, %add3A_188 : vector<16xi32>
    %swap3A_190 = arith.constant 480 : index
    %swap3A_191 = tpu.vector_load %arg12[%swap3A_190] {strides = array<i32>} : memref<640xi32, #tpu.memory_space<vmem>>, vector<16xi32>,
    tpu.vector_store %arg12[%swap3A_190], %add3A_189 {strides = array<i32>} : memref<640xi32, #tpu.memory_space<vmem>>, vector<16xi32>,
    %add3A_192 = arith.constant 496 : i32
    %add3A_193 = arith.addi %add3A_6, %add3A_192 : i32
    %add3A_194 = vector.broadcast %add3A_193 : i32 to vector<16xi32>
    %add3A_195 = arith.addi %iota3A, %add3A_194 : vector<16xi32>
    %swap3A_196 = arith.constant 496 : index
    %swap3A_197 = tpu.vector_load %arg12[%swap3A_196] {strides = array<i32>} : memref<640xi32, #tpu.memory_space<vmem>>, vector<16xi32>,
    tpu.vector_store %arg12[%swap3A_196], %add3A_195 {strides = array<i32>} : memref<640xi32, #tpu.memory_space<vmem>>, vector<16xi32>,
    %add3A_198 = arith.constant 512 : i32
    %add3A_199 = arith.addi %add3A_6, %add3A_198 : i32
    %add3A_200 = vector.broadcast %add3A_199 : i32 to vector<16xi32>
    %add3A_201 = arith.addi %iota3A, %add3A_200 : vector<16xi32>
    %swap3A_202 = arith.constant 512 : index
    %swap3A_203 = tpu.vector_load %arg12[%swap3A_202] {strides = array<i32>} : memref<640xi32, #tpu.memory_space<vmem>>, vector<16xi32>,
    tpu.vector_store %arg12[%swap3A_202], %add3A_201 {strides = array<i32>} : memref<640xi32, #tpu.memory_space<vmem>>, vector<16xi32>,
    %add3A_204 = arith.constant 528 : i32
    %add3A_205 = arith.addi %add3A_6, %add3A_204 : i32
    %add3A_206 = vector.broadcast %add3A_205 : i32 to vector<16xi32>
    %add3A_207 = arith.addi %iota3A, %add3A_206 : vector<16xi32>
    %swap3A_208 = arith.constant 528 : index
    %swap3A_209 = tpu.vector_load %arg12[%swap3A_208] {strides = array<i32>} : memref<640xi32, #tpu.memory_space<vmem>>, vector<16xi32>,
    tpu.vector_store %arg12[%swap3A_208], %add3A_207 {strides = array<i32>} : memref<640xi32, #tpu.memory_space<vmem>>, vector<16xi32>,
    %add3A_210 = arith.constant 544 : i32
    %add3A_211 = arith.addi %add3A_6, %add3A_210 : i32
    %add3A_212 = vector.broadcast %add3A_211 : i32 to vector<16xi32>
    %add3A_213 = arith.addi %iota3A, %add3A_212 : vector<16xi32>
    %swap3A_214 = arith.constant 544 : index
    %swap3A_215 = tpu.vector_load %arg12[%swap3A_214] {strides = array<i32>} : memref<640xi32, #tpu.memory_space<vmem>>, vector<16xi32>,
    tpu.vector_store %arg12[%swap3A_214], %add3A_213 {strides = array<i32>} : memref<640xi32, #tpu.memory_space<vmem>>, vector<16xi32>,
    %add3A_216 = arith.constant 560 : i32
    %add3A_217 = arith.addi %add3A_6, %add3A_216 : i32
    %add3A_218 = vector.broadcast %add3A_217 : i32 to vector<16xi32>
    %add3A_219 = arith.addi %iota3A, %add3A_218 : vector<16xi32>
    %swap3A_220 = arith.constant 560 : index
    %swap3A_221 = tpu.vector_load %arg12[%swap3A_220] {strides = array<i32>} : memref<640xi32, #tpu.memory_space<vmem>>, vector<16xi32>,
    tpu.vector_store %arg12[%swap3A_220], %add3A_219 {strides = array<i32>} : memref<640xi32, #tpu.memory_space<vmem>>, vector<16xi32>,
    %add3A_222 = arith.constant 576 : i32
    %add3A_223 = arith.addi %add3A_6, %add3A_222 : i32
    %add3A_224 = vector.broadcast %add3A_223 : i32 to vector<16xi32>
    %add3A_225 = arith.addi %iota3A, %add3A_224 : vector<16xi32>
    %swap3A_226 = arith.constant 576 : index
    %swap3A_227 = tpu.vector_load %arg12[%swap3A_226] {strides = array<i32>} : memref<640xi32, #tpu.memory_space<vmem>>, vector<16xi32>,
    tpu.vector_store %arg12[%swap3A_226], %add3A_225 {strides = array<i32>} : memref<640xi32, #tpu.memory_space<vmem>>, vector<16xi32>,
    %add3A_228 = arith.constant 592 : i32
    %add3A_229 = arith.addi %add3A_6, %add3A_228 : i32
    %add3A_230 = vector.broadcast %add3A_229 : i32 to vector<16xi32>
    %add3A_231 = arith.addi %iota3A, %add3A_230 : vector<16xi32>
    %swap3A_232 = arith.constant 592 : index
    %swap3A_233 = tpu.vector_load %arg12[%swap3A_232] {strides = array<i32>} : memref<640xi32, #tpu.memory_space<vmem>>, vector<16xi32>,
    tpu.vector_store %arg12[%swap3A_232], %add3A_231 {strides = array<i32>} : memref<640xi32, #tpu.memory_space<vmem>>, vector<16xi32>,
    %add3A_234 = arith.constant 608 : i32
    %add3A_235 = arith.addi %add3A_6, %add3A_234 : i32
    %add3A_236 = vector.broadcast %add3A_235 : i32 to vector<16xi32>
    %add3A_237 = arith.addi %iota3A, %add3A_236 : vector<16xi32>
    %swap3A_238 = arith.constant 608 : index
    %swap3A_239 = tpu.vector_load %arg12[%swap3A_238] {strides = array<i32>} : memref<640xi32, #tpu.memory_space<vmem>>, vector<16xi32>,
    tpu.vector_store %arg12[%swap3A_238], %add3A_237 {strides = array<i32>} : memref<640xi32, #tpu.memory_space<vmem>>, vector<16xi32>,
    %add3A_240 = arith.constant 624 : i32
    %add3A_241 = arith.addi %add3A_6, %add3A_240 : i32
    %add3A_242 = vector.broadcast %add3A_241 : i32 to vector<16xi32>
    %add3A_243 = arith.addi %iota3A, %add3A_242 : vector<16xi32>
    %swap3A_244 = arith.constant 624 : index
    %swap3A_245 = tpu.vector_load %arg12[%swap3A_244] {strides = array<i32>} : memref<640xi32, #tpu.memory_space<vmem>>, vector<16xi32>,
    tpu.vector_store %arg12[%swap3A_244], %add3A_243 {strides = array<i32>} : memref<640xi32, #tpu.memory_space<vmem>>, vector<16xi32>,
    "tpu.region"() ({
      %run_scoped3A = tpu.sem_alloc : memref<!tpu.dma_semaphore, #tpu.memory_space<semaphore_mem>>
      %dma_start3A = arith.constant 0 : i32
      %dma_start3A_1081 = tpu.memref_slice %arg10[%dma_start3A] : memref<20480xf32, #tpu.memory_space<vmem_shared>> -> memref<20480xf32, #tpu.memory_space<vmem_shared>>
      tpu.enqueue_indirect_dma source(%arg11 : memref<640xf32, #tpu.memory_space<vmem>>) target(%dma_start3A_1081 : memref<20480xf32, #tpu.memory_space<vmem_shared>>) offsets(%arg12 : memref<640xi32, #tpu.memory_space<vmem>>) semaphore(%run_scoped3A : memref<!tpu.dma_semaphore, #tpu.memory_space<semaphore_mem>>)
      %dma_wait3A = arith.constant 0 : i32
      %dma_wait3A_1082 = tpu.memref_slice %arg10[%dma_wait3A] : memref<20480xf32, #tpu.memory_space<vmem_shared>> -> memref<20480xf32, #tpu.memory_space<vmem_shared>>
      tpu.wait_indirect_dma semaphore(%run_scoped3A : memref<!tpu.dma_semaphore, #tpu.memory_space<semaphore_mem>>) src(%arg11 : memref<640xf32, #tpu.memory_space<vmem>>) dst(%dma_wait3A_1082 : memref<20480xf32, #tpu.memory_space<vmem_shared>>)
      tpu.yield
    }) : () -> ()
    %mul3A_246 = arith.constant 2 : i32
    %mul3A_247 = arith.muli %mul3A_0, %mul3A_246 : i32
    %add3A_248 = arith.constant 640 : i32
    %add3A_249 = arith.addi %mul3A_247, %add3A_248 : i32
    "tpu.region"() ({
      %run_scoped3A = tpu.sem_alloc : memref<!tpu.dma_semaphore, #tpu.memory_space<semaphore_mem>>
      %dma_start3A = tpu.memref_slice %arg4[%add3A_249] : memref<20480xf32, #tpu.memory_space<hbm>> -> memref<640xf32, #tpu.memory_space<hbm>>
      %dma_start3A_1081 = tpu.memref_slice %arg4[%add3A_249] : memref<20480xf32, #tpu.memory_space<hbm>> -> memref<640xf32, #tpu.memory_space<hbm>>
      tpu.enqueue_dma source(%dma_start3A_1081 : memref<640xf32, #tpu.memory_space<hbm>>) target(%arg11 : memref<640xf32, #tpu.memory_space<vmem>>) target_semaphore(%run_scoped3A : memref<!tpu.dma_semaphore, #tpu.memory_space<semaphore_mem>>)
      %dma_wait3A = tpu.memref_slice %arg4[%add3A_249] : memref<20480xf32, #tpu.memory_space<hbm>> -> memref<640xf32, #tpu.memory_space<hbm>>
      %dma_wait3A_1082 = tpu.memref_slice %arg4[%add3A_249] : memref<20480xf32, #tpu.memory_space<hbm>> -> memref<640xf32, #tpu.memory_space<hbm>>
      tpu.wait_dma2 semaphore(%run_scoped3A : memref<!tpu.dma_semaphore, #tpu.memory_space<semaphore_mem>>) src(%dma_wait3A_1082 : memref<640xf32, #tpu.memory_space<hbm>>) dst(%arg11 : memref<640xf32, #tpu.memory_space<vmem>>)
      tpu.yield
    }) : () -> ()
    %add3A_250 = arith.constant 0 : i32
    %add3A_251 = arith.addi %add3A_249, %add3A_250 : i32
    %add3A_252 = vector.broadcast %add3A_251 : i32 to vector<16xi32>
    %add3A_253 = arith.addi %iota3A, %add3A_252 : vector<16xi32>
    %swap3A_254 = arith.constant 0 : index
    %swap3A_255 = tpu.vector_load %arg12[%swap3A_254] {strides = array<i32>} : memref<640xi32, #tpu.memory_space<vmem>>, vector<16xi32>,
    tpu.vector_store %arg12[%swap3A_254], %add3A_253 {strides = array<i32>} : memref<640xi32, #tpu.memory_space<vmem>>, vector<16xi32>,
    %add3A_256 = arith.constant 16 : i32
    %add3A_257 = arith.addi %add3A_249, %add3A_256 : i32
    %add3A_258 = vector.broadcast %add3A_257 : i32 to vector<16xi32>
    %add3A_259 = arith.addi %iota3A, %add3A_258 : vector<16xi32>
    %swap3A_260 = arith.constant 16 : index
    %swap3A_261 = tpu.vector_load %arg12[%swap3A_260] {strides = array<i32>} : memref<640xi32, #tpu.memory_space<vmem>>, vector<16xi32>,
    tpu.vector_store %arg12[%swap3A_260], %add3A_259 {strides = array<i32>} : memref<640xi32, #tpu.memory_space<vmem>>, vector<16xi32>,
    %add3A_262 = arith.constant 32 : i32
    %add3A_263 = arith.addi %add3A_249, %add3A_262 : i32
    %add3A_264 = vector.broadcast %add3A_263 : i32 to vector<16xi32>
    %add3A_265 = arith.addi %iota3A, %add3A_264 : vector<16xi32>
    %swap3A_266 = arith.constant 32 : index
    %swap3A_267 = tpu.vector_load %arg12[%swap3A_266] {strides = array<i32>} : memref<640xi32, #tpu.memory_space<vmem>>, vector<16xi32>,
    tpu.vector_store %arg12[%swap3A_266], %add3A_265 {strides = array<i32>} : memref<640xi32, #tpu.memory_space<vmem>>, vector<16xi32>,
    %add3A_268 = arith.constant 48 : i32
    %add3A_269 = arith.addi %add3A_249, %add3A_268 : i32
    %add3A_270 = vector.broadcast %add3A_269 : i32 to vector<16xi32>
    %add3A_271 = arith.addi %iota3A, %add3A_270 : vector<16xi32>
    %swap3A_272 = arith.constant 48 : index
    %swap3A_273 = tpu.vector_load %arg12[%swap3A_272] {strides = array<i32>} : memref<640xi32, #tpu.memory_space<vmem>>, vector<16xi32>,
    tpu.vector_store %arg12[%swap3A_272], %add3A_271 {strides = array<i32>} : memref<640xi32, #tpu.memory_space<vmem>>, vector<16xi32>,
    %add3A_274 = arith.constant 64 : i32
    %add3A_275 = arith.addi %add3A_249, %add3A_274 : i32
    %add3A_276 = vector.broadcast %add3A_275 : i32 to vector<16xi32>
    %add3A_277 = arith.addi %iota3A, %add3A_276 : vector<16xi32>
    %swap3A_278 = arith.constant 64 : index
    %swap3A_279 = tpu.vector_load %arg12[%swap3A_278] {strides = array<i32>} : memref<640xi32, #tpu.memory_space<vmem>>, vector<16xi32>,
    tpu.vector_store %arg12[%swap3A_278], %add3A_277 {strides = array<i32>} : memref<640xi32, #tpu.memory_space<vmem>>, vector<16xi32>,
    %add3A_280 = arith.constant 80 : i32
    %add3A_281 = arith.addi %add3A_249, %add3A_280 : i32
    %add3A_282 = vector.broadcast %add3A_281 : i32 to vector<16xi32>
    %add3A_283 = arith.addi %iota3A, %add3A_282 : vector<16xi32>
    %swap3A_284 = arith.constant 80 : index
    %swap3A_285 = tpu.vector_load %arg12[%swap3A_284] {strides = array<i32>} : memref<640xi32, #tpu.memory_space<vmem>>, vector<16xi32>,
    tpu.vector_store %arg12[%swap3A_284], %add3A_283 {strides = array<i32>} : memref<640xi32, #tpu.memory_space<vmem>>, vector<16xi32>,
    %add3A_286 = arith.constant 96 : i32
    %add3A_287 = arith.addi %add3A_249, %add3A_286 : i32
    %add3A_288 = vector.broadcast %add3A_287 : i32 to vector<16xi32>
    %add3A_289 = arith.addi %iota3A, %add3A_288 : vector<16xi32>
    %swap3A_290 = arith.constant 96 : index
    %swap3A_291 = tpu.vector_load %arg12[%swap3A_290] {strides = array<i32>} : memref<640xi32, #tpu.memory_space<vmem>>, vector<16xi32>,
    tpu.vector_store %arg12[%swap3A_290], %add3A_289 {strides = array<i32>} : memref<640xi32, #tpu.memory_space<vmem>>, vector<16xi32>,
    %add3A_292 = arith.constant 112 : i32
    %add3A_293 = arith.addi %add3A_249, %add3A_292 : i32
    %add3A_294 = vector.broadcast %add3A_293 : i32 to vector<16xi32>
    %add3A_295 = arith.addi %iota3A, %add3A_294 : vector<16xi32>
    %swap3A_296 = arith.constant 112 : index
    %swap3A_297 = tpu.vector_load %arg12[%swap3A_296] {strides = array<i32>} : memref<640xi32, #tpu.memory_space<vmem>>, vector<16xi32>,
    tpu.vector_store %arg12[%swap3A_296], %add3A_295 {strides = array<i32>} : memref<640xi32, #tpu.memory_space<vmem>>, vector<16xi32>,
    %add3A_298 = arith.constant 128 : i32
    %add3A_299 = arith.addi %add3A_249, %add3A_298 : i32
    %add3A_300 = vector.broadcast %add3A_299 : i32 to vector<16xi32>
    %add3A_301 = arith.addi %iota3A, %add3A_300 : vector<16xi32>
    %swap3A_302 = arith.constant 128 : index
    %swap3A_303 = tpu.vector_load %arg12[%swap3A_302] {strides = array<i32>} : memref<640xi32, #tpu.memory_space<vmem>>, vector<16xi32>,
    tpu.vector_store %arg12[%swap3A_302], %add3A_301 {strides = array<i32>} : memref<640xi32, #tpu.memory_space<vmem>>, vector<16xi32>,
    %add3A_304 = arith.constant 144 : i32
    %add3A_305 = arith.addi %add3A_249, %add3A_304 : i32
    %add3A_306 = vector.broadcast %add3A_305 : i32 to vector<16xi32>
    %add3A_307 = arith.addi %iota3A, %add3A_306 : vector<16xi32>
    %swap3A_308 = arith.constant 144 : index
    %swap3A_309 = tpu.vector_load %arg12[%swap3A_308] {strides = array<i32>} : memref<640xi32, #tpu.memory_space<vmem>>, vector<16xi32>,
    tpu.vector_store %arg12[%swap3A_308], %add3A_307 {strides = array<i32>} : memref<640xi32, #tpu.memory_space<vmem>>, vector<16xi32>,
    %add3A_310 = arith.constant 160 : i32
    %add3A_311 = arith.addi %add3A_249, %add3A_310 : i32
    %add3A_312 = vector.broadcast %add3A_311 : i32 to vector<16xi32>
    %add3A_313 = arith.addi %iota3A, %add3A_312 : vector<16xi32>
    %swap3A_314 = arith.constant 160 : index
    %swap3A_315 = tpu.vector_load %arg12[%swap3A_314] {strides = array<i32>} : memref<640xi32, #tpu.memory_space<vmem>>, vector<16xi32>,
    tpu.vector_store %arg12[%swap3A_314], %add3A_313 {strides = array<i32>} : memref<640xi32, #tpu.memory_space<vmem>>, vector<16xi32>,
    %add3A_316 = arith.constant 176 : i32
    %add3A_317 = arith.addi %add3A_249, %add3A_316 : i32
    %add3A_318 = vector.broadcast %add3A_317 : i32 to vector<16xi32>
    %add3A_319 = arith.addi %iota3A, %add3A_318 : vector<16xi32>
    %swap3A_320 = arith.constant 176 : index
    %swap3A_321 = tpu.vector_load %arg12[%swap3A_320] {strides = array<i32>} : memref<640xi32, #tpu.memory_space<vmem>>, vector<16xi32>,
    tpu.vector_store %arg12[%swap3A_320], %add3A_319 {strides = array<i32>} : memref<640xi32, #tpu.memory_space<vmem>>, vector<16xi32>,
    %add3A_322 = arith.constant 192 : i32
    %add3A_323 = arith.addi %add3A_249, %add3A_322 : i32
    %add3A_324 = vector.broadcast %add3A_323 : i32 to vector<16xi32>
    %add3A_325 = arith.addi %iota3A, %add3A_324 : vector<16xi32>
    %swap3A_326 = arith.constant 192 : index
    %swap3A_327 = tpu.vector_load %arg12[%swap3A_326] {strides = array<i32>} : memref<640xi32, #tpu.memory_space<vmem>>, vector<16xi32>,
    tpu.vector_store %arg12[%swap3A_326], %add3A_325 {strides = array<i32>} : memref<640xi32, #tpu.memory_space<vmem>>, vector<16xi32>,
    %add3A_328 = arith.constant 208 : i32
    %add3A_329 = arith.addi %add3A_249, %add3A_328 : i32
    %add3A_330 = vector.broadcast %add3A_329 : i32 to vector<16xi32>
    %add3A_331 = arith.addi %iota3A, %add3A_330 : vector<16xi32>
    %swap3A_332 = arith.constant 208 : index
    %swap3A_333 = tpu.vector_load %arg12[%swap3A_332] {strides = array<i32>} : memref<640xi32, #tpu.memory_space<vmem>>, vector<16xi32>,
    tpu.vector_store %arg12[%swap3A_332], %add3A_331 {strides = array<i32>} : memref<640xi32, #tpu.memory_space<vmem>>, vector<16xi32>,
    %add3A_334 = arith.constant 224 : i32
    %add3A_335 = arith.addi %add3A_249, %add3A_334 : i32
    %add3A_336 = vector.broadcast %add3A_335 : i32 to vector<16xi32>
    %add3A_337 = arith.addi %iota3A, %add3A_336 : vector<16xi32>
    %swap3A_338 = arith.constant 224 : index
    %swap3A_339 = tpu.vector_load %arg12[%swap3A_338] {strides = array<i32>} : memref<640xi32, #tpu.memory_space<vmem>>, vector<16xi32>,
    tpu.vector_store %arg12[%swap3A_338], %add3A_337 {strides = array<i32>} : memref<640xi32, #tpu.memory_space<vmem>>, vector<16xi32>,
    %add3A_340 = arith.constant 240 : i32
    %add3A_341 = arith.addi %add3A_249, %add3A_340 : i32
    %add3A_342 = vector.broadcast %add3A_341 : i32 to vector<16xi32>
    %add3A_343 = arith.addi %iota3A, %add3A_342 : vector<16xi32>
    %swap3A_344 = arith.constant 240 : index
    %swap3A_345 = tpu.vector_load %arg12[%swap3A_344] {strides = array<i32>} : memref<640xi32, #tpu.memory_space<vmem>>, vector<16xi32>,
    tpu.vector_store %arg12[%swap3A_344], %add3A_343 {strides = array<i32>} : memref<640xi32, #tpu.memory_space<vmem>>, vector<16xi32>,
    %add3A_346 = arith.constant 256 : i32
    %add3A_347 = arith.addi %add3A_249, %add3A_346 : i32
    %add3A_348 = vector.broadcast %add3A_347 : i32 to vector<16xi32>
    %add3A_349 = arith.addi %iota3A, %add3A_348 : vector<16xi32>
    %swap3A_350 = arith.constant 256 : index
    %swap3A_351 = tpu.vector_load %arg12[%swap3A_350] {strides = array<i32>} : memref<640xi32, #tpu.memory_space<vmem>>, vector<16xi32>,
    tpu.vector_store %arg12[%swap3A_350], %add3A_349 {strides = array<i32>} : memref<640xi32, #tpu.memory_space<vmem>>, vector<16xi32>,
    %add3A_352 = arith.constant 272 : i32
    %add3A_353 = arith.addi %add3A_249, %add3A_352 : i32
    %add3A_354 = vector.broadcast %add3A_353 : i32 to vector<16xi32>
    %add3A_355 = arith.addi %iota3A, %add3A_354 : vector<16xi32>
    %swap3A_356 = arith.constant 272 : index
    %swap3A_357 = tpu.vector_load %arg12[%swap3A_356] {strides = array<i32>} : memref<640xi32, #tpu.memory_space<vmem>>, vector<16xi32>,
    tpu.vector_store %arg12[%swap3A_356], %add3A_355 {strides = array<i32>} : memref<640xi32, #tpu.memory_space<vmem>>, vector<16xi32>,
    %add3A_358 = arith.constant 288 : i32
    %add3A_359 = arith.addi %add3A_249, %add3A_358 : i32
    %add3A_360 = vector.broadcast %add3A_359 : i32 to vector<16xi32>
    %add3A_361 = arith.addi %iota3A, %add3A_360 : vector<16xi32>
    %swap3A_362 = arith.constant 288 : index
    %swap3A_363 = tpu.vector_load %arg12[%swap3A_362] {strides = array<i32>} : memref<640xi32, #tpu.memory_space<vmem>>, vector<16xi32>,
    tpu.vector_store %arg12[%swap3A_362], %add3A_361 {strides = array<i32>} : memref<640xi32, #tpu.memory_space<vmem>>, vector<16xi32>,
    %add3A_364 = arith.constant 304 : i32
    %add3A_365 = arith.addi %add3A_249, %add3A_364 : i32
    %add3A_366 = vector.broadcast %add3A_365 : i32 to vector<16xi32>
    %add3A_367 = arith.addi %iota3A, %add3A_366 : vector<16xi32>
    %swap3A_368 = arith.constant 304 : index
    %swap3A_369 = tpu.vector_load %arg12[%swap3A_368] {strides = array<i32>} : memref<640xi32, #tpu.memory_space<vmem>>, vector<16xi32>,
    tpu.vector_store %arg12[%swap3A_368], %add3A_367 {strides = array<i32>} : memref<640xi32, #tpu.memory_space<vmem>>, vector<16xi32>,
    %add3A_370 = arith.constant 320 : i32
    %add3A_371 = arith.addi %add3A_249, %add3A_370 : i32
    %add3A_372 = vector.broadcast %add3A_371 : i32 to vector<16xi32>
    %add3A_373 = arith.addi %iota3A, %add3A_372 : vector<16xi32>
    %swap3A_374 = arith.constant 320 : index
    %swap3A_375 = tpu.vector_load %arg12[%swap3A_374] {strides = array<i32>} : memref<640xi32, #tpu.memory_space<vmem>>, vector<16xi32>,
    tpu.vector_store %arg12[%swap3A_374], %add3A_373 {strides = array<i32>} : memref<640xi32, #tpu.memory_space<vmem>>, vector<16xi32>,
    %add3A_376 = arith.constant 336 : i32
    %add3A_377 = arith.addi %add3A_249, %add3A_376 : i32
    %add3A_378 = vector.broadcast %add3A_377 : i32 to vector<16xi32>
    %add3A_379 = arith.addi %iota3A, %add3A_378 : vector<16xi32>
    %swap3A_380 = arith.constant 336 : index
    %swap3A_381 = tpu.vector_load %arg12[%swap3A_380] {strides = array<i32>} : memref<640xi32, #tpu.memory_space<vmem>>, vector<16xi32>,
    tpu.vector_store %arg12[%swap3A_380], %add3A_379 {strides = array<i32>} : memref<640xi32, #tpu.memory_space<vmem>>, vector<16xi32>,
    %add3A_382 = arith.constant 352 : i32
    %add3A_383 = arith.addi %add3A_249, %add3A_382 : i32
    %add3A_384 = vector.broadcast %add3A_383 : i32 to vector<16xi32>
    %add3A_385 = arith.addi %iota3A, %add3A_384 : vector<16xi32>
    %swap3A_386 = arith.constant 352 : index
    %swap3A_387 = tpu.vector_load %arg12[%swap3A_386] {strides = array<i32>} : memref<640xi32, #tpu.memory_space<vmem>>, vector<16xi32>,
    tpu.vector_store %arg12[%swap3A_386], %add3A_385 {strides = array<i32>} : memref<640xi32, #tpu.memory_space<vmem>>, vector<16xi32>,
    %add3A_388 = arith.constant 368 : i32
    %add3A_389 = arith.addi %add3A_249, %add3A_388 : i32
    %add3A_390 = vector.broadcast %add3A_389 : i32 to vector<16xi32>
    %add3A_391 = arith.addi %iota3A, %add3A_390 : vector<16xi32>
    %swap3A_392 = arith.constant 368 : index
    %swap3A_393 = tpu.vector_load %arg12[%swap3A_392] {strides = array<i32>} : memref<640xi32, #tpu.memory_space<vmem>>, vector<16xi32>,
    tpu.vector_store %arg12[%swap3A_392], %add3A_391 {strides = array<i32>} : memref<640xi32, #tpu.memory_space<vmem>>, vector<16xi32>,
    %add3A_394 = arith.constant 384 : i32
    %add3A_395 = arith.addi %add3A_249, %add3A_394 : i32
    %add3A_396 = vector.broadcast %add3A_395 : i32 to vector<16xi32>
    %add3A_397 = arith.addi %iota3A, %add3A_396 : vector<16xi32>
    %swap3A_398 = arith.constant 384 : index
    %swap3A_399 = tpu.vector_load %arg12[%swap3A_398] {strides = array<i32>} : memref<640xi32, #tpu.memory_space<vmem>>, vector<16xi32>,
    tpu.vector_store %arg12[%swap3A_398], %add3A_397 {strides = array<i32>} : memref<640xi32, #tpu.memory_space<vmem>>, vector<16xi32>,
    %add3A_400 = arith.constant 400 : i32
    %add3A_401 = arith.addi %add3A_249, %add3A_400 : i32
    %add3A_402 = vector.broadcast %add3A_401 : i32 to vector<16xi32>
    %add3A_403 = arith.addi %iota3A, %add3A_402 : vector<16xi32>
    %swap3A_404 = arith.constant 400 : index
    %swap3A_405 = tpu.vector_load %arg12[%swap3A_404] {strides = array<i32>} : memref<640xi32, #tpu.memory_space<vmem>>, vector<16xi32>,
    tpu.vector_store %arg12[%swap3A_404], %add3A_403 {strides = array<i32>} : memref<640xi32, #tpu.memory_space<vmem>>, vector<16xi32>,
    %add3A_406 = arith.constant 416 : i32
    %add3A_407 = arith.addi %add3A_249, %add3A_406 : i32
    %add3A_408 = vector.broadcast %add3A_407 : i32 to vector<16xi32>
    %add3A_409 = arith.addi %iota3A, %add3A_408 : vector<16xi32>
    %swap3A_410 = arith.constant 416 : index
    %swap3A_411 = tpu.vector_load %arg12[%swap3A_410] {strides = array<i32>} : memref<640xi32, #tpu.memory_space<vmem>>, vector<16xi32>,
    tpu.vector_store %arg12[%swap3A_410], %add3A_409 {strides = array<i32>} : memref<640xi32, #tpu.memory_space<vmem>>, vector<16xi32>,
    %add3A_412 = arith.constant 432 : i32
    %add3A_413 = arith.addi %add3A_249, %add3A_412 : i32
    %add3A_414 = vector.broadcast %add3A_413 : i32 to vector<16xi32>
    %add3A_415 = arith.addi %iota3A, %add3A_414 : vector<16xi32>
    %swap3A_416 = arith.constant 432 : index
    %swap3A_417 = tpu.vector_load %arg12[%swap3A_416] {strides = array<i32>} : memref<640xi32, #tpu.memory_space<vmem>>, vector<16xi32>,
    tpu.vector_store %arg12[%swap3A_416], %add3A_415 {strides = array<i32>} : memref<640xi32, #tpu.memory_space<vmem>>, vector<16xi32>,
    %add3A_418 = arith.constant 448 : i32
    %add3A_419 = arith.addi %add3A_249, %add3A_418 : i32
    %add3A_420 = vector.broadcast %add3A_419 : i32 to vector<16xi32>
    %add3A_421 = arith.addi %iota3A, %add3A_420 : vector<16xi32>
    %swap3A_422 = arith.constant 448 : index
    %swap3A_423 = tpu.vector_load %arg12[%swap3A_422] {strides = array<i32>} : memref<640xi32, #tpu.memory_space<vmem>>, vector<16xi32>,
    tpu.vector_store %arg12[%swap3A_422], %add3A_421 {strides = array<i32>} : memref<640xi32, #tpu.memory_space<vmem>>, vector<16xi32>,
    %add3A_424 = arith.constant 464 : i32
    %add3A_425 = arith.addi %add3A_249, %add3A_424 : i32
    %add3A_426 = vector.broadcast %add3A_425 : i32 to vector<16xi32>
    %add3A_427 = arith.addi %iota3A, %add3A_426 : vector<16xi32>
    %swap3A_428 = arith.constant 464 : index
    %swap3A_429 = tpu.vector_load %arg12[%swap3A_428] {strides = array<i32>} : memref<640xi32, #tpu.memory_space<vmem>>, vector<16xi32>,
    tpu.vector_store %arg12[%swap3A_428], %add3A_427 {strides = array<i32>} : memref<640xi32, #tpu.memory_space<vmem>>, vector<16xi32>,
    %add3A_430 = arith.constant 480 : i32
    %add3A_431 = arith.addi %add3A_249, %add3A_430 : i32
    %add3A_432 = vector.broadcast %add3A_431 : i32 to vector<16xi32>
    %add3A_433 = arith.addi %iota3A, %add3A_432 : vector<16xi32>
    %swap3A_434 = arith.constant 480 : index
    %swap3A_435 = tpu.vector_load %arg12[%swap3A_434] {strides = array<i32>} : memref<640xi32, #tpu.memory_space<vmem>>, vector<16xi32>,
    tpu.vector_store %arg12[%swap3A_434], %add3A_433 {strides = array<i32>} : memref<640xi32, #tpu.memory_space<vmem>>, vector<16xi32>,
    %add3A_436 = arith.constant 496 : i32
    %add3A_437 = arith.addi %add3A_249, %add3A_436 : i32
    %add3A_438 = vector.broadcast %add3A_437 : i32 to vector<16xi32>
    %add3A_439 = arith.addi %iota3A, %add3A_438 : vector<16xi32>
    %swap3A_440 = arith.constant 496 : index
    %swap3A_441 = tpu.vector_load %arg12[%swap3A_440] {strides = array<i32>} : memref<640xi32, #tpu.memory_space<vmem>>, vector<16xi32>,
    tpu.vector_store %arg12[%swap3A_440], %add3A_439 {strides = array<i32>} : memref<640xi32, #tpu.memory_space<vmem>>, vector<16xi32>,
    %add3A_442 = arith.constant 512 : i32
    %add3A_443 = arith.addi %add3A_249, %add3A_442 : i32
    %add3A_444 = vector.broadcast %add3A_443 : i32 to vector<16xi32>
    %add3A_445 = arith.addi %iota3A, %add3A_444 : vector<16xi32>
    %swap3A_446 = arith.constant 512 : index
    %swap3A_447 = tpu.vector_load %arg12[%swap3A_446] {strides = array<i32>} : memref<640xi32, #tpu.memory_space<vmem>>, vector<16xi32>,
    tpu.vector_store %arg12[%swap3A_446], %add3A_445 {strides = array<i32>} : memref<640xi32, #tpu.memory_space<vmem>>, vector<16xi32>,
    %add3A_448 = arith.constant 528 : i32
    %add3A_449 = arith.addi %add3A_249, %add3A_448 : i32
    %add3A_450 = vector.broadcast %add3A_449 : i32 to vector<16xi32>
    %add3A_451 = arith.addi %iota3A, %add3A_450 : vector<16xi32>
    %swap3A_452 = arith.constant 528 : index
    %swap3A_453 = tpu.vector_load %arg12[%swap3A_452] {strides = array<i32>} : memref<640xi32, #tpu.memory_space<vmem>>, vector<16xi32>,
    tpu.vector_store %arg12[%swap3A_452], %add3A_451 {strides = array<i32>} : memref<640xi32, #tpu.memory_space<vmem>>, vector<16xi32>,
    %add3A_454 = arith.constant 544 : i32
    %add3A_455 = arith.addi %add3A_249, %add3A_454 : i32
    %add3A_456 = vector.broadcast %add3A_455 : i32 to vector<16xi32>
    %add3A_457 = arith.addi %iota3A, %add3A_456 : vector<16xi32>
    %swap3A_458 = arith.constant 544 : index
    %swap3A_459 = tpu.vector_load %arg12[%swap3A_458] {strides = array<i32>} : memref<640xi32, #tpu.memory_space<vmem>>, vector<16xi32>,
    tpu.vector_store %arg12[%swap3A_458], %add3A_457 {strides = array<i32>} : memref<640xi32, #tpu.memory_space<vmem>>, vector<16xi32>,
    %add3A_460 = arith.constant 560 : i32
    %add3A_461 = arith.addi %add3A_249, %add3A_460 : i32
    %add3A_462 = vector.broadcast %add3A_461 : i32 to vector<16xi32>
    %add3A_463 = arith.addi %iota3A, %add3A_462 : vector<16xi32>
    %swap3A_464 = arith.constant 560 : index
    %swap3A_465 = tpu.vector_load %arg12[%swap3A_464] {strides = array<i32>} : memref<640xi32, #tpu.memory_space<vmem>>, vector<16xi32>,
    tpu.vector_store %arg12[%swap3A_464], %add3A_463 {strides = array<i32>} : memref<640xi32, #tpu.memory_space<vmem>>, vector<16xi32>,
    %add3A_466 = arith.constant 576 : i32
    %add3A_467 = arith.addi %add3A_249, %add3A_466 : i32
    %add3A_468 = vector.broadcast %add3A_467 : i32 to vector<16xi32>
    %add3A_469 = arith.addi %iota3A, %add3A_468 : vector<16xi32>
    %swap3A_470 = arith.constant 576 : index
    %swap3A_471 = tpu.vector_load %arg12[%swap3A_470] {strides = array<i32>} : memref<640xi32, #tpu.memory_space<vmem>>, vector<16xi32>,
    tpu.vector_store %arg12[%swap3A_470], %add3A_469 {strides = array<i32>} : memref<640xi32, #tpu.memory_space<vmem>>, vector<16xi32>,
    %add3A_472 = arith.constant 592 : i32
    %add3A_473 = arith.addi %add3A_249, %add3A_472 : i32
    %add3A_474 = vector.broadcast %add3A_473 : i32 to vector<16xi32>
    %add3A_475 = arith.addi %iota3A, %add3A_474 : vector<16xi32>
    %swap3A_476 = arith.constant 592 : index
    %swap3A_477 = tpu.vector_load %arg12[%swap3A_476] {strides = array<i32>} : memref<640xi32, #tpu.memory_space<vmem>>, vector<16xi32>,
    tpu.vector_store %arg12[%swap3A_476], %add3A_475 {strides = array<i32>} : memref<640xi32, #tpu.memory_space<vmem>>, vector<16xi32>,
    %add3A_478 = arith.constant 608 : i32
    %add3A_479 = arith.addi %add3A_249, %add3A_478 : i32
    %add3A_480 = vector.broadcast %add3A_479 : i32 to vector<16xi32>
    %add3A_481 = arith.addi %iota3A, %add3A_480 : vector<16xi32>
    %swap3A_482 = arith.constant 608 : index
    %swap3A_483 = tpu.vector_load %arg12[%swap3A_482] {strides = array<i32>} : memref<640xi32, #tpu.memory_space<vmem>>, vector<16xi32>,
    tpu.vector_store %arg12[%swap3A_482], %add3A_481 {strides = array<i32>} : memref<640xi32, #tpu.memory_space<vmem>>, vector<16xi32>,
    %add3A_484 = arith.constant 624 : i32
    %add3A_485 = arith.addi %add3A_249, %add3A_484 : i32
    %add3A_486 = vector.broadcast %add3A_485 : i32 to vector<16xi32>
    %add3A_487 = arith.addi %iota3A, %add3A_486 : vector<16xi32>
    %swap3A_488 = arith.constant 624 : index
    %swap3A_489 = tpu.vector_load %arg12[%swap3A_488] {strides = array<i32>} : memref<640xi32, #tpu.memory_space<vmem>>, vector<16xi32>,
    tpu.vector_store %arg12[%swap3A_488], %add3A_487 {strides = array<i32>} : memref<640xi32, #tpu.memory_space<vmem>>, vector<16xi32>,
    "tpu.region"() ({
      %run_scoped3A = tpu.sem_alloc : memref<!tpu.dma_semaphore, #tpu.memory_space<semaphore_mem>>
      %dma_start3A = arith.constant 0 : i32
      %dma_start3A_1081 = tpu.memref_slice %arg10[%dma_start3A] : memref<20480xf32, #tpu.memory_space<vmem_shared>> -> memref<20480xf32, #tpu.memory_space<vmem_shared>>
      tpu.enqueue_indirect_dma source(%arg11 : memref<640xf32, #tpu.memory_space<vmem>>) target(%dma_start3A_1081 : memref<20480xf32, #tpu.memory_space<vmem_shared>>) offsets(%arg12 : memref<640xi32, #tpu.memory_space<vmem>>) semaphore(%run_scoped3A : memref<!tpu.dma_semaphore, #tpu.memory_space<semaphore_mem>>)
      %dma_wait3A = arith.constant 0 : i32
      %dma_wait3A_1082 = tpu.memref_slice %arg10[%dma_wait3A] : memref<20480xf32, #tpu.memory_space<vmem_shared>> -> memref<20480xf32, #tpu.memory_space<vmem_shared>>
      tpu.wait_indirect_dma semaphore(%run_scoped3A : memref<!tpu.dma_semaphore, #tpu.memory_space<semaphore_mem>>) src(%arg11 : memref<640xf32, #tpu.memory_space<vmem>>) dst(%dma_wait3A_1082 : memref<20480xf32, #tpu.memory_space<vmem_shared>>)
      tpu.yield
    }) : () -> ()
    %scan3A = arith.constant 0 : i32
    %scan3A_490 = arith.constant 0 : i32
    %scan3A_491 = arith.constant 40 : i32
    %scan3A_492 = arith.addi %scan3A_490, %scan3A_491 : i32
    %scan3A_493 = arith.constant 1 : i32
    %scan3A_494 = scf.for %scan3A_1081 = %scan3A_490 to %scan3A_492 step %scan3A_493 iter_args(%scan3A_1082 = %scan3A) -> (i32)  : i32 {
      %mul3A_1083 = arith.constant 16 : i32
      %mul3A_1084 = arith.muli %mul3A_1083, %scan3A_1081 : i32
      %swap3A_1085 = arith.index_cast %mul3A_1084 : i32 to index
      %swap3A_1086 = tpu.vector_load %arg11[%swap3A_1085] {strides = array<i32>} : memref<640xf32, #tpu.memory_space<vmem>>, vector<16xf32>,
      tpu.vector_store %arg11[%swap3A_1085], %broadcast_in_dim3A_1 {strides = array<i32>} : memref<640xf32, #tpu.memory_space<vmem>>, vector<16xf32>,
      %scan3A_1087 = arith.constant 0 : i32
      scf.yield %scan3A_1087 : i32
    }
    %scan3A_495 = arith.constant 40 : i32
    %add3A_496 = arith.constant 0 : i32
    %add3A_497 = arith.addi %mul3A_0, %add3A_496 : i32
    %add3A_498 = vector.broadcast %add3A_497 : i32 to vector<16xi32>
    %add3A_499 = arith.addi %iota3A, %add3A_498 : vector<16xi32>
    %swap3A_500 = arith.constant 0 : index
    %swap3A_501 = tpu.vector_load %arg12[%swap3A_500] {strides = array<i32>} : memref<640xi32, #tpu.memory_space<vmem>>, vector<16xi32>,
    tpu.vector_store %arg12[%swap3A_500], %add3A_499 {strides = array<i32>} : memref<640xi32, #tpu.memory_space<vmem>>, vector<16xi32>,
    %add3A_502 = arith.constant 16 : i32
    %add3A_503 = arith.addi %mul3A_0, %add3A_502 : i32
    %add3A_504 = vector.broadcast %add3A_503 : i32 to vector<16xi32>
    %add3A_505 = arith.addi %iota3A, %add3A_504 : vector<16xi32>
    %swap3A_506 = arith.constant 16 : index
    %swap3A_507 = tpu.vector_load %arg12[%swap3A_506] {strides = array<i32>} : memref<640xi32, #tpu.memory_space<vmem>>, vector<16xi32>,
    tpu.vector_store %arg12[%swap3A_506], %add3A_505 {strides = array<i32>} : memref<640xi32, #tpu.memory_space<vmem>>, vector<16xi32>,
    %add3A_508 = arith.constant 32 : i32
    %add3A_509 = arith.addi %mul3A_0, %add3A_508 : i32
    %add3A_510 = vector.broadcast %add3A_509 : i32 to vector<16xi32>
    %add3A_511 = arith.addi %iota3A, %add3A_510 : vector<16xi32>
    %swap3A_512 = arith.constant 32 : index
    %swap3A_513 = tpu.vector_load %arg12[%swap3A_512] {strides = array<i32>} : memref<640xi32, #tpu.memory_space<vmem>>, vector<16xi32>,
    tpu.vector_store %arg12[%swap3A_512], %add3A_511 {strides = array<i32>} : memref<640xi32, #tpu.memory_space<vmem>>, vector<16xi32>,
    %add3A_514 = arith.constant 48 : i32
    %add3A_515 = arith.addi %mul3A_0, %add3A_514 : i32
    %add3A_516 = vector.broadcast %add3A_515 : i32 to vector<16xi32>
    %add3A_517 = arith.addi %iota3A, %add3A_516 : vector<16xi32>
    %swap3A_518 = arith.constant 48 : index
    %swap3A_519 = tpu.vector_load %arg12[%swap3A_518] {strides = array<i32>} : memref<640xi32, #tpu.memory_space<vmem>>, vector<16xi32>,
    tpu.vector_store %arg12[%swap3A_518], %add3A_517 {strides = array<i32>} : memref<640xi32, #tpu.memory_space<vmem>>, vector<16xi32>,
    %add3A_520 = arith.constant 64 : i32
    %add3A_521 = arith.addi %mul3A_0, %add3A_520 : i32
    %add3A_522 = vector.broadcast %add3A_521 : i32 to vector<16xi32>
    %add3A_523 = arith.addi %iota3A, %add3A_522 : vector<16xi32>
    %swap3A_524 = arith.constant 64 : index
    %swap3A_525 = tpu.vector_load %arg12[%swap3A_524] {strides = array<i32>} : memref<640xi32, #tpu.memory_space<vmem>>, vector<16xi32>,
    tpu.vector_store %arg12[%swap3A_524], %add3A_523 {strides = array<i32>} : memref<640xi32, #tpu.memory_space<vmem>>, vector<16xi32>,
    %add3A_526 = arith.constant 80 : i32
    %add3A_527 = arith.addi %mul3A_0, %add3A_526 : i32
    %add3A_528 = vector.broadcast %add3A_527 : i32 to vector<16xi32>
    %add3A_529 = arith.addi %iota3A, %add3A_528 : vector<16xi32>
    %swap3A_530 = arith.constant 80 : index
    %swap3A_531 = tpu.vector_load %arg12[%swap3A_530] {strides = array<i32>} : memref<640xi32, #tpu.memory_space<vmem>>, vector<16xi32>,
    tpu.vector_store %arg12[%swap3A_530], %add3A_529 {strides = array<i32>} : memref<640xi32, #tpu.memory_space<vmem>>, vector<16xi32>,
    %add3A_532 = arith.constant 96 : i32
    %add3A_533 = arith.addi %mul3A_0, %add3A_532 : i32
    %add3A_534 = vector.broadcast %add3A_533 : i32 to vector<16xi32>
    %add3A_535 = arith.addi %iota3A, %add3A_534 : vector<16xi32>
    %swap3A_536 = arith.constant 96 : index
    %swap3A_537 = tpu.vector_load %arg12[%swap3A_536] {strides = array<i32>} : memref<640xi32, #tpu.memory_space<vmem>>, vector<16xi32>,
    tpu.vector_store %arg12[%swap3A_536], %add3A_535 {strides = array<i32>} : memref<640xi32, #tpu.memory_space<vmem>>, vector<16xi32>,
    %add3A_538 = arith.constant 112 : i32
    %add3A_539 = arith.addi %mul3A_0, %add3A_538 : i32
    %add3A_540 = vector.broadcast %add3A_539 : i32 to vector<16xi32>
    %add3A_541 = arith.addi %iota3A, %add3A_540 : vector<16xi32>
    %swap3A_542 = arith.constant 112 : index
    %swap3A_543 = tpu.vector_load %arg12[%swap3A_542] {strides = array<i32>} : memref<640xi32, #tpu.memory_space<vmem>>, vector<16xi32>,
    tpu.vector_store %arg12[%swap3A_542], %add3A_541 {strides = array<i32>} : memref<640xi32, #tpu.memory_space<vmem>>, vector<16xi32>,
    %add3A_544 = arith.constant 128 : i32
    %add3A_545 = arith.addi %mul3A_0, %add3A_544 : i32
    %add3A_546 = vector.broadcast %add3A_545 : i32 to vector<16xi32>
    %add3A_547 = arith.addi %iota3A, %add3A_546 : vector<16xi32>
    %swap3A_548 = arith.constant 128 : index
    %swap3A_549 = tpu.vector_load %arg12[%swap3A_548] {strides = array<i32>} : memref<640xi32, #tpu.memory_space<vmem>>, vector<16xi32>,
    tpu.vector_store %arg12[%swap3A_548], %add3A_547 {strides = array<i32>} : memref<640xi32, #tpu.memory_space<vmem>>, vector<16xi32>,
    %add3A_550 = arith.constant 144 : i32
    %add3A_551 = arith.addi %mul3A_0, %add3A_550 : i32
    %add3A_552 = vector.broadcast %add3A_551 : i32 to vector<16xi32>
    %add3A_553 = arith.addi %iota3A, %add3A_552 : vector<16xi32>
    %swap3A_554 = arith.constant 144 : index
    %swap3A_555 = tpu.vector_load %arg12[%swap3A_554] {strides = array<i32>} : memref<640xi32, #tpu.memory_space<vmem>>, vector<16xi32>,
    tpu.vector_store %arg12[%swap3A_554], %add3A_553 {strides = array<i32>} : memref<640xi32, #tpu.memory_space<vmem>>, vector<16xi32>,
    %add3A_556 = arith.constant 160 : i32
    %add3A_557 = arith.addi %mul3A_0, %add3A_556 : i32
    %add3A_558 = vector.broadcast %add3A_557 : i32 to vector<16xi32>
    %add3A_559 = arith.addi %iota3A, %add3A_558 : vector<16xi32>
    %swap3A_560 = arith.constant 160 : index
    %swap3A_561 = tpu.vector_load %arg12[%swap3A_560] {strides = array<i32>} : memref<640xi32, #tpu.memory_space<vmem>>, vector<16xi32>,
    tpu.vector_store %arg12[%swap3A_560], %add3A_559 {strides = array<i32>} : memref<640xi32, #tpu.memory_space<vmem>>, vector<16xi32>,
    %add3A_562 = arith.constant 176 : i32
    %add3A_563 = arith.addi %mul3A_0, %add3A_562 : i32
    %add3A_564 = vector.broadcast %add3A_563 : i32 to vector<16xi32>
    %add3A_565 = arith.addi %iota3A, %add3A_564 : vector<16xi32>
    %swap3A_566 = arith.constant 176 : index
    %swap3A_567 = tpu.vector_load %arg12[%swap3A_566] {strides = array<i32>} : memref<640xi32, #tpu.memory_space<vmem>>, vector<16xi32>,
    tpu.vector_store %arg12[%swap3A_566], %add3A_565 {strides = array<i32>} : memref<640xi32, #tpu.memory_space<vmem>>, vector<16xi32>,
    %add3A_568 = arith.constant 192 : i32
    %add3A_569 = arith.addi %mul3A_0, %add3A_568 : i32
    %add3A_570 = vector.broadcast %add3A_569 : i32 to vector<16xi32>
    %add3A_571 = arith.addi %iota3A, %add3A_570 : vector<16xi32>
    %swap3A_572 = arith.constant 192 : index
    %swap3A_573 = tpu.vector_load %arg12[%swap3A_572] {strides = array<i32>} : memref<640xi32, #tpu.memory_space<vmem>>, vector<16xi32>,
    tpu.vector_store %arg12[%swap3A_572], %add3A_571 {strides = array<i32>} : memref<640xi32, #tpu.memory_space<vmem>>, vector<16xi32>,
    %add3A_574 = arith.constant 208 : i32
    %add3A_575 = arith.addi %mul3A_0, %add3A_574 : i32
    %add3A_576 = vector.broadcast %add3A_575 : i32 to vector<16xi32>
    %add3A_577 = arith.addi %iota3A, %add3A_576 : vector<16xi32>
    %swap3A_578 = arith.constant 208 : index
    %swap3A_579 = tpu.vector_load %arg12[%swap3A_578] {strides = array<i32>} : memref<640xi32, #tpu.memory_space<vmem>>, vector<16xi32>,
    tpu.vector_store %arg12[%swap3A_578], %add3A_577 {strides = array<i32>} : memref<640xi32, #tpu.memory_space<vmem>>, vector<16xi32>,
    %add3A_580 = arith.constant 224 : i32
    %add3A_581 = arith.addi %mul3A_0, %add3A_580 : i32
    %add3A_582 = vector.broadcast %add3A_581 : i32 to vector<16xi32>
    %add3A_583 = arith.addi %iota3A, %add3A_582 : vector<16xi32>
    %swap3A_584 = arith.constant 224 : index
    %swap3A_585 = tpu.vector_load %arg12[%swap3A_584] {strides = array<i32>} : memref<640xi32, #tpu.memory_space<vmem>>, vector<16xi32>,
    tpu.vector_store %arg12[%swap3A_584], %add3A_583 {strides = array<i32>} : memref<640xi32, #tpu.memory_space<vmem>>, vector<16xi32>,
    %add3A_586 = arith.constant 240 : i32
    %add3A_587 = arith.addi %mul3A_0, %add3A_586 : i32
    %add3A_588 = vector.broadcast %add3A_587 : i32 to vector<16xi32>
    %add3A_589 = arith.addi %iota3A, %add3A_588 : vector<16xi32>
    %swap3A_590 = arith.constant 240 : index
    %swap3A_591 = tpu.vector_load %arg12[%swap3A_590] {strides = array<i32>} : memref<640xi32, #tpu.memory_space<vmem>>, vector<16xi32>,
    tpu.vector_store %arg12[%swap3A_590], %add3A_589 {strides = array<i32>} : memref<640xi32, #tpu.memory_space<vmem>>, vector<16xi32>,
    %add3A_592 = arith.constant 256 : i32
    %add3A_593 = arith.addi %mul3A_0, %add3A_592 : i32
    %add3A_594 = vector.broadcast %add3A_593 : i32 to vector<16xi32>
    %add3A_595 = arith.addi %iota3A, %add3A_594 : vector<16xi32>
    %swap3A_596 = arith.constant 256 : index
    %swap3A_597 = tpu.vector_load %arg12[%swap3A_596] {strides = array<i32>} : memref<640xi32, #tpu.memory_space<vmem>>, vector<16xi32>,
    tpu.vector_store %arg12[%swap3A_596], %add3A_595 {strides = array<i32>} : memref<640xi32, #tpu.memory_space<vmem>>, vector<16xi32>,
    %add3A_598 = arith.constant 272 : i32
    %add3A_599 = arith.addi %mul3A_0, %add3A_598 : i32
    %add3A_600 = vector.broadcast %add3A_599 : i32 to vector<16xi32>
    %add3A_601 = arith.addi %iota3A, %add3A_600 : vector<16xi32>
    %swap3A_602 = arith.constant 272 : index
    %swap3A_603 = tpu.vector_load %arg12[%swap3A_602] {strides = array<i32>} : memref<640xi32, #tpu.memory_space<vmem>>, vector<16xi32>,
    tpu.vector_store %arg12[%swap3A_602], %add3A_601 {strides = array<i32>} : memref<640xi32, #tpu.memory_space<vmem>>, vector<16xi32>,
    %add3A_604 = arith.constant 288 : i32
    %add3A_605 = arith.addi %mul3A_0, %add3A_604 : i32
    %add3A_606 = vector.broadcast %add3A_605 : i32 to vector<16xi32>
    %add3A_607 = arith.addi %iota3A, %add3A_606 : vector<16xi32>
    %swap3A_608 = arith.constant 288 : index
    %swap3A_609 = tpu.vector_load %arg12[%swap3A_608] {strides = array<i32>} : memref<640xi32, #tpu.memory_space<vmem>>, vector<16xi32>,
    tpu.vector_store %arg12[%swap3A_608], %add3A_607 {strides = array<i32>} : memref<640xi32, #tpu.memory_space<vmem>>, vector<16xi32>,
    %add3A_610 = arith.constant 304 : i32
    %add3A_611 = arith.addi %mul3A_0, %add3A_610 : i32
    %add3A_612 = vector.broadcast %add3A_611 : i32 to vector<16xi32>
    %add3A_613 = arith.addi %iota3A, %add3A_612 : vector<16xi32>
    %swap3A_614 = arith.constant 304 : index
    %swap3A_615 = tpu.vector_load %arg12[%swap3A_614] {strides = array<i32>} : memref<640xi32, #tpu.memory_space<vmem>>, vector<16xi32>,
    tpu.vector_store %arg12[%swap3A_614], %add3A_613 {strides = array<i32>} : memref<640xi32, #tpu.memory_space<vmem>>, vector<16xi32>,
    %add3A_616 = arith.constant 320 : i32
    %add3A_617 = arith.addi %mul3A_0, %add3A_616 : i32
    %add3A_618 = vector.broadcast %add3A_617 : i32 to vector<16xi32>
    %add3A_619 = arith.addi %iota3A, %add3A_618 : vector<16xi32>
    %swap3A_620 = arith.constant 320 : index
    %swap3A_621 = tpu.vector_load %arg12[%swap3A_620] {strides = array<i32>} : memref<640xi32, #tpu.memory_space<vmem>>, vector<16xi32>,
    tpu.vector_store %arg12[%swap3A_620], %add3A_619 {strides = array<i32>} : memref<640xi32, #tpu.memory_space<vmem>>, vector<16xi32>,
    %add3A_622 = arith.constant 336 : i32
    %add3A_623 = arith.addi %mul3A_0, %add3A_622 : i32
    %add3A_624 = vector.broadcast %add3A_623 : i32 to vector<16xi32>
    %add3A_625 = arith.addi %iota3A, %add3A_624 : vector<16xi32>
    %swap3A_626 = arith.constant 336 : index
    %swap3A_627 = tpu.vector_load %arg12[%swap3A_626] {strides = array<i32>} : memref<640xi32, #tpu.memory_space<vmem>>, vector<16xi32>,
    tpu.vector_store %arg12[%swap3A_626], %add3A_625 {strides = array<i32>} : memref<640xi32, #tpu.memory_space<vmem>>, vector<16xi32>,
    %add3A_628 = arith.constant 352 : i32
    %add3A_629 = arith.addi %mul3A_0, %add3A_628 : i32
    %add3A_630 = vector.broadcast %add3A_629 : i32 to vector<16xi32>
    %add3A_631 = arith.addi %iota3A, %add3A_630 : vector<16xi32>
    %swap3A_632 = arith.constant 352 : index
    %swap3A_633 = tpu.vector_load %arg12[%swap3A_632] {strides = array<i32>} : memref<640xi32, #tpu.memory_space<vmem>>, vector<16xi32>,
    tpu.vector_store %arg12[%swap3A_632], %add3A_631 {strides = array<i32>} : memref<640xi32, #tpu.memory_space<vmem>>, vector<16xi32>,
    %add3A_634 = arith.constant 368 : i32
    %add3A_635 = arith.addi %mul3A_0, %add3A_634 : i32
    %add3A_636 = vector.broadcast %add3A_635 : i32 to vector<16xi32>
    %add3A_637 = arith.addi %iota3A, %add3A_636 : vector<16xi32>
    %swap3A_638 = arith.constant 368 : index
    %swap3A_639 = tpu.vector_load %arg12[%swap3A_638] {strides = array<i32>} : memref<640xi32, #tpu.memory_space<vmem>>, vector<16xi32>,
    tpu.vector_store %arg12[%swap3A_638], %add3A_637 {strides = array<i32>} : memref<640xi32, #tpu.memory_space<vmem>>, vector<16xi32>,
    %add3A_640 = arith.constant 384 : i32
    %add3A_641 = arith.addi %mul3A_0, %add3A_640 : i32
    %add3A_642 = vector.broadcast %add3A_641 : i32 to vector<16xi32>
    %add3A_643 = arith.addi %iota3A, %add3A_642 : vector<16xi32>
    %swap3A_644 = arith.constant 384 : index
    %swap3A_645 = tpu.vector_load %arg12[%swap3A_644] {strides = array<i32>} : memref<640xi32, #tpu.memory_space<vmem>>, vector<16xi32>,
    tpu.vector_store %arg12[%swap3A_644], %add3A_643 {strides = array<i32>} : memref<640xi32, #tpu.memory_space<vmem>>, vector<16xi32>,
    %add3A_646 = arith.constant 400 : i32
    %add3A_647 = arith.addi %mul3A_0, %add3A_646 : i32
    %add3A_648 = vector.broadcast %add3A_647 : i32 to vector<16xi32>
    %add3A_649 = arith.addi %iota3A, %add3A_648 : vector<16xi32>
    %swap3A_650 = arith.constant 400 : index
    %swap3A_651 = tpu.vector_load %arg12[%swap3A_650] {strides = array<i32>} : memref<640xi32, #tpu.memory_space<vmem>>, vector<16xi32>,
    tpu.vector_store %arg12[%swap3A_650], %add3A_649 {strides = array<i32>} : memref<640xi32, #tpu.memory_space<vmem>>, vector<16xi32>,
    %add3A_652 = arith.constant 416 : i32
    %add3A_653 = arith.addi %mul3A_0, %add3A_652 : i32
    %add3A_654 = vector.broadcast %add3A_653 : i32 to vector<16xi32>
    %add3A_655 = arith.addi %iota3A, %add3A_654 : vector<16xi32>
    %swap3A_656 = arith.constant 416 : index
    %swap3A_657 = tpu.vector_load %arg12[%swap3A_656] {strides = array<i32>} : memref<640xi32, #tpu.memory_space<vmem>>, vector<16xi32>,
    tpu.vector_store %arg12[%swap3A_656], %add3A_655 {strides = array<i32>} : memref<640xi32, #tpu.memory_space<vmem>>, vector<16xi32>,
    %add3A_658 = arith.constant 432 : i32
    %add3A_659 = arith.addi %mul3A_0, %add3A_658 : i32
    %add3A_660 = vector.broadcast %add3A_659 : i32 to vector<16xi32>
    %add3A_661 = arith.addi %iota3A, %add3A_660 : vector<16xi32>
    %swap3A_662 = arith.constant 432 : index
    %swap3A_663 = tpu.vector_load %arg12[%swap3A_662] {strides = array<i32>} : memref<640xi32, #tpu.memory_space<vmem>>, vector<16xi32>,
    tpu.vector_store %arg12[%swap3A_662], %add3A_661 {strides = array<i32>} : memref<640xi32, #tpu.memory_space<vmem>>, vector<16xi32>,
    %add3A_664 = arith.constant 448 : i32
    %add3A_665 = arith.addi %mul3A_0, %add3A_664 : i32
    %add3A_666 = vector.broadcast %add3A_665 : i32 to vector<16xi32>
    %add3A_667 = arith.addi %iota3A, %add3A_666 : vector<16xi32>
    %swap3A_668 = arith.constant 448 : index
    %swap3A_669 = tpu.vector_load %arg12[%swap3A_668] {strides = array<i32>} : memref<640xi32, #tpu.memory_space<vmem>>, vector<16xi32>,
    tpu.vector_store %arg12[%swap3A_668], %add3A_667 {strides = array<i32>} : memref<640xi32, #tpu.memory_space<vmem>>, vector<16xi32>,
    %add3A_670 = arith.constant 464 : i32
    %add3A_671 = arith.addi %mul3A_0, %add3A_670 : i32
    %add3A_672 = vector.broadcast %add3A_671 : i32 to vector<16xi32>
    %add3A_673 = arith.addi %iota3A, %add3A_672 : vector<16xi32>
    %swap3A_674 = arith.constant 464 : index
    %swap3A_675 = tpu.vector_load %arg12[%swap3A_674] {strides = array<i32>} : memref<640xi32, #tpu.memory_space<vmem>>, vector<16xi32>,
    tpu.vector_store %arg12[%swap3A_674], %add3A_673 {strides = array<i32>} : memref<640xi32, #tpu.memory_space<vmem>>, vector<16xi32>,
    %add3A_676 = arith.constant 480 : i32
    %add3A_677 = arith.addi %mul3A_0, %add3A_676 : i32
    %add3A_678 = vector.broadcast %add3A_677 : i32 to vector<16xi32>
    %add3A_679 = arith.addi %iota3A, %add3A_678 : vector<16xi32>
    %swap3A_680 = arith.constant 480 : index
    %swap3A_681 = tpu.vector_load %arg12[%swap3A_680] {strides = array<i32>} : memref<640xi32, #tpu.memory_space<vmem>>, vector<16xi32>,
    tpu.vector_store %arg12[%swap3A_680], %add3A_679 {strides = array<i32>} : memref<640xi32, #tpu.memory_space<vmem>>, vector<16xi32>,
    %add3A_682 = arith.constant 496 : i32
    %add3A_683 = arith.addi %mul3A_0, %add3A_682 : i32
    %add3A_684 = vector.broadcast %add3A_683 : i32 to vector<16xi32>
    %add3A_685 = arith.addi %iota3A, %add3A_684 : vector<16xi32>
    %swap3A_686 = arith.constant 496 : index
    %swap3A_687 = tpu.vector_load %arg12[%swap3A_686] {strides = array<i32>} : memref<640xi32, #tpu.memory_space<vmem>>, vector<16xi32>,
    tpu.vector_store %arg12[%swap3A_686], %add3A_685 {strides = array<i32>} : memref<640xi32, #tpu.memory_space<vmem>>, vector<16xi32>,
    %add3A_688 = arith.constant 512 : i32
    %add3A_689 = arith.addi %mul3A_0, %add3A_688 : i32
    %add3A_690 = vector.broadcast %add3A_689 : i32 to vector<16xi32>
    %add3A_691 = arith.addi %iota3A, %add3A_690 : vector<16xi32>
    %swap3A_692 = arith.constant 512 : index
    %swap3A_693 = tpu.vector_load %arg12[%swap3A_692] {strides = array<i32>} : memref<640xi32, #tpu.memory_space<vmem>>, vector<16xi32>,
    tpu.vector_store %arg12[%swap3A_692], %add3A_691 {strides = array<i32>} : memref<640xi32, #tpu.memory_space<vmem>>, vector<16xi32>,
    %add3A_694 = arith.constant 528 : i32
    %add3A_695 = arith.addi %mul3A_0, %add3A_694 : i32
    %add3A_696 = vector.broadcast %add3A_695 : i32 to vector<16xi32>
    %add3A_697 = arith.addi %iota3A, %add3A_696 : vector<16xi32>
    %swap3A_698 = arith.constant 528 : index
    %swap3A_699 = tpu.vector_load %arg12[%swap3A_698] {strides = array<i32>} : memref<640xi32, #tpu.memory_space<vmem>>, vector<16xi32>,
    tpu.vector_store %arg12[%swap3A_698], %add3A_697 {strides = array<i32>} : memref<640xi32, #tpu.memory_space<vmem>>, vector<16xi32>,
    %add3A_700 = arith.constant 544 : i32
    %add3A_701 = arith.addi %mul3A_0, %add3A_700 : i32
    %add3A_702 = vector.broadcast %add3A_701 : i32 to vector<16xi32>
    %add3A_703 = arith.addi %iota3A, %add3A_702 : vector<16xi32>
    %swap3A_704 = arith.constant 544 : index
    %swap3A_705 = tpu.vector_load %arg12[%swap3A_704] {strides = array<i32>} : memref<640xi32, #tpu.memory_space<vmem>>, vector<16xi32>,
    tpu.vector_store %arg12[%swap3A_704], %add3A_703 {strides = array<i32>} : memref<640xi32, #tpu.memory_space<vmem>>, vector<16xi32>,
    %add3A_706 = arith.constant 560 : i32
    %add3A_707 = arith.addi %mul3A_0, %add3A_706 : i32
    %add3A_708 = vector.broadcast %add3A_707 : i32 to vector<16xi32>
    %add3A_709 = arith.addi %iota3A, %add3A_708 : vector<16xi32>
    %swap3A_710 = arith.constant 560 : index
    %swap3A_711 = tpu.vector_load %arg12[%swap3A_710] {strides = array<i32>} : memref<640xi32, #tpu.memory_space<vmem>>, vector<16xi32>,
    tpu.vector_store %arg12[%swap3A_710], %add3A_709 {strides = array<i32>} : memref<640xi32, #tpu.memory_space<vmem>>, vector<16xi32>,
    %add3A_712 = arith.constant 576 : i32
    %add3A_713 = arith.addi %mul3A_0, %add3A_712 : i32
    %add3A_714 = vector.broadcast %add3A_713 : i32 to vector<16xi32>
    %add3A_715 = arith.addi %iota3A, %add3A_714 : vector<16xi32>
    %swap3A_716 = arith.constant 576 : index
    %swap3A_717 = tpu.vector_load %arg12[%swap3A_716] {strides = array<i32>} : memref<640xi32, #tpu.memory_space<vmem>>, vector<16xi32>,
    tpu.vector_store %arg12[%swap3A_716], %add3A_715 {strides = array<i32>} : memref<640xi32, #tpu.memory_space<vmem>>, vector<16xi32>,
    %add3A_718 = arith.constant 592 : i32
    %add3A_719 = arith.addi %mul3A_0, %add3A_718 : i32
    %add3A_720 = vector.broadcast %add3A_719 : i32 to vector<16xi32>
    %add3A_721 = arith.addi %iota3A, %add3A_720 : vector<16xi32>
    %swap3A_722 = arith.constant 592 : index
    %swap3A_723 = tpu.vector_load %arg12[%swap3A_722] {strides = array<i32>} : memref<640xi32, #tpu.memory_space<vmem>>, vector<16xi32>,
    tpu.vector_store %arg12[%swap3A_722], %add3A_721 {strides = array<i32>} : memref<640xi32, #tpu.memory_space<vmem>>, vector<16xi32>,
    %add3A_724 = arith.constant 608 : i32
    %add3A_725 = arith.addi %mul3A_0, %add3A_724 : i32
    %add3A_726 = vector.broadcast %add3A_725 : i32 to vector<16xi32>
    %add3A_727 = arith.addi %iota3A, %add3A_726 : vector<16xi32>
    %swap3A_728 = arith.constant 608 : index
    %swap3A_729 = tpu.vector_load %arg12[%swap3A_728] {strides = array<i32>} : memref<640xi32, #tpu.memory_space<vmem>>, vector<16xi32>,
    tpu.vector_store %arg12[%swap3A_728], %add3A_727 {strides = array<i32>} : memref<640xi32, #tpu.memory_space<vmem>>, vector<16xi32>,
    %add3A_730 = arith.constant 624 : i32
    %add3A_731 = arith.addi %mul3A_0, %add3A_730 : i32
    %add3A_732 = vector.broadcast %add3A_731 : i32 to vector<16xi32>
    %add3A_733 = arith.addi %iota3A, %add3A_732 : vector<16xi32>
    %swap3A_734 = arith.constant 624 : index
    %swap3A_735 = tpu.vector_load %arg12[%swap3A_734] {strides = array<i32>} : memref<640xi32, #tpu.memory_space<vmem>>, vector<16xi32>,
    tpu.vector_store %arg12[%swap3A_734], %add3A_733 {strides = array<i32>} : memref<640xi32, #tpu.memory_space<vmem>>, vector<16xi32>,
    "tpu.region"() ({
      %run_scoped3A = tpu.sem_alloc : memref<!tpu.dma_semaphore, #tpu.memory_space<semaphore_mem>>
      %dma_start3A = arith.constant 0 : i32
      %dma_start3A_1081 = tpu.memref_slice %arg9[%dma_start3A] : memref<10240xf32, #tpu.memory_space<vmem_shared>> -> memref<10240xf32, #tpu.memory_space<vmem_shared>>
      tpu.enqueue_indirect_dma source(%arg11 : memref<640xf32, #tpu.memory_space<vmem>>) target(%dma_start3A_1081 : memref<10240xf32, #tpu.memory_space<vmem_shared>>) offsets(%arg12 : memref<640xi32, #tpu.memory_space<vmem>>) semaphore(%run_scoped3A : memref<!tpu.dma_semaphore, #tpu.memory_space<semaphore_mem>>)
      %dma_wait3A = arith.constant 0 : i32
      %dma_wait3A_1082 = tpu.memref_slice %arg9[%dma_wait3A] : memref<10240xf32, #tpu.memory_space<vmem_shared>> -> memref<10240xf32, #tpu.memory_space<vmem_shared>>
      tpu.wait_indirect_dma semaphore(%run_scoped3A : memref<!tpu.dma_semaphore, #tpu.memory_space<semaphore_mem>>) src(%arg11 : memref<640xf32, #tpu.memory_space<vmem>>) dst(%dma_wait3A_1082 : memref<10240xf32, #tpu.memory_space<vmem_shared>>)
      tpu.yield
    }) : () -> ()
    %scan3A_736 = arith.constant 0 : i32
    %scan3A_737 = arith.constant 0 : i32
    %scan3A_738 = arith.constant 288 : i32
    %scan3A_739 = arith.addi %scan3A_737, %scan3A_738 : i32
    %scan3A_740 = arith.constant 1 : i32
    %scan3A_741 = scf.for %scan3A_1081 = %scan3A_737 to %scan3A_739 step %scan3A_740 iter_args(%scan3A_1082 = %scan3A_736) -> (i32)  : i32 {
      %swap3A_1083 = arith.index_cast %scan3A_1081 : i32 to index
      %swap3A_1084 = arith.constant 0 : index
      %swap3A_1085 = tpu.vector_load %arg19[%swap3A_1083, %swap3A_1084] {strides = array<i32>} : memref<288x128xf32, #tpu.memory_space<vmem>>, vector<16xf32>,
      tpu.vector_store %arg19[%swap3A_1083, %swap3A_1084], %broadcast_in_dim3A_1 {strides = array<i32>} : memref<288x128xf32, #tpu.memory_space<vmem>>, vector<16xf32>,
      %swap3A_1086 = arith.index_cast %scan3A_1081 : i32 to index
      %swap3A_1087 = arith.constant 16 : index
      %swap3A_1088 = tpu.vector_load %arg19[%swap3A_1086, %swap3A_1087] {strides = array<i32>} : memref<288x128xf32, #tpu.memory_space<vmem>>, vector<16xf32>,
      tpu.vector_store %arg19[%swap3A_1086, %swap3A_1087], %broadcast_in_dim3A_1 {strides = array<i32>} : memref<288x128xf32, #tpu.memory_space<vmem>>, vector<16xf32>,
      %swap3A_1089 = arith.index_cast %scan3A_1081 : i32 to index
      %swap3A_1090 = arith.constant 32 : index
      %swap3A_1091 = tpu.vector_load %arg19[%swap3A_1089, %swap3A_1090] {strides = array<i32>} : memref<288x128xf32, #tpu.memory_space<vmem>>, vector<16xf32>,
      tpu.vector_store %arg19[%swap3A_1089, %swap3A_1090], %broadcast_in_dim3A_1 {strides = array<i32>} : memref<288x128xf32, #tpu.memory_space<vmem>>, vector<16xf32>,
      %swap3A_1092 = arith.index_cast %scan3A_1081 : i32 to index
      %swap3A_1093 = arith.constant 48 : index
      %swap3A_1094 = tpu.vector_load %arg19[%swap3A_1092, %swap3A_1093] {strides = array<i32>} : memref<288x128xf32, #tpu.memory_space<vmem>>, vector<16xf32>,
      tpu.vector_store %arg19[%swap3A_1092, %swap3A_1093], %broadcast_in_dim3A_1 {strides = array<i32>} : memref<288x128xf32, #tpu.memory_space<vmem>>, vector<16xf32>,
      %swap3A_1095 = arith.index_cast %scan3A_1081 : i32 to index
      %swap3A_1096 = arith.constant 64 : index
      %swap3A_1097 = tpu.vector_load %arg19[%swap3A_1095, %swap3A_1096] {strides = array<i32>} : memref<288x128xf32, #tpu.memory_space<vmem>>, vector<16xf32>,
      tpu.vector_store %arg19[%swap3A_1095, %swap3A_1096], %broadcast_in_dim3A_1 {strides = array<i32>} : memref<288x128xf32, #tpu.memory_space<vmem>>, vector<16xf32>,
      %swap3A_1098 = arith.index_cast %scan3A_1081 : i32 to index
      %swap3A_1099 = arith.constant 80 : index
      %swap3A_1100 = tpu.vector_load %arg19[%swap3A_1098, %swap3A_1099] {strides = array<i32>} : memref<288x128xf32, #tpu.memory_space<vmem>>, vector<16xf32>,
      tpu.vector_store %arg19[%swap3A_1098, %swap3A_1099], %broadcast_in_dim3A_1 {strides = array<i32>} : memref<288x128xf32, #tpu.memory_space<vmem>>, vector<16xf32>,
      %swap3A_1101 = arith.index_cast %scan3A_1081 : i32 to index
      %swap3A_1102 = arith.constant 96 : index
      %swap3A_1103 = tpu.vector_load %arg19[%swap3A_1101, %swap3A_1102] {strides = array<i32>} : memref<288x128xf32, #tpu.memory_space<vmem>>, vector<16xf32>,
      tpu.vector_store %arg19[%swap3A_1101, %swap3A_1102], %broadcast_in_dim3A_1 {strides = array<i32>} : memref<288x128xf32, #tpu.memory_space<vmem>>, vector<16xf32>,
      %swap3A_1104 = arith.index_cast %scan3A_1081 : i32 to index
      %swap3A_1105 = arith.constant 112 : index
      %swap3A_1106 = tpu.vector_load %arg19[%swap3A_1104, %swap3A_1105] {strides = array<i32>} : memref<288x128xf32, #tpu.memory_space<vmem>>, vector<16xf32>,
      tpu.vector_store %arg19[%swap3A_1104, %swap3A_1105], %broadcast_in_dim3A_1 {strides = array<i32>} : memref<288x128xf32, #tpu.memory_space<vmem>>, vector<16xf32>,
      %scan3A_1107 = arith.constant 0 : i32
      scf.yield %scan3A_1107 : i32
    }
    %scan3A_742 = arith.constant 288 : i32
    %add3A_743 = arith.constant 0 : i32
    %add3A_744 = arith.addi %mul3A_0, %add3A_743 : i32
    %add3A_745 = arith.constant 0 : i32
    %add3A_746 = arith.addi %add3A_744, %add3A_745 : i32
    %add3A_747 = vector.broadcast %add3A_746 : i32 to vector<16xi32>
    %add3A_748 = arith.addi %iota3A, %add3A_747 : vector<16xi32>
    %swap3A_749 = arith.constant 0 : index
    %swap3A_750 = tpu.vector_load %arg20[%swap3A_749] {strides = array<i32>} : memref<288xi32, #tpu.memory_space<vmem>>, vector<16xi32>,
    tpu.vector_store %arg20[%swap3A_749], %add3A_748 {strides = array<i32>} : memref<288xi32, #tpu.memory_space<vmem>>, vector<16xi32>,
    %add3A_751 = arith.constant 16 : i32
    %add3A_752 = arith.addi %add3A_744, %add3A_751 : i32
    %add3A_753 = vector.broadcast %add3A_752 : i32 to vector<16xi32>
    %add3A_754 = arith.addi %iota3A, %add3A_753 : vector<16xi32>
    %swap3A_755 = arith.constant 16 : index
    %swap3A_756 = tpu.vector_load %arg20[%swap3A_755] {strides = array<i32>} : memref<288xi32, #tpu.memory_space<vmem>>, vector<16xi32>,
    tpu.vector_store %arg20[%swap3A_755], %add3A_754 {strides = array<i32>} : memref<288xi32, #tpu.memory_space<vmem>>, vector<16xi32>,
    %add3A_757 = arith.constant 32 : i32
    %add3A_758 = arith.addi %add3A_744, %add3A_757 : i32
    %add3A_759 = vector.broadcast %add3A_758 : i32 to vector<16xi32>
    %add3A_760 = arith.addi %iota3A, %add3A_759 : vector<16xi32>
    %swap3A_761 = arith.constant 32 : index
    %swap3A_762 = tpu.vector_load %arg20[%swap3A_761] {strides = array<i32>} : memref<288xi32, #tpu.memory_space<vmem>>, vector<16xi32>,
    tpu.vector_store %arg20[%swap3A_761], %add3A_760 {strides = array<i32>} : memref<288xi32, #tpu.memory_space<vmem>>, vector<16xi32>,
    %add3A_763 = arith.constant 48 : i32
    %add3A_764 = arith.addi %add3A_744, %add3A_763 : i32
    %add3A_765 = vector.broadcast %add3A_764 : i32 to vector<16xi32>
    %add3A_766 = arith.addi %iota3A, %add3A_765 : vector<16xi32>
    %swap3A_767 = arith.constant 48 : index
    %swap3A_768 = tpu.vector_load %arg20[%swap3A_767] {strides = array<i32>} : memref<288xi32, #tpu.memory_space<vmem>>, vector<16xi32>,
    tpu.vector_store %arg20[%swap3A_767], %add3A_766 {strides = array<i32>} : memref<288xi32, #tpu.memory_space<vmem>>, vector<16xi32>,
    %add3A_769 = arith.constant 64 : i32
    %add3A_770 = arith.addi %add3A_744, %add3A_769 : i32
    %add3A_771 = vector.broadcast %add3A_770 : i32 to vector<16xi32>
    %add3A_772 = arith.addi %iota3A, %add3A_771 : vector<16xi32>
    %swap3A_773 = arith.constant 64 : index
    %swap3A_774 = tpu.vector_load %arg20[%swap3A_773] {strides = array<i32>} : memref<288xi32, #tpu.memory_space<vmem>>, vector<16xi32>,
    tpu.vector_store %arg20[%swap3A_773], %add3A_772 {strides = array<i32>} : memref<288xi32, #tpu.memory_space<vmem>>, vector<16xi32>,
    %add3A_775 = arith.constant 80 : i32
    %add3A_776 = arith.addi %add3A_744, %add3A_775 : i32
    %add3A_777 = vector.broadcast %add3A_776 : i32 to vector<16xi32>
    %add3A_778 = arith.addi %iota3A, %add3A_777 : vector<16xi32>
    %swap3A_779 = arith.constant 80 : index
    %swap3A_780 = tpu.vector_load %arg20[%swap3A_779] {strides = array<i32>} : memref<288xi32, #tpu.memory_space<vmem>>, vector<16xi32>,
    tpu.vector_store %arg20[%swap3A_779], %add3A_778 {strides = array<i32>} : memref<288xi32, #tpu.memory_space<vmem>>, vector<16xi32>,
    %add3A_781 = arith.constant 96 : i32
    %add3A_782 = arith.addi %add3A_744, %add3A_781 : i32
    %add3A_783 = vector.broadcast %add3A_782 : i32 to vector<16xi32>
    %add3A_784 = arith.addi %iota3A, %add3A_783 : vector<16xi32>
    %swap3A_785 = arith.constant 96 : index
    %swap3A_786 = tpu.vector_load %arg20[%swap3A_785] {strides = array<i32>} : memref<288xi32, #tpu.memory_space<vmem>>, vector<16xi32>,
    tpu.vector_store %arg20[%swap3A_785], %add3A_784 {strides = array<i32>} : memref<288xi32, #tpu.memory_space<vmem>>, vector<16xi32>,
    %add3A_787 = arith.constant 112 : i32
    %add3A_788 = arith.addi %add3A_744, %add3A_787 : i32
    %add3A_789 = vector.broadcast %add3A_788 : i32 to vector<16xi32>
    %add3A_790 = arith.addi %iota3A, %add3A_789 : vector<16xi32>
    %swap3A_791 = arith.constant 112 : index
    %swap3A_792 = tpu.vector_load %arg20[%swap3A_791] {strides = array<i32>} : memref<288xi32, #tpu.memory_space<vmem>>, vector<16xi32>,
    tpu.vector_store %arg20[%swap3A_791], %add3A_790 {strides = array<i32>} : memref<288xi32, #tpu.memory_space<vmem>>, vector<16xi32>,
    %add3A_793 = arith.constant 128 : i32
    %add3A_794 = arith.addi %add3A_744, %add3A_793 : i32
    %add3A_795 = vector.broadcast %add3A_794 : i32 to vector<16xi32>
    %add3A_796 = arith.addi %iota3A, %add3A_795 : vector<16xi32>
    %swap3A_797 = arith.constant 128 : index
    %swap3A_798 = tpu.vector_load %arg20[%swap3A_797] {strides = array<i32>} : memref<288xi32, #tpu.memory_space<vmem>>, vector<16xi32>,
    tpu.vector_store %arg20[%swap3A_797], %add3A_796 {strides = array<i32>} : memref<288xi32, #tpu.memory_space<vmem>>, vector<16xi32>,
    %add3A_799 = arith.constant 144 : i32
    %add3A_800 = arith.addi %add3A_744, %add3A_799 : i32
    %add3A_801 = vector.broadcast %add3A_800 : i32 to vector<16xi32>
    %add3A_802 = arith.addi %iota3A, %add3A_801 : vector<16xi32>
    %swap3A_803 = arith.constant 144 : index
    %swap3A_804 = tpu.vector_load %arg20[%swap3A_803] {strides = array<i32>} : memref<288xi32, #tpu.memory_space<vmem>>, vector<16xi32>,
    tpu.vector_store %arg20[%swap3A_803], %add3A_802 {strides = array<i32>} : memref<288xi32, #tpu.memory_space<vmem>>, vector<16xi32>,
    %add3A_805 = arith.constant 160 : i32
    %add3A_806 = arith.addi %add3A_744, %add3A_805 : i32
    %add3A_807 = vector.broadcast %add3A_806 : i32 to vector<16xi32>
    %add3A_808 = arith.addi %iota3A, %add3A_807 : vector<16xi32>
    %swap3A_809 = arith.constant 160 : index
    %swap3A_810 = tpu.vector_load %arg20[%swap3A_809] {strides = array<i32>} : memref<288xi32, #tpu.memory_space<vmem>>, vector<16xi32>,
    tpu.vector_store %arg20[%swap3A_809], %add3A_808 {strides = array<i32>} : memref<288xi32, #tpu.memory_space<vmem>>, vector<16xi32>,
    %add3A_811 = arith.constant 176 : i32
    %add3A_812 = arith.addi %add3A_744, %add3A_811 : i32
    %add3A_813 = vector.broadcast %add3A_812 : i32 to vector<16xi32>
    %add3A_814 = arith.addi %iota3A, %add3A_813 : vector<16xi32>
    %swap3A_815 = arith.constant 176 : index
    %swap3A_816 = tpu.vector_load %arg20[%swap3A_815] {strides = array<i32>} : memref<288xi32, #tpu.memory_space<vmem>>, vector<16xi32>,
    tpu.vector_store %arg20[%swap3A_815], %add3A_814 {strides = array<i32>} : memref<288xi32, #tpu.memory_space<vmem>>, vector<16xi32>,
    %add3A_817 = arith.constant 192 : i32
    %add3A_818 = arith.addi %add3A_744, %add3A_817 : i32
    %add3A_819 = vector.broadcast %add3A_818 : i32 to vector<16xi32>
    %add3A_820 = arith.addi %iota3A, %add3A_819 : vector<16xi32>
    %swap3A_821 = arith.constant 192 : index
    %swap3A_822 = tpu.vector_load %arg20[%swap3A_821] {strides = array<i32>} : memref<288xi32, #tpu.memory_space<vmem>>, vector<16xi32>,
    tpu.vector_store %arg20[%swap3A_821], %add3A_820 {strides = array<i32>} : memref<288xi32, #tpu.memory_space<vmem>>, vector<16xi32>,
    %add3A_823 = arith.constant 208 : i32
    %add3A_824 = arith.addi %add3A_744, %add3A_823 : i32
    %add3A_825 = vector.broadcast %add3A_824 : i32 to vector<16xi32>
    %add3A_826 = arith.addi %iota3A, %add3A_825 : vector<16xi32>
    %swap3A_827 = arith.constant 208 : index
    %swap3A_828 = tpu.vector_load %arg20[%swap3A_827] {strides = array<i32>} : memref<288xi32, #tpu.memory_space<vmem>>, vector<16xi32>,
    tpu.vector_store %arg20[%swap3A_827], %add3A_826 {strides = array<i32>} : memref<288xi32, #tpu.memory_space<vmem>>, vector<16xi32>,
    %add3A_829 = arith.constant 224 : i32
    %add3A_830 = arith.addi %add3A_744, %add3A_829 : i32
    %add3A_831 = vector.broadcast %add3A_830 : i32 to vector<16xi32>
    %add3A_832 = arith.addi %iota3A, %add3A_831 : vector<16xi32>
    %swap3A_833 = arith.constant 224 : index
    %swap3A_834 = tpu.vector_load %arg20[%swap3A_833] {strides = array<i32>} : memref<288xi32, #tpu.memory_space<vmem>>, vector<16xi32>,
    tpu.vector_store %arg20[%swap3A_833], %add3A_832 {strides = array<i32>} : memref<288xi32, #tpu.memory_space<vmem>>, vector<16xi32>,
    %add3A_835 = arith.constant 240 : i32
    %add3A_836 = arith.addi %add3A_744, %add3A_835 : i32
    %add3A_837 = vector.broadcast %add3A_836 : i32 to vector<16xi32>
    %add3A_838 = arith.addi %iota3A, %add3A_837 : vector<16xi32>
    %swap3A_839 = arith.constant 240 : index
    %swap3A_840 = tpu.vector_load %arg20[%swap3A_839] {strides = array<i32>} : memref<288xi32, #tpu.memory_space<vmem>>, vector<16xi32>,
    tpu.vector_store %arg20[%swap3A_839], %add3A_838 {strides = array<i32>} : memref<288xi32, #tpu.memory_space<vmem>>, vector<16xi32>,
    %add3A_841 = arith.constant 256 : i32
    %add3A_842 = arith.addi %add3A_744, %add3A_841 : i32
    %add3A_843 = vector.broadcast %add3A_842 : i32 to vector<16xi32>
    %add3A_844 = arith.addi %iota3A, %add3A_843 : vector<16xi32>
    %swap3A_845 = arith.constant 256 : index
    %swap3A_846 = tpu.vector_load %arg20[%swap3A_845] {strides = array<i32>} : memref<288xi32, #tpu.memory_space<vmem>>, vector<16xi32>,
    tpu.vector_store %arg20[%swap3A_845], %add3A_844 {strides = array<i32>} : memref<288xi32, #tpu.memory_space<vmem>>, vector<16xi32>,
    %add3A_847 = arith.constant 272 : i32
    %add3A_848 = arith.addi %add3A_744, %add3A_847 : i32
    %add3A_849 = vector.broadcast %add3A_848 : i32 to vector<16xi32>
    %add3A_850 = arith.addi %iota3A, %add3A_849 : vector<16xi32>
    %swap3A_851 = arith.constant 272 : index
    %swap3A_852 = tpu.vector_load %arg20[%swap3A_851] {strides = array<i32>} : memref<288xi32, #tpu.memory_space<vmem>>, vector<16xi32>,
    tpu.vector_store %arg20[%swap3A_851], %add3A_850 {strides = array<i32>} : memref<288xi32, #tpu.memory_space<vmem>>, vector<16xi32>,
    "tpu.region"() ({
      %run_scoped3A = tpu.sem_alloc : memref<!tpu.dma_semaphore, #tpu.memory_space<semaphore_mem>>
      %dma_start3A = arith.constant 0 : i32
      %dma_start3A_1081 = arith.constant 0 : i32
      %dma_start3A_1082 = tpu.memref_slice %arg8[%dma_start3A, %dma_start3A_1081] : memref<10240x128xf32, #tpu.memory_space<vmem_shared>> -> memref<10240x128xf32, #tpu.memory_space<vmem_shared>>
      tpu.enqueue_indirect_dma source(%arg19 : memref<288x128xf32, #tpu.memory_space<vmem>>) target(%dma_start3A_1082 : memref<10240x128xf32, #tpu.memory_space<vmem_shared>>) offsets(%arg20 : memref<288xi32, #tpu.memory_space<vmem>>) semaphore(%run_scoped3A : memref<!tpu.dma_semaphore, #tpu.memory_space<semaphore_mem>>)
      %dma_wait3A = arith.constant 0 : i32
      %dma_wait3A_1083 = arith.constant 0 : i32
      %dma_wait3A_1084 = tpu.memref_slice %arg8[%dma_wait3A, %dma_wait3A_1083] : memref<10240x128xf32, #tpu.memory_space<vmem_shared>> -> memref<10240x128xf32, #tpu.memory_space<vmem_shared>>
      tpu.wait_indirect_dma semaphore(%run_scoped3A : memref<!tpu.dma_semaphore, #tpu.memory_space<semaphore_mem>>) src(%arg19 : memref<288x128xf32, #tpu.memory_space<vmem>>) dst(%dma_wait3A_1084 : memref<10240x128xf32, #tpu.memory_space<vmem_shared>>)
      tpu.yield
    }) : () -> ()
    %add3A_853 = arith.constant 288 : i32
    %add3A_854 = arith.addi %mul3A_0, %add3A_853 : i32
    %add3A_855 = arith.constant 0 : i32
    %add3A_856 = arith.addi %add3A_854, %add3A_855 : i32
    %add3A_857 = vector.broadcast %add3A_856 : i32 to vector<16xi32>
    %add3A_858 = arith.addi %iota3A, %add3A_857 : vector<16xi32>
    %swap3A_859 = arith.constant 0 : index
    %swap3A_860 = tpu.vector_load %arg20[%swap3A_859] {strides = array<i32>} : memref<288xi32, #tpu.memory_space<vmem>>, vector<16xi32>,
    tpu.vector_store %arg20[%swap3A_859], %add3A_858 {strides = array<i32>} : memref<288xi32, #tpu.memory_space<vmem>>, vector<16xi32>,
    %add3A_861 = arith.constant 16 : i32
    %add3A_862 = arith.addi %add3A_854, %add3A_861 : i32
    %add3A_863 = vector.broadcast %add3A_862 : i32 to vector<16xi32>
    %add3A_864 = arith.addi %iota3A, %add3A_863 : vector<16xi32>
    %swap3A_865 = arith.constant 16 : index
    %swap3A_866 = tpu.vector_load %arg20[%swap3A_865] {strides = array<i32>} : memref<288xi32, #tpu.memory_space<vmem>>, vector<16xi32>,
    tpu.vector_store %arg20[%swap3A_865], %add3A_864 {strides = array<i32>} : memref<288xi32, #tpu.memory_space<vmem>>, vector<16xi32>,
    %add3A_867 = arith.constant 32 : i32
    %add3A_868 = arith.addi %add3A_854, %add3A_867 : i32
    %add3A_869 = vector.broadcast %add3A_868 : i32 to vector<16xi32>
    %add3A_870 = arith.addi %iota3A, %add3A_869 : vector<16xi32>
    %swap3A_871 = arith.constant 32 : index
    %swap3A_872 = tpu.vector_load %arg20[%swap3A_871] {strides = array<i32>} : memref<288xi32, #tpu.memory_space<vmem>>, vector<16xi32>,
    tpu.vector_store %arg20[%swap3A_871], %add3A_870 {strides = array<i32>} : memref<288xi32, #tpu.memory_space<vmem>>, vector<16xi32>,
    %add3A_873 = arith.constant 48 : i32
    %add3A_874 = arith.addi %add3A_854, %add3A_873 : i32
    %add3A_875 = vector.broadcast %add3A_874 : i32 to vector<16xi32>
    %add3A_876 = arith.addi %iota3A, %add3A_875 : vector<16xi32>
    %swap3A_877 = arith.constant 48 : index
    %swap3A_878 = tpu.vector_load %arg20[%swap3A_877] {strides = array<i32>} : memref<288xi32, #tpu.memory_space<vmem>>, vector<16xi32>,
    tpu.vector_store %arg20[%swap3A_877], %add3A_876 {strides = array<i32>} : memref<288xi32, #tpu.memory_space<vmem>>, vector<16xi32>,
    %add3A_879 = arith.constant 64 : i32
    %add3A_880 = arith.addi %add3A_854, %add3A_879 : i32
    %add3A_881 = vector.broadcast %add3A_880 : i32 to vector<16xi32>
    %add3A_882 = arith.addi %iota3A, %add3A_881 : vector<16xi32>
    %swap3A_883 = arith.constant 64 : index
    %swap3A_884 = tpu.vector_load %arg20[%swap3A_883] {strides = array<i32>} : memref<288xi32, #tpu.memory_space<vmem>>, vector<16xi32>,
    tpu.vector_store %arg20[%swap3A_883], %add3A_882 {strides = array<i32>} : memref<288xi32, #tpu.memory_space<vmem>>, vector<16xi32>,
    %add3A_885 = arith.constant 80 : i32
    %add3A_886 = arith.addi %add3A_854, %add3A_885 : i32
    %add3A_887 = vector.broadcast %add3A_886 : i32 to vector<16xi32>
    %add3A_888 = arith.addi %iota3A, %add3A_887 : vector<16xi32>
    %swap3A_889 = arith.constant 80 : index
    %swap3A_890 = tpu.vector_load %arg20[%swap3A_889] {strides = array<i32>} : memref<288xi32, #tpu.memory_space<vmem>>, vector<16xi32>,
    tpu.vector_store %arg20[%swap3A_889], %add3A_888 {strides = array<i32>} : memref<288xi32, #tpu.memory_space<vmem>>, vector<16xi32>,
    %add3A_891 = arith.constant 96 : i32
    %add3A_892 = arith.addi %add3A_854, %add3A_891 : i32
    %add3A_893 = vector.broadcast %add3A_892 : i32 to vector<16xi32>
    %add3A_894 = arith.addi %iota3A, %add3A_893 : vector<16xi32>
    %swap3A_895 = arith.constant 96 : index
    %swap3A_896 = tpu.vector_load %arg20[%swap3A_895] {strides = array<i32>} : memref<288xi32, #tpu.memory_space<vmem>>, vector<16xi32>,
    tpu.vector_store %arg20[%swap3A_895], %add3A_894 {strides = array<i32>} : memref<288xi32, #tpu.memory_space<vmem>>, vector<16xi32>,
    %add3A_897 = arith.constant 112 : i32
    %add3A_898 = arith.addi %add3A_854, %add3A_897 : i32
    %add3A_899 = vector.broadcast %add3A_898 : i32 to vector<16xi32>
    %add3A_900 = arith.addi %iota3A, %add3A_899 : vector<16xi32>
    %swap3A_901 = arith.constant 112 : index
    %swap3A_902 = tpu.vector_load %arg20[%swap3A_901] {strides = array<i32>} : memref<288xi32, #tpu.memory_space<vmem>>, vector<16xi32>,
    tpu.vector_store %arg20[%swap3A_901], %add3A_900 {strides = array<i32>} : memref<288xi32, #tpu.memory_space<vmem>>, vector<16xi32>,
    %add3A_903 = arith.constant 128 : i32
    %add3A_904 = arith.addi %add3A_854, %add3A_903 : i32
    %add3A_905 = vector.broadcast %add3A_904 : i32 to vector<16xi32>
    %add3A_906 = arith.addi %iota3A, %add3A_905 : vector<16xi32>
    %swap3A_907 = arith.constant 128 : index
    %swap3A_908 = tpu.vector_load %arg20[%swap3A_907] {strides = array<i32>} : memref<288xi32, #tpu.memory_space<vmem>>, vector<16xi32>,
    tpu.vector_store %arg20[%swap3A_907], %add3A_906 {strides = array<i32>} : memref<288xi32, #tpu.memory_space<vmem>>, vector<16xi32>,
    %add3A_909 = arith.constant 144 : i32
    %add3A_910 = arith.addi %add3A_854, %add3A_909 : i32
    %add3A_911 = vector.broadcast %add3A_910 : i32 to vector<16xi32>
    %add3A_912 = arith.addi %iota3A, %add3A_911 : vector<16xi32>
    %swap3A_913 = arith.constant 144 : index
    %swap3A_914 = tpu.vector_load %arg20[%swap3A_913] {strides = array<i32>} : memref<288xi32, #tpu.memory_space<vmem>>, vector<16xi32>,
    tpu.vector_store %arg20[%swap3A_913], %add3A_912 {strides = array<i32>} : memref<288xi32, #tpu.memory_space<vmem>>, vector<16xi32>,
    %add3A_915 = arith.constant 160 : i32
    %add3A_916 = arith.addi %add3A_854, %add3A_915 : i32
    %add3A_917 = vector.broadcast %add3A_916 : i32 to vector<16xi32>
    %add3A_918 = arith.addi %iota3A, %add3A_917 : vector<16xi32>
    %swap3A_919 = arith.constant 160 : index
    %swap3A_920 = tpu.vector_load %arg20[%swap3A_919] {strides = array<i32>} : memref<288xi32, #tpu.memory_space<vmem>>, vector<16xi32>,
    tpu.vector_store %arg20[%swap3A_919], %add3A_918 {strides = array<i32>} : memref<288xi32, #tpu.memory_space<vmem>>, vector<16xi32>,
    %add3A_921 = arith.constant 176 : i32
    %add3A_922 = arith.addi %add3A_854, %add3A_921 : i32
    %add3A_923 = vector.broadcast %add3A_922 : i32 to vector<16xi32>
    %add3A_924 = arith.addi %iota3A, %add3A_923 : vector<16xi32>
    %swap3A_925 = arith.constant 176 : index
    %swap3A_926 = tpu.vector_load %arg20[%swap3A_925] {strides = array<i32>} : memref<288xi32, #tpu.memory_space<vmem>>, vector<16xi32>,
    tpu.vector_store %arg20[%swap3A_925], %add3A_924 {strides = array<i32>} : memref<288xi32, #tpu.memory_space<vmem>>, vector<16xi32>,
    %add3A_927 = arith.constant 192 : i32
    %add3A_928 = arith.addi %add3A_854, %add3A_927 : i32
    %add3A_929 = vector.broadcast %add3A_928 : i32 to vector<16xi32>
    %add3A_930 = arith.addi %iota3A, %add3A_929 : vector<16xi32>
    %swap3A_931 = arith.constant 192 : index
    %swap3A_932 = tpu.vector_load %arg20[%swap3A_931] {strides = array<i32>} : memref<288xi32, #tpu.memory_space<vmem>>, vector<16xi32>,
    tpu.vector_store %arg20[%swap3A_931], %add3A_930 {strides = array<i32>} : memref<288xi32, #tpu.memory_space<vmem>>, vector<16xi32>,
    %add3A_933 = arith.constant 208 : i32
    %add3A_934 = arith.addi %add3A_854, %add3A_933 : i32
    %add3A_935 = vector.broadcast %add3A_934 : i32 to vector<16xi32>
    %add3A_936 = arith.addi %iota3A, %add3A_935 : vector<16xi32>
    %swap3A_937 = arith.constant 208 : index
    %swap3A_938 = tpu.vector_load %arg20[%swap3A_937] {strides = array<i32>} : memref<288xi32, #tpu.memory_space<vmem>>, vector<16xi32>,
    tpu.vector_store %arg20[%swap3A_937], %add3A_936 {strides = array<i32>} : memref<288xi32, #tpu.memory_space<vmem>>, vector<16xi32>,
    %add3A_939 = arith.constant 224 : i32
    %add3A_940 = arith.addi %add3A_854, %add3A_939 : i32
    %add3A_941 = vector.broadcast %add3A_940 : i32 to vector<16xi32>
    %add3A_942 = arith.addi %iota3A, %add3A_941 : vector<16xi32>
    %swap3A_943 = arith.constant 224 : index
    %swap3A_944 = tpu.vector_load %arg20[%swap3A_943] {strides = array<i32>} : memref<288xi32, #tpu.memory_space<vmem>>, vector<16xi32>,
    tpu.vector_store %arg20[%swap3A_943], %add3A_942 {strides = array<i32>} : memref<288xi32, #tpu.memory_space<vmem>>, vector<16xi32>,
    %add3A_945 = arith.constant 240 : i32
    %add3A_946 = arith.addi %add3A_854, %add3A_945 : i32
    %add3A_947 = vector.broadcast %add3A_946 : i32 to vector<16xi32>
    %add3A_948 = arith.addi %iota3A, %add3A_947 : vector<16xi32>
    %swap3A_949 = arith.constant 240 : index
    %swap3A_950 = tpu.vector_load %arg20[%swap3A_949] {strides = array<i32>} : memref<288xi32, #tpu.memory_space<vmem>>, vector<16xi32>,
    tpu.vector_store %arg20[%swap3A_949], %add3A_948 {strides = array<i32>} : memref<288xi32, #tpu.memory_space<vmem>>, vector<16xi32>,
    %add3A_951 = arith.constant 256 : i32
    %add3A_952 = arith.addi %add3A_854, %add3A_951 : i32
    %add3A_953 = vector.broadcast %add3A_952 : i32 to vector<16xi32>
    %add3A_954 = arith.addi %iota3A, %add3A_953 : vector<16xi32>
    %swap3A_955 = arith.constant 256 : index
    %swap3A_956 = tpu.vector_load %arg20[%swap3A_955] {strides = array<i32>} : memref<288xi32, #tpu.memory_space<vmem>>, vector<16xi32>,
    tpu.vector_store %arg20[%swap3A_955], %add3A_954 {strides = array<i32>} : memref<288xi32, #tpu.memory_space<vmem>>, vector<16xi32>,
    %add3A_957 = arith.constant 272 : i32
    %add3A_958 = arith.addi %add3A_854, %add3A_957 : i32
    %add3A_959 = vector.broadcast %add3A_958 : i32 to vector<16xi32>
    %add3A_960 = arith.addi %iota3A, %add3A_959 : vector<16xi32>
    %swap3A_961 = arith.constant 272 : index
    %swap3A_962 = tpu.vector_load %arg20[%swap3A_961] {strides = array<i32>} : memref<288xi32, #tpu.memory_space<vmem>>, vector<16xi32>,
    tpu.vector_store %arg20[%swap3A_961], %add3A_960 {strides = array<i32>} : memref<288xi32, #tpu.memory_space<vmem>>, vector<16xi32>,
    "tpu.region"() ({
      %run_scoped3A = tpu.sem_alloc : memref<!tpu.dma_semaphore, #tpu.memory_space<semaphore_mem>>
      %dma_start3A = arith.constant 0 : i32
      %dma_start3A_1081 = arith.constant 0 : i32
      %dma_start3A_1082 = tpu.memref_slice %arg8[%dma_start3A, %dma_start3A_1081] : memref<10240x128xf32, #tpu.memory_space<vmem_shared>> -> memref<10240x128xf32, #tpu.memory_space<vmem_shared>>
      tpu.enqueue_indirect_dma source(%arg19 : memref<288x128xf32, #tpu.memory_space<vmem>>) target(%dma_start3A_1082 : memref<10240x128xf32, #tpu.memory_space<vmem_shared>>) offsets(%arg20 : memref<288xi32, #tpu.memory_space<vmem>>) semaphore(%run_scoped3A : memref<!tpu.dma_semaphore, #tpu.memory_space<semaphore_mem>>)
      %dma_wait3A = arith.constant 0 : i32
      %dma_wait3A_1083 = arith.constant 0 : i32
      %dma_wait3A_1084 = tpu.memref_slice %arg8[%dma_wait3A, %dma_wait3A_1083] : memref<10240x128xf32, #tpu.memory_space<vmem_shared>> -> memref<10240x128xf32, #tpu.memory_space<vmem_shared>>
      tpu.wait_indirect_dma semaphore(%run_scoped3A : memref<!tpu.dma_semaphore, #tpu.memory_space<semaphore_mem>>) src(%arg19 : memref<288x128xf32, #tpu.memory_space<vmem>>) dst(%dma_wait3A_1084 : memref<10240x128xf32, #tpu.memory_space<vmem_shared>>)
      tpu.yield
    }) : () -> ()
    %add3A_963 = arith.constant 352 : i32
    %add3A_964 = arith.addi %mul3A_0, %add3A_963 : i32
    %add3A_965 = arith.constant 0 : i32
    %add3A_966 = arith.addi %add3A_964, %add3A_965 : i32
    %add3A_967 = vector.broadcast %add3A_966 : i32 to vector<16xi32>
    %add3A_968 = arith.addi %iota3A, %add3A_967 : vector<16xi32>
    %swap3A_969 = arith.constant 0 : index
    %swap3A_970 = tpu.vector_load %arg20[%swap3A_969] {strides = array<i32>} : memref<288xi32, #tpu.memory_space<vmem>>, vector<16xi32>,
    tpu.vector_store %arg20[%swap3A_969], %add3A_968 {strides = array<i32>} : memref<288xi32, #tpu.memory_space<vmem>>, vector<16xi32>,
    %add3A_971 = arith.constant 16 : i32
    %add3A_972 = arith.addi %add3A_964, %add3A_971 : i32
    %add3A_973 = vector.broadcast %add3A_972 : i32 to vector<16xi32>
    %add3A_974 = arith.addi %iota3A, %add3A_973 : vector<16xi32>
    %swap3A_975 = arith.constant 16 : index
    %swap3A_976 = tpu.vector_load %arg20[%swap3A_975] {strides = array<i32>} : memref<288xi32, #tpu.memory_space<vmem>>, vector<16xi32>,
    tpu.vector_store %arg20[%swap3A_975], %add3A_974 {strides = array<i32>} : memref<288xi32, #tpu.memory_space<vmem>>, vector<16xi32>,
    %add3A_977 = arith.constant 32 : i32
    %add3A_978 = arith.addi %add3A_964, %add3A_977 : i32
    %add3A_979 = vector.broadcast %add3A_978 : i32 to vector<16xi32>
    %add3A_980 = arith.addi %iota3A, %add3A_979 : vector<16xi32>
    %swap3A_981 = arith.constant 32 : index
    %swap3A_982 = tpu.vector_load %arg20[%swap3A_981] {strides = array<i32>} : memref<288xi32, #tpu.memory_space<vmem>>, vector<16xi32>,
    tpu.vector_store %arg20[%swap3A_981], %add3A_980 {strides = array<i32>} : memref<288xi32, #tpu.memory_space<vmem>>, vector<16xi32>,
    %add3A_983 = arith.constant 48 : i32
    %add3A_984 = arith.addi %add3A_964, %add3A_983 : i32
    %add3A_985 = vector.broadcast %add3A_984 : i32 to vector<16xi32>
    %add3A_986 = arith.addi %iota3A, %add3A_985 : vector<16xi32>
    %swap3A_987 = arith.constant 48 : index
    %swap3A_988 = tpu.vector_load %arg20[%swap3A_987] {strides = array<i32>} : memref<288xi32, #tpu.memory_space<vmem>>, vector<16xi32>,
    tpu.vector_store %arg20[%swap3A_987], %add3A_986 {strides = array<i32>} : memref<288xi32, #tpu.memory_space<vmem>>, vector<16xi32>,
    %add3A_989 = arith.constant 64 : i32
    %add3A_990 = arith.addi %add3A_964, %add3A_989 : i32
    %add3A_991 = vector.broadcast %add3A_990 : i32 to vector<16xi32>
    %add3A_992 = arith.addi %iota3A, %add3A_991 : vector<16xi32>
    %swap3A_993 = arith.constant 64 : index
    %swap3A_994 = tpu.vector_load %arg20[%swap3A_993] {strides = array<i32>} : memref<288xi32, #tpu.memory_space<vmem>>, vector<16xi32>,
    tpu.vector_store %arg20[%swap3A_993], %add3A_992 {strides = array<i32>} : memref<288xi32, #tpu.memory_space<vmem>>, vector<16xi32>,
    %add3A_995 = arith.constant 80 : i32
    %add3A_996 = arith.addi %add3A_964, %add3A_995 : i32
    %add3A_997 = vector.broadcast %add3A_996 : i32 to vector<16xi32>
    %add3A_998 = arith.addi %iota3A, %add3A_997 : vector<16xi32>
    %swap3A_999 = arith.constant 80 : index
    %swap3A_1000 = tpu.vector_load %arg20[%swap3A_999] {strides = array<i32>} : memref<288xi32, #tpu.memory_space<vmem>>, vector<16xi32>,
    tpu.vector_store %arg20[%swap3A_999], %add3A_998 {strides = array<i32>} : memref<288xi32, #tpu.memory_space<vmem>>, vector<16xi32>,
    %add3A_1001 = arith.constant 96 : i32
    %add3A_1002 = arith.addi %add3A_964, %add3A_1001 : i32
    %add3A_1003 = vector.broadcast %add3A_1002 : i32 to vector<16xi32>
    %add3A_1004 = arith.addi %iota3A, %add3A_1003 : vector<16xi32>
    %swap3A_1005 = arith.constant 96 : index
    %swap3A_1006 = tpu.vector_load %arg20[%swap3A_1005] {strides = array<i32>} : memref<288xi32, #tpu.memory_space<vmem>>, vector<16xi32>,
    tpu.vector_store %arg20[%swap3A_1005], %add3A_1004 {strides = array<i32>} : memref<288xi32, #tpu.memory_space<vmem>>, vector<16xi32>,
    %add3A_1007 = arith.constant 112 : i32
    %add3A_1008 = arith.addi %add3A_964, %add3A_1007 : i32
    %add3A_1009 = vector.broadcast %add3A_1008 : i32 to vector<16xi32>
    %add3A_1010 = arith.addi %iota3A, %add3A_1009 : vector<16xi32>
    %swap3A_1011 = arith.constant 112 : index
    %swap3A_1012 = tpu.vector_load %arg20[%swap3A_1011] {strides = array<i32>} : memref<288xi32, #tpu.memory_space<vmem>>, vector<16xi32>,
    tpu.vector_store %arg20[%swap3A_1011], %add3A_1010 {strides = array<i32>} : memref<288xi32, #tpu.memory_space<vmem>>, vector<16xi32>,
    %add3A_1013 = arith.constant 128 : i32
    %add3A_1014 = arith.addi %add3A_964, %add3A_1013 : i32
    %add3A_1015 = vector.broadcast %add3A_1014 : i32 to vector<16xi32>
    %add3A_1016 = arith.addi %iota3A, %add3A_1015 : vector<16xi32>
    %swap3A_1017 = arith.constant 128 : index
    %swap3A_1018 = tpu.vector_load %arg20[%swap3A_1017] {strides = array<i32>} : memref<288xi32, #tpu.memory_space<vmem>>, vector<16xi32>,
    tpu.vector_store %arg20[%swap3A_1017], %add3A_1016 {strides = array<i32>} : memref<288xi32, #tpu.memory_space<vmem>>, vector<16xi32>,
    %add3A_1019 = arith.constant 144 : i32
    %add3A_1020 = arith.addi %add3A_964, %add3A_1019 : i32
    %add3A_1021 = vector.broadcast %add3A_1020 : i32 to vector<16xi32>
    %add3A_1022 = arith.addi %iota3A, %add3A_1021 : vector<16xi32>
    %swap3A_1023 = arith.constant 144 : index
    %swap3A_1024 = tpu.vector_load %arg20[%swap3A_1023] {strides = array<i32>} : memref<288xi32, #tpu.memory_space<vmem>>, vector<16xi32>,
    tpu.vector_store %arg20[%swap3A_1023], %add3A_1022 {strides = array<i32>} : memref<288xi32, #tpu.memory_space<vmem>>, vector<16xi32>,
    %add3A_1025 = arith.constant 160 : i32
    %add3A_1026 = arith.addi %add3A_964, %add3A_1025 : i32
    %add3A_1027 = vector.broadcast %add3A_1026 : i32 to vector<16xi32>
    %add3A_1028 = arith.addi %iota3A, %add3A_1027 : vector<16xi32>
    %swap3A_1029 = arith.constant 160 : index
    %swap3A_1030 = tpu.vector_load %arg20[%swap3A_1029] {strides = array<i32>} : memref<288xi32, #tpu.memory_space<vmem>>, vector<16xi32>,
    tpu.vector_store %arg20[%swap3A_1029], %add3A_1028 {strides = array<i32>} : memref<288xi32, #tpu.memory_space<vmem>>, vector<16xi32>,
    %add3A_1031 = arith.constant 176 : i32
    %add3A_1032 = arith.addi %add3A_964, %add3A_1031 : i32
    %add3A_1033 = vector.broadcast %add3A_1032 : i32 to vector<16xi32>
    %add3A_1034 = arith.addi %iota3A, %add3A_1033 : vector<16xi32>
    %swap3A_1035 = arith.constant 176 : index
    %swap3A_1036 = tpu.vector_load %arg20[%swap3A_1035] {strides = array<i32>} : memref<288xi32, #tpu.memory_space<vmem>>, vector<16xi32>,
    tpu.vector_store %arg20[%swap3A_1035], %add3A_1034 {strides = array<i32>} : memref<288xi32, #tpu.memory_space<vmem>>, vector<16xi32>,
    %add3A_1037 = arith.constant 192 : i32
    %add3A_1038 = arith.addi %add3A_964, %add3A_1037 : i32
    %add3A_1039 = vector.broadcast %add3A_1038 : i32 to vector<16xi32>
    %add3A_1040 = arith.addi %iota3A, %add3A_1039 : vector<16xi32>
    %swap3A_1041 = arith.constant 192 : index
    %swap3A_1042 = tpu.vector_load %arg20[%swap3A_1041] {strides = array<i32>} : memref<288xi32, #tpu.memory_space<vmem>>, vector<16xi32>,
    tpu.vector_store %arg20[%swap3A_1041], %add3A_1040 {strides = array<i32>} : memref<288xi32, #tpu.memory_space<vmem>>, vector<16xi32>,
    %add3A_1043 = arith.constant 208 : i32
    %add3A_1044 = arith.addi %add3A_964, %add3A_1043 : i32
    %add3A_1045 = vector.broadcast %add3A_1044 : i32 to vector<16xi32>
    %add3A_1046 = arith.addi %iota3A, %add3A_1045 : vector<16xi32>
    %swap3A_1047 = arith.constant 208 : index
    %swap3A_1048 = tpu.vector_load %arg20[%swap3A_1047] {strides = array<i32>} : memref<288xi32, #tpu.memory_space<vmem>>, vector<16xi32>,
    tpu.vector_store %arg20[%swap3A_1047], %add3A_1046 {strides = array<i32>} : memref<288xi32, #tpu.memory_space<vmem>>, vector<16xi32>,
    %add3A_1049 = arith.constant 224 : i32
    %add3A_1050 = arith.addi %add3A_964, %add3A_1049 : i32
    %add3A_1051 = vector.broadcast %add3A_1050 : i32 to vector<16xi32>
    %add3A_1052 = arith.addi %iota3A, %add3A_1051 : vector<16xi32>
    %swap3A_1053 = arith.constant 224 : index
    %swap3A_1054 = tpu.vector_load %arg20[%swap3A_1053] {strides = array<i32>} : memref<288xi32, #tpu.memory_space<vmem>>, vector<16xi32>,
    tpu.vector_store %arg20[%swap3A_1053], %add3A_1052 {strides = array<i32>} : memref<288xi32, #tpu.memory_space<vmem>>, vector<16xi32>,
    %add3A_1055 = arith.constant 240 : i32
    %add3A_1056 = arith.addi %add3A_964, %add3A_1055 : i32
    %add3A_1057 = vector.broadcast %add3A_1056 : i32 to vector<16xi32>
    %add3A_1058 = arith.addi %iota3A, %add3A_1057 : vector<16xi32>
    %swap3A_1059 = arith.constant 240 : index
    %swap3A_1060 = tpu.vector_load %arg20[%swap3A_1059] {strides = array<i32>} : memref<288xi32, #tpu.memory_space<vmem>>, vector<16xi32>,
    tpu.vector_store %arg20[%swap3A_1059], %add3A_1058 {strides = array<i32>} : memref<288xi32, #tpu.memory_space<vmem>>, vector<16xi32>,
    %add3A_1061 = arith.constant 256 : i32
    %add3A_1062 = arith.addi %add3A_964, %add3A_1061 : i32
    %add3A_1063 = vector.broadcast %add3A_1062 : i32 to vector<16xi32>
    %add3A_1064 = arith.addi %iota3A, %add3A_1063 : vector<16xi32>
    %swap3A_1065 = arith.constant 256 : index
    %swap3A_1066 = tpu.vector_load %arg20[%swap3A_1065] {strides = array<i32>} : memref<288xi32, #tpu.memory_space<vmem>>, vector<16xi32>,
    tpu.vector_store %arg20[%swap3A_1065], %add3A_1064 {strides = array<i32>} : memref<288xi32, #tpu.memory_space<vmem>>, vector<16xi32>,
    %add3A_1067 = arith.constant 272 : i32
    %add3A_1068 = arith.addi %add3A_964, %add3A_1067 : i32
    %add3A_1069 = vector.broadcast %add3A_1068 : i32 to vector<16xi32>
    %add3A_1070 = arith.addi %iota3A, %add3A_1069 : vector<16xi32>
    %swap3A_1071 = arith.constant 272 : index
    %swap3A_1072 = tpu.vector_load %arg20[%swap3A_1071] {strides = array<i32>} : memref<288xi32, #tpu.memory_space<vmem>>, vector<16xi32>,
    tpu.vector_store %arg20[%swap3A_1071], %add3A_1070 {strides = array<i32>} : memref<288xi32, #tpu.memory_space<vmem>>, vector<16xi32>,
    "tpu.region"() ({
      %run_scoped3A = tpu.sem_alloc : memref<!tpu.dma_semaphore, #tpu.memory_space<semaphore_mem>>
      %dma_start3A = arith.constant 0 : i32
      %dma_start3A_1081 = arith.constant 0 : i32
      %dma_start3A_1082 = tpu.memref_slice %arg8[%dma_start3A, %dma_start3A_1081] : memref<10240x128xf32, #tpu.memory_space<vmem_shared>> -> memref<10240x128xf32, #tpu.memory_space<vmem_shared>>
      tpu.enqueue_indirect_dma source(%arg19 : memref<288x128xf32, #tpu.memory_space<vmem>>) target(%dma_start3A_1082 : memref<10240x128xf32, #tpu.memory_space<vmem_shared>>) offsets(%arg20 : memref<288xi32, #tpu.memory_space<vmem>>) semaphore(%run_scoped3A : memref<!tpu.dma_semaphore, #tpu.memory_space<semaphore_mem>>)
      %dma_wait3A = arith.constant 0 : i32
      %dma_wait3A_1083 = arith.constant 0 : i32
      %dma_wait3A_1084 = tpu.memref_slice %arg8[%dma_wait3A, %dma_wait3A_1083] : memref<10240x128xf32, #tpu.memory_space<vmem_shared>> -> memref<10240x128xf32, #tpu.memory_space<vmem_shared>>
      tpu.wait_indirect_dma semaphore(%run_scoped3A : memref<!tpu.dma_semaphore, #tpu.memory_space<semaphore_mem>>) src(%arg19 : memref<288x128xf32, #tpu.memory_space<vmem>>) dst(%dma_wait3A_1084 : memref<10240x128xf32, #tpu.memory_space<vmem_shared>>)
      tpu.yield
    }) : () -> ()
    %barrier3A = arith.constant 0 : index
    tpu.barrier barrier_id(%barrier3A)
    %scan3A_1073 = arith.constant 0 : i32
    %scan3A_1074 = arith.constant 0 : i32
    %scan3A_1075 = arith.constant 36 : i32
    %scan3A_1076 = arith.addi %scan3A_1074, %scan3A_1075 : i32
    %scan3A_1077 = arith.constant 1 : i32
    %scan3A_1078 = scf.for %scan3A_1081 = %scan3A_1074 to %scan3A_1076 step %scan3A_1077 iter_args(%scan3A_1082 = %scan3A_1073) -> (i32)  : i32 {
      %mul3A_1083 = arith.constant 165888 : i32
      %mul3A_1084 = arith.muli %arg0, %mul3A_1083 : i32
      %mul3A_1085 = arith.constant 10368 : i32
      %mul3A_1086 = arith.muli %arg1, %mul3A_1085 : i32
      %add3A_1087 = arith.addi %mul3A_1084, %mul3A_1086 : i32
      %mul3A_1088 = arith.constant 288 : i32
      %mul3A_1089 = arith.muli %scan3A_1081, %mul3A_1088 : i32
      %add3A_1090 = arith.addi %add3A_1087, %mul3A_1089 : i32
      "tpu.region"() ({
        %run_scoped3A = tpu.sem_alloc : memref<!tpu.dma_semaphore, #tpu.memory_space<semaphore_mem>>
        %dma_start3A_1125 = tpu.memref_slice %arg2[%add3A_1090] : memref<331776xi32, #tpu.memory_space<hbm>> -> memref<288xi32, #tpu.memory_space<hbm>>
        %dma_start3A_1126 = tpu.memref_slice %arg2[%add3A_1090] : memref<331776xi32, #tpu.memory_space<hbm>> -> memref<288xi32, #tpu.memory_space<hbm>>
        tpu.enqueue_dma source(%dma_start3A_1126 : memref<288xi32, #tpu.memory_space<hbm>>) target(%arg13 : memref<288xi32, #tpu.memory_space<vmem>>) target_semaphore(%run_scoped3A : memref<!tpu.dma_semaphore, #tpu.memory_space<semaphore_mem>>)
        %dma_wait3A_1127 = tpu.memref_slice %arg2[%add3A_1090] : memref<331776xi32, #tpu.memory_space<hbm>> -> memref<288xi32, #tpu.memory_space<hbm>>
        %dma_wait3A_1128 = tpu.memref_slice %arg2[%add3A_1090] : memref<331776xi32, #tpu.memory_space<hbm>> -> memref<288xi32, #tpu.memory_space<hbm>>
        tpu.wait_dma2 semaphore(%run_scoped3A : memref<!tpu.dma_semaphore, #tpu.memory_space<semaphore_mem>>) src(%dma_wait3A_1128 : memref<288xi32, #tpu.memory_space<hbm>>) dst(%arg13 : memref<288xi32, #tpu.memory_space<vmem>>)
        tpu.yield
      }) : () -> ()
      "tpu.region"() ({
        %run_scoped3A = tpu.sem_alloc : memref<!tpu.dma_semaphore, #tpu.memory_space<semaphore_mem>>
        %dma_start3A_1125 = tpu.memref_slice %arg3[%add3A_1090] : memref<331776xi32, #tpu.memory_space<hbm>> -> memref<288xi32, #tpu.memory_space<hbm>>
        %dma_start3A_1126 = tpu.memref_slice %arg3[%add3A_1090] : memref<331776xi32, #tpu.memory_space<hbm>> -> memref<288xi32, #tpu.memory_space<hbm>>
        tpu.enqueue_dma source(%dma_start3A_1126 : memref<288xi32, #tpu.memory_space<hbm>>) target(%arg14 : memref<288xi32, #tpu.memory_space<vmem>>) target_semaphore(%run_scoped3A : memref<!tpu.dma_semaphore, #tpu.memory_space<semaphore_mem>>)
        %dma_wait3A_1127 = tpu.memref_slice %arg3[%add3A_1090] : memref<331776xi32, #tpu.memory_space<hbm>> -> memref<288xi32, #tpu.memory_space<hbm>>
        %dma_wait3A_1128 = tpu.memref_slice %arg3[%add3A_1090] : memref<331776xi32, #tpu.memory_space<hbm>> -> memref<288xi32, #tpu.memory_space<hbm>>
        tpu.wait_dma2 semaphore(%run_scoped3A : memref<!tpu.dma_semaphore, #tpu.memory_space<semaphore_mem>>) src(%dma_wait3A_1128 : memref<288xi32, #tpu.memory_space<hbm>>) dst(%arg14 : memref<288xi32, #tpu.memory_space<vmem>>)
        tpu.yield
      }) : () -> ()
      %scan3A_1091 = arith.constant 0 : i32
      %scan3A_1092 = arith.constant 0 : i32
      %scan3A_1093 = arith.constant 18 : i32
      %scan3A_1094 = arith.addi %scan3A_1092, %scan3A_1093 : i32
      %scan3A_1095 = arith.constant 1 : i32
      %scan3A_1096 = scf.for %scan3A_1125 = %scan3A_1092 to %scan3A_1094 step %scan3A_1095 iter_args(%scan3A_1126 = %scan3A_1091) -> (i32)  : i32 {
        %mul3A_1127 = arith.constant 16 : i32
        %mul3A_1128 = arith.muli %mul3A_1127, %scan3A_1125 : i32
        %get3A = arith.index_cast %mul3A_1128 : i32 to index
        %get3A_1129 = tpu.vector_load %arg13[%get3A] {strides = array<i32>} : memref<288xi32, #tpu.memory_space<vmem>>, vector<16xi32>,
        %mul3A_1130 = arith.constant 2 : i32
        %mul3A_1131 = vector.broadcast %mul3A_1130 : i32 to vector<16xi32>
        %mul3A_1132 = arith.muli %get3A_1129, %mul3A_1131 : vector<16xi32>
        %swap3A_1133 = arith.index_cast %mul3A_1128 : i32 to index
        %swap3A_1134 = tpu.vector_load %arg15[%swap3A_1133] {strides = array<i32>} : memref<288xi32, #tpu.memory_space<vmem>>, vector<16xi32>,
        tpu.vector_store %arg15[%swap3A_1133], %mul3A_1132 {strides = array<i32>} : memref<288xi32, #tpu.memory_space<vmem>>, vector<16xi32>,
        %get3A_1135 = arith.index_cast %mul3A_1128 : i32 to index
        %get3A_1136 = tpu.vector_load %arg14[%get3A_1135] {strides = array<i32>} : memref<288xi32, #tpu.memory_space<vmem>>, vector<16xi32>,
        %mul3A_1137 = arith.constant 2 : i32
        %mul3A_1138 = vector.broadcast %mul3A_1137 : i32 to vector<16xi32>
        %mul3A_1139 = arith.muli %get3A_1136, %mul3A_1138 : vector<16xi32>
        %add3A_1140 = arith.constant 1 : i32
        %add3A_1141 = vector.broadcast %add3A_1140 : i32 to vector<16xi32>
        %add3A_1142 = arith.addi %mul3A_1139, %add3A_1141 : vector<16xi32>
        %swap3A_1143 = arith.index_cast %mul3A_1128 : i32 to index
        %swap3A_1144 = tpu.vector_load %arg16[%swap3A_1143] {strides = array<i32>} : memref<288xi32, #tpu.memory_space<vmem>>, vector<16xi32>,
        tpu.vector_store %arg16[%swap3A_1143], %add3A_1142 {strides = array<i32>} : memref<288xi32, #tpu.memory_space<vmem>>, vector<16xi32>,
        %scan3A_1145 = arith.constant 0 : i32
        scf.yield %scan3A_1145 : i32
      }
      %scan3A_1097 = arith.constant 18 : i32
      %dma_start3A = arith.constant 0 : i32
      %dma_start3A_1098 = tpu.memref_slice %arg10[%dma_start3A] : memref<20480xf32, #tpu.memory_space<vmem_shared>> -> memref<20480xf32, #tpu.memory_space<vmem_shared>>
      tpu.enqueue_indirect_dma source(%dma_start3A_1098 : memref<20480xf32, #tpu.memory_space<vmem_shared>>) target(%arg17 : memref<288xf32, #tpu.memory_space<vmem>>) offsets(%arg15 : memref<288xi32, #tpu.memory_space<vmem>>) semaphore(%arg21 : memref<!tpu.dma_semaphore, #tpu.memory_space<semaphore_mem>>)
      %dma_start3A_1099 = arith.constant 0 : i32
      %dma_start3A_1100 = tpu.memref_slice %arg10[%dma_start3A_1099] : memref<20480xf32, #tpu.memory_space<vmem_shared>> -> memref<20480xf32, #tpu.memory_space<vmem_shared>>
      tpu.enqueue_indirect_dma source(%dma_start3A_1100 : memref<20480xf32, #tpu.memory_space<vmem_shared>>) target(%arg18 : memref<288xf32, #tpu.memory_space<vmem>>) offsets(%arg16 : memref<288xi32, #tpu.memory_space<vmem>>) semaphore(%arg21 : memref<!tpu.dma_semaphore, #tpu.memory_space<semaphore_mem>>)
      %dma_start3A_1101 = arith.constant 0 : i32
      %dma_start3A_1102 = arith.constant 0 : i32
      %dma_start3A_1103 = tpu.memref_slice %arg5[%dma_start3A_1101, %dma_start3A_1102] : memref<10240x128xf32, #tpu.memory_space<hbm>> -> memref<10240x128xf32, #tpu.memory_space<hbm>>
      tpu.enqueue_indirect_dma source(%dma_start3A_1103 : memref<10240x128xf32, #tpu.memory_space<hbm>>) target(%arg19 : memref<288x128xf32, #tpu.memory_space<vmem>>) offsets(%arg13 : memref<288xi32, #tpu.memory_space<vmem>>) semaphore(%arg22 : memref<!tpu.dma_semaphore, #tpu.memory_space<semaphore_mem>>)
      %dma_wait3A = arith.constant 0 : i32
      %dma_wait3A_1104 = tpu.memref_slice %arg10[%dma_wait3A] : memref<20480xf32, #tpu.memory_space<vmem_shared>> -> memref<20480xf32, #tpu.memory_space<vmem_shared>>
      tpu.wait_indirect_dma semaphore(%arg21 : memref<!tpu.dma_semaphore, #tpu.memory_space<semaphore_mem>>) src(%dma_wait3A_1104 : memref<20480xf32, #tpu.memory_space<vmem_shared>>) dst(%arg17 : memref<288xf32, #tpu.memory_space<vmem>>)
      %dma_wait3A_1105 = arith.constant 0 : i32
      %dma_wait3A_1106 = tpu.memref_slice %arg10[%dma_wait3A_1105] : memref<20480xf32, #tpu.memory_space<vmem_shared>> -> memref<20480xf32, #tpu.memory_space<vmem_shared>>
      tpu.wait_indirect_dma semaphore(%arg21 : memref<!tpu.dma_semaphore, #tpu.memory_space<semaphore_mem>>) src(%dma_wait3A_1106 : memref<20480xf32, #tpu.memory_space<vmem_shared>>) dst(%arg18 : memref<288xf32, #tpu.memory_space<vmem>>)
      %scan3A_1107 = arith.constant 0 : i32
      %scan3A_1108 = arith.constant 0 : i32
      %scan3A_1109 = arith.constant 18 : i32
      %scan3A_1110 = arith.addi %scan3A_1108, %scan3A_1109 : i32
      %scan3A_1111 = arith.constant 1 : i32
      %scan3A_1112 = scf.for %scan3A_1125 = %scan3A_1108 to %scan3A_1110 step %scan3A_1111 iter_args(%scan3A_1126 = %scan3A_1107) -> (i32)  : i32 {
        %mul3A_1127 = arith.constant 16 : i32
        %mul3A_1128 = arith.muli %mul3A_1127, %scan3A_1125 : i32
        %get3A = arith.index_cast %mul3A_1128 : i32 to index
        %get3A_1129 = tpu.vector_load %arg17[%get3A] {strides = array<i32>} : memref<288xf32, #tpu.memory_space<vmem>>, vector<16xf32>,
        %get3A_1130 = arith.index_cast %mul3A_1128 : i32 to index
        %get3A_1131 = tpu.vector_load %arg18[%get3A_1130] {strides = array<i32>} : memref<288xf32, #tpu.memory_space<vmem>>, vector<16xf32>,
        %add3A_1132 = arith.addf %get3A_1129, %get3A_1131 : vector<16xf32>
        %mul3A_1133 = arith.constant 2.000000e-01 : f32
        %mul3A_1134 = vector.broadcast %mul3A_1133 : f32 to vector<16xf32>
        %mul3A_1135 = arith.mulf %mul3A_1134, %add3A_1132 : vector<16xf32>
        %max3A = arith.maximumf %add3A_1132, %mul3A_1135 : vector<16xf32>
        %exp3A = math.exp %max3A : vector<16xf32>
        %swap3A_1136 = arith.index_cast %mul3A_1128 : i32 to index
        %swap3A_1137 = tpu.vector_load %arg17[%swap3A_1136] {strides = array<i32>} : memref<288xf32, #tpu.memory_space<vmem>>, vector<16xf32>,
        tpu.vector_store %arg17[%swap3A_1136], %exp3A {strides = array<i32>} : memref<288xf32, #tpu.memory_space<vmem>>, vector<16xf32>,
        %scan3A_1138 = arith.constant 0 : i32
        scf.yield %scan3A_1138 : i32
      }
      %scan3A_1113 = arith.constant 18 : i32
      %dma_wait3A_1114 = arith.constant 0 : i32
      %dma_wait3A_1115 = arith.constant 0 : i32
      %dma_wait3A_1116 = tpu.memref_slice %arg5[%dma_wait3A_1114, %dma_wait3A_1115] : memref<10240x128xf32, #tpu.memory_space<hbm>> -> memref<10240x128xf32, #tpu.memory_space<hbm>>
      tpu.wait_indirect_dma semaphore(%arg22 : memref<!tpu.dma_semaphore, #tpu.memory_space<semaphore_mem>>) src(%dma_wait3A_1116 : memref<10240x128xf32, #tpu.memory_space<hbm>>) dst(%arg19 : memref<288x128xf32, #tpu.memory_space<vmem>>)
      %scan3A_1117 = arith.constant 0 : i32
      %scan3A_1118 = arith.constant 0 : i32
      %scan3A_1119 = arith.constant 288 : i32
      %scan3A_1120 = arith.addi %scan3A_1118, %scan3A_1119 : i32
      %scan3A_1121 = arith.constant 1 : i32
      %scan3A_1122 = scf.for %scan3A_1125 = %scan3A_1118 to %scan3A_1120 step %scan3A_1121 iter_args(%scan3A_1126 = %scan3A_1117) -> (i32)  : i32 {
        %add3A_1127 = vector.broadcast %scan3A_1125 : i32 to vector<16xi32>
        %add3A_1128 = arith.addi %broadcast_in_dim3A_3, %add3A_1127 : vector<16xi32>
        %gather3A = tpu.vector_load_idx %arg17[%add3A_1128] : memref<288xf32, #tpu.memory_space<vmem>>[vector<16xi32>], vector<16xf32>,
        %get3A = arith.index_cast %scan3A_1125 : i32 to index
        %get3A_1129 = arith.constant 0 : index
        %get3A_1130 = tpu.vector_load %arg19[%get3A, %get3A_1129] {strides = array<i32>} : memref<288x128xf32, #tpu.memory_space<vmem>>, vector<16xf32>,
        %mul3A_1131 = arith.mulf %get3A_1130, %gather3A : vector<16xf32>
        %swap3A_1132 = arith.index_cast %scan3A_1125 : i32 to index
        %swap3A_1133 = arith.constant 0 : index
        %swap3A_1134 = tpu.vector_load %arg19[%swap3A_1132, %swap3A_1133] {strides = array<i32>} : memref<288x128xf32, #tpu.memory_space<vmem>>, vector<16xf32>,
        tpu.vector_store %arg19[%swap3A_1132, %swap3A_1133], %mul3A_1131 {strides = array<i32>} : memref<288x128xf32, #tpu.memory_space<vmem>>, vector<16xf32>,
        %scan3A_1135 = arith.constant 0 : i32
        scf.yield %scan3A_1135 : i32
      }
      %scan3A_1123 = arith.constant 288 : i32
      "tpu.region"() ({
        %run_scoped3A = tpu.sem_alloc : memref<!tpu.dma_semaphore, #tpu.memory_space<semaphore_mem>>
        %dma_start3A_1125 = arith.constant 0 : i32
        %dma_start3A_1126 = tpu.memref_slice %arg9[%dma_start3A_1125] : memref<10240xf32, #tpu.memory_space<vmem_shared>> -> memref<10240xf32, #tpu.memory_space<vmem_shared>>
        tpu.enqueue_indirect_dma source(%arg17 : memref<288xf32, #tpu.memory_space<vmem>>) target(%dma_start3A_1126 : memref<10240xf32, #tpu.memory_space<vmem_shared>>) offsets(%arg14 : memref<288xi32, #tpu.memory_space<vmem>>) semaphore(%run_scoped3A : memref<!tpu.dma_semaphore, #tpu.memory_space<semaphore_mem>>) {add = true}
        %dma_wait3A_1127 = arith.constant 0 : i32
        %dma_wait3A_1128 = tpu.memref_slice %arg9[%dma_wait3A_1127] : memref<10240xf32, #tpu.memory_space<vmem_shared>> -> memref<10240xf32, #tpu.memory_space<vmem_shared>>
        tpu.wait_indirect_dma semaphore(%run_scoped3A : memref<!tpu.dma_semaphore, #tpu.memory_space<semaphore_mem>>) src(%arg17 : memref<288xf32, #tpu.memory_space<vmem>>) dst(%dma_wait3A_1128 : memref<10240xf32, #tpu.memory_space<vmem_shared>>)
        tpu.yield
      }) : () -> ()
      "tpu.region"() ({
        %run_scoped3A = tpu.sem_alloc : memref<!tpu.dma_semaphore, #tpu.memory_space<semaphore_mem>>
        %dma_start3A_1125 = arith.constant 0 : i32
        %dma_start3A_1126 = arith.constant 0 : i32
        %dma_start3A_1127 = tpu.memref_slice %arg8[%dma_start3A_1125, %dma_start3A_1126] : memref<10240x128xf32, #tpu.memory_space<vmem_shared>> -> memref<10240x128xf32, #tpu.memory_space<vmem_shared>>
        tpu.enqueue_indirect_dma source(%arg19 : memref<288x128xf32, #tpu.memory_space<vmem>>) target(%dma_start3A_1127 : memref<10240x128xf32, #tpu.memory_space<vmem_shared>>) offsets(%arg14 : memref<288xi32, #tpu.memory_space<vmem>>) semaphore(%run_scoped3A : memref<!tpu.dma_semaphore, #tpu.memory_space<semaphore_mem>>) {add = true}
        %dma_wait3A_1128 = arith.constant 0 : i32
        %dma_wait3A_1129 = arith.constant 0 : i32
        %dma_wait3A_1130 = tpu.memref_slice %arg8[%dma_wait3A_1128, %dma_wait3A_1129] : memref<10240x128xf32, #tpu.memory_space<vmem_shared>> -> memref<10240x128xf32, #tpu.memory_space<vmem_shared>>
        tpu.wait_indirect_dma semaphore(%run_scoped3A : memref<!tpu.dma_semaphore, #tpu.memory_space<semaphore_mem>>) src(%arg19 : memref<288x128xf32, #tpu.memory_space<vmem>>) dst(%dma_wait3A_1130 : memref<10240x128xf32, #tpu.memory_space<vmem_shared>>)
        tpu.yield
      }) : () -> ()
      %scan3A_1124 = arith.constant 0 : i32
      scf.yield %scan3A_1124 : i32
    }
    %scan3A_1079 = arith.constant 36 : i32
    %barrier3A_1080 = arith.constant 0 : index
    tpu.barrier barrier_id(%barrier3A_1080)
    "tpu.region"() ({
      %run_scoped3A = tpu.sem_alloc : memref<!tpu.dma_semaphore, #tpu.memory_space<semaphore_mem>>
      %dma_start3A = arith.constant 0 : i32
      %dma_start3A_1081 = tpu.memref_slice %arg6[%arg0, %mul3A_0, %dma_start3A] : memref<2x10240x128xf32, #tpu.memory_space<hbm>> -> memref<1x640x128xf32, #tpu.memory_space<hbm>>
      %dma_start3A_1082 = tpu.memref_squeeze %dma_start3A_1081 : memref<1x640x128xf32, #tpu.memory_space<hbm>> -> memref<640x128xf32, #tpu.memory_space<hbm>>
      %dma_start3A_1083 = arith.constant 0 : i32
      %dma_start3A_1084 = tpu.memref_slice %arg8[%mul3A_0, %dma_start3A_1083] : memref<10240x128xf32, #tpu.memory_space<vmem_shared>> -> memref<640x128xf32, #tpu.memory_space<vmem_shared>>
      tpu.enqueue_dma source(%dma_start3A_1084 : memref<640x128xf32, #tpu.memory_space<vmem_shared>>) target(%dma_start3A_1082 : memref<640x128xf32, #tpu.memory_space<hbm>>) target_semaphore(%run_scoped3A : memref<!tpu.dma_semaphore, #tpu.memory_space<semaphore_mem>>)
      %dma_wait3A = arith.constant 0 : i32
      %dma_wait3A_1085 = tpu.memref_slice %arg6[%arg0, %mul3A_0, %dma_wait3A] : memref<2x10240x128xf32, #tpu.memory_space<hbm>> -> memref<1x640x128xf32, #tpu.memory_space<hbm>>
      %dma_wait3A_1086 = tpu.memref_squeeze %dma_wait3A_1085 : memref<1x640x128xf32, #tpu.memory_space<hbm>> -> memref<640x128xf32, #tpu.memory_space<hbm>>
      %dma_wait3A_1087 = arith.constant 0 : i32
      %dma_wait3A_1088 = tpu.memref_slice %arg8[%mul3A_0, %dma_wait3A_1087] : memref<10240x128xf32, #tpu.memory_space<vmem_shared>> -> memref<640x128xf32, #tpu.memory_space<vmem_shared>>
      tpu.wait_dma2 semaphore(%run_scoped3A : memref<!tpu.dma_semaphore, #tpu.memory_space<semaphore_mem>>) src(%dma_wait3A_1088 : memref<640x128xf32, #tpu.memory_space<vmem_shared>>) dst(%dma_wait3A_1086 : memref<640x128xf32, #tpu.memory_space<hbm>>)
      tpu.yield
    }) : () -> ()
    "tpu.region"() ({
      %run_scoped3A = tpu.sem_alloc : memref<!tpu.dma_semaphore, #tpu.memory_space<semaphore_mem>>
      %dma_start3A = tpu.memref_slice %arg7[%arg0, %mul3A_0] : memref<2x10240xf32, #tpu.memory_space<hbm>> -> memref<1x640xf32, #tpu.memory_space<hbm>>
      %dma_start3A_1081 = tpu.memref_squeeze %dma_start3A : memref<1x640xf32, #tpu.memory_space<hbm>> -> memref<640xf32, #tpu.memory_space<hbm>>
      %dma_start3A_1082 = tpu.memref_slice %arg9[%mul3A_0] : memref<10240xf32, #tpu.memory_space<vmem_shared>> -> memref<640xf32, #tpu.memory_space<vmem_shared>>
      tpu.enqueue_dma source(%dma_start3A_1082 : memref<640xf32, #tpu.memory_space<vmem_shared>>) target(%dma_start3A_1081 : memref<640xf32, #tpu.memory_space<hbm>>) target_semaphore(%run_scoped3A : memref<!tpu.dma_semaphore, #tpu.memory_space<semaphore_mem>>)
      %dma_wait3A = tpu.memref_slice %arg7[%arg0, %mul3A_0] : memref<2x10240xf32, #tpu.memory_space<hbm>> -> memref<1x640xf32, #tpu.memory_space<hbm>>
      %dma_wait3A_1083 = tpu.memref_squeeze %dma_wait3A : memref<1x640xf32, #tpu.memory_space<hbm>> -> memref<640xf32, #tpu.memory_space<hbm>>
      %dma_wait3A_1084 = tpu.memref_slice %arg9[%mul3A_0] : memref<10240xf32, #tpu.memory_space<vmem_shared>> -> memref<640xf32, #tpu.memory_space<vmem_shared>>
      tpu.wait_dma2 semaphore(%run_scoped3A : memref<!tpu.dma_semaphore, #tpu.memory_space<semaphore_mem>>) src(%dma_wait3A_1084 : memref<640xf32, #tpu.memory_space<vmem_shared>>) dst(%dma_wait3A_1083 : memref<640xf32, #tpu.memory_space<hbm>>)
      tpu.yield
    }) : () -> ()
    return
  }
}

#map = affine_map<(d0, d1) -> (0)>
#map1 = affine_map<(d0, d1) -> (0, 0)>
#map2 = affine_map<(d0, d1) -> (0, 0, 0)>
module attributes {stable_mosaic.version = 14 : i64} {
  func.func @_sc1_body(%arg0: i32, %arg1: i32, %arg2: memref<331776xi32, #tpu.memory_space<hbm>>, %arg3: memref<331776xi32, #tpu.memory_space<hbm>>, %arg4: memref<81920xf32, #tpu.memory_space<hbm>>, %arg5: memref<81920xf32, #tpu.memory_space<hbm>>, %arg6: memref<20480x128xf32, #tpu.memory_space<hbm>>, %arg7: memref<2x10240x128xf32, #tpu.memory_space<hbm>>, %arg8: memref<2x81920xf32, #tpu.memory_space<hbm>>, %arg9: memref<10240x128xf32, #tpu.memory_space<vmem_shared>>, %arg10: memref<81920xf32, #tpu.memory_space<vmem_shared>>, %arg11: memref<81920xf32, #tpu.memory_space<vmem_shared>>, %arg12: memref<512xf32, #tpu.memory_space<vmem>>, %arg13: memref<512xi32, #tpu.memory_space<vmem>>, %arg14: memref<768xf32, #tpu.memory_space<vmem>>, %arg15: memref<192xi32, #tpu.memory_space<vmem>>, %arg16: memref<192xi32, #tpu.memory_space<vmem>>, %arg17: memref<192xi32, #tpu.memory_space<vmem>>, %arg18: memref<768xi32, #tpu.memory_space<vmem>>, %arg19: memref<768xi32, #tpu.memory_space<vmem>>, %arg20: memref<768xf32, #tpu.memory_space<vmem>>, %arg21: memref<192x128xf32, #tpu.memory_space<vmem>>, %arg22: memref<192xi32, #tpu.memory_space<vmem>>, %arg23: memref<!tpu.dma_semaphore, #tpu.memory_space<semaphore_mem>>, %arg24: memref<!tpu.dma_semaphore, #tpu.memory_space<semaphore_mem>>) attributes {dimension_semantics = [#tpu.dimension_semantics<core_parallel>, #tpu.dimension_semantics<subcore_parallel>], iteration_bounds = array<i64: 2, 16>, scalar_prefetch = 0 : i64, scratch_operands = 16 : i64, tpu.core_type = #tpu.core_type<sc_vector_subcore>, window_params = [{transform_indices = #map}, {transform_indices = #map}, {transform_indices = #map}, {transform_indices = #map}, {transform_indices = #map1}, {transform_indices = #map2}, {transform_indices = #map1}]} {
    %mul3A = arith.constant 640 : i32
    %mul3A_0 = arith.muli %arg1, %mul3A : i32
    %iota3A = tpu.iota {dimensions = array<i32: 0>} : vector<16xi32>
    %jit3A = arith.constant 4 : i32
    %div3A = vector.broadcast %jit3A : i32 to vector<16xi32>
    %div3A_1 = arith.divsi %iota3A, %div3A : vector<16xi32>
    %sign3A = arith.constant 0 : i32
    %sign3A_2 = vector.broadcast %sign3A : i32 to vector<16xi32>
    %sign3A_3 = arith.cmpi sgt, %iota3A, %sign3A_2 : vector<16xi32>
    %sign3A_4 = arith.extui %sign3A_3 : vector<16xi1> to vector<16xi32>
    %sign3A_5 = arith.constant 0 : i32
    %sign3A_6 = vector.broadcast %sign3A_5 : i32 to vector<16xi32>
    %sign3A_7 = arith.cmpi slt, %iota3A, %sign3A_6 : vector<16xi32>
    %sign3A_8 = arith.extui %sign3A_7 : vector<16xi1> to vector<16xi32>
    %sign3A_9 = arith.subi %sign3A_4, %sign3A_8 : vector<16xi32>
    %sign3A_10 = arith.constant 0 : i32
    %sign3A_11 = arith.cmpi sgt, %jit3A, %sign3A_10 : i32
    %sign3A_12 = arith.extui %sign3A_11 : i1 to i32
    %sign3A_13 = arith.constant 0 : i32
    %sign3A_14 = arith.cmpi slt, %jit3A, %sign3A_13 : i32
    %sign3A_15 = arith.extui %sign3A_14 : i1 to i32
    %sign3A_16 = arith.subi %sign3A_12, %sign3A_15 : i32
    %ne3A = vector.broadcast %sign3A_16 : i32 to vector<16xi32>
    %ne3A_17 = arith.cmpi ne, %sign3A_9, %ne3A : vector<16xi32>
    %rem3A = vector.broadcast %jit3A : i32 to vector<16xi32>
    %rem3A_18 = arith.remsi %iota3A, %rem3A : vector<16xi32>
    %ne3A_19 = arith.constant 0 : i32
    %ne3A_20 = vector.broadcast %ne3A_19 : i32 to vector<16xi32>
    %ne3A_21 = arith.cmpi ne, %rem3A_18, %ne3A_20 : vector<16xi32>
    %and3A = arith.andi %ne3A_17, %ne3A_21 : vector<16xi1>
    %sub3A = arith.constant 1 : i32
    %sub3A_22 = vector.broadcast %sub3A : i32 to vector<16xi32>
    %sub3A_23 = arith.subi %div3A_1, %sub3A_22 : vector<16xi32>
    %select_n3A = arith.select %and3A, %sub3A_23, %div3A_1 : vector<16xi1>, vector<16xi32>
    %jit3A_24 = arith.constant 4 : i32
    %eq3A = arith.constant 0 : i32
    %eq3A_25 = arith.cmpi eq, %jit3A_24, %eq3A : i32
    %jit3A_26 = arith.constant 1 : i32
    %select_n3A_27 = arith.select %eq3A_25, %jit3A_26, %jit3A_24 : i32
    %rem3A_28 = vector.broadcast %select_n3A_27 : i32 to vector<16xi32>
    %rem3A_29 = arith.remsi %iota3A, %rem3A_28 : vector<16xi32>
    %ne3A_30 = arith.constant 0 : i32
    %ne3A_31 = vector.broadcast %ne3A_30 : i32 to vector<16xi32>
    %ne3A_32 = arith.cmpi ne, %rem3A_29, %ne3A_31 : vector<16xi32>
    %lt3A = arith.constant 0 : i32
    %lt3A_33 = vector.broadcast %lt3A : i32 to vector<16xi32>
    %lt3A_34 = arith.cmpi slt, %rem3A_29, %lt3A_33 : vector<16xi32>
    %lt3A_35 = arith.constant 0 : i32
    %lt3A_36 = arith.cmpi slt, %select_n3A_27, %lt3A_35 : i32
    %ne3A_37 = vector.broadcast %lt3A_36 : i1 to vector<16xi1>
    %ne3A_38 = vector.broadcast %ne3A_37 : vector<16xi1> to vector<16xi1>
    %ne3A_39 = arith.xori %lt3A_34, %ne3A_38 : vector<16xi1>
    %and3A_40 = arith.andi %ne3A_39, %ne3A_32 : vector<16xi1>
    %add3A = vector.broadcast %select_n3A_27 : i32 to vector<16xi32>
    %add3A_41 = arith.addi %rem3A_29, %add3A : vector<16xi32>
    %select_n3A_42 = arith.select %and3A_40, %add3A_41, %rem3A_29 : vector<16xi1>, vector<16xi32>
    %broadcast_in_dim3A = arith.constant 0.000000e+00 : f32
    %broadcast_in_dim3A_43 = vector.broadcast %broadcast_in_dim3A : f32 to vector<16xf32>
    %broadcast_in_dim3A_44 = arith.constant 0 : i32
    %broadcast_in_dim3A_45 = vector.broadcast %broadcast_in_dim3A_44 : i32 to vector<16xi32>
    %scan3A = arith.constant 0 : i32
    %scan3A_46 = arith.constant 0 : i32
    %scan3A_47 = arith.constant 10 : i32
    %scan3A_48 = arith.addi %scan3A_46, %scan3A_47 : i32
    %scan3A_49 = arith.constant 1 : i32
    %scan3A_50 = scf.for %scan3A_382 = %scan3A_46 to %scan3A_48 step %scan3A_49 iter_args(%scan3A_383 = %scan3A) -> (i32)  : i32 {
      %mul3A_384 = arith.constant 8 : i32
      %mul3A_385 = arith.muli %mul3A_0, %mul3A_384 : i32
      %mul3A_386 = arith.constant 512 : i32
      %mul3A_387 = arith.muli %scan3A_382, %mul3A_386 : i32
      %add3A_388 = arith.addi %mul3A_385, %mul3A_387 : i32
      %eq3A_389 = arith.constant 0 : i32
      %eq3A_390 = arith.cmpi eq, %arg0, %eq3A_389 : i32
      %convert_element_type3A = arith.extui %eq3A_390 : i1 to i32
      %cond3A = arith.constant 0 : i32
      %cond3A_391 = arith.cmpi ne, %convert_element_type3A, %cond3A : i32
      scf.if %cond3A_391 {
        "tpu.region"() ({
          %run_scoped3A = tpu.sem_alloc : memref<!tpu.dma_semaphore, #tpu.memory_space<semaphore_mem>>
          %dma_start3A = tpu.memref_slice %arg4[%add3A_388] : memref<81920xf32, #tpu.memory_space<hbm>> -> memref<512xf32, #tpu.memory_space<hbm>>
          %dma_start3A_590 = tpu.memref_slice %arg4[%add3A_388] : memref<81920xf32, #tpu.memory_space<hbm>> -> memref<512xf32, #tpu.memory_space<hbm>>
          tpu.enqueue_dma source(%dma_start3A_590 : memref<512xf32, #tpu.memory_space<hbm>>) target(%arg12 : memref<512xf32, #tpu.memory_space<vmem>>) target_semaphore(%run_scoped3A : memref<!tpu.dma_semaphore, #tpu.memory_space<semaphore_mem>>)
          %dma_wait3A = tpu.memref_slice %arg4[%add3A_388] : memref<81920xf32, #tpu.memory_space<hbm>> -> memref<512xf32, #tpu.memory_space<hbm>>
          %dma_wait3A_591 = tpu.memref_slice %arg4[%add3A_388] : memref<81920xf32, #tpu.memory_space<hbm>> -> memref<512xf32, #tpu.memory_space<hbm>>
          tpu.wait_dma2 semaphore(%run_scoped3A : memref<!tpu.dma_semaphore, #tpu.memory_space<semaphore_mem>>) src(%dma_wait3A_591 : memref<512xf32, #tpu.memory_space<hbm>>) dst(%arg12 : memref<512xf32, #tpu.memory_space<vmem>>)
          tpu.yield
        }) : () -> ()
      } else {
      }
      %eq3A_392 = arith.constant 1 : i32
      %eq3A_393 = arith.cmpi eq, %arg0, %eq3A_392 : i32
      %convert_element_type3A_394 = arith.extui %eq3A_393 : i1 to i32
      %cond3A_395 = arith.constant 0 : i32
      %cond3A_396 = arith.cmpi ne, %convert_element_type3A_394, %cond3A_395 : i32
      scf.if %cond3A_396 {
        "tpu.region"() ({
          %run_scoped3A = tpu.sem_alloc : memref<!tpu.dma_semaphore, #tpu.memory_space<semaphore_mem>>
          %dma_start3A = tpu.memref_slice %arg5[%add3A_388] : memref<81920xf32, #tpu.memory_space<hbm>> -> memref<512xf32, #tpu.memory_space<hbm>>
          %dma_start3A_590 = tpu.memref_slice %arg5[%add3A_388] : memref<81920xf32, #tpu.memory_space<hbm>> -> memref<512xf32, #tpu.memory_space<hbm>>
          tpu.enqueue_dma source(%dma_start3A_590 : memref<512xf32, #tpu.memory_space<hbm>>) target(%arg12 : memref<512xf32, #tpu.memory_space<vmem>>) target_semaphore(%run_scoped3A : memref<!tpu.dma_semaphore, #tpu.memory_space<semaphore_mem>>)
          %dma_wait3A = tpu.memref_slice %arg5[%add3A_388] : memref<81920xf32, #tpu.memory_space<hbm>> -> memref<512xf32, #tpu.memory_space<hbm>>
          %dma_wait3A_591 = tpu.memref_slice %arg5[%add3A_388] : memref<81920xf32, #tpu.memory_space<hbm>> -> memref<512xf32, #tpu.memory_space<hbm>>
          tpu.wait_dma2 semaphore(%run_scoped3A : memref<!tpu.dma_semaphore, #tpu.memory_space<semaphore_mem>>) src(%dma_wait3A_591 : memref<512xf32, #tpu.memory_space<hbm>>) dst(%arg12 : memref<512xf32, #tpu.memory_space<vmem>>)
          tpu.yield
        }) : () -> ()
      } else {
      }
      %add3A_397 = arith.constant 0 : i32
      %add3A_398 = arith.addi %add3A_388, %add3A_397 : i32
      %add3A_399 = vector.broadcast %add3A_398 : i32 to vector<16xi32>
      %add3A_400 = arith.addi %iota3A, %add3A_399 : vector<16xi32>
      %swap3A_401 = arith.constant 0 : index
      %swap3A_402 = tpu.vector_load %arg13[%swap3A_401] {strides = array<i32>} : memref<512xi32, #tpu.memory_space<vmem>>, vector<16xi32>,
      tpu.vector_store %arg13[%swap3A_401], %add3A_400 {strides = array<i32>} : memref<512xi32, #tpu.memory_space<vmem>>, vector<16xi32>,
      %add3A_403 = arith.constant 16 : i32
      %add3A_404 = arith.addi %add3A_388, %add3A_403 : i32
      %add3A_405 = vector.broadcast %add3A_404 : i32 to vector<16xi32>
      %add3A_406 = arith.addi %iota3A, %add3A_405 : vector<16xi32>
      %swap3A_407 = arith.constant 16 : index
      %swap3A_408 = tpu.vector_load %arg13[%swap3A_407] {strides = array<i32>} : memref<512xi32, #tpu.memory_space<vmem>>, vector<16xi32>,
      tpu.vector_store %arg13[%swap3A_407], %add3A_406 {strides = array<i32>} : memref<512xi32, #tpu.memory_space<vmem>>, vector<16xi32>,
      %add3A_409 = arith.constant 32 : i32
      %add3A_410 = arith.addi %add3A_388, %add3A_409 : i32
      %add3A_411 = vector.broadcast %add3A_410 : i32 to vector<16xi32>
      %add3A_412 = arith.addi %iota3A, %add3A_411 : vector<16xi32>
      %swap3A_413 = arith.constant 32 : index
      %swap3A_414 = tpu.vector_load %arg13[%swap3A_413] {strides = array<i32>} : memref<512xi32, #tpu.memory_space<vmem>>, vector<16xi32>,
      tpu.vector_store %arg13[%swap3A_413], %add3A_412 {strides = array<i32>} : memref<512xi32, #tpu.memory_space<vmem>>, vector<16xi32>,
      %add3A_415 = arith.constant 48 : i32
      %add3A_416 = arith.addi %add3A_388, %add3A_415 : i32
      %add3A_417 = vector.broadcast %add3A_416 : i32 to vector<16xi32>
      %add3A_418 = arith.addi %iota3A, %add3A_417 : vector<16xi32>
      %swap3A_419 = arith.constant 48 : index
      %swap3A_420 = tpu.vector_load %arg13[%swap3A_419] {strides = array<i32>} : memref<512xi32, #tpu.memory_space<vmem>>, vector<16xi32>,
      tpu.vector_store %arg13[%swap3A_419], %add3A_418 {strides = array<i32>} : memref<512xi32, #tpu.memory_space<vmem>>, vector<16xi32>,
      %add3A_421 = arith.constant 64 : i32
      %add3A_422 = arith.addi %add3A_388, %add3A_421 : i32
      %add3A_423 = vector.broadcast %add3A_422 : i32 to vector<16xi32>
      %add3A_424 = arith.addi %iota3A, %add3A_423 : vector<16xi32>
      %swap3A_425 = arith.constant 64 : index
      %swap3A_426 = tpu.vector_load %arg13[%swap3A_425] {strides = array<i32>} : memref<512xi32, #tpu.memory_space<vmem>>, vector<16xi32>,
      tpu.vector_store %arg13[%swap3A_425], %add3A_424 {strides = array<i32>} : memref<512xi32, #tpu.memory_space<vmem>>, vector<16xi32>,
      %add3A_427 = arith.constant 80 : i32
      %add3A_428 = arith.addi %add3A_388, %add3A_427 : i32
      %add3A_429 = vector.broadcast %add3A_428 : i32 to vector<16xi32>
      %add3A_430 = arith.addi %iota3A, %add3A_429 : vector<16xi32>
      %swap3A_431 = arith.constant 80 : index
      %swap3A_432 = tpu.vector_load %arg13[%swap3A_431] {strides = array<i32>} : memref<512xi32, #tpu.memory_space<vmem>>, vector<16xi32>,
      tpu.vector_store %arg13[%swap3A_431], %add3A_430 {strides = array<i32>} : memref<512xi32, #tpu.memory_space<vmem>>, vector<16xi32>,
      %add3A_433 = arith.constant 96 : i32
      %add3A_434 = arith.addi %add3A_388, %add3A_433 : i32
      %add3A_435 = vector.broadcast %add3A_434 : i32 to vector<16xi32>
      %add3A_436 = arith.addi %iota3A, %add3A_435 : vector<16xi32>
      %swap3A_437 = arith.constant 96 : index
      %swap3A_438 = tpu.vector_load %arg13[%swap3A_437] {strides = array<i32>} : memref<512xi32, #tpu.memory_space<vmem>>, vector<16xi32>,
      tpu.vector_store %arg13[%swap3A_437], %add3A_436 {strides = array<i32>} : memref<512xi32, #tpu.memory_space<vmem>>, vector<16xi32>,
      %add3A_439 = arith.constant 112 : i32
      %add3A_440 = arith.addi %add3A_388, %add3A_439 : i32
      %add3A_441 = vector.broadcast %add3A_440 : i32 to vector<16xi32>
      %add3A_442 = arith.addi %iota3A, %add3A_441 : vector<16xi32>
      %swap3A_443 = arith.constant 112 : index
      %swap3A_444 = tpu.vector_load %arg13[%swap3A_443] {strides = array<i32>} : memref<512xi32, #tpu.memory_space<vmem>>, vector<16xi32>,
      tpu.vector_store %arg13[%swap3A_443], %add3A_442 {strides = array<i32>} : memref<512xi32, #tpu.memory_space<vmem>>, vector<16xi32>,
      %add3A_445 = arith.constant 128 : i32
      %add3A_446 = arith.addi %add3A_388, %add3A_445 : i32
      %add3A_447 = vector.broadcast %add3A_446 : i32 to vector<16xi32>
      %add3A_448 = arith.addi %iota3A, %add3A_447 : vector<16xi32>
      %swap3A_449 = arith.constant 128 : index
      %swap3A_450 = tpu.vector_load %arg13[%swap3A_449] {strides = array<i32>} : memref<512xi32, #tpu.memory_space<vmem>>, vector<16xi32>,
      tpu.vector_store %arg13[%swap3A_449], %add3A_448 {strides = array<i32>} : memref<512xi32, #tpu.memory_space<vmem>>, vector<16xi32>,
      %add3A_451 = arith.constant 144 : i32
      %add3A_452 = arith.addi %add3A_388, %add3A_451 : i32
      %add3A_453 = vector.broadcast %add3A_452 : i32 to vector<16xi32>
      %add3A_454 = arith.addi %iota3A, %add3A_453 : vector<16xi32>
      %swap3A_455 = arith.constant 144 : index
      %swap3A_456 = tpu.vector_load %arg13[%swap3A_455] {strides = array<i32>} : memref<512xi32, #tpu.memory_space<vmem>>, vector<16xi32>,
      tpu.vector_store %arg13[%swap3A_455], %add3A_454 {strides = array<i32>} : memref<512xi32, #tpu.memory_space<vmem>>, vector<16xi32>,
      %add3A_457 = arith.constant 160 : i32
      %add3A_458 = arith.addi %add3A_388, %add3A_457 : i32
      %add3A_459 = vector.broadcast %add3A_458 : i32 to vector<16xi32>
      %add3A_460 = arith.addi %iota3A, %add3A_459 : vector<16xi32>
      %swap3A_461 = arith.constant 160 : index
      %swap3A_462 = tpu.vector_load %arg13[%swap3A_461] {strides = array<i32>} : memref<512xi32, #tpu.memory_space<vmem>>, vector<16xi32>,
      tpu.vector_store %arg13[%swap3A_461], %add3A_460 {strides = array<i32>} : memref<512xi32, #tpu.memory_space<vmem>>, vector<16xi32>,
      %add3A_463 = arith.constant 176 : i32
      %add3A_464 = arith.addi %add3A_388, %add3A_463 : i32
      %add3A_465 = vector.broadcast %add3A_464 : i32 to vector<16xi32>
      %add3A_466 = arith.addi %iota3A, %add3A_465 : vector<16xi32>
      %swap3A_467 = arith.constant 176 : index
      %swap3A_468 = tpu.vector_load %arg13[%swap3A_467] {strides = array<i32>} : memref<512xi32, #tpu.memory_space<vmem>>, vector<16xi32>,
      tpu.vector_store %arg13[%swap3A_467], %add3A_466 {strides = array<i32>} : memref<512xi32, #tpu.memory_space<vmem>>, vector<16xi32>,
      %add3A_469 = arith.constant 192 : i32
      %add3A_470 = arith.addi %add3A_388, %add3A_469 : i32
      %add3A_471 = vector.broadcast %add3A_470 : i32 to vector<16xi32>
      %add3A_472 = arith.addi %iota3A, %add3A_471 : vector<16xi32>
      %swap3A_473 = arith.constant 192 : index
      %swap3A_474 = tpu.vector_load %arg13[%swap3A_473] {strides = array<i32>} : memref<512xi32, #tpu.memory_space<vmem>>, vector<16xi32>,
      tpu.vector_store %arg13[%swap3A_473], %add3A_472 {strides = array<i32>} : memref<512xi32, #tpu.memory_space<vmem>>, vector<16xi32>,
      %add3A_475 = arith.constant 208 : i32
      %add3A_476 = arith.addi %add3A_388, %add3A_475 : i32
      %add3A_477 = vector.broadcast %add3A_476 : i32 to vector<16xi32>
      %add3A_478 = arith.addi %iota3A, %add3A_477 : vector<16xi32>
      %swap3A_479 = arith.constant 208 : index
      %swap3A_480 = tpu.vector_load %arg13[%swap3A_479] {strides = array<i32>} : memref<512xi32, #tpu.memory_space<vmem>>, vector<16xi32>,
      tpu.vector_store %arg13[%swap3A_479], %add3A_478 {strides = array<i32>} : memref<512xi32, #tpu.memory_space<vmem>>, vector<16xi32>,
      %add3A_481 = arith.constant 224 : i32
      %add3A_482 = arith.addi %add3A_388, %add3A_481 : i32
      %add3A_483 = vector.broadcast %add3A_482 : i32 to vector<16xi32>
      %add3A_484 = arith.addi %iota3A, %add3A_483 : vector<16xi32>
      %swap3A_485 = arith.constant 224 : index
      %swap3A_486 = tpu.vector_load %arg13[%swap3A_485] {strides = array<i32>} : memref<512xi32, #tpu.memory_space<vmem>>, vector<16xi32>,
      tpu.vector_store %arg13[%swap3A_485], %add3A_484 {strides = array<i32>} : memref<512xi32, #tpu.memory_space<vmem>>, vector<16xi32>,
      %add3A_487 = arith.constant 240 : i32
      %add3A_488 = arith.addi %add3A_388, %add3A_487 : i32
      %add3A_489 = vector.broadcast %add3A_488 : i32 to vector<16xi32>
      %add3A_490 = arith.addi %iota3A, %add3A_489 : vector<16xi32>
      %swap3A_491 = arith.constant 240 : index
      %swap3A_492 = tpu.vector_load %arg13[%swap3A_491] {strides = array<i32>} : memref<512xi32, #tpu.memory_space<vmem>>, vector<16xi32>,
      tpu.vector_store %arg13[%swap3A_491], %add3A_490 {strides = array<i32>} : memref<512xi32, #tpu.memory_space<vmem>>, vector<16xi32>,
      %add3A_493 = arith.constant 256 : i32
      %add3A_494 = arith.addi %add3A_388, %add3A_493 : i32
      %add3A_495 = vector.broadcast %add3A_494 : i32 to vector<16xi32>
      %add3A_496 = arith.addi %iota3A, %add3A_495 : vector<16xi32>
      %swap3A_497 = arith.constant 256 : index
      %swap3A_498 = tpu.vector_load %arg13[%swap3A_497] {strides = array<i32>} : memref<512xi32, #tpu.memory_space<vmem>>, vector<16xi32>,
      tpu.vector_store %arg13[%swap3A_497], %add3A_496 {strides = array<i32>} : memref<512xi32, #tpu.memory_space<vmem>>, vector<16xi32>,
      %add3A_499 = arith.constant 272 : i32
      %add3A_500 = arith.addi %add3A_388, %add3A_499 : i32
      %add3A_501 = vector.broadcast %add3A_500 : i32 to vector<16xi32>
      %add3A_502 = arith.addi %iota3A, %add3A_501 : vector<16xi32>
      %swap3A_503 = arith.constant 272 : index
      %swap3A_504 = tpu.vector_load %arg13[%swap3A_503] {strides = array<i32>} : memref<512xi32, #tpu.memory_space<vmem>>, vector<16xi32>,
      tpu.vector_store %arg13[%swap3A_503], %add3A_502 {strides = array<i32>} : memref<512xi32, #tpu.memory_space<vmem>>, vector<16xi32>,
      %add3A_505 = arith.constant 288 : i32
      %add3A_506 = arith.addi %add3A_388, %add3A_505 : i32
      %add3A_507 = vector.broadcast %add3A_506 : i32 to vector<16xi32>
      %add3A_508 = arith.addi %iota3A, %add3A_507 : vector<16xi32>
      %swap3A_509 = arith.constant 288 : index
      %swap3A_510 = tpu.vector_load %arg13[%swap3A_509] {strides = array<i32>} : memref<512xi32, #tpu.memory_space<vmem>>, vector<16xi32>,
      tpu.vector_store %arg13[%swap3A_509], %add3A_508 {strides = array<i32>} : memref<512xi32, #tpu.memory_space<vmem>>, vector<16xi32>,
      %add3A_511 = arith.constant 304 : i32
      %add3A_512 = arith.addi %add3A_388, %add3A_511 : i32
      %add3A_513 = vector.broadcast %add3A_512 : i32 to vector<16xi32>
      %add3A_514 = arith.addi %iota3A, %add3A_513 : vector<16xi32>
      %swap3A_515 = arith.constant 304 : index
      %swap3A_516 = tpu.vector_load %arg13[%swap3A_515] {strides = array<i32>} : memref<512xi32, #tpu.memory_space<vmem>>, vector<16xi32>,
      tpu.vector_store %arg13[%swap3A_515], %add3A_514 {strides = array<i32>} : memref<512xi32, #tpu.memory_space<vmem>>, vector<16xi32>,
      %add3A_517 = arith.constant 320 : i32
      %add3A_518 = arith.addi %add3A_388, %add3A_517 : i32
      %add3A_519 = vector.broadcast %add3A_518 : i32 to vector<16xi32>
      %add3A_520 = arith.addi %iota3A, %add3A_519 : vector<16xi32>
      %swap3A_521 = arith.constant 320 : index
      %swap3A_522 = tpu.vector_load %arg13[%swap3A_521] {strides = array<i32>} : memref<512xi32, #tpu.memory_space<vmem>>, vector<16xi32>,
      tpu.vector_store %arg13[%swap3A_521], %add3A_520 {strides = array<i32>} : memref<512xi32, #tpu.memory_space<vmem>>, vector<16xi32>,
      %add3A_523 = arith.constant 336 : i32
      %add3A_524 = arith.addi %add3A_388, %add3A_523 : i32
      %add3A_525 = vector.broadcast %add3A_524 : i32 to vector<16xi32>
      %add3A_526 = arith.addi %iota3A, %add3A_525 : vector<16xi32>
      %swap3A_527 = arith.constant 336 : index
      %swap3A_528 = tpu.vector_load %arg13[%swap3A_527] {strides = array<i32>} : memref<512xi32, #tpu.memory_space<vmem>>, vector<16xi32>,
      tpu.vector_store %arg13[%swap3A_527], %add3A_526 {strides = array<i32>} : memref<512xi32, #tpu.memory_space<vmem>>, vector<16xi32>,
      %add3A_529 = arith.constant 352 : i32
      %add3A_530 = arith.addi %add3A_388, %add3A_529 : i32
      %add3A_531 = vector.broadcast %add3A_530 : i32 to vector<16xi32>
      %add3A_532 = arith.addi %iota3A, %add3A_531 : vector<16xi32>
      %swap3A_533 = arith.constant 352 : index
      %swap3A_534 = tpu.vector_load %arg13[%swap3A_533] {strides = array<i32>} : memref<512xi32, #tpu.memory_space<vmem>>, vector<16xi32>,
      tpu.vector_store %arg13[%swap3A_533], %add3A_532 {strides = array<i32>} : memref<512xi32, #tpu.memory_space<vmem>>, vector<16xi32>,
      %add3A_535 = arith.constant 368 : i32
      %add3A_536 = arith.addi %add3A_388, %add3A_535 : i32
      %add3A_537 = vector.broadcast %add3A_536 : i32 to vector<16xi32>
      %add3A_538 = arith.addi %iota3A, %add3A_537 : vector<16xi32>
      %swap3A_539 = arith.constant 368 : index
      %swap3A_540 = tpu.vector_load %arg13[%swap3A_539] {strides = array<i32>} : memref<512xi32, #tpu.memory_space<vmem>>, vector<16xi32>,
      tpu.vector_store %arg13[%swap3A_539], %add3A_538 {strides = array<i32>} : memref<512xi32, #tpu.memory_space<vmem>>, vector<16xi32>,
      %add3A_541 = arith.constant 384 : i32
      %add3A_542 = arith.addi %add3A_388, %add3A_541 : i32
      %add3A_543 = vector.broadcast %add3A_542 : i32 to vector<16xi32>
      %add3A_544 = arith.addi %iota3A, %add3A_543 : vector<16xi32>
      %swap3A_545 = arith.constant 384 : index
      %swap3A_546 = tpu.vector_load %arg13[%swap3A_545] {strides = array<i32>} : memref<512xi32, #tpu.memory_space<vmem>>, vector<16xi32>,
      tpu.vector_store %arg13[%swap3A_545], %add3A_544 {strides = array<i32>} : memref<512xi32, #tpu.memory_space<vmem>>, vector<16xi32>,
      %add3A_547 = arith.constant 400 : i32
      %add3A_548 = arith.addi %add3A_388, %add3A_547 : i32
      %add3A_549 = vector.broadcast %add3A_548 : i32 to vector<16xi32>
      %add3A_550 = arith.addi %iota3A, %add3A_549 : vector<16xi32>
      %swap3A_551 = arith.constant 400 : index
      %swap3A_552 = tpu.vector_load %arg13[%swap3A_551] {strides = array<i32>} : memref<512xi32, #tpu.memory_space<vmem>>, vector<16xi32>,
      tpu.vector_store %arg13[%swap3A_551], %add3A_550 {strides = array<i32>} : memref<512xi32, #tpu.memory_space<vmem>>, vector<16xi32>,
      %add3A_553 = arith.constant 416 : i32
      %add3A_554 = arith.addi %add3A_388, %add3A_553 : i32
      %add3A_555 = vector.broadcast %add3A_554 : i32 to vector<16xi32>
      %add3A_556 = arith.addi %iota3A, %add3A_555 : vector<16xi32>
      %swap3A_557 = arith.constant 416 : index
      %swap3A_558 = tpu.vector_load %arg13[%swap3A_557] {strides = array<i32>} : memref<512xi32, #tpu.memory_space<vmem>>, vector<16xi32>,
      tpu.vector_store %arg13[%swap3A_557], %add3A_556 {strides = array<i32>} : memref<512xi32, #tpu.memory_space<vmem>>, vector<16xi32>,
      %add3A_559 = arith.constant 432 : i32
      %add3A_560 = arith.addi %add3A_388, %add3A_559 : i32
      %add3A_561 = vector.broadcast %add3A_560 : i32 to vector<16xi32>
      %add3A_562 = arith.addi %iota3A, %add3A_561 : vector<16xi32>
      %swap3A_563 = arith.constant 432 : index
      %swap3A_564 = tpu.vector_load %arg13[%swap3A_563] {strides = array<i32>} : memref<512xi32, #tpu.memory_space<vmem>>, vector<16xi32>,
      tpu.vector_store %arg13[%swap3A_563], %add3A_562 {strides = array<i32>} : memref<512xi32, #tpu.memory_space<vmem>>, vector<16xi32>,
      %add3A_565 = arith.constant 448 : i32
      %add3A_566 = arith.addi %add3A_388, %add3A_565 : i32
      %add3A_567 = vector.broadcast %add3A_566 : i32 to vector<16xi32>
      %add3A_568 = arith.addi %iota3A, %add3A_567 : vector<16xi32>
      %swap3A_569 = arith.constant 448 : index
      %swap3A_570 = tpu.vector_load %arg13[%swap3A_569] {strides = array<i32>} : memref<512xi32, #tpu.memory_space<vmem>>, vector<16xi32>,
      tpu.vector_store %arg13[%swap3A_569], %add3A_568 {strides = array<i32>} : memref<512xi32, #tpu.memory_space<vmem>>, vector<16xi32>,
      %add3A_571 = arith.constant 464 : i32
      %add3A_572 = arith.addi %add3A_388, %add3A_571 : i32
      %add3A_573 = vector.broadcast %add3A_572 : i32 to vector<16xi32>
      %add3A_574 = arith.addi %iota3A, %add3A_573 : vector<16xi32>
      %swap3A_575 = arith.constant 464 : index
      %swap3A_576 = tpu.vector_load %arg13[%swap3A_575] {strides = array<i32>} : memref<512xi32, #tpu.memory_space<vmem>>, vector<16xi32>,
      tpu.vector_store %arg13[%swap3A_575], %add3A_574 {strides = array<i32>} : memref<512xi32, #tpu.memory_space<vmem>>, vector<16xi32>,
      %add3A_577 = arith.constant 480 : i32
      %add3A_578 = arith.addi %add3A_388, %add3A_577 : i32
      %add3A_579 = vector.broadcast %add3A_578 : i32 to vector<16xi32>
      %add3A_580 = arith.addi %iota3A, %add3A_579 : vector<16xi32>
      %swap3A_581 = arith.constant 480 : index
      %swap3A_582 = tpu.vector_load %arg13[%swap3A_581] {strides = array<i32>} : memref<512xi32, #tpu.memory_space<vmem>>, vector<16xi32>,
      tpu.vector_store %arg13[%swap3A_581], %add3A_580 {strides = array<i32>} : memref<512xi32, #tpu.memory_space<vmem>>, vector<16xi32>,
      %add3A_583 = arith.constant 496 : i32
      %add3A_584 = arith.addi %add3A_388, %add3A_583 : i32
      %add3A_585 = vector.broadcast %add3A_584 : i32 to vector<16xi32>
      %add3A_586 = arith.addi %iota3A, %add3A_585 : vector<16xi32>
      %swap3A_587 = arith.constant 496 : index
      %swap3A_588 = tpu.vector_load %arg13[%swap3A_587] {strides = array<i32>} : memref<512xi32, #tpu.memory_space<vmem>>, vector<16xi32>,
      tpu.vector_store %arg13[%swap3A_587], %add3A_586 {strides = array<i32>} : memref<512xi32, #tpu.memory_space<vmem>>, vector<16xi32>,
      "tpu.region"() ({
        %run_scoped3A = tpu.sem_alloc : memref<!tpu.dma_semaphore, #tpu.memory_space<semaphore_mem>>
        %dma_start3A = arith.constant 0 : i32
        %dma_start3A_590 = tpu.memref_slice %arg11[%dma_start3A] : memref<81920xf32, #tpu.memory_space<vmem_shared>> -> memref<81920xf32, #tpu.memory_space<vmem_shared>>
        tpu.enqueue_indirect_dma source(%arg12 : memref<512xf32, #tpu.memory_space<vmem>>) target(%dma_start3A_590 : memref<81920xf32, #tpu.memory_space<vmem_shared>>) offsets(%arg13 : memref<512xi32, #tpu.memory_space<vmem>>) semaphore(%run_scoped3A : memref<!tpu.dma_semaphore, #tpu.memory_space<semaphore_mem>>)
        %dma_wait3A = arith.constant 0 : i32
        %dma_wait3A_591 = tpu.memref_slice %arg11[%dma_wait3A] : memref<81920xf32, #tpu.memory_space<vmem_shared>> -> memref<81920xf32, #tpu.memory_space<vmem_shared>>
        tpu.wait_indirect_dma semaphore(%run_scoped3A : memref<!tpu.dma_semaphore, #tpu.memory_space<semaphore_mem>>) src(%arg12 : memref<512xf32, #tpu.memory_space<vmem>>) dst(%dma_wait3A_591 : memref<81920xf32, #tpu.memory_space<vmem_shared>>)
        tpu.yield
      }) : () -> ()
      %scan3A_589 = arith.constant 0 : i32
      scf.yield %scan3A_589 : i32
    }
    %scan3A_51 = arith.constant 10 : i32
    %scan3A_52 = arith.constant 0 : i32
    %scan3A_53 = arith.constant 0 : i32
    %scan3A_54 = arith.constant 32 : i32
    %scan3A_55 = arith.addi %scan3A_53, %scan3A_54 : i32
    %scan3A_56 = arith.constant 1 : i32
    %scan3A_57 = scf.for %scan3A_382 = %scan3A_53 to %scan3A_55 step %scan3A_56 iter_args(%scan3A_383 = %scan3A_52) -> (i32)  : i32 {
      %mul3A_384 = arith.constant 16 : i32
      %mul3A_385 = arith.muli %mul3A_384, %scan3A_382 : i32
      %swap3A_386 = arith.index_cast %mul3A_385 : i32 to index
      %swap3A_387 = tpu.vector_load %arg12[%swap3A_386] {strides = array<i32>} : memref<512xf32, #tpu.memory_space<vmem>>, vector<16xf32>,
      tpu.vector_store %arg12[%swap3A_386], %broadcast_in_dim3A_43 {strides = array<i32>} : memref<512xf32, #tpu.memory_space<vmem>>, vector<16xf32>,
      %scan3A_388 = arith.constant 0 : i32
      scf.yield %scan3A_388 : i32
    }
    %scan3A_58 = arith.constant 32 : i32
    %scan3A_59 = arith.constant 0 : i32
    %scan3A_60 = arith.constant 0 : i32
    %scan3A_61 = arith.constant 10 : i32
    %scan3A_62 = arith.addi %scan3A_60, %scan3A_61 : i32
    %scan3A_63 = arith.constant 1 : i32
    %scan3A_64 = scf.for %scan3A_382 = %scan3A_60 to %scan3A_62 step %scan3A_63 iter_args(%scan3A_383 = %scan3A_59) -> (i32)  : i32 {
      %mul3A_384 = arith.constant 8 : i32
      %mul3A_385 = arith.muli %mul3A_0, %mul3A_384 : i32
      %mul3A_386 = arith.constant 512 : i32
      %mul3A_387 = arith.muli %scan3A_382, %mul3A_386 : i32
      %add3A_388 = arith.addi %mul3A_385, %mul3A_387 : i32
      %add3A_389 = arith.constant 0 : i32
      %add3A_390 = arith.addi %add3A_388, %add3A_389 : i32
      %add3A_391 = vector.broadcast %add3A_390 : i32 to vector<16xi32>
      %add3A_392 = arith.addi %iota3A, %add3A_391 : vector<16xi32>
      %swap3A_393 = arith.constant 0 : index
      %swap3A_394 = tpu.vector_load %arg13[%swap3A_393] {strides = array<i32>} : memref<512xi32, #tpu.memory_space<vmem>>, vector<16xi32>,
      tpu.vector_store %arg13[%swap3A_393], %add3A_392 {strides = array<i32>} : memref<512xi32, #tpu.memory_space<vmem>>, vector<16xi32>,
      %add3A_395 = arith.constant 16 : i32
      %add3A_396 = arith.addi %add3A_388, %add3A_395 : i32
      %add3A_397 = vector.broadcast %add3A_396 : i32 to vector<16xi32>
      %add3A_398 = arith.addi %iota3A, %add3A_397 : vector<16xi32>
      %swap3A_399 = arith.constant 16 : index
      %swap3A_400 = tpu.vector_load %arg13[%swap3A_399] {strides = array<i32>} : memref<512xi32, #tpu.memory_space<vmem>>, vector<16xi32>,
      tpu.vector_store %arg13[%swap3A_399], %add3A_398 {strides = array<i32>} : memref<512xi32, #tpu.memory_space<vmem>>, vector<16xi32>,
      %add3A_401 = arith.constant 32 : i32
      %add3A_402 = arith.addi %add3A_388, %add3A_401 : i32
      %add3A_403 = vector.broadcast %add3A_402 : i32 to vector<16xi32>
      %add3A_404 = arith.addi %iota3A, %add3A_403 : vector<16xi32>
      %swap3A_405 = arith.constant 32 : index
      %swap3A_406 = tpu.vector_load %arg13[%swap3A_405] {strides = array<i32>} : memref<512xi32, #tpu.memory_space<vmem>>, vector<16xi32>,
      tpu.vector_store %arg13[%swap3A_405], %add3A_404 {strides = array<i32>} : memref<512xi32, #tpu.memory_space<vmem>>, vector<16xi32>,
      %add3A_407 = arith.constant 48 : i32
      %add3A_408 = arith.addi %add3A_388, %add3A_407 : i32
      %add3A_409 = vector.broadcast %add3A_408 : i32 to vector<16xi32>
      %add3A_410 = arith.addi %iota3A, %add3A_409 : vector<16xi32>
      %swap3A_411 = arith.constant 48 : index
      %swap3A_412 = tpu.vector_load %arg13[%swap3A_411] {strides = array<i32>} : memref<512xi32, #tpu.memory_space<vmem>>, vector<16xi32>,
      tpu.vector_store %arg13[%swap3A_411], %add3A_410 {strides = array<i32>} : memref<512xi32, #tpu.memory_space<vmem>>, vector<16xi32>,
      %add3A_413 = arith.constant 64 : i32
      %add3A_414 = arith.addi %add3A_388, %add3A_413 : i32
      %add3A_415 = vector.broadcast %add3A_414 : i32 to vector<16xi32>
      %add3A_416 = arith.addi %iota3A, %add3A_415 : vector<16xi32>
      %swap3A_417 = arith.constant 64 : index
      %swap3A_418 = tpu.vector_load %arg13[%swap3A_417] {strides = array<i32>} : memref<512xi32, #tpu.memory_space<vmem>>, vector<16xi32>,
      tpu.vector_store %arg13[%swap3A_417], %add3A_416 {strides = array<i32>} : memref<512xi32, #tpu.memory_space<vmem>>, vector<16xi32>,
      %add3A_419 = arith.constant 80 : i32
      %add3A_420 = arith.addi %add3A_388, %add3A_419 : i32
      %add3A_421 = vector.broadcast %add3A_420 : i32 to vector<16xi32>
      %add3A_422 = arith.addi %iota3A, %add3A_421 : vector<16xi32>
      %swap3A_423 = arith.constant 80 : index
      %swap3A_424 = tpu.vector_load %arg13[%swap3A_423] {strides = array<i32>} : memref<512xi32, #tpu.memory_space<vmem>>, vector<16xi32>,
      tpu.vector_store %arg13[%swap3A_423], %add3A_422 {strides = array<i32>} : memref<512xi32, #tpu.memory_space<vmem>>, vector<16xi32>,
      %add3A_425 = arith.constant 96 : i32
      %add3A_426 = arith.addi %add3A_388, %add3A_425 : i32
      %add3A_427 = vector.broadcast %add3A_426 : i32 to vector<16xi32>
      %add3A_428 = arith.addi %iota3A, %add3A_427 : vector<16xi32>
      %swap3A_429 = arith.constant 96 : index
      %swap3A_430 = tpu.vector_load %arg13[%swap3A_429] {strides = array<i32>} : memref<512xi32, #tpu.memory_space<vmem>>, vector<16xi32>,
      tpu.vector_store %arg13[%swap3A_429], %add3A_428 {strides = array<i32>} : memref<512xi32, #tpu.memory_space<vmem>>, vector<16xi32>,
      %add3A_431 = arith.constant 112 : i32
      %add3A_432 = arith.addi %add3A_388, %add3A_431 : i32
      %add3A_433 = vector.broadcast %add3A_432 : i32 to vector<16xi32>
      %add3A_434 = arith.addi %iota3A, %add3A_433 : vector<16xi32>
      %swap3A_435 = arith.constant 112 : index
      %swap3A_436 = tpu.vector_load %arg13[%swap3A_435] {strides = array<i32>} : memref<512xi32, #tpu.memory_space<vmem>>, vector<16xi32>,
      tpu.vector_store %arg13[%swap3A_435], %add3A_434 {strides = array<i32>} : memref<512xi32, #tpu.memory_space<vmem>>, vector<16xi32>,
      %add3A_437 = arith.constant 128 : i32
      %add3A_438 = arith.addi %add3A_388, %add3A_437 : i32
      %add3A_439 = vector.broadcast %add3A_438 : i32 to vector<16xi32>
      %add3A_440 = arith.addi %iota3A, %add3A_439 : vector<16xi32>
      %swap3A_441 = arith.constant 128 : index
      %swap3A_442 = tpu.vector_load %arg13[%swap3A_441] {strides = array<i32>} : memref<512xi32, #tpu.memory_space<vmem>>, vector<16xi32>,
      tpu.vector_store %arg13[%swap3A_441], %add3A_440 {strides = array<i32>} : memref<512xi32, #tpu.memory_space<vmem>>, vector<16xi32>,
      %add3A_443 = arith.constant 144 : i32
      %add3A_444 = arith.addi %add3A_388, %add3A_443 : i32
      %add3A_445 = vector.broadcast %add3A_444 : i32 to vector<16xi32>
      %add3A_446 = arith.addi %iota3A, %add3A_445 : vector<16xi32>
      %swap3A_447 = arith.constant 144 : index
      %swap3A_448 = tpu.vector_load %arg13[%swap3A_447] {strides = array<i32>} : memref<512xi32, #tpu.memory_space<vmem>>, vector<16xi32>,
      tpu.vector_store %arg13[%swap3A_447], %add3A_446 {strides = array<i32>} : memref<512xi32, #tpu.memory_space<vmem>>, vector<16xi32>,
      %add3A_449 = arith.constant 160 : i32
      %add3A_450 = arith.addi %add3A_388, %add3A_449 : i32
      %add3A_451 = vector.broadcast %add3A_450 : i32 to vector<16xi32>
      %add3A_452 = arith.addi %iota3A, %add3A_451 : vector<16xi32>
      %swap3A_453 = arith.constant 160 : index
      %swap3A_454 = tpu.vector_load %arg13[%swap3A_453] {strides = array<i32>} : memref<512xi32, #tpu.memory_space<vmem>>, vector<16xi32>,
      tpu.vector_store %arg13[%swap3A_453], %add3A_452 {strides = array<i32>} : memref<512xi32, #tpu.memory_space<vmem>>, vector<16xi32>,
      %add3A_455 = arith.constant 176 : i32
      %add3A_456 = arith.addi %add3A_388, %add3A_455 : i32
      %add3A_457 = vector.broadcast %add3A_456 : i32 to vector<16xi32>
      %add3A_458 = arith.addi %iota3A, %add3A_457 : vector<16xi32>
      %swap3A_459 = arith.constant 176 : index
      %swap3A_460 = tpu.vector_load %arg13[%swap3A_459] {strides = array<i32>} : memref<512xi32, #tpu.memory_space<vmem>>, vector<16xi32>,
      tpu.vector_store %arg13[%swap3A_459], %add3A_458 {strides = array<i32>} : memref<512xi32, #tpu.memory_space<vmem>>, vector<16xi32>,
      %add3A_461 = arith.constant 192 : i32
      %add3A_462 = arith.addi %add3A_388, %add3A_461 : i32
      %add3A_463 = vector.broadcast %add3A_462 : i32 to vector<16xi32>
      %add3A_464 = arith.addi %iota3A, %add3A_463 : vector<16xi32>
      %swap3A_465 = arith.constant 192 : index
      %swap3A_466 = tpu.vector_load %arg13[%swap3A_465] {strides = array<i32>} : memref<512xi32, #tpu.memory_space<vmem>>, vector<16xi32>,
      tpu.vector_store %arg13[%swap3A_465], %add3A_464 {strides = array<i32>} : memref<512xi32, #tpu.memory_space<vmem>>, vector<16xi32>,
      %add3A_467 = arith.constant 208 : i32
      %add3A_468 = arith.addi %add3A_388, %add3A_467 : i32
      %add3A_469 = vector.broadcast %add3A_468 : i32 to vector<16xi32>
      %add3A_470 = arith.addi %iota3A, %add3A_469 : vector<16xi32>
      %swap3A_471 = arith.constant 208 : index
      %swap3A_472 = tpu.vector_load %arg13[%swap3A_471] {strides = array<i32>} : memref<512xi32, #tpu.memory_space<vmem>>, vector<16xi32>,
      tpu.vector_store %arg13[%swap3A_471], %add3A_470 {strides = array<i32>} : memref<512xi32, #tpu.memory_space<vmem>>, vector<16xi32>,
      %add3A_473 = arith.constant 224 : i32
      %add3A_474 = arith.addi %add3A_388, %add3A_473 : i32
      %add3A_475 = vector.broadcast %add3A_474 : i32 to vector<16xi32>
      %add3A_476 = arith.addi %iota3A, %add3A_475 : vector<16xi32>
      %swap3A_477 = arith.constant 224 : index
      %swap3A_478 = tpu.vector_load %arg13[%swap3A_477] {strides = array<i32>} : memref<512xi32, #tpu.memory_space<vmem>>, vector<16xi32>,
      tpu.vector_store %arg13[%swap3A_477], %add3A_476 {strides = array<i32>} : memref<512xi32, #tpu.memory_space<vmem>>, vector<16xi32>,
      %add3A_479 = arith.constant 240 : i32
      %add3A_480 = arith.addi %add3A_388, %add3A_479 : i32
      %add3A_481 = vector.broadcast %add3A_480 : i32 to vector<16xi32>
      %add3A_482 = arith.addi %iota3A, %add3A_481 : vector<16xi32>
      %swap3A_483 = arith.constant 240 : index
      %swap3A_484 = tpu.vector_load %arg13[%swap3A_483] {strides = array<i32>} : memref<512xi32, #tpu.memory_space<vmem>>, vector<16xi32>,
      tpu.vector_store %arg13[%swap3A_483], %add3A_482 {strides = array<i32>} : memref<512xi32, #tpu.memory_space<vmem>>, vector<16xi32>,
      %add3A_485 = arith.constant 256 : i32
      %add3A_486 = arith.addi %add3A_388, %add3A_485 : i32
      %add3A_487 = vector.broadcast %add3A_486 : i32 to vector<16xi32>
      %add3A_488 = arith.addi %iota3A, %add3A_487 : vector<16xi32>
      %swap3A_489 = arith.constant 256 : index
      %swap3A_490 = tpu.vector_load %arg13[%swap3A_489] {strides = array<i32>} : memref<512xi32, #tpu.memory_space<vmem>>, vector<16xi32>,
      tpu.vector_store %arg13[%swap3A_489], %add3A_488 {strides = array<i32>} : memref<512xi32, #tpu.memory_space<vmem>>, vector<16xi32>,
      %add3A_491 = arith.constant 272 : i32
      %add3A_492 = arith.addi %add3A_388, %add3A_491 : i32
      %add3A_493 = vector.broadcast %add3A_492 : i32 to vector<16xi32>
      %add3A_494 = arith.addi %iota3A, %add3A_493 : vector<16xi32>
      %swap3A_495 = arith.constant 272 : index
      %swap3A_496 = tpu.vector_load %arg13[%swap3A_495] {strides = array<i32>} : memref<512xi32, #tpu.memory_space<vmem>>, vector<16xi32>,
      tpu.vector_store %arg13[%swap3A_495], %add3A_494 {strides = array<i32>} : memref<512xi32, #tpu.memory_space<vmem>>, vector<16xi32>,
      %add3A_497 = arith.constant 288 : i32
      %add3A_498 = arith.addi %add3A_388, %add3A_497 : i32
      %add3A_499 = vector.broadcast %add3A_498 : i32 to vector<16xi32>
      %add3A_500 = arith.addi %iota3A, %add3A_499 : vector<16xi32>
      %swap3A_501 = arith.constant 288 : index
      %swap3A_502 = tpu.vector_load %arg13[%swap3A_501] {strides = array<i32>} : memref<512xi32, #tpu.memory_space<vmem>>, vector<16xi32>,
      tpu.vector_store %arg13[%swap3A_501], %add3A_500 {strides = array<i32>} : memref<512xi32, #tpu.memory_space<vmem>>, vector<16xi32>,
      %add3A_503 = arith.constant 304 : i32
      %add3A_504 = arith.addi %add3A_388, %add3A_503 : i32
      %add3A_505 = vector.broadcast %add3A_504 : i32 to vector<16xi32>
      %add3A_506 = arith.addi %iota3A, %add3A_505 : vector<16xi32>
      %swap3A_507 = arith.constant 304 : index
      %swap3A_508 = tpu.vector_load %arg13[%swap3A_507] {strides = array<i32>} : memref<512xi32, #tpu.memory_space<vmem>>, vector<16xi32>,
      tpu.vector_store %arg13[%swap3A_507], %add3A_506 {strides = array<i32>} : memref<512xi32, #tpu.memory_space<vmem>>, vector<16xi32>,
      %add3A_509 = arith.constant 320 : i32
      %add3A_510 = arith.addi %add3A_388, %add3A_509 : i32
      %add3A_511 = vector.broadcast %add3A_510 : i32 to vector<16xi32>
      %add3A_512 = arith.addi %iota3A, %add3A_511 : vector<16xi32>
      %swap3A_513 = arith.constant 320 : index
      %swap3A_514 = tpu.vector_load %arg13[%swap3A_513] {strides = array<i32>} : memref<512xi32, #tpu.memory_space<vmem>>, vector<16xi32>,
      tpu.vector_store %arg13[%swap3A_513], %add3A_512 {strides = array<i32>} : memref<512xi32, #tpu.memory_space<vmem>>, vector<16xi32>,
      %add3A_515 = arith.constant 336 : i32
      %add3A_516 = arith.addi %add3A_388, %add3A_515 : i32
      %add3A_517 = vector.broadcast %add3A_516 : i32 to vector<16xi32>
      %add3A_518 = arith.addi %iota3A, %add3A_517 : vector<16xi32>
      %swap3A_519 = arith.constant 336 : index
      %swap3A_520 = tpu.vector_load %arg13[%swap3A_519] {strides = array<i32>} : memref<512xi32, #tpu.memory_space<vmem>>, vector<16xi32>,
      tpu.vector_store %arg13[%swap3A_519], %add3A_518 {strides = array<i32>} : memref<512xi32, #tpu.memory_space<vmem>>, vector<16xi32>,
      %add3A_521 = arith.constant 352 : i32
      %add3A_522 = arith.addi %add3A_388, %add3A_521 : i32
      %add3A_523 = vector.broadcast %add3A_522 : i32 to vector<16xi32>
      %add3A_524 = arith.addi %iota3A, %add3A_523 : vector<16xi32>
      %swap3A_525 = arith.constant 352 : index
      %swap3A_526 = tpu.vector_load %arg13[%swap3A_525] {strides = array<i32>} : memref<512xi32, #tpu.memory_space<vmem>>, vector<16xi32>,
      tpu.vector_store %arg13[%swap3A_525], %add3A_524 {strides = array<i32>} : memref<512xi32, #tpu.memory_space<vmem>>, vector<16xi32>,
      %add3A_527 = arith.constant 368 : i32
      %add3A_528 = arith.addi %add3A_388, %add3A_527 : i32
      %add3A_529 = vector.broadcast %add3A_528 : i32 to vector<16xi32>
      %add3A_530 = arith.addi %iota3A, %add3A_529 : vector<16xi32>
      %swap3A_531 = arith.constant 368 : index
      %swap3A_532 = tpu.vector_load %arg13[%swap3A_531] {strides = array<i32>} : memref<512xi32, #tpu.memory_space<vmem>>, vector<16xi32>,
      tpu.vector_store %arg13[%swap3A_531], %add3A_530 {strides = array<i32>} : memref<512xi32, #tpu.memory_space<vmem>>, vector<16xi32>,
      %add3A_533 = arith.constant 384 : i32
      %add3A_534 = arith.addi %add3A_388, %add3A_533 : i32
      %add3A_535 = vector.broadcast %add3A_534 : i32 to vector<16xi32>
      %add3A_536 = arith.addi %iota3A, %add3A_535 : vector<16xi32>
      %swap3A_537 = arith.constant 384 : index
      %swap3A_538 = tpu.vector_load %arg13[%swap3A_537] {strides = array<i32>} : memref<512xi32, #tpu.memory_space<vmem>>, vector<16xi32>,
      tpu.vector_store %arg13[%swap3A_537], %add3A_536 {strides = array<i32>} : memref<512xi32, #tpu.memory_space<vmem>>, vector<16xi32>,
      %add3A_539 = arith.constant 400 : i32
      %add3A_540 = arith.addi %add3A_388, %add3A_539 : i32
      %add3A_541 = vector.broadcast %add3A_540 : i32 to vector<16xi32>
      %add3A_542 = arith.addi %iota3A, %add3A_541 : vector<16xi32>
      %swap3A_543 = arith.constant 400 : index
      %swap3A_544 = tpu.vector_load %arg13[%swap3A_543] {strides = array<i32>} : memref<512xi32, #tpu.memory_space<vmem>>, vector<16xi32>,
      tpu.vector_store %arg13[%swap3A_543], %add3A_542 {strides = array<i32>} : memref<512xi32, #tpu.memory_space<vmem>>, vector<16xi32>,
      %add3A_545 = arith.constant 416 : i32
      %add3A_546 = arith.addi %add3A_388, %add3A_545 : i32
      %add3A_547 = vector.broadcast %add3A_546 : i32 to vector<16xi32>
      %add3A_548 = arith.addi %iota3A, %add3A_547 : vector<16xi32>
      %swap3A_549 = arith.constant 416 : index
      %swap3A_550 = tpu.vector_load %arg13[%swap3A_549] {strides = array<i32>} : memref<512xi32, #tpu.memory_space<vmem>>, vector<16xi32>,
      tpu.vector_store %arg13[%swap3A_549], %add3A_548 {strides = array<i32>} : memref<512xi32, #tpu.memory_space<vmem>>, vector<16xi32>,
      %add3A_551 = arith.constant 432 : i32
      %add3A_552 = arith.addi %add3A_388, %add3A_551 : i32
      %add3A_553 = vector.broadcast %add3A_552 : i32 to vector<16xi32>
      %add3A_554 = arith.addi %iota3A, %add3A_553 : vector<16xi32>
      %swap3A_555 = arith.constant 432 : index
      %swap3A_556 = tpu.vector_load %arg13[%swap3A_555] {strides = array<i32>} : memref<512xi32, #tpu.memory_space<vmem>>, vector<16xi32>,
      tpu.vector_store %arg13[%swap3A_555], %add3A_554 {strides = array<i32>} : memref<512xi32, #tpu.memory_space<vmem>>, vector<16xi32>,
      %add3A_557 = arith.constant 448 : i32
      %add3A_558 = arith.addi %add3A_388, %add3A_557 : i32
      %add3A_559 = vector.broadcast %add3A_558 : i32 to vector<16xi32>
      %add3A_560 = arith.addi %iota3A, %add3A_559 : vector<16xi32>
      %swap3A_561 = arith.constant 448 : index
      %swap3A_562 = tpu.vector_load %arg13[%swap3A_561] {strides = array<i32>} : memref<512xi32, #tpu.memory_space<vmem>>, vector<16xi32>,
      tpu.vector_store %arg13[%swap3A_561], %add3A_560 {strides = array<i32>} : memref<512xi32, #tpu.memory_space<vmem>>, vector<16xi32>,
      %add3A_563 = arith.constant 464 : i32
      %add3A_564 = arith.addi %add3A_388, %add3A_563 : i32
      %add3A_565 = vector.broadcast %add3A_564 : i32 to vector<16xi32>
      %add3A_566 = arith.addi %iota3A, %add3A_565 : vector<16xi32>
      %swap3A_567 = arith.constant 464 : index
      %swap3A_568 = tpu.vector_load %arg13[%swap3A_567] {strides = array<i32>} : memref<512xi32, #tpu.memory_space<vmem>>, vector<16xi32>,
      tpu.vector_store %arg13[%swap3A_567], %add3A_566 {strides = array<i32>} : memref<512xi32, #tpu.memory_space<vmem>>, vector<16xi32>,
      %add3A_569 = arith.constant 480 : i32
      %add3A_570 = arith.addi %add3A_388, %add3A_569 : i32
      %add3A_571 = vector.broadcast %add3A_570 : i32 to vector<16xi32>
      %add3A_572 = arith.addi %iota3A, %add3A_571 : vector<16xi32>
      %swap3A_573 = arith.constant 480 : index
      %swap3A_574 = tpu.vector_load %arg13[%swap3A_573] {strides = array<i32>} : memref<512xi32, #tpu.memory_space<vmem>>, vector<16xi32>,
      tpu.vector_store %arg13[%swap3A_573], %add3A_572 {strides = array<i32>} : memref<512xi32, #tpu.memory_space<vmem>>, vector<16xi32>,
      %add3A_575 = arith.constant 496 : i32
      %add3A_576 = arith.addi %add3A_388, %add3A_575 : i32
      %add3A_577 = vector.broadcast %add3A_576 : i32 to vector<16xi32>
      %add3A_578 = arith.addi %iota3A, %add3A_577 : vector<16xi32>
      %swap3A_579 = arith.constant 496 : index
      %swap3A_580 = tpu.vector_load %arg13[%swap3A_579] {strides = array<i32>} : memref<512xi32, #tpu.memory_space<vmem>>, vector<16xi32>,
      tpu.vector_store %arg13[%swap3A_579], %add3A_578 {strides = array<i32>} : memref<512xi32, #tpu.memory_space<vmem>>, vector<16xi32>,
      "tpu.region"() ({
        %run_scoped3A = tpu.sem_alloc : memref<!tpu.dma_semaphore, #tpu.memory_space<semaphore_mem>>
        %dma_start3A = arith.constant 0 : i32
        %dma_start3A_582 = tpu.memref_slice %arg10[%dma_start3A] : memref<81920xf32, #tpu.memory_space<vmem_shared>> -> memref<81920xf32, #tpu.memory_space<vmem_shared>>
        tpu.enqueue_indirect_dma source(%arg12 : memref<512xf32, #tpu.memory_space<vmem>>) target(%dma_start3A_582 : memref<81920xf32, #tpu.memory_space<vmem_shared>>) offsets(%arg13 : memref<512xi32, #tpu.memory_space<vmem>>) semaphore(%run_scoped3A : memref<!tpu.dma_semaphore, #tpu.memory_space<semaphore_mem>>)
        %dma_wait3A = arith.constant 0 : i32
        %dma_wait3A_583 = tpu.memref_slice %arg10[%dma_wait3A] : memref<81920xf32, #tpu.memory_space<vmem_shared>> -> memref<81920xf32, #tpu.memory_space<vmem_shared>>
        tpu.wait_indirect_dma semaphore(%run_scoped3A : memref<!tpu.dma_semaphore, #tpu.memory_space<semaphore_mem>>) src(%arg12 : memref<512xf32, #tpu.memory_space<vmem>>) dst(%dma_wait3A_583 : memref<81920xf32, #tpu.memory_space<vmem_shared>>)
        tpu.yield
      }) : () -> ()
      %scan3A_581 = arith.constant 0 : i32
      scf.yield %scan3A_581 : i32
    }
    %scan3A_65 = arith.constant 10 : i32
    %scan3A_66 = arith.constant 0 : i32
    %scan3A_67 = arith.constant 0 : i32
    %scan3A_68 = arith.constant 192 : i32
    %scan3A_69 = arith.addi %scan3A_67, %scan3A_68 : i32
    %scan3A_70 = arith.constant 1 : i32
    %scan3A_71 = scf.for %scan3A_382 = %scan3A_67 to %scan3A_69 step %scan3A_70 iter_args(%scan3A_383 = %scan3A_66) -> (i32)  : i32 {
      %swap3A_384 = arith.index_cast %scan3A_382 : i32 to index
      %swap3A_385 = arith.constant 0 : index
      %swap3A_386 = tpu.vector_load %arg21[%swap3A_384, %swap3A_385] {strides = array<i32>} : memref<192x128xf32, #tpu.memory_space<vmem>>, vector<16xf32>,
      tpu.vector_store %arg21[%swap3A_384, %swap3A_385], %broadcast_in_dim3A_43 {strides = array<i32>} : memref<192x128xf32, #tpu.memory_space<vmem>>, vector<16xf32>,
      %swap3A_387 = arith.index_cast %scan3A_382 : i32 to index
      %swap3A_388 = arith.constant 16 : index
      %swap3A_389 = tpu.vector_load %arg21[%swap3A_387, %swap3A_388] {strides = array<i32>} : memref<192x128xf32, #tpu.memory_space<vmem>>, vector<16xf32>,
      tpu.vector_store %arg21[%swap3A_387, %swap3A_388], %broadcast_in_dim3A_43 {strides = array<i32>} : memref<192x128xf32, #tpu.memory_space<vmem>>, vector<16xf32>,
      %swap3A_390 = arith.index_cast %scan3A_382 : i32 to index
      %swap3A_391 = arith.constant 32 : index
      %swap3A_392 = tpu.vector_load %arg21[%swap3A_390, %swap3A_391] {strides = array<i32>} : memref<192x128xf32, #tpu.memory_space<vmem>>, vector<16xf32>,
      tpu.vector_store %arg21[%swap3A_390, %swap3A_391], %broadcast_in_dim3A_43 {strides = array<i32>} : memref<192x128xf32, #tpu.memory_space<vmem>>, vector<16xf32>,
      %swap3A_393 = arith.index_cast %scan3A_382 : i32 to index
      %swap3A_394 = arith.constant 48 : index
      %swap3A_395 = tpu.vector_load %arg21[%swap3A_393, %swap3A_394] {strides = array<i32>} : memref<192x128xf32, #tpu.memory_space<vmem>>, vector<16xf32>,
      tpu.vector_store %arg21[%swap3A_393, %swap3A_394], %broadcast_in_dim3A_43 {strides = array<i32>} : memref<192x128xf32, #tpu.memory_space<vmem>>, vector<16xf32>,
      %swap3A_396 = arith.index_cast %scan3A_382 : i32 to index
      %swap3A_397 = arith.constant 64 : index
      %swap3A_398 = tpu.vector_load %arg21[%swap3A_396, %swap3A_397] {strides = array<i32>} : memref<192x128xf32, #tpu.memory_space<vmem>>, vector<16xf32>,
      tpu.vector_store %arg21[%swap3A_396, %swap3A_397], %broadcast_in_dim3A_43 {strides = array<i32>} : memref<192x128xf32, #tpu.memory_space<vmem>>, vector<16xf32>,
      %swap3A_399 = arith.index_cast %scan3A_382 : i32 to index
      %swap3A_400 = arith.constant 80 : index
      %swap3A_401 = tpu.vector_load %arg21[%swap3A_399, %swap3A_400] {strides = array<i32>} : memref<192x128xf32, #tpu.memory_space<vmem>>, vector<16xf32>,
      tpu.vector_store %arg21[%swap3A_399, %swap3A_400], %broadcast_in_dim3A_43 {strides = array<i32>} : memref<192x128xf32, #tpu.memory_space<vmem>>, vector<16xf32>,
      %swap3A_402 = arith.index_cast %scan3A_382 : i32 to index
      %swap3A_403 = arith.constant 96 : index
      %swap3A_404 = tpu.vector_load %arg21[%swap3A_402, %swap3A_403] {strides = array<i32>} : memref<192x128xf32, #tpu.memory_space<vmem>>, vector<16xf32>,
      tpu.vector_store %arg21[%swap3A_402, %swap3A_403], %broadcast_in_dim3A_43 {strides = array<i32>} : memref<192x128xf32, #tpu.memory_space<vmem>>, vector<16xf32>,
      %swap3A_405 = arith.index_cast %scan3A_382 : i32 to index
      %swap3A_406 = arith.constant 112 : index
      %swap3A_407 = tpu.vector_load %arg21[%swap3A_405, %swap3A_406] {strides = array<i32>} : memref<192x128xf32, #tpu.memory_space<vmem>>, vector<16xf32>,
      tpu.vector_store %arg21[%swap3A_405, %swap3A_406], %broadcast_in_dim3A_43 {strides = array<i32>} : memref<192x128xf32, #tpu.memory_space<vmem>>, vector<16xf32>,
      %scan3A_408 = arith.constant 0 : i32
      scf.yield %scan3A_408 : i32
    }
    %scan3A_72 = arith.constant 192 : i32
    %add3A_73 = arith.constant 0 : i32
    %add3A_74 = arith.addi %mul3A_0, %add3A_73 : i32
    %add3A_75 = arith.constant 0 : i32
    %add3A_76 = arith.addi %add3A_74, %add3A_75 : i32
    %add3A_77 = vector.broadcast %add3A_76 : i32 to vector<16xi32>
    %add3A_78 = arith.addi %iota3A, %add3A_77 : vector<16xi32>
    %swap3A = arith.constant 0 : index
    %swap3A_79 = tpu.vector_load %arg22[%swap3A] {strides = array<i32>} : memref<192xi32, #tpu.memory_space<vmem>>, vector<16xi32>,
    tpu.vector_store %arg22[%swap3A], %add3A_78 {strides = array<i32>} : memref<192xi32, #tpu.memory_space<vmem>>, vector<16xi32>,
    %add3A_80 = arith.constant 16 : i32
    %add3A_81 = arith.addi %add3A_74, %add3A_80 : i32
    %add3A_82 = vector.broadcast %add3A_81 : i32 to vector<16xi32>
    %add3A_83 = arith.addi %iota3A, %add3A_82 : vector<16xi32>
    %swap3A_84 = arith.constant 16 : index
    %swap3A_85 = tpu.vector_load %arg22[%swap3A_84] {strides = array<i32>} : memref<192xi32, #tpu.memory_space<vmem>>, vector<16xi32>,
    tpu.vector_store %arg22[%swap3A_84], %add3A_83 {strides = array<i32>} : memref<192xi32, #tpu.memory_space<vmem>>, vector<16xi32>,
    %add3A_86 = arith.constant 32 : i32
    %add3A_87 = arith.addi %add3A_74, %add3A_86 : i32
    %add3A_88 = vector.broadcast %add3A_87 : i32 to vector<16xi32>
    %add3A_89 = arith.addi %iota3A, %add3A_88 : vector<16xi32>
    %swap3A_90 = arith.constant 32 : index
    %swap3A_91 = tpu.vector_load %arg22[%swap3A_90] {strides = array<i32>} : memref<192xi32, #tpu.memory_space<vmem>>, vector<16xi32>,
    tpu.vector_store %arg22[%swap3A_90], %add3A_89 {strides = array<i32>} : memref<192xi32, #tpu.memory_space<vmem>>, vector<16xi32>,
    %add3A_92 = arith.constant 48 : i32
    %add3A_93 = arith.addi %add3A_74, %add3A_92 : i32
    %add3A_94 = vector.broadcast %add3A_93 : i32 to vector<16xi32>
    %add3A_95 = arith.addi %iota3A, %add3A_94 : vector<16xi32>
    %swap3A_96 = arith.constant 48 : index
    %swap3A_97 = tpu.vector_load %arg22[%swap3A_96] {strides = array<i32>} : memref<192xi32, #tpu.memory_space<vmem>>, vector<16xi32>,
    tpu.vector_store %arg22[%swap3A_96], %add3A_95 {strides = array<i32>} : memref<192xi32, #tpu.memory_space<vmem>>, vector<16xi32>,
    %add3A_98 = arith.constant 64 : i32
    %add3A_99 = arith.addi %add3A_74, %add3A_98 : i32
    %add3A_100 = vector.broadcast %add3A_99 : i32 to vector<16xi32>
    %add3A_101 = arith.addi %iota3A, %add3A_100 : vector<16xi32>
    %swap3A_102 = arith.constant 64 : index
    %swap3A_103 = tpu.vector_load %arg22[%swap3A_102] {strides = array<i32>} : memref<192xi32, #tpu.memory_space<vmem>>, vector<16xi32>,
    tpu.vector_store %arg22[%swap3A_102], %add3A_101 {strides = array<i32>} : memref<192xi32, #tpu.memory_space<vmem>>, vector<16xi32>,
    %add3A_104 = arith.constant 80 : i32
    %add3A_105 = arith.addi %add3A_74, %add3A_104 : i32
    %add3A_106 = vector.broadcast %add3A_105 : i32 to vector<16xi32>
    %add3A_107 = arith.addi %iota3A, %add3A_106 : vector<16xi32>
    %swap3A_108 = arith.constant 80 : index
    %swap3A_109 = tpu.vector_load %arg22[%swap3A_108] {strides = array<i32>} : memref<192xi32, #tpu.memory_space<vmem>>, vector<16xi32>,
    tpu.vector_store %arg22[%swap3A_108], %add3A_107 {strides = array<i32>} : memref<192xi32, #tpu.memory_space<vmem>>, vector<16xi32>,
    %add3A_110 = arith.constant 96 : i32
    %add3A_111 = arith.addi %add3A_74, %add3A_110 : i32
    %add3A_112 = vector.broadcast %add3A_111 : i32 to vector<16xi32>
    %add3A_113 = arith.addi %iota3A, %add3A_112 : vector<16xi32>
    %swap3A_114 = arith.constant 96 : index
    %swap3A_115 = tpu.vector_load %arg22[%swap3A_114] {strides = array<i32>} : memref<192xi32, #tpu.memory_space<vmem>>, vector<16xi32>,
    tpu.vector_store %arg22[%swap3A_114], %add3A_113 {strides = array<i32>} : memref<192xi32, #tpu.memory_space<vmem>>, vector<16xi32>,
    %add3A_116 = arith.constant 112 : i32
    %add3A_117 = arith.addi %add3A_74, %add3A_116 : i32
    %add3A_118 = vector.broadcast %add3A_117 : i32 to vector<16xi32>
    %add3A_119 = arith.addi %iota3A, %add3A_118 : vector<16xi32>
    %swap3A_120 = arith.constant 112 : index
    %swap3A_121 = tpu.vector_load %arg22[%swap3A_120] {strides = array<i32>} : memref<192xi32, #tpu.memory_space<vmem>>, vector<16xi32>,
    tpu.vector_store %arg22[%swap3A_120], %add3A_119 {strides = array<i32>} : memref<192xi32, #tpu.memory_space<vmem>>, vector<16xi32>,
    %add3A_122 = arith.constant 128 : i32
    %add3A_123 = arith.addi %add3A_74, %add3A_122 : i32
    %add3A_124 = vector.broadcast %add3A_123 : i32 to vector<16xi32>
    %add3A_125 = arith.addi %iota3A, %add3A_124 : vector<16xi32>
    %swap3A_126 = arith.constant 128 : index
    %swap3A_127 = tpu.vector_load %arg22[%swap3A_126] {strides = array<i32>} : memref<192xi32, #tpu.memory_space<vmem>>, vector<16xi32>,
    tpu.vector_store %arg22[%swap3A_126], %add3A_125 {strides = array<i32>} : memref<192xi32, #tpu.memory_space<vmem>>, vector<16xi32>,
    %add3A_128 = arith.constant 144 : i32
    %add3A_129 = arith.addi %add3A_74, %add3A_128 : i32
    %add3A_130 = vector.broadcast %add3A_129 : i32 to vector<16xi32>
    %add3A_131 = arith.addi %iota3A, %add3A_130 : vector<16xi32>
    %swap3A_132 = arith.constant 144 : index
    %swap3A_133 = tpu.vector_load %arg22[%swap3A_132] {strides = array<i32>} : memref<192xi32, #tpu.memory_space<vmem>>, vector<16xi32>,
    tpu.vector_store %arg22[%swap3A_132], %add3A_131 {strides = array<i32>} : memref<192xi32, #tpu.memory_space<vmem>>, vector<16xi32>,
    %add3A_134 = arith.constant 160 : i32
    %add3A_135 = arith.addi %add3A_74, %add3A_134 : i32
    %add3A_136 = vector.broadcast %add3A_135 : i32 to vector<16xi32>
    %add3A_137 = arith.addi %iota3A, %add3A_136 : vector<16xi32>
    %swap3A_138 = arith.constant 160 : index
    %swap3A_139 = tpu.vector_load %arg22[%swap3A_138] {strides = array<i32>} : memref<192xi32, #tpu.memory_space<vmem>>, vector<16xi32>,
    tpu.vector_store %arg22[%swap3A_138], %add3A_137 {strides = array<i32>} : memref<192xi32, #tpu.memory_space<vmem>>, vector<16xi32>,
    %add3A_140 = arith.constant 176 : i32
    %add3A_141 = arith.addi %add3A_74, %add3A_140 : i32
    %add3A_142 = vector.broadcast %add3A_141 : i32 to vector<16xi32>
    %add3A_143 = arith.addi %iota3A, %add3A_142 : vector<16xi32>
    %swap3A_144 = arith.constant 176 : index
    %swap3A_145 = tpu.vector_load %arg22[%swap3A_144] {strides = array<i32>} : memref<192xi32, #tpu.memory_space<vmem>>, vector<16xi32>,
    tpu.vector_store %arg22[%swap3A_144], %add3A_143 {strides = array<i32>} : memref<192xi32, #tpu.memory_space<vmem>>, vector<16xi32>,
    "tpu.region"() ({
      %run_scoped3A = tpu.sem_alloc : memref<!tpu.dma_semaphore, #tpu.memory_space<semaphore_mem>>
      %dma_start3A = arith.constant 0 : i32
      %dma_start3A_382 = arith.constant 0 : i32
      %dma_start3A_383 = tpu.memref_slice %arg9[%dma_start3A, %dma_start3A_382] : memref<10240x128xf32, #tpu.memory_space<vmem_shared>> -> memref<10240x128xf32, #tpu.memory_space<vmem_shared>>
      tpu.enqueue_indirect_dma source(%arg21 : memref<192x128xf32, #tpu.memory_space<vmem>>) target(%dma_start3A_383 : memref<10240x128xf32, #tpu.memory_space<vmem_shared>>) offsets(%arg22 : memref<192xi32, #tpu.memory_space<vmem>>) semaphore(%run_scoped3A : memref<!tpu.dma_semaphore, #tpu.memory_space<semaphore_mem>>)
      %dma_wait3A = arith.constant 0 : i32
      %dma_wait3A_384 = arith.constant 0 : i32
      %dma_wait3A_385 = tpu.memref_slice %arg9[%dma_wait3A, %dma_wait3A_384] : memref<10240x128xf32, #tpu.memory_space<vmem_shared>> -> memref<10240x128xf32, #tpu.memory_space<vmem_shared>>
      tpu.wait_indirect_dma semaphore(%run_scoped3A : memref<!tpu.dma_semaphore, #tpu.memory_space<semaphore_mem>>) src(%arg21 : memref<192x128xf32, #tpu.memory_space<vmem>>) dst(%dma_wait3A_385 : memref<10240x128xf32, #tpu.memory_space<vmem_shared>>)
      tpu.yield
    }) : () -> ()
    %add3A_146 = arith.constant 192 : i32
    %add3A_147 = arith.addi %mul3A_0, %add3A_146 : i32
    %add3A_148 = arith.constant 0 : i32
    %add3A_149 = arith.addi %add3A_147, %add3A_148 : i32
    %add3A_150 = vector.broadcast %add3A_149 : i32 to vector<16xi32>
    %add3A_151 = arith.addi %iota3A, %add3A_150 : vector<16xi32>
    %swap3A_152 = arith.constant 0 : index
    %swap3A_153 = tpu.vector_load %arg22[%swap3A_152] {strides = array<i32>} : memref<192xi32, #tpu.memory_space<vmem>>, vector<16xi32>,
    tpu.vector_store %arg22[%swap3A_152], %add3A_151 {strides = array<i32>} : memref<192xi32, #tpu.memory_space<vmem>>, vector<16xi32>,
    %add3A_154 = arith.constant 16 : i32
    %add3A_155 = arith.addi %add3A_147, %add3A_154 : i32
    %add3A_156 = vector.broadcast %add3A_155 : i32 to vector<16xi32>
    %add3A_157 = arith.addi %iota3A, %add3A_156 : vector<16xi32>
    %swap3A_158 = arith.constant 16 : index
    %swap3A_159 = tpu.vector_load %arg22[%swap3A_158] {strides = array<i32>} : memref<192xi32, #tpu.memory_space<vmem>>, vector<16xi32>,
    tpu.vector_store %arg22[%swap3A_158], %add3A_157 {strides = array<i32>} : memref<192xi32, #tpu.memory_space<vmem>>, vector<16xi32>,
    %add3A_160 = arith.constant 32 : i32
    %add3A_161 = arith.addi %add3A_147, %add3A_160 : i32
    %add3A_162 = vector.broadcast %add3A_161 : i32 to vector<16xi32>
    %add3A_163 = arith.addi %iota3A, %add3A_162 : vector<16xi32>
    %swap3A_164 = arith.constant 32 : index
    %swap3A_165 = tpu.vector_load %arg22[%swap3A_164] {strides = array<i32>} : memref<192xi32, #tpu.memory_space<vmem>>, vector<16xi32>,
    tpu.vector_store %arg22[%swap3A_164], %add3A_163 {strides = array<i32>} : memref<192xi32, #tpu.memory_space<vmem>>, vector<16xi32>,
    %add3A_166 = arith.constant 48 : i32
    %add3A_167 = arith.addi %add3A_147, %add3A_166 : i32
    %add3A_168 = vector.broadcast %add3A_167 : i32 to vector<16xi32>
    %add3A_169 = arith.addi %iota3A, %add3A_168 : vector<16xi32>
    %swap3A_170 = arith.constant 48 : index
    %swap3A_171 = tpu.vector_load %arg22[%swap3A_170] {strides = array<i32>} : memref<192xi32, #tpu.memory_space<vmem>>, vector<16xi32>,
    tpu.vector_store %arg22[%swap3A_170], %add3A_169 {strides = array<i32>} : memref<192xi32, #tpu.memory_space<vmem>>, vector<16xi32>,
    %add3A_172 = arith.constant 64 : i32
    %add3A_173 = arith.addi %add3A_147, %add3A_172 : i32
    %add3A_174 = vector.broadcast %add3A_173 : i32 to vector<16xi32>
    %add3A_175 = arith.addi %iota3A, %add3A_174 : vector<16xi32>
    %swap3A_176 = arith.constant 64 : index
    %swap3A_177 = tpu.vector_load %arg22[%swap3A_176] {strides = array<i32>} : memref<192xi32, #tpu.memory_space<vmem>>, vector<16xi32>,
    tpu.vector_store %arg22[%swap3A_176], %add3A_175 {strides = array<i32>} : memref<192xi32, #tpu.memory_space<vmem>>, vector<16xi32>,
    %add3A_178 = arith.constant 80 : i32
    %add3A_179 = arith.addi %add3A_147, %add3A_178 : i32
    %add3A_180 = vector.broadcast %add3A_179 : i32 to vector<16xi32>
    %add3A_181 = arith.addi %iota3A, %add3A_180 : vector<16xi32>
    %swap3A_182 = arith.constant 80 : index
    %swap3A_183 = tpu.vector_load %arg22[%swap3A_182] {strides = array<i32>} : memref<192xi32, #tpu.memory_space<vmem>>, vector<16xi32>,
    tpu.vector_store %arg22[%swap3A_182], %add3A_181 {strides = array<i32>} : memref<192xi32, #tpu.memory_space<vmem>>, vector<16xi32>,
    %add3A_184 = arith.constant 96 : i32
    %add3A_185 = arith.addi %add3A_147, %add3A_184 : i32
    %add3A_186 = vector.broadcast %add3A_185 : i32 to vector<16xi32>
    %add3A_187 = arith.addi %iota3A, %add3A_186 : vector<16xi32>
    %swap3A_188 = arith.constant 96 : index
    %swap3A_189 = tpu.vector_load %arg22[%swap3A_188] {strides = array<i32>} : memref<192xi32, #tpu.memory_space<vmem>>, vector<16xi32>,
    tpu.vector_store %arg22[%swap3A_188], %add3A_187 {strides = array<i32>} : memref<192xi32, #tpu.memory_space<vmem>>, vector<16xi32>,
    %add3A_190 = arith.constant 112 : i32
    %add3A_191 = arith.addi %add3A_147, %add3A_190 : i32
    %add3A_192 = vector.broadcast %add3A_191 : i32 to vector<16xi32>
    %add3A_193 = arith.addi %iota3A, %add3A_192 : vector<16xi32>
    %swap3A_194 = arith.constant 112 : index
    %swap3A_195 = tpu.vector_load %arg22[%swap3A_194] {strides = array<i32>} : memref<192xi32, #tpu.memory_space<vmem>>, vector<16xi32>,
    tpu.vector_store %arg22[%swap3A_194], %add3A_193 {strides = array<i32>} : memref<192xi32, #tpu.memory_space<vmem>>, vector<16xi32>,
    %add3A_196 = arith.constant 128 : i32
    %add3A_197 = arith.addi %add3A_147, %add3A_196 : i32
    %add3A_198 = vector.broadcast %add3A_197 : i32 to vector<16xi32>
    %add3A_199 = arith.addi %iota3A, %add3A_198 : vector<16xi32>
    %swap3A_200 = arith.constant 128 : index
    %swap3A_201 = tpu.vector_load %arg22[%swap3A_200] {strides = array<i32>} : memref<192xi32, #tpu.memory_space<vmem>>, vector<16xi32>,
    tpu.vector_store %arg22[%swap3A_200], %add3A_199 {strides = array<i32>} : memref<192xi32, #tpu.memory_space<vmem>>, vector<16xi32>,
    %add3A_202 = arith.constant 144 : i32
    %add3A_203 = arith.addi %add3A_147, %add3A_202 : i32
    %add3A_204 = vector.broadcast %add3A_203 : i32 to vector<16xi32>
    %add3A_205 = arith.addi %iota3A, %add3A_204 : vector<16xi32>
    %swap3A_206 = arith.constant 144 : index
    %swap3A_207 = tpu.vector_load %arg22[%swap3A_206] {strides = array<i32>} : memref<192xi32, #tpu.memory_space<vmem>>, vector<16xi32>,
    tpu.vector_store %arg22[%swap3A_206], %add3A_205 {strides = array<i32>} : memref<192xi32, #tpu.memory_space<vmem>>, vector<16xi32>,
    %add3A_208 = arith.constant 160 : i32
    %add3A_209 = arith.addi %add3A_147, %add3A_208 : i32
    %add3A_210 = vector.broadcast %add3A_209 : i32 to vector<16xi32>
    %add3A_211 = arith.addi %iota3A, %add3A_210 : vector<16xi32>
    %swap3A_212 = arith.constant 160 : index
    %swap3A_213 = tpu.vector_load %arg22[%swap3A_212] {strides = array<i32>} : memref<192xi32, #tpu.memory_space<vmem>>, vector<16xi32>,
    tpu.vector_store %arg22[%swap3A_212], %add3A_211 {strides = array<i32>} : memref<192xi32, #tpu.memory_space<vmem>>, vector<16xi32>,
    %add3A_214 = arith.constant 176 : i32
    %add3A_215 = arith.addi %add3A_147, %add3A_214 : i32
    %add3A_216 = vector.broadcast %add3A_215 : i32 to vector<16xi32>
    %add3A_217 = arith.addi %iota3A, %add3A_216 : vector<16xi32>
    %swap3A_218 = arith.constant 176 : index
    %swap3A_219 = tpu.vector_load %arg22[%swap3A_218] {strides = array<i32>} : memref<192xi32, #tpu.memory_space<vmem>>, vector<16xi32>,
    tpu.vector_store %arg22[%swap3A_218], %add3A_217 {strides = array<i32>} : memref<192xi32, #tpu.memory_space<vmem>>, vector<16xi32>,
    "tpu.region"() ({
      %run_scoped3A = tpu.sem_alloc : memref<!tpu.dma_semaphore, #tpu.memory_space<semaphore_mem>>
      %dma_start3A = arith.constant 0 : i32
      %dma_start3A_382 = arith.constant 0 : i32
      %dma_start3A_383 = tpu.memref_slice %arg9[%dma_start3A, %dma_start3A_382] : memref<10240x128xf32, #tpu.memory_space<vmem_shared>> -> memref<10240x128xf32, #tpu.memory_space<vmem_shared>>
      tpu.enqueue_indirect_dma source(%arg21 : memref<192x128xf32, #tpu.memory_space<vmem>>) target(%dma_start3A_383 : memref<10240x128xf32, #tpu.memory_space<vmem_shared>>) offsets(%arg22 : memref<192xi32, #tpu.memory_space<vmem>>) semaphore(%run_scoped3A : memref<!tpu.dma_semaphore, #tpu.memory_space<semaphore_mem>>)
      %dma_wait3A = arith.constant 0 : i32
      %dma_wait3A_384 = arith.constant 0 : i32
      %dma_wait3A_385 = tpu.memref_slice %arg9[%dma_wait3A, %dma_wait3A_384] : memref<10240x128xf32, #tpu.memory_space<vmem_shared>> -> memref<10240x128xf32, #tpu.memory_space<vmem_shared>>
      tpu.wait_indirect_dma semaphore(%run_scoped3A : memref<!tpu.dma_semaphore, #tpu.memory_space<semaphore_mem>>) src(%arg21 : memref<192x128xf32, #tpu.memory_space<vmem>>) dst(%dma_wait3A_385 : memref<10240x128xf32, #tpu.memory_space<vmem_shared>>)
      tpu.yield
    }) : () -> ()
    %add3A_220 = arith.constant 384 : i32
    %add3A_221 = arith.addi %mul3A_0, %add3A_220 : i32
    %add3A_222 = arith.constant 0 : i32
    %add3A_223 = arith.addi %add3A_221, %add3A_222 : i32
    %add3A_224 = vector.broadcast %add3A_223 : i32 to vector<16xi32>
    %add3A_225 = arith.addi %iota3A, %add3A_224 : vector<16xi32>
    %swap3A_226 = arith.constant 0 : index
    %swap3A_227 = tpu.vector_load %arg22[%swap3A_226] {strides = array<i32>} : memref<192xi32, #tpu.memory_space<vmem>>, vector<16xi32>,
    tpu.vector_store %arg22[%swap3A_226], %add3A_225 {strides = array<i32>} : memref<192xi32, #tpu.memory_space<vmem>>, vector<16xi32>,
    %add3A_228 = arith.constant 16 : i32
    %add3A_229 = arith.addi %add3A_221, %add3A_228 : i32
    %add3A_230 = vector.broadcast %add3A_229 : i32 to vector<16xi32>
    %add3A_231 = arith.addi %iota3A, %add3A_230 : vector<16xi32>
    %swap3A_232 = arith.constant 16 : index
    %swap3A_233 = tpu.vector_load %arg22[%swap3A_232] {strides = array<i32>} : memref<192xi32, #tpu.memory_space<vmem>>, vector<16xi32>,
    tpu.vector_store %arg22[%swap3A_232], %add3A_231 {strides = array<i32>} : memref<192xi32, #tpu.memory_space<vmem>>, vector<16xi32>,
    %add3A_234 = arith.constant 32 : i32
    %add3A_235 = arith.addi %add3A_221, %add3A_234 : i32
    %add3A_236 = vector.broadcast %add3A_235 : i32 to vector<16xi32>
    %add3A_237 = arith.addi %iota3A, %add3A_236 : vector<16xi32>
    %swap3A_238 = arith.constant 32 : index
    %swap3A_239 = tpu.vector_load %arg22[%swap3A_238] {strides = array<i32>} : memref<192xi32, #tpu.memory_space<vmem>>, vector<16xi32>,
    tpu.vector_store %arg22[%swap3A_238], %add3A_237 {strides = array<i32>} : memref<192xi32, #tpu.memory_space<vmem>>, vector<16xi32>,
    %add3A_240 = arith.constant 48 : i32
    %add3A_241 = arith.addi %add3A_221, %add3A_240 : i32
    %add3A_242 = vector.broadcast %add3A_241 : i32 to vector<16xi32>
    %add3A_243 = arith.addi %iota3A, %add3A_242 : vector<16xi32>
    %swap3A_244 = arith.constant 48 : index
    %swap3A_245 = tpu.vector_load %arg22[%swap3A_244] {strides = array<i32>} : memref<192xi32, #tpu.memory_space<vmem>>, vector<16xi32>,
    tpu.vector_store %arg22[%swap3A_244], %add3A_243 {strides = array<i32>} : memref<192xi32, #tpu.memory_space<vmem>>, vector<16xi32>,
    %add3A_246 = arith.constant 64 : i32
    %add3A_247 = arith.addi %add3A_221, %add3A_246 : i32
    %add3A_248 = vector.broadcast %add3A_247 : i32 to vector<16xi32>
    %add3A_249 = arith.addi %iota3A, %add3A_248 : vector<16xi32>
    %swap3A_250 = arith.constant 64 : index
    %swap3A_251 = tpu.vector_load %arg22[%swap3A_250] {strides = array<i32>} : memref<192xi32, #tpu.memory_space<vmem>>, vector<16xi32>,
    tpu.vector_store %arg22[%swap3A_250], %add3A_249 {strides = array<i32>} : memref<192xi32, #tpu.memory_space<vmem>>, vector<16xi32>,
    %add3A_252 = arith.constant 80 : i32
    %add3A_253 = arith.addi %add3A_221, %add3A_252 : i32
    %add3A_254 = vector.broadcast %add3A_253 : i32 to vector<16xi32>
    %add3A_255 = arith.addi %iota3A, %add3A_254 : vector<16xi32>
    %swap3A_256 = arith.constant 80 : index
    %swap3A_257 = tpu.vector_load %arg22[%swap3A_256] {strides = array<i32>} : memref<192xi32, #tpu.memory_space<vmem>>, vector<16xi32>,
    tpu.vector_store %arg22[%swap3A_256], %add3A_255 {strides = array<i32>} : memref<192xi32, #tpu.memory_space<vmem>>, vector<16xi32>,
    %add3A_258 = arith.constant 96 : i32
    %add3A_259 = arith.addi %add3A_221, %add3A_258 : i32
    %add3A_260 = vector.broadcast %add3A_259 : i32 to vector<16xi32>
    %add3A_261 = arith.addi %iota3A, %add3A_260 : vector<16xi32>
    %swap3A_262 = arith.constant 96 : index
    %swap3A_263 = tpu.vector_load %arg22[%swap3A_262] {strides = array<i32>} : memref<192xi32, #tpu.memory_space<vmem>>, vector<16xi32>,
    tpu.vector_store %arg22[%swap3A_262], %add3A_261 {strides = array<i32>} : memref<192xi32, #tpu.memory_space<vmem>>, vector<16xi32>,
    %add3A_264 = arith.constant 112 : i32
    %add3A_265 = arith.addi %add3A_221, %add3A_264 : i32
    %add3A_266 = vector.broadcast %add3A_265 : i32 to vector<16xi32>
    %add3A_267 = arith.addi %iota3A, %add3A_266 : vector<16xi32>
    %swap3A_268 = arith.constant 112 : index
    %swap3A_269 = tpu.vector_load %arg22[%swap3A_268] {strides = array<i32>} : memref<192xi32, #tpu.memory_space<vmem>>, vector<16xi32>,
    tpu.vector_store %arg22[%swap3A_268], %add3A_267 {strides = array<i32>} : memref<192xi32, #tpu.memory_space<vmem>>, vector<16xi32>,
    %add3A_270 = arith.constant 128 : i32
    %add3A_271 = arith.addi %add3A_221, %add3A_270 : i32
    %add3A_272 = vector.broadcast %add3A_271 : i32 to vector<16xi32>
    %add3A_273 = arith.addi %iota3A, %add3A_272 : vector<16xi32>
    %swap3A_274 = arith.constant 128 : index
    %swap3A_275 = tpu.vector_load %arg22[%swap3A_274] {strides = array<i32>} : memref<192xi32, #tpu.memory_space<vmem>>, vector<16xi32>,
    tpu.vector_store %arg22[%swap3A_274], %add3A_273 {strides = array<i32>} : memref<192xi32, #tpu.memory_space<vmem>>, vector<16xi32>,
    %add3A_276 = arith.constant 144 : i32
    %add3A_277 = arith.addi %add3A_221, %add3A_276 : i32
    %add3A_278 = vector.broadcast %add3A_277 : i32 to vector<16xi32>
    %add3A_279 = arith.addi %iota3A, %add3A_278 : vector<16xi32>
    %swap3A_280 = arith.constant 144 : index
    %swap3A_281 = tpu.vector_load %arg22[%swap3A_280] {strides = array<i32>} : memref<192xi32, #tpu.memory_space<vmem>>, vector<16xi32>,
    tpu.vector_store %arg22[%swap3A_280], %add3A_279 {strides = array<i32>} : memref<192xi32, #tpu.memory_space<vmem>>, vector<16xi32>,
    %add3A_282 = arith.constant 160 : i32
    %add3A_283 = arith.addi %add3A_221, %add3A_282 : i32
    %add3A_284 = vector.broadcast %add3A_283 : i32 to vector<16xi32>
    %add3A_285 = arith.addi %iota3A, %add3A_284 : vector<16xi32>
    %swap3A_286 = arith.constant 160 : index
    %swap3A_287 = tpu.vector_load %arg22[%swap3A_286] {strides = array<i32>} : memref<192xi32, #tpu.memory_space<vmem>>, vector<16xi32>,
    tpu.vector_store %arg22[%swap3A_286], %add3A_285 {strides = array<i32>} : memref<192xi32, #tpu.memory_space<vmem>>, vector<16xi32>,
    %add3A_288 = arith.constant 176 : i32
    %add3A_289 = arith.addi %add3A_221, %add3A_288 : i32
    %add3A_290 = vector.broadcast %add3A_289 : i32 to vector<16xi32>
    %add3A_291 = arith.addi %iota3A, %add3A_290 : vector<16xi32>
    %swap3A_292 = arith.constant 176 : index
    %swap3A_293 = tpu.vector_load %arg22[%swap3A_292] {strides = array<i32>} : memref<192xi32, #tpu.memory_space<vmem>>, vector<16xi32>,
    tpu.vector_store %arg22[%swap3A_292], %add3A_291 {strides = array<i32>} : memref<192xi32, #tpu.memory_space<vmem>>, vector<16xi32>,
    "tpu.region"() ({
      %run_scoped3A = tpu.sem_alloc : memref<!tpu.dma_semaphore, #tpu.memory_space<semaphore_mem>>
      %dma_start3A = arith.constant 0 : i32
      %dma_start3A_382 = arith.constant 0 : i32
      %dma_start3A_383 = tpu.memref_slice %arg9[%dma_start3A, %dma_start3A_382] : memref<10240x128xf32, #tpu.memory_space<vmem_shared>> -> memref<10240x128xf32, #tpu.memory_space<vmem_shared>>
      tpu.enqueue_indirect_dma source(%arg21 : memref<192x128xf32, #tpu.memory_space<vmem>>) target(%dma_start3A_383 : memref<10240x128xf32, #tpu.memory_space<vmem_shared>>) offsets(%arg22 : memref<192xi32, #tpu.memory_space<vmem>>) semaphore(%run_scoped3A : memref<!tpu.dma_semaphore, #tpu.memory_space<semaphore_mem>>)
      %dma_wait3A = arith.constant 0 : i32
      %dma_wait3A_384 = arith.constant 0 : i32
      %dma_wait3A_385 = tpu.memref_slice %arg9[%dma_wait3A, %dma_wait3A_384] : memref<10240x128xf32, #tpu.memory_space<vmem_shared>> -> memref<10240x128xf32, #tpu.memory_space<vmem_shared>>
      tpu.wait_indirect_dma semaphore(%run_scoped3A : memref<!tpu.dma_semaphore, #tpu.memory_space<semaphore_mem>>) src(%arg21 : memref<192x128xf32, #tpu.memory_space<vmem>>) dst(%dma_wait3A_385 : memref<10240x128xf32, #tpu.memory_space<vmem_shared>>)
      tpu.yield
    }) : () -> ()
    %add3A_294 = arith.constant 448 : i32
    %add3A_295 = arith.addi %mul3A_0, %add3A_294 : i32
    %add3A_296 = arith.constant 0 : i32
    %add3A_297 = arith.addi %add3A_295, %add3A_296 : i32
    %add3A_298 = vector.broadcast %add3A_297 : i32 to vector<16xi32>
    %add3A_299 = arith.addi %iota3A, %add3A_298 : vector<16xi32>
    %swap3A_300 = arith.constant 0 : index
    %swap3A_301 = tpu.vector_load %arg22[%swap3A_300] {strides = array<i32>} : memref<192xi32, #tpu.memory_space<vmem>>, vector<16xi32>,
    tpu.vector_store %arg22[%swap3A_300], %add3A_299 {strides = array<i32>} : memref<192xi32, #tpu.memory_space<vmem>>, vector<16xi32>,
    %add3A_302 = arith.constant 16 : i32
    %add3A_303 = arith.addi %add3A_295, %add3A_302 : i32
    %add3A_304 = vector.broadcast %add3A_303 : i32 to vector<16xi32>
    %add3A_305 = arith.addi %iota3A, %add3A_304 : vector<16xi32>
    %swap3A_306 = arith.constant 16 : index
    %swap3A_307 = tpu.vector_load %arg22[%swap3A_306] {strides = array<i32>} : memref<192xi32, #tpu.memory_space<vmem>>, vector<16xi32>,
    tpu.vector_store %arg22[%swap3A_306], %add3A_305 {strides = array<i32>} : memref<192xi32, #tpu.memory_space<vmem>>, vector<16xi32>,
    %add3A_308 = arith.constant 32 : i32
    %add3A_309 = arith.addi %add3A_295, %add3A_308 : i32
    %add3A_310 = vector.broadcast %add3A_309 : i32 to vector<16xi32>
    %add3A_311 = arith.addi %iota3A, %add3A_310 : vector<16xi32>
    %swap3A_312 = arith.constant 32 : index
    %swap3A_313 = tpu.vector_load %arg22[%swap3A_312] {strides = array<i32>} : memref<192xi32, #tpu.memory_space<vmem>>, vector<16xi32>,
    tpu.vector_store %arg22[%swap3A_312], %add3A_311 {strides = array<i32>} : memref<192xi32, #tpu.memory_space<vmem>>, vector<16xi32>,
    %add3A_314 = arith.constant 48 : i32
    %add3A_315 = arith.addi %add3A_295, %add3A_314 : i32
    %add3A_316 = vector.broadcast %add3A_315 : i32 to vector<16xi32>
    %add3A_317 = arith.addi %iota3A, %add3A_316 : vector<16xi32>
    %swap3A_318 = arith.constant 48 : index
    %swap3A_319 = tpu.vector_load %arg22[%swap3A_318] {strides = array<i32>} : memref<192xi32, #tpu.memory_space<vmem>>, vector<16xi32>,
    tpu.vector_store %arg22[%swap3A_318], %add3A_317 {strides = array<i32>} : memref<192xi32, #tpu.memory_space<vmem>>, vector<16xi32>,
    %add3A_320 = arith.constant 64 : i32
    %add3A_321 = arith.addi %add3A_295, %add3A_320 : i32
    %add3A_322 = vector.broadcast %add3A_321 : i32 to vector<16xi32>
    %add3A_323 = arith.addi %iota3A, %add3A_322 : vector<16xi32>
    %swap3A_324 = arith.constant 64 : index
    %swap3A_325 = tpu.vector_load %arg22[%swap3A_324] {strides = array<i32>} : memref<192xi32, #tpu.memory_space<vmem>>, vector<16xi32>,
    tpu.vector_store %arg22[%swap3A_324], %add3A_323 {strides = array<i32>} : memref<192xi32, #tpu.memory_space<vmem>>, vector<16xi32>,
    %add3A_326 = arith.constant 80 : i32
    %add3A_327 = arith.addi %add3A_295, %add3A_326 : i32
    %add3A_328 = vector.broadcast %add3A_327 : i32 to vector<16xi32>
    %add3A_329 = arith.addi %iota3A, %add3A_328 : vector<16xi32>
    %swap3A_330 = arith.constant 80 : index
    %swap3A_331 = tpu.vector_load %arg22[%swap3A_330] {strides = array<i32>} : memref<192xi32, #tpu.memory_space<vmem>>, vector<16xi32>,
    tpu.vector_store %arg22[%swap3A_330], %add3A_329 {strides = array<i32>} : memref<192xi32, #tpu.memory_space<vmem>>, vector<16xi32>,
    %add3A_332 = arith.constant 96 : i32
    %add3A_333 = arith.addi %add3A_295, %add3A_332 : i32
    %add3A_334 = vector.broadcast %add3A_333 : i32 to vector<16xi32>
    %add3A_335 = arith.addi %iota3A, %add3A_334 : vector<16xi32>
    %swap3A_336 = arith.constant 96 : index
    %swap3A_337 = tpu.vector_load %arg22[%swap3A_336] {strides = array<i32>} : memref<192xi32, #tpu.memory_space<vmem>>, vector<16xi32>,
    tpu.vector_store %arg22[%swap3A_336], %add3A_335 {strides = array<i32>} : memref<192xi32, #tpu.memory_space<vmem>>, vector<16xi32>,
    %add3A_338 = arith.constant 112 : i32
    %add3A_339 = arith.addi %add3A_295, %add3A_338 : i32
    %add3A_340 = vector.broadcast %add3A_339 : i32 to vector<16xi32>
    %add3A_341 = arith.addi %iota3A, %add3A_340 : vector<16xi32>
    %swap3A_342 = arith.constant 112 : index
    %swap3A_343 = tpu.vector_load %arg22[%swap3A_342] {strides = array<i32>} : memref<192xi32, #tpu.memory_space<vmem>>, vector<16xi32>,
    tpu.vector_store %arg22[%swap3A_342], %add3A_341 {strides = array<i32>} : memref<192xi32, #tpu.memory_space<vmem>>, vector<16xi32>,
    %add3A_344 = arith.constant 128 : i32
    %add3A_345 = arith.addi %add3A_295, %add3A_344 : i32
    %add3A_346 = vector.broadcast %add3A_345 : i32 to vector<16xi32>
    %add3A_347 = arith.addi %iota3A, %add3A_346 : vector<16xi32>
    %swap3A_348 = arith.constant 128 : index
    %swap3A_349 = tpu.vector_load %arg22[%swap3A_348] {strides = array<i32>} : memref<192xi32, #tpu.memory_space<vmem>>, vector<16xi32>,
    tpu.vector_store %arg22[%swap3A_348], %add3A_347 {strides = array<i32>} : memref<192xi32, #tpu.memory_space<vmem>>, vector<16xi32>,
    %add3A_350 = arith.constant 144 : i32
    %add3A_351 = arith.addi %add3A_295, %add3A_350 : i32
    %add3A_352 = vector.broadcast %add3A_351 : i32 to vector<16xi32>
    %add3A_353 = arith.addi %iota3A, %add3A_352 : vector<16xi32>
    %swap3A_354 = arith.constant 144 : index
    %swap3A_355 = tpu.vector_load %arg22[%swap3A_354] {strides = array<i32>} : memref<192xi32, #tpu.memory_space<vmem>>, vector<16xi32>,
    tpu.vector_store %arg22[%swap3A_354], %add3A_353 {strides = array<i32>} : memref<192xi32, #tpu.memory_space<vmem>>, vector<16xi32>,
    %add3A_356 = arith.constant 160 : i32
    %add3A_357 = arith.addi %add3A_295, %add3A_356 : i32
    %add3A_358 = vector.broadcast %add3A_357 : i32 to vector<16xi32>
    %add3A_359 = arith.addi %iota3A, %add3A_358 : vector<16xi32>
    %swap3A_360 = arith.constant 160 : index
    %swap3A_361 = tpu.vector_load %arg22[%swap3A_360] {strides = array<i32>} : memref<192xi32, #tpu.memory_space<vmem>>, vector<16xi32>,
    tpu.vector_store %arg22[%swap3A_360], %add3A_359 {strides = array<i32>} : memref<192xi32, #tpu.memory_space<vmem>>, vector<16xi32>,
    %add3A_362 = arith.constant 176 : i32
    %add3A_363 = arith.addi %add3A_295, %add3A_362 : i32
    %add3A_364 = vector.broadcast %add3A_363 : i32 to vector<16xi32>
    %add3A_365 = arith.addi %iota3A, %add3A_364 : vector<16xi32>
    %swap3A_366 = arith.constant 176 : index
    %swap3A_367 = tpu.vector_load %arg22[%swap3A_366] {strides = array<i32>} : memref<192xi32, #tpu.memory_space<vmem>>, vector<16xi32>,
    tpu.vector_store %arg22[%swap3A_366], %add3A_365 {strides = array<i32>} : memref<192xi32, #tpu.memory_space<vmem>>, vector<16xi32>,
    "tpu.region"() ({
      %run_scoped3A = tpu.sem_alloc : memref<!tpu.dma_semaphore, #tpu.memory_space<semaphore_mem>>
      %dma_start3A = arith.constant 0 : i32
      %dma_start3A_382 = arith.constant 0 : i32
      %dma_start3A_383 = tpu.memref_slice %arg9[%dma_start3A, %dma_start3A_382] : memref<10240x128xf32, #tpu.memory_space<vmem_shared>> -> memref<10240x128xf32, #tpu.memory_space<vmem_shared>>
      tpu.enqueue_indirect_dma source(%arg21 : memref<192x128xf32, #tpu.memory_space<vmem>>) target(%dma_start3A_383 : memref<10240x128xf32, #tpu.memory_space<vmem_shared>>) offsets(%arg22 : memref<192xi32, #tpu.memory_space<vmem>>) semaphore(%run_scoped3A : memref<!tpu.dma_semaphore, #tpu.memory_space<semaphore_mem>>)
      %dma_wait3A = arith.constant 0 : i32
      %dma_wait3A_384 = arith.constant 0 : i32
      %dma_wait3A_385 = tpu.memref_slice %arg9[%dma_wait3A, %dma_wait3A_384] : memref<10240x128xf32, #tpu.memory_space<vmem_shared>> -> memref<10240x128xf32, #tpu.memory_space<vmem_shared>>
      tpu.wait_indirect_dma semaphore(%run_scoped3A : memref<!tpu.dma_semaphore, #tpu.memory_space<semaphore_mem>>) src(%arg21 : memref<192x128xf32, #tpu.memory_space<vmem>>) dst(%dma_wait3A_385 : memref<10240x128xf32, #tpu.memory_space<vmem_shared>>)
      tpu.yield
    }) : () -> ()
    %barrier3A = arith.constant 0 : index
    tpu.barrier barrier_id(%barrier3A)
    %mul3A_368 = arith.constant 10240 : i32
    %mul3A_369 = arith.muli %arg0, %mul3A_368 : i32
    %scan3A_370 = arith.constant 0 : i32
    %scan3A_371 = arith.constant 0 : i32
    %scan3A_372 = arith.constant 108 : i32
    %scan3A_373 = arith.addi %scan3A_371, %scan3A_372 : i32
    %scan3A_374 = arith.constant 1 : i32
    %scan3A_375 = scf.for %scan3A_382 = %scan3A_371 to %scan3A_373 step %scan3A_374 iter_args(%scan3A_383 = %scan3A_370) -> (i32)  : i32 {
      %mul3A_384 = arith.constant 20736 : i32
      %mul3A_385 = arith.muli %arg1, %mul3A_384 : i32
      %mul3A_386 = arith.constant 192 : i32
      %mul3A_387 = arith.muli %scan3A_382, %mul3A_386 : i32
      %add3A_388 = arith.addi %mul3A_385, %mul3A_387 : i32
      "tpu.region"() ({
        %run_scoped3A = tpu.sem_alloc : memref<!tpu.dma_semaphore, #tpu.memory_space<semaphore_mem>>
        %dma_start3A_430 = tpu.memref_slice %arg2[%add3A_388] : memref<331776xi32, #tpu.memory_space<hbm>> -> memref<192xi32, #tpu.memory_space<hbm>>
        %dma_start3A_431 = tpu.memref_slice %arg2[%add3A_388] : memref<331776xi32, #tpu.memory_space<hbm>> -> memref<192xi32, #tpu.memory_space<hbm>>
        tpu.enqueue_dma source(%dma_start3A_431 : memref<192xi32, #tpu.memory_space<hbm>>) target(%arg15 : memref<192xi32, #tpu.memory_space<vmem>>) target_semaphore(%run_scoped3A : memref<!tpu.dma_semaphore, #tpu.memory_space<semaphore_mem>>)
        %dma_wait3A_432 = tpu.memref_slice %arg2[%add3A_388] : memref<331776xi32, #tpu.memory_space<hbm>> -> memref<192xi32, #tpu.memory_space<hbm>>
        %dma_wait3A_433 = tpu.memref_slice %arg2[%add3A_388] : memref<331776xi32, #tpu.memory_space<hbm>> -> memref<192xi32, #tpu.memory_space<hbm>>
        tpu.wait_dma2 semaphore(%run_scoped3A : memref<!tpu.dma_semaphore, #tpu.memory_space<semaphore_mem>>) src(%dma_wait3A_433 : memref<192xi32, #tpu.memory_space<hbm>>) dst(%arg15 : memref<192xi32, #tpu.memory_space<vmem>>)
        tpu.yield
      }) : () -> ()
      "tpu.region"() ({
        %run_scoped3A = tpu.sem_alloc : memref<!tpu.dma_semaphore, #tpu.memory_space<semaphore_mem>>
        %dma_start3A_430 = tpu.memref_slice %arg3[%add3A_388] : memref<331776xi32, #tpu.memory_space<hbm>> -> memref<192xi32, #tpu.memory_space<hbm>>
        %dma_start3A_431 = tpu.memref_slice %arg3[%add3A_388] : memref<331776xi32, #tpu.memory_space<hbm>> -> memref<192xi32, #tpu.memory_space<hbm>>
        tpu.enqueue_dma source(%dma_start3A_431 : memref<192xi32, #tpu.memory_space<hbm>>) target(%arg16 : memref<192xi32, #tpu.memory_space<vmem>>) target_semaphore(%run_scoped3A : memref<!tpu.dma_semaphore, #tpu.memory_space<semaphore_mem>>)
        %dma_wait3A_432 = tpu.memref_slice %arg3[%add3A_388] : memref<331776xi32, #tpu.memory_space<hbm>> -> memref<192xi32, #tpu.memory_space<hbm>>
        %dma_wait3A_433 = tpu.memref_slice %arg3[%add3A_388] : memref<331776xi32, #tpu.memory_space<hbm>> -> memref<192xi32, #tpu.memory_space<hbm>>
        tpu.wait_dma2 semaphore(%run_scoped3A : memref<!tpu.dma_semaphore, #tpu.memory_space<semaphore_mem>>) src(%dma_wait3A_433 : memref<192xi32, #tpu.memory_space<hbm>>) dst(%arg16 : memref<192xi32, #tpu.memory_space<vmem>>)
        tpu.yield
      }) : () -> ()
      %scan3A_389 = arith.constant 0 : i32
      %scan3A_390 = arith.constant 0 : i32
      %scan3A_391 = arith.constant 12 : i32
      %scan3A_392 = arith.addi %scan3A_390, %scan3A_391 : i32
      %scan3A_393 = arith.constant 1 : i32
      %scan3A_394 = scf.for %scan3A_430 = %scan3A_390 to %scan3A_392 step %scan3A_393 iter_args(%scan3A_431 = %scan3A_389) -> (i32)  : i32 {
        %mul3A_432 = arith.constant 16 : i32
        %mul3A_433 = arith.muli %scan3A_430, %mul3A_432 : i32
        %get3A = arith.index_cast %mul3A_433 : i32 to index
        %get3A_434 = tpu.vector_load %arg15[%get3A] {strides = array<i32>} : memref<192xi32, #tpu.memory_space<vmem>>, vector<16xi32>,
        %add3A_435 = vector.broadcast %mul3A_369 : i32 to vector<16xi32>
        %add3A_436 = arith.addi %get3A_434, %add3A_435 : vector<16xi32>
        %mul3A_437 = arith.constant 16 : i32
        %mul3A_438 = arith.muli %scan3A_430, %mul3A_437 : i32
        %swap3A_439 = arith.index_cast %mul3A_438 : i32 to index
        %swap3A_440 = tpu.vector_load %arg17[%swap3A_439] {strides = array<i32>} : memref<192xi32, #tpu.memory_space<vmem>>, vector<16xi32>,
        tpu.vector_store %arg17[%swap3A_439], %add3A_436 {strides = array<i32>} : memref<192xi32, #tpu.memory_space<vmem>>, vector<16xi32>,
        %scan3A_441 = arith.constant 0 : i32
        scf.yield %scan3A_441 : i32
      }
      %scan3A_395 = arith.constant 12 : i32
      %scan3A_396 = arith.constant 0 : i32
      %scan3A_397 = arith.constant 0 : i32
      %scan3A_398 = arith.constant 48 : i32
      %scan3A_399 = arith.addi %scan3A_397, %scan3A_398 : i32
      %scan3A_400 = arith.constant 1 : i32
      %scan3A_401 = scf.for %scan3A_430 = %scan3A_397 to %scan3A_399 step %scan3A_400 iter_args(%scan3A_431 = %scan3A_396) -> (i32)  : i32 {
        %mul3A_432 = arith.constant 4 : i32
        %mul3A_433 = arith.muli %mul3A_432, %scan3A_430 : i32
        %add3A_434 = vector.broadcast %mul3A_433 : i32 to vector<16xi32>
        %add3A_435 = arith.addi %add3A_434, %select_n3A : vector<16xi32>
        %gather3A = tpu.vector_load_idx %arg15[%add3A_435] : memref<192xi32, #tpu.memory_space<vmem>>[vector<16xi32>], vector<16xi32>,
        %mul3A_436 = arith.constant 4 : i32
        %mul3A_437 = arith.muli %mul3A_436, %scan3A_430 : i32
        %add3A_438 = vector.broadcast %mul3A_437 : i32 to vector<16xi32>
        %add3A_439 = arith.addi %add3A_438, %select_n3A : vector<16xi32>
        %gather3A_440 = tpu.vector_load_idx %arg16[%add3A_439] : memref<192xi32, #tpu.memory_space<vmem>>[vector<16xi32>], vector<16xi32>,
        %mul3A_441 = arith.constant 8 : i32
        %mul3A_442 = vector.broadcast %mul3A_441 : i32 to vector<16xi32>
        %mul3A_443 = arith.muli %gather3A, %mul3A_442 : vector<16xi32>
        %add3A_444 = arith.addi %mul3A_443, %select_n3A_42 : vector<16xi32>
        %mul3A_445 = arith.constant 16 : i32
        %mul3A_446 = arith.muli %mul3A_445, %scan3A_430 : i32
        %swap3A_447 = arith.index_cast %mul3A_446 : i32 to index
        %swap3A_448 = tpu.vector_load %arg18[%swap3A_447] {strides = array<i32>} : memref<768xi32, #tpu.memory_space<vmem>>, vector<16xi32>,
        tpu.vector_store %arg18[%swap3A_447], %add3A_444 {strides = array<i32>} : memref<768xi32, #tpu.memory_space<vmem>>, vector<16xi32>,
        %mul3A_449 = arith.constant 8 : i32
        %mul3A_450 = vector.broadcast %mul3A_449 : i32 to vector<16xi32>
        %mul3A_451 = arith.muli %gather3A_440, %mul3A_450 : vector<16xi32>
        %add3A_452 = arith.constant 4 : i32
        %add3A_453 = vector.broadcast %add3A_452 : i32 to vector<16xi32>
        %add3A_454 = arith.addi %select_n3A_42, %add3A_453 : vector<16xi32>
        %add3A_455 = arith.addi %mul3A_451, %add3A_454 : vector<16xi32>
        %mul3A_456 = arith.constant 16 : i32
        %mul3A_457 = arith.muli %mul3A_456, %scan3A_430 : i32
        %swap3A_458 = arith.index_cast %mul3A_457 : i32 to index
        %swap3A_459 = tpu.vector_load %arg19[%swap3A_458] {strides = array<i32>} : memref<768xi32, #tpu.memory_space<vmem>>, vector<16xi32>,
        tpu.vector_store %arg19[%swap3A_458], %add3A_455 {strides = array<i32>} : memref<768xi32, #tpu.memory_space<vmem>>, vector<16xi32>,
        %scan3A_460 = arith.constant 0 : i32
        scf.yield %scan3A_460 : i32
      }
      %scan3A_402 = arith.constant 48 : i32
      %dma_start3A = arith.constant 0 : i32
      %dma_start3A_403 = tpu.memref_slice %arg11[%dma_start3A] : memref<81920xf32, #tpu.memory_space<vmem_shared>> -> memref<81920xf32, #tpu.memory_space<vmem_shared>>
      tpu.enqueue_indirect_dma source(%dma_start3A_403 : memref<81920xf32, #tpu.memory_space<vmem_shared>>) target(%arg20 : memref<768xf32, #tpu.memory_space<vmem>>) offsets(%arg18 : memref<768xi32, #tpu.memory_space<vmem>>) semaphore(%arg23 : memref<!tpu.dma_semaphore, #tpu.memory_space<semaphore_mem>>)
      %dma_start3A_404 = arith.constant 0 : i32
      %dma_start3A_405 = tpu.memref_slice %arg11[%dma_start3A_404] : memref<81920xf32, #tpu.memory_space<vmem_shared>> -> memref<81920xf32, #tpu.memory_space<vmem_shared>>
      tpu.enqueue_indirect_dma source(%dma_start3A_405 : memref<81920xf32, #tpu.memory_space<vmem_shared>>) target(%arg14 : memref<768xf32, #tpu.memory_space<vmem>>) offsets(%arg19 : memref<768xi32, #tpu.memory_space<vmem>>) semaphore(%arg23 : memref<!tpu.dma_semaphore, #tpu.memory_space<semaphore_mem>>)
      %dma_start3A_406 = arith.constant 0 : i32
      %dma_start3A_407 = arith.constant 0 : i32
      %dma_start3A_408 = tpu.memref_slice %arg6[%dma_start3A_406, %dma_start3A_407] : memref<20480x128xf32, #tpu.memory_space<hbm>> -> memref<20480x128xf32, #tpu.memory_space<hbm>>
      tpu.enqueue_indirect_dma source(%dma_start3A_408 : memref<20480x128xf32, #tpu.memory_space<hbm>>) target(%arg21 : memref<192x128xf32, #tpu.memory_space<vmem>>) offsets(%arg17 : memref<192xi32, #tpu.memory_space<vmem>>) semaphore(%arg24 : memref<!tpu.dma_semaphore, #tpu.memory_space<semaphore_mem>>)
      %dma_wait3A = arith.constant 0 : i32
      %dma_wait3A_409 = tpu.memref_slice %arg11[%dma_wait3A] : memref<81920xf32, #tpu.memory_space<vmem_shared>> -> memref<81920xf32, #tpu.memory_space<vmem_shared>>
      tpu.wait_indirect_dma semaphore(%arg23 : memref<!tpu.dma_semaphore, #tpu.memory_space<semaphore_mem>>) src(%dma_wait3A_409 : memref<81920xf32, #tpu.memory_space<vmem_shared>>) dst(%arg20 : memref<768xf32, #tpu.memory_space<vmem>>)
      %dma_wait3A_410 = arith.constant 0 : i32
      %dma_wait3A_411 = tpu.memref_slice %arg11[%dma_wait3A_410] : memref<81920xf32, #tpu.memory_space<vmem_shared>> -> memref<81920xf32, #tpu.memory_space<vmem_shared>>
      tpu.wait_indirect_dma semaphore(%arg23 : memref<!tpu.dma_semaphore, #tpu.memory_space<semaphore_mem>>) src(%dma_wait3A_411 : memref<81920xf32, #tpu.memory_space<vmem_shared>>) dst(%arg14 : memref<768xf32, #tpu.memory_space<vmem>>)
      %scan3A_412 = arith.constant 0 : i32
      %scan3A_413 = arith.constant 0 : i32
      %scan3A_414 = arith.constant 48 : i32
      %scan3A_415 = arith.addi %scan3A_413, %scan3A_414 : i32
      %scan3A_416 = arith.constant 1 : i32
      %scan3A_417 = scf.for %scan3A_430 = %scan3A_413 to %scan3A_415 step %scan3A_416 iter_args(%scan3A_431 = %scan3A_412) -> (i32)  : i32 {
        %mul3A_432 = arith.constant 16 : i32
        %mul3A_433 = arith.muli %mul3A_432, %scan3A_430 : i32
        %get3A = arith.index_cast %mul3A_433 : i32 to index
        %get3A_434 = tpu.vector_load %arg20[%get3A] {strides = array<i32>} : memref<768xf32, #tpu.memory_space<vmem>>, vector<16xf32>,
        %mul3A_435 = arith.constant 16 : i32
        %mul3A_436 = arith.muli %mul3A_435, %scan3A_430 : i32
        %get3A_437 = arith.index_cast %mul3A_436 : i32 to index
        %get3A_438 = tpu.vector_load %arg14[%get3A_437] {strides = array<i32>} : memref<768xf32, #tpu.memory_space<vmem>>, vector<16xf32>,
        %add3A_439 = arith.addf %get3A_434, %get3A_438 : vector<16xf32>
        %mul3A_440 = arith.constant 2.000000e-01 : f32
        %mul3A_441 = vector.broadcast %mul3A_440 : f32 to vector<16xf32>
        %mul3A_442 = arith.mulf %mul3A_441, %add3A_439 : vector<16xf32>
        %max3A = arith.maximumf %add3A_439, %mul3A_442 : vector<16xf32>
        %exp3A = math.exp %max3A : vector<16xf32>
        %mul3A_443 = arith.constant 16 : i32
        %mul3A_444 = arith.muli %mul3A_443, %scan3A_430 : i32
        %swap3A_445 = arith.index_cast %mul3A_444 : i32 to index
        %swap3A_446 = tpu.vector_load %arg20[%swap3A_445] {strides = array<i32>} : memref<768xf32, #tpu.memory_space<vmem>>, vector<16xf32>,
        tpu.vector_store %arg20[%swap3A_445], %exp3A {strides = array<i32>} : memref<768xf32, #tpu.memory_space<vmem>>, vector<16xf32>,
        %scan3A_447 = arith.constant 0 : i32
        scf.yield %scan3A_447 : i32
      }
      %scan3A_418 = arith.constant 48 : i32
      %dma_wait3A_419 = arith.constant 0 : i32
      %dma_wait3A_420 = arith.constant 0 : i32
      %dma_wait3A_421 = tpu.memref_slice %arg6[%dma_wait3A_419, %dma_wait3A_420] : memref<20480x128xf32, #tpu.memory_space<hbm>> -> memref<20480x128xf32, #tpu.memory_space<hbm>>
      tpu.wait_indirect_dma semaphore(%arg24 : memref<!tpu.dma_semaphore, #tpu.memory_space<semaphore_mem>>) src(%dma_wait3A_421 : memref<20480x128xf32, #tpu.memory_space<hbm>>) dst(%arg21 : memref<192x128xf32, #tpu.memory_space<vmem>>)
      %scan3A_422 = arith.constant 0 : i32
      %scan3A_423 = arith.constant 0 : i32
      %scan3A_424 = arith.constant 192 : i32
      %scan3A_425 = arith.addi %scan3A_423, %scan3A_424 : i32
      %scan3A_426 = arith.constant 1 : i32
      %scan3A_427 = scf.for %scan3A_430 = %scan3A_423 to %scan3A_425 step %scan3A_426 iter_args(%scan3A_431 = %scan3A_422) -> (i32)  : i32 {
        %mul3A_432 = arith.constant 4 : i32
        %mul3A_433 = arith.muli %scan3A_430, %mul3A_432 : i32
        %add3A_434 = arith.constant 0 : i32
        %add3A_435 = arith.addi %mul3A_433, %add3A_434 : i32
        %add3A_436 = vector.broadcast %add3A_435 : i32 to vector<16xi32>
        %add3A_437 = arith.addi %broadcast_in_dim3A_45, %add3A_436 : vector<16xi32>
        %gather3A = tpu.vector_load_idx %arg20[%add3A_437] : memref<768xf32, #tpu.memory_space<vmem>>[vector<16xi32>], vector<16xf32>,
        %get3A = arith.index_cast %scan3A_430 : i32 to index
        %get3A_438 = arith.constant 0 : index
        %get3A_439 = tpu.vector_load %arg21[%get3A, %get3A_438] {strides = array<i32>} : memref<192x128xf32, #tpu.memory_space<vmem>>, vector<16xf32>,
        %mul3A_440 = arith.mulf %get3A_439, %gather3A : vector<16xf32>
        %swap3A_441 = arith.index_cast %scan3A_430 : i32 to index
        %swap3A_442 = arith.constant 0 : index
        %swap3A_443 = tpu.vector_load %arg21[%swap3A_441, %swap3A_442] {strides = array<i32>} : memref<192x128xf32, #tpu.memory_space<vmem>>, vector<16xf32>,
        tpu.vector_store %arg21[%swap3A_441, %swap3A_442], %mul3A_440 {strides = array<i32>} : memref<192x128xf32, #tpu.memory_space<vmem>>, vector<16xf32>,
        %get3A_444 = arith.index_cast %scan3A_430 : i32 to index
        %get3A_445 = arith.constant 16 : index
        %get3A_446 = tpu.vector_load %arg21[%get3A_444, %get3A_445] {strides = array<i32>} : memref<192x128xf32, #tpu.memory_space<vmem>>, vector<16xf32>,
        %mul3A_447 = arith.mulf %get3A_446, %gather3A : vector<16xf32>
        %swap3A_448 = arith.index_cast %scan3A_430 : i32 to index
        %swap3A_449 = arith.constant 16 : index
        %swap3A_450 = tpu.vector_load %arg21[%swap3A_448, %swap3A_449] {strides = array<i32>} : memref<192x128xf32, #tpu.memory_space<vmem>>, vector<16xf32>,
        tpu.vector_store %arg21[%swap3A_448, %swap3A_449], %mul3A_447 {strides = array<i32>} : memref<192x128xf32, #tpu.memory_space<vmem>>, vector<16xf32>,
        %mul3A_451 = arith.constant 4 : i32
        %mul3A_452 = arith.muli %scan3A_430, %mul3A_451 : i32
        %add3A_453 = arith.constant 1 : i32
        %add3A_454 = arith.addi %mul3A_452, %add3A_453 : i32
        %add3A_455 = vector.broadcast %add3A_454 : i32 to vector<16xi32>
        %add3A_456 = arith.addi %broadcast_in_dim3A_45, %add3A_455 : vector<16xi32>
        %gather3A_457 = tpu.vector_load_idx %arg20[%add3A_456] : memref<768xf32, #tpu.memory_space<vmem>>[vector<16xi32>], vector<16xf32>,
        %get3A_458 = arith.index_cast %scan3A_430 : i32 to index
        %get3A_459 = arith.constant 32 : index
        %get3A_460 = tpu.vector_load %arg21[%get3A_458, %get3A_459] {strides = array<i32>} : memref<192x128xf32, #tpu.memory_space<vmem>>, vector<16xf32>,
        %mul3A_461 = arith.mulf %get3A_460, %gather3A_457 : vector<16xf32>
        %swap3A_462 = arith.index_cast %scan3A_430 : i32 to index
        %swap3A_463 = arith.constant 32 : index
        %swap3A_464 = tpu.vector_load %arg21[%swap3A_462, %swap3A_463] {strides = array<i32>} : memref<192x128xf32, #tpu.memory_space<vmem>>, vector<16xf32>,
        tpu.vector_store %arg21[%swap3A_462, %swap3A_463], %mul3A_461 {strides = array<i32>} : memref<192x128xf32, #tpu.memory_space<vmem>>, vector<16xf32>,
        %get3A_465 = arith.index_cast %scan3A_430 : i32 to index
        %get3A_466 = arith.constant 48 : index
        %get3A_467 = tpu.vector_load %arg21[%get3A_465, %get3A_466] {strides = array<i32>} : memref<192x128xf32, #tpu.memory_space<vmem>>, vector<16xf32>,
        %mul3A_468 = arith.mulf %get3A_467, %gather3A_457 : vector<16xf32>
        %swap3A_469 = arith.index_cast %scan3A_430 : i32 to index
        %swap3A_470 = arith.constant 48 : index
        %swap3A_471 = tpu.vector_load %arg21[%swap3A_469, %swap3A_470] {strides = array<i32>} : memref<192x128xf32, #tpu.memory_space<vmem>>, vector<16xf32>,
        tpu.vector_store %arg21[%swap3A_469, %swap3A_470], %mul3A_468 {strides = array<i32>} : memref<192x128xf32, #tpu.memory_space<vmem>>, vector<16xf32>,
        %mul3A_472 = arith.constant 4 : i32
        %mul3A_473 = arith.muli %scan3A_430, %mul3A_472 : i32
        %add3A_474 = arith.constant 2 : i32
        %add3A_475 = arith.addi %mul3A_473, %add3A_474 : i32
        %add3A_476 = vector.broadcast %add3A_475 : i32 to vector<16xi32>
        %add3A_477 = arith.addi %broadcast_in_dim3A_45, %add3A_476 : vector<16xi32>
        %gather3A_478 = tpu.vector_load_idx %arg20[%add3A_477] : memref<768xf32, #tpu.memory_space<vmem>>[vector<16xi32>], vector<16xf32>,
        %get3A_479 = arith.index_cast %scan3A_430 : i32 to index
        %get3A_480 = arith.constant 64 : index
        %get3A_481 = tpu.vector_load %arg21[%get3A_479, %get3A_480] {strides = array<i32>} : memref<192x128xf32, #tpu.memory_space<vmem>>, vector<16xf32>,
        %mul3A_482 = arith.mulf %get3A_481, %gather3A_478 : vector<16xf32>
        %swap3A_483 = arith.index_cast %scan3A_430 : i32 to index
        %swap3A_484 = arith.constant 64 : index
        %swap3A_485 = tpu.vector_load %arg21[%swap3A_483, %swap3A_484] {strides = array<i32>} : memref<192x128xf32, #tpu.memory_space<vmem>>, vector<16xf32>,
        tpu.vector_store %arg21[%swap3A_483, %swap3A_484], %mul3A_482 {strides = array<i32>} : memref<192x128xf32, #tpu.memory_space<vmem>>, vector<16xf32>,
        %get3A_486 = arith.index_cast %scan3A_430 : i32 to index
        %get3A_487 = arith.constant 80 : index
        %get3A_488 = tpu.vector_load %arg21[%get3A_486, %get3A_487] {strides = array<i32>} : memref<192x128xf32, #tpu.memory_space<vmem>>, vector<16xf32>,
        %mul3A_489 = arith.mulf %get3A_488, %gather3A_478 : vector<16xf32>
        %swap3A_490 = arith.index_cast %scan3A_430 : i32 to index
        %swap3A_491 = arith.constant 80 : index
        %swap3A_492 = tpu.vector_load %arg21[%swap3A_490, %swap3A_491] {strides = array<i32>} : memref<192x128xf32, #tpu.memory_space<vmem>>, vector<16xf32>,
        tpu.vector_store %arg21[%swap3A_490, %swap3A_491], %mul3A_489 {strides = array<i32>} : memref<192x128xf32, #tpu.memory_space<vmem>>, vector<16xf32>,
        %mul3A_493 = arith.constant 4 : i32
        %mul3A_494 = arith.muli %scan3A_430, %mul3A_493 : i32
        %add3A_495 = arith.constant 3 : i32
        %add3A_496 = arith.addi %mul3A_494, %add3A_495 : i32
        %add3A_497 = vector.broadcast %add3A_496 : i32 to vector<16xi32>
        %add3A_498 = arith.addi %broadcast_in_dim3A_45, %add3A_497 : vector<16xi32>
        %gather3A_499 = tpu.vector_load_idx %arg20[%add3A_498] : memref<768xf32, #tpu.memory_space<vmem>>[vector<16xi32>], vector<16xf32>,
        %get3A_500 = arith.index_cast %scan3A_430 : i32 to index
        %get3A_501 = arith.constant 96 : index
        %get3A_502 = tpu.vector_load %arg21[%get3A_500, %get3A_501] {strides = array<i32>} : memref<192x128xf32, #tpu.memory_space<vmem>>, vector<16xf32>,
        %mul3A_503 = arith.mulf %get3A_502, %gather3A_499 : vector<16xf32>
        %swap3A_504 = arith.index_cast %scan3A_430 : i32 to index
        %swap3A_505 = arith.constant 96 : index
        %swap3A_506 = tpu.vector_load %arg21[%swap3A_504, %swap3A_505] {strides = array<i32>} : memref<192x128xf32, #tpu.memory_space<vmem>>, vector<16xf32>,
        tpu.vector_store %arg21[%swap3A_504, %swap3A_505], %mul3A_503 {strides = array<i32>} : memref<192x128xf32, #tpu.memory_space<vmem>>, vector<16xf32>,
        %get3A_507 = arith.index_cast %scan3A_430 : i32 to index
        %get3A_508 = arith.constant 112 : index
        %get3A_509 = tpu.vector_load %arg21[%get3A_507, %get3A_508] {strides = array<i32>} : memref<192x128xf32, #tpu.memory_space<vmem>>, vector<16xf32>,
        %mul3A_510 = arith.mulf %get3A_509, %gather3A_499 : vector<16xf32>
        %swap3A_511 = arith.index_cast %scan3A_430 : i32 to index
        %swap3A_512 = arith.constant 112 : index
        %swap3A_513 = tpu.vector_load %arg21[%swap3A_511, %swap3A_512] {strides = array<i32>} : memref<192x128xf32, #tpu.memory_space<vmem>>, vector<16xf32>,
        tpu.vector_store %arg21[%swap3A_511, %swap3A_512], %mul3A_510 {strides = array<i32>} : memref<192x128xf32, #tpu.memory_space<vmem>>, vector<16xf32>,
        %scan3A_514 = arith.constant 0 : i32
        scf.yield %scan3A_514 : i32
      }
      %scan3A_428 = arith.constant 192 : i32
      "tpu.region"() ({
        %run_scoped3A = tpu.sem_alloc : memref<!tpu.dma_semaphore, #tpu.memory_space<semaphore_mem>>
        %dma_start3A_430 = arith.constant 0 : i32
        %dma_start3A_431 = tpu.memref_slice %arg10[%dma_start3A_430] : memref<81920xf32, #tpu.memory_space<vmem_shared>> -> memref<81920xf32, #tpu.memory_space<vmem_shared>>
        tpu.enqueue_indirect_dma source(%arg20 : memref<768xf32, #tpu.memory_space<vmem>>) target(%dma_start3A_431 : memref<81920xf32, #tpu.memory_space<vmem_shared>>) offsets(%arg19 : memref<768xi32, #tpu.memory_space<vmem>>) semaphore(%run_scoped3A : memref<!tpu.dma_semaphore, #tpu.memory_space<semaphore_mem>>) {add = true}
        %dma_wait3A_432 = arith.constant 0 : i32
        %dma_wait3A_433 = tpu.memref_slice %arg10[%dma_wait3A_432] : memref<81920xf32, #tpu.memory_space<vmem_shared>> -> memref<81920xf32, #tpu.memory_space<vmem_shared>>
        tpu.wait_indirect_dma semaphore(%run_scoped3A : memref<!tpu.dma_semaphore, #tpu.memory_space<semaphore_mem>>) src(%arg20 : memref<768xf32, #tpu.memory_space<vmem>>) dst(%dma_wait3A_433 : memref<81920xf32, #tpu.memory_space<vmem_shared>>)
        tpu.yield
      }) : () -> ()
      "tpu.region"() ({
        %run_scoped3A = tpu.sem_alloc : memref<!tpu.dma_semaphore, #tpu.memory_space<semaphore_mem>>
        %dma_start3A_430 = arith.constant 0 : i32
        %dma_start3A_431 = arith.constant 0 : i32
        %dma_start3A_432 = tpu.memref_slice %arg9[%dma_start3A_430, %dma_start3A_431] : memref<10240x128xf32, #tpu.memory_space<vmem_shared>> -> memref<10240x128xf32, #tpu.memory_space<vmem_shared>>
        tpu.enqueue_indirect_dma source(%arg21 : memref<192x128xf32, #tpu.memory_space<vmem>>) target(%dma_start3A_432 : memref<10240x128xf32, #tpu.memory_space<vmem_shared>>) offsets(%arg16 : memref<192xi32, #tpu.memory_space<vmem>>) semaphore(%run_scoped3A : memref<!tpu.dma_semaphore, #tpu.memory_space<semaphore_mem>>) {add = true}
        %dma_wait3A_433 = arith.constant 0 : i32
        %dma_wait3A_434 = arith.constant 0 : i32
        %dma_wait3A_435 = tpu.memref_slice %arg9[%dma_wait3A_433, %dma_wait3A_434] : memref<10240x128xf32, #tpu.memory_space<vmem_shared>> -> memref<10240x128xf32, #tpu.memory_space<vmem_shared>>
        tpu.wait_indirect_dma semaphore(%run_scoped3A : memref<!tpu.dma_semaphore, #tpu.memory_space<semaphore_mem>>) src(%arg21 : memref<192x128xf32, #tpu.memory_space<vmem>>) dst(%dma_wait3A_435 : memref<10240x128xf32, #tpu.memory_space<vmem_shared>>)
        tpu.yield
      }) : () -> ()
      %scan3A_429 = arith.constant 0 : i32
      scf.yield %scan3A_429 : i32
    }
    %scan3A_376 = arith.constant 108 : i32
    %barrier3A_377 = arith.constant 0 : index
    tpu.barrier barrier_id(%barrier3A_377)
    "tpu.region"() ({
      %run_scoped3A = tpu.sem_alloc : memref<!tpu.dma_semaphore, #tpu.memory_space<semaphore_mem>>
      %dma_start3A = arith.constant 0 : i32
      %dma_start3A_382 = tpu.memref_slice %arg7[%arg0, %mul3A_0, %dma_start3A] : memref<2x10240x128xf32, #tpu.memory_space<hbm>> -> memref<1x640x128xf32, #tpu.memory_space<hbm>>
      %dma_start3A_383 = tpu.memref_squeeze %dma_start3A_382 : memref<1x640x128xf32, #tpu.memory_space<hbm>> -> memref<640x128xf32, #tpu.memory_space<hbm>>
      %dma_start3A_384 = arith.constant 0 : i32
      %dma_start3A_385 = tpu.memref_slice %arg9[%mul3A_0, %dma_start3A_384] : memref<10240x128xf32, #tpu.memory_space<vmem_shared>> -> memref<640x128xf32, #tpu.memory_space<vmem_shared>>
      tpu.enqueue_dma source(%dma_start3A_385 : memref<640x128xf32, #tpu.memory_space<vmem_shared>>) target(%dma_start3A_383 : memref<640x128xf32, #tpu.memory_space<hbm>>) target_semaphore(%run_scoped3A : memref<!tpu.dma_semaphore, #tpu.memory_space<semaphore_mem>>)
      %dma_wait3A = arith.constant 0 : i32
      %dma_wait3A_386 = tpu.memref_slice %arg7[%arg0, %mul3A_0, %dma_wait3A] : memref<2x10240x128xf32, #tpu.memory_space<hbm>> -> memref<1x640x128xf32, #tpu.memory_space<hbm>>
      %dma_wait3A_387 = tpu.memref_squeeze %dma_wait3A_386 : memref<1x640x128xf32, #tpu.memory_space<hbm>> -> memref<640x128xf32, #tpu.memory_space<hbm>>
      %dma_wait3A_388 = arith.constant 0 : i32
      %dma_wait3A_389 = tpu.memref_slice %arg9[%mul3A_0, %dma_wait3A_388] : memref<10240x128xf32, #tpu.memory_space<vmem_shared>> -> memref<640x128xf32, #tpu.memory_space<vmem_shared>>
      tpu.wait_dma2 semaphore(%run_scoped3A : memref<!tpu.dma_semaphore, #tpu.memory_space<semaphore_mem>>) src(%dma_wait3A_389 : memref<640x128xf32, #tpu.memory_space<vmem_shared>>) dst(%dma_wait3A_387 : memref<640x128xf32, #tpu.memory_space<hbm>>)
      tpu.yield
    }) : () -> ()
    %mul3A_378 = arith.constant 8 : i32
    %mul3A_379 = arith.muli %mul3A_0, %mul3A_378 : i32
    %mul3A_380 = arith.constant 8 : i32
    %mul3A_381 = arith.muli %mul3A_0, %mul3A_380 : i32
    "tpu.region"() ({
      %run_scoped3A = tpu.sem_alloc : memref<!tpu.dma_semaphore, #tpu.memory_space<semaphore_mem>>
      %dma_start3A = tpu.memref_slice %arg8[%arg0, %mul3A_381] : memref<2x81920xf32, #tpu.memory_space<hbm>> -> memref<1x5120xf32, #tpu.memory_space<hbm>>
      %dma_start3A_382 = tpu.memref_squeeze %dma_start3A : memref<1x5120xf32, #tpu.memory_space<hbm>> -> memref<5120xf32, #tpu.memory_space<hbm>>
      %dma_start3A_383 = tpu.memref_slice %arg10[%mul3A_379] : memref<81920xf32, #tpu.memory_space<vmem_shared>> -> memref<5120xf32, #tpu.memory_space<vmem_shared>>
      tpu.enqueue_dma source(%dma_start3A_383 : memref<5120xf32, #tpu.memory_space<vmem_shared>>) target(%dma_start3A_382 : memref<5120xf32, #tpu.memory_space<hbm>>) target_semaphore(%run_scoped3A : memref<!tpu.dma_semaphore, #tpu.memory_space<semaphore_mem>>)
      %dma_wait3A = tpu.memref_slice %arg8[%arg0, %mul3A_381] : memref<2x81920xf32, #tpu.memory_space<hbm>> -> memref<1x5120xf32, #tpu.memory_space<hbm>>
      %dma_wait3A_384 = tpu.memref_squeeze %dma_wait3A : memref<1x5120xf32, #tpu.memory_space<hbm>> -> memref<5120xf32, #tpu.memory_space<hbm>>
      %dma_wait3A_385 = tpu.memref_slice %arg10[%mul3A_379] : memref<81920xf32, #tpu.memory_space<vmem_shared>> -> memref<5120xf32, #tpu.memory_space<vmem_shared>>
      tpu.wait_dma2 semaphore(%run_scoped3A : memref<!tpu.dma_semaphore, #tpu.memory_space<semaphore_mem>>) src(%dma_wait3A_385 : memref<5120xf32, #tpu.memory_space<vmem_shared>>) dst(%dma_wait3A_384 : memref<5120xf32, #tpu.memory_space<hbm>>)
      tpu.yield
    }) : () -> ()
    return
  }
}

module attributes {stable_mosaic.version = 14 : i64} {
  func.func @_tc_a_body(%arg0: i32, %arg1: i32, %arg2: memref<256x768xf32, #tpu.memory_space<vmem>>, %arg3: memref<768x128xf32, #tpu.memory_space<vmem>>, %arg4: memref<1x4x32xf32, #tpu.memory_space<vmem>>, %arg5: memref<1x4x32xf32, #tpu.memory_space<vmem>>, %arg6: memref<1x256x128xf32, #tpu.memory_space<vmem>>, %arg7: memref<1x256x4xf32, #tpu.memory_space<vmem>>, %arg8: memref<1x256x4xf32, #tpu.memory_space<vmem>>) attributes {dimension_semantics = [#tpu.dimension_semantics<arbitrary>, #tpu.dimension_semantics<arbitrary>], iteration_bounds = array<i64: 2, 40>, scalar_prefetch = 0 : i64, scratch_operands = 0 : i64, tpu.core_type = #tpu.core_type<tc>, window_params = [{transform_indices = @transform_0, window_bounds = array<i64: 256, 768>}, {transform_indices = @transform_1, window_bounds = array<i64: 768, 128>}, {transform_indices = @transform_2, window_bounds = array<i64: 1, 4, 32>}, {transform_indices = @transform_3, window_bounds = array<i64: 1, 4, 32>}, {transform_indices = @transform_4, window_bounds = array<i64: 1, 256, 128>}, {transform_indices = @transform_5, window_bounds = array<i64: 1, 256, 4>}, {transform_indices = @transform_6, window_bounds = array<i64: 1, 256, 4>}]} {
    %get3A = arith.constant 0 : index
    %get3A_0 = arith.constant 0 : index
    %get3A_1 = vector.load %arg2[%get3A, %get3A_0] : memref<256x768xf32, #tpu.memory_space<vmem>>, vector<256x768xf32>
    %get3A_2 = arith.constant 0 : index
    %get3A_3 = arith.constant 0 : index
    %get3A_4 = vector.load %arg3[%get3A_2, %get3A_3] : memref<768x128xf32, #tpu.memory_space<vmem>>, vector<768x128xf32>
    %dot_general3A = arith.constant dense<0.000000e+00> : vector<256x128xf32>
    %dot_general3A_5 = tpu.matmul %get3A_1, %get3A_4, %dot_general3A {dimension_numbers = #tpu.dot_dimension_numbers<[1], [0], [0], [1], [0, 0, 1, 1], [], []>, transpose_lhs_hint = false} : vector<256x768xf32>, vector<768x128xf32>, vector<256x128xf32> -> vector<256x128xf32>
    %swap3A = arith.constant 0 : index
    %swap3A_6 = arith.constant 0 : index
    %swap3A_7 = arith.constant 0 : index
    %swap3A_8 = vector.load %arg6[%swap3A, %swap3A_6, %swap3A_7] : memref<1x256x128xf32, #tpu.memory_space<vmem>>, vector<1x256x128xf32>
    %swap3A_9 = vector.shape_cast %swap3A_8 : vector<1x256x128xf32> to vector<256x128xf32>
    %swap3A_10 = vector.shape_cast %dot_general3A_5 : vector<256x128xf32> to vector<1x256x128xf32>
    tpu.vector_store %arg6[%swap3A, %swap3A_6, %swap3A_7], %swap3A_10 {strides = array<i32>} : memref<1x256x128xf32, #tpu.memory_space<vmem>>, vector<1x256x128xf32>,
    %reshape3A = vector.shape_cast %dot_general3A_5 : vector<256x128xf32> to vector<256x4x32xf32>
    %get3A_11 = arith.constant 0 : index
    %get3A_12 = arith.constant 0 : index
    %get3A_13 = arith.constant 0 : index
    %get3A_14 = vector.load %arg4[%get3A_11, %get3A_12, %get3A_13] : memref<1x4x32xf32, #tpu.memory_space<vmem>>, vector<1x4x32xf32>
    %mul3A = vector.broadcast %get3A_14 : vector<1x4x32xf32> to vector<256x4x32xf32>
    %mul3A_15 = arith.mulf %reshape3A, %mul3A : vector<256x4x32xf32>
    %reduce_sum3A = arith.constant dense<0.000000e+00> : vector<256x4xf32>
    %reduce_sum3A_16 = vector.multi_reduction <add>, %mul3A_15, %reduce_sum3A [2] : vector<256x4x32xf32> to vector<256x4xf32>
    %swap3A_17 = arith.constant 0 : index
    %swap3A_18 = arith.constant 0 : index
    %swap3A_19 = arith.constant 0 : index
    %swap3A_20 = vector.load %arg7[%swap3A_17, %swap3A_18, %swap3A_19] : memref<1x256x4xf32, #tpu.memory_space<vmem>>, vector<1x256x4xf32>
    %swap3A_21 = vector.shape_cast %swap3A_20 : vector<1x256x4xf32> to vector<256x4xf32>
    %swap3A_22 = vector.shape_cast %reduce_sum3A_16 : vector<256x4xf32> to vector<1x256x4xf32>
    tpu.vector_store %arg7[%swap3A_17, %swap3A_18, %swap3A_19], %swap3A_22 {strides = array<i32>} : memref<1x256x4xf32, #tpu.memory_space<vmem>>, vector<1x256x4xf32>,
    %get3A_23 = arith.constant 0 : index
    %get3A_24 = arith.constant 0 : index
    %get3A_25 = arith.constant 0 : index
    %get3A_26 = vector.load %arg5[%get3A_23, %get3A_24, %get3A_25] : memref<1x4x32xf32, #tpu.memory_space<vmem>>, vector<1x4x32xf32>
    %mul3A_27 = vector.broadcast %get3A_26 : vector<1x4x32xf32> to vector<256x4x32xf32>
    %mul3A_28 = arith.mulf %reshape3A, %mul3A_27 : vector<256x4x32xf32>
    %reduce_sum3A_29 = arith.constant dense<0.000000e+00> : vector<256x4xf32>
    %reduce_sum3A_30 = vector.multi_reduction <add>, %mul3A_28, %reduce_sum3A_29 [2] : vector<256x4x32xf32> to vector<256x4xf32>
    %swap3A_31 = arith.constant 0 : index
    %swap3A_32 = arith.constant 0 : index
    %swap3A_33 = arith.constant 0 : index
    %swap3A_34 = vector.load %arg8[%swap3A_31, %swap3A_32, %swap3A_33] : memref<1x256x4xf32, #tpu.memory_space<vmem>>, vector<1x256x4xf32>
    %swap3A_35 = vector.shape_cast %swap3A_34 : vector<1x256x4xf32> to vector<256x4xf32>
    %swap3A_36 = vector.shape_cast %reduce_sum3A_30 : vector<256x4xf32> to vector<1x256x4xf32>
    tpu.vector_store %arg8[%swap3A_31, %swap3A_32, %swap3A_33], %swap3A_36 {strides = array<i32>} : memref<1x256x4xf32, #tpu.memory_space<vmem>>, vector<1x256x4xf32>,
    return
  }
  func.func @transform_0(%arg0: i32, %arg1: i32) -> (i32, i32) {
    %c0_i32 = arith.constant 0 : i32
    %c0_i32_0 = arith.constant 0 : i32
    return %arg1, %c0_i32 : i32, i32
  }
  func.func @transform_1(%arg0: i32, %arg1: i32) -> (i32, i32) {
    %c0_i32 = arith.constant 0 : i32
    %c0_i32_0 = arith.constant 0 : i32
    return %c0_i32, %arg0 : i32, i32
  }
  func.func @transform_2(%arg0: i32, %arg1: i32) -> (i32, i32, i32) {
    %c0_i32 = arith.constant 0 : i32
    %c0_i32_0 = arith.constant 0 : i32
    %c0_i32_1 = arith.constant 0 : i32
    return %arg0, %c0_i32, %c0_i32_0 : i32, i32, i32
  }
  func.func @transform_3(%arg0: i32, %arg1: i32) -> (i32, i32, i32) {
    %c0_i32 = arith.constant 0 : i32
    %c0_i32_0 = arith.constant 0 : i32
    %c0_i32_1 = arith.constant 0 : i32
    return %arg0, %c0_i32, %c0_i32_0 : i32, i32, i32
  }
  func.func @transform_4(%arg0: i32, %arg1: i32) -> (i32, i32, i32) {
    %c0_i32 = arith.constant 0 : i32
    %c0_i32_0 = arith.constant 0 : i32
    return %arg0, %arg1, %c0_i32 : i32, i32, i32
  }
  func.func @transform_5(%arg0: i32, %arg1: i32) -> (i32, i32, i32) {
    %c0_i32 = arith.constant 0 : i32
    %c0_i32_0 = arith.constant 0 : i32
    return %arg0, %arg1, %c0_i32 : i32, i32, i32
  }
  func.func @transform_6(%arg0: i32, %arg1: i32) -> (i32, i32, i32) {
    %c0_i32 = arith.constant 0 : i32
    %c0_i32_0 = arith.constant 0 : i32
    return %arg0, %arg1, %c0_i32 : i32, i32, i32
  }
}

module attributes {stable_mosaic.version = 14 : i64} {
  func.func @_tc_b_body(%arg0: i32, %arg1: memref<2x512x128xf32, #tpu.memory_space<vmem>>, %arg2: memref<2x512x8xf32, #tpu.memory_space<vmem>>, %arg3: memref<1x256xf32, #tpu.memory_space<vmem>>, %arg4: memref<256x128xf32, #tpu.memory_space<vmem>>, %arg5: memref<1x16xf32, #tpu.memory_space<vmem>>, %arg6: memref<1x16xf32, #tpu.memory_space<vmem>>, %arg7: memref<512x128xf32, #tpu.memory_space<vmem>>, %arg8: memref<512x16xf32, #tpu.memory_space<vmem>>, %arg9: memref<512x16xf32, #tpu.memory_space<vmem>>) attributes {dimension_semantics = [#tpu.dimension_semantics<arbitrary>], iteration_bounds = array<i64: 20>, scalar_prefetch = 0 : i64, scratch_operands = 0 : i64, tpu.core_type = #tpu.core_type<tc>, window_params = [{transform_indices = @transform_0, window_bounds = array<i64: 2, 512, 128>}, {transform_indices = @transform_1, window_bounds = array<i64: 2, 512, 8>}, {pipeline_mode = #tpu.pipeline_mode<synchronous>, transform_indices = @transform_2, window_bounds = array<i64: 1, 256>}, {pipeline_mode = #tpu.pipeline_mode<synchronous>, transform_indices = @transform_3, window_bounds = array<i64: 256, 128>}, {pipeline_mode = #tpu.pipeline_mode<synchronous>, transform_indices = @transform_4, window_bounds = array<i64: 1, 16>}, {pipeline_mode = #tpu.pipeline_mode<synchronous>, transform_indices = @transform_5, window_bounds = array<i64: 1, 16>}, {transform_indices = @transform_6, window_bounds = array<i64: 512, 128>}, {transform_indices = @transform_7, window_bounds = array<i64: 512, 16>}, {transform_indices = @transform_8, window_bounds = array<i64: 512, 16>}]} {
    %get3A = arith.constant 0 : index
    %get3A_0 = arith.constant 0 : index
    %get3A_1 = arith.constant 0 : index
    %get3A_2 = vector.load %arg1[%get3A, %get3A_0, %get3A_1] : memref<2x512x128xf32, #tpu.memory_space<vmem>>, vector<2x512x128xf32>
    %slice3A = vector.extract_strided_slice %get3A_2 {offsets = [0, 0, 0], sizes = [1, 512, 128], strides = [1, 1, 1]} : vector<2x512x128xf32> to vector<1x512x128xf32>
    %squeeze3A = vector.shape_cast %slice3A : vector<1x512x128xf32> to vector<512x128xf32>
    %slice3A_3 = vector.extract_strided_slice %get3A_2 {offsets = [1, 0, 0], sizes = [1, 512, 128], strides = [1, 1, 1]} : vector<2x512x128xf32> to vector<1x512x128xf32>
    %squeeze3A_4 = vector.shape_cast %slice3A_3 : vector<1x512x128xf32> to vector<512x128xf32>
    %concatenate3A = tpu.concatenate %squeeze3A, %squeeze3A_4 in 1 : vector<512x128xf32>, vector<512x128xf32> -> vector<512x256xf32>
    %get3A_5 = arith.constant 0 : index
    %get3A_6 = arith.constant 0 : index
    %get3A_7 = arith.constant 0 : index
    %get3A_8 = vector.load %arg2[%get3A_5, %get3A_6, %get3A_7] : memref<2x512x8xf32, #tpu.memory_space<vmem>>, vector<2x512x8xf32>
    %slice3A_9 = vector.extract_strided_slice %get3A_8 {offsets = [0, 0, 0], sizes = [1, 512, 8], strides = [1, 1, 1]} : vector<2x512x8xf32> to vector<1x512x8xf32>
    %squeeze3A_10 = vector.shape_cast %slice3A_9 : vector<1x512x8xf32> to vector<512x8xf32>
    %slice3A_11 = vector.extract_strided_slice %squeeze3A_10 {offsets = [0, 4], sizes = [512, 4], strides = [1, 1]} : vector<512x8xf32> to vector<512x4xf32>
    %slice3A_12 = vector.extract_strided_slice %get3A_8 {offsets = [1, 0, 0], sizes = [1, 512, 8], strides = [1, 1, 1]} : vector<2x512x8xf32> to vector<1x512x8xf32>
    %squeeze3A_13 = vector.shape_cast %slice3A_12 : vector<1x512x8xf32> to vector<512x8xf32>
    %slice3A_14 = vector.extract_strided_slice %squeeze3A_13 {offsets = [0, 4], sizes = [512, 4], strides = [1, 1]} : vector<512x8xf32> to vector<512x4xf32>
    %concatenate3A_15 = tpu.concatenate %slice3A_11, %slice3A_14 in 1 : vector<512x4xf32>, vector<512x4xf32> -> vector<512x8xf32>
    %broadcast_in_dim3A = vector.shape_cast %concatenate3A_15 : vector<512x8xf32> to vector<512x8x1xf32>
    %broadcast_in_dim3A_16 = vector.shape_cast %broadcast_in_dim3A : vector<512x8x1xf32> to vector<512x8x1xf32>
    %broadcast_in_dim3A_17 = vector.broadcast %broadcast_in_dim3A_16 : vector<512x8x1xf32> to vector<512x8x32xf32>
    %reshape3A = vector.shape_cast %broadcast_in_dim3A_17 : vector<512x8x32xf32> to vector<512x256xf32>
    %add3A = arith.constant 1.000000e-16 : f32
    %add3A_18 = vector.broadcast %add3A : f32 to vector<512x256xf32>
    %add3A_19 = arith.addf %reshape3A, %add3A_18 : vector<512x256xf32>
    %div3A = arith.divf %concatenate3A, %add3A_19 : vector<512x256xf32>
    %get3A_20 = arith.constant 0 : index
    %get3A_21 = arith.constant 0 : index
    %get3A_22 = vector.load %arg3[%get3A_20, %get3A_21] : memref<1x256xf32, #tpu.memory_space<vmem>>, vector<1x256xf32>
    %add3A_23 = vector.broadcast %get3A_22 : vector<1x256xf32> to vector<512x256xf32>
    %add3A_24 = arith.addf %div3A, %add3A_23 : vector<512x256xf32>
    %gt3A = arith.constant 0.000000e+00 : f32
    %gt3A_25 = vector.broadcast %gt3A : f32 to vector<512x256xf32>
    %gt3A_26 = arith.cmpf ogt, %add3A_24, %gt3A_25 : vector<512x256xf32>
    %exp3A = math.exp %add3A_24 : vector<512x256xf32>
    %sub3A = arith.constant 1.000000e+00 : f32
    %sub3A_27 = vector.broadcast %sub3A : f32 to vector<512x256xf32>
    %sub3A_28 = arith.subf %exp3A, %sub3A_27 : vector<512x256xf32>
    %select_n3A = arith.select %gt3A_26, %add3A_24, %sub3A_28 : vector<512x256xi1>, vector<512x256xf32>
    %get3A_29 = arith.constant 0 : index
    %get3A_30 = arith.constant 0 : index
    %get3A_31 = vector.load %arg4[%get3A_29, %get3A_30] : memref<256x128xf32, #tpu.memory_space<vmem>>, vector<256x128xf32>
    %dot_general3A = arith.constant dense<0.000000e+00> : vector<512x128xf32>
    %dot_general3A_32 = tpu.matmul %select_n3A, %get3A_31, %dot_general3A {dimension_numbers = #tpu.dot_dimension_numbers<[1], [0], [0], [1], [0, 0, 1, 1], [], []>, transpose_lhs_hint = false} : vector<512x256xf32>, vector<256x128xf32>, vector<512x128xf32> -> vector<512x128xf32>
    %swap3A = arith.constant 0 : index
    %swap3A_33 = arith.constant 0 : index
    %swap3A_34 = vector.load %arg7[%swap3A, %swap3A_33] : memref<512x128xf32, #tpu.memory_space<vmem>>, vector<512x128xf32>
    tpu.vector_store %arg7[%swap3A, %swap3A_33], %dot_general3A_32 {strides = array<i32>} : memref<512x128xf32, #tpu.memory_space<vmem>>, vector<512x128xf32>,
    %slice3A_35 = vector.extract_strided_slice %dot_general3A_32 {offsets = [0, 0], sizes = [512, 16], strides = [1, 1]} : vector<512x128xf32> to vector<512x16xf32>
    %get3A_36 = arith.constant 0 : index
    %get3A_37 = arith.constant 0 : index
    %get3A_38 = vector.load %arg5[%get3A_36, %get3A_37] : memref<1x16xf32, #tpu.memory_space<vmem>>, vector<1x16xf32>
    %mul3A = vector.broadcast %get3A_38 : vector<1x16xf32> to vector<512x16xf32>
    %mul3A_39 = arith.mulf %slice3A_35, %mul3A : vector<512x16xf32>
    %reduce_sum3A = arith.constant dense<0.000000e+00> : vector<512xf32>
    %reduce_sum3A_40 = vector.multi_reduction <add>, %mul3A_39, %reduce_sum3A [1] : vector<512x16xf32> to vector<512xf32>
    %slice3A_41 = vector.extract_strided_slice %dot_general3A_32 {offsets = [0, 0], sizes = [512, 16], strides = [1, 1]} : vector<512x128xf32> to vector<512x16xf32>
    %get3A_42 = arith.constant 0 : index
    %get3A_43 = arith.constant 0 : index
    %get3A_44 = vector.load %arg6[%get3A_42, %get3A_43] : memref<1x16xf32, #tpu.memory_space<vmem>>, vector<1x16xf32>
    %mul3A_45 = vector.broadcast %get3A_44 : vector<1x16xf32> to vector<512x16xf32>
    %mul3A_46 = arith.mulf %slice3A_41, %mul3A_45 : vector<512x16xf32>
    %reduce_sum3A_47 = arith.constant dense<0.000000e+00> : vector<512xf32>
    %reduce_sum3A_48 = vector.multi_reduction <add>, %mul3A_46, %reduce_sum3A_47 [1] : vector<512x16xf32> to vector<512xf32>
    %iota3A = tpu.iota {dimensions = array<i32: 1>} : vector<512x16xi32>
    %iota3A_49 = tpu.iota {dimensions = array<i32: 0>} : vector<512x16xi32>
    %mul3A_50 = arith.constant 512 : i32
    %mul3A_51 = arith.muli %arg0, %mul3A_50 : i32
    %add3A_52 = vector.broadcast %mul3A_51 : i32 to vector<512x16xi32>
    %add3A_53 = arith.addi %iota3A_49, %add3A_52 : vector<512x16xi32>
    %eq3A = arith.constant 0 : i32
    %eq3A_54 = vector.broadcast %eq3A : i32 to vector<512x16xi32>
    %eq3A_55 = arith.cmpi eq, %iota3A, %eq3A_54 : vector<512x16xi32>
    %broadcast_in_dim3A_56 = vector.shape_cast %reduce_sum3A_40 : vector<512xf32> to vector<512x1xf32>
    %jit3A = arith.constant -1.000000e+30 : f32
    %broadcast_in_dim3A_57 = vector.shape_cast %broadcast_in_dim3A_56 : vector<512x1xf32> to vector<512x1xf32>
    %broadcast_in_dim3A_58 = vector.broadcast %broadcast_in_dim3A_57 : vector<512x1xf32> to vector<512x16xf32>
    %broadcast_in_dim3A_59 = vector.broadcast %jit3A : f32 to vector<512x16xf32>
    %select_n3A_60 = arith.select %eq3A_55, %broadcast_in_dim3A_58, %broadcast_in_dim3A_59 : vector<512x16xi1>, vector<512x16xf32>
    %swap3A_61 = arith.constant 0 : index
    %swap3A_62 = arith.constant 0 : index
    %swap3A_63 = vector.load %arg8[%swap3A_61, %swap3A_62] : memref<512x16xf32, #tpu.memory_space<vmem>>, vector<512x16xf32>
    tpu.vector_store %arg8[%swap3A_61, %swap3A_62], %select_n3A_60 {strides = array<i32>} : memref<512x16xf32, #tpu.memory_space<vmem>>, vector<512x16xf32>,
    %eq3A_64 = arith.constant 0 : i32
    %eq3A_65 = vector.broadcast %eq3A_64 : i32 to vector<512x16xi32>
    %eq3A_66 = arith.cmpi eq, %iota3A, %eq3A_65 : vector<512x16xi32>
    %lt3A = arith.constant 10000 : i32
    %lt3A_67 = vector.broadcast %lt3A : i32 to vector<512x16xi32>
    %lt3A_68 = arith.cmpi slt, %add3A_53, %lt3A_67 : vector<512x16xi32>
    %broadcast_in_dim3A_69 = vector.shape_cast %reduce_sum3A_48 : vector<512xf32> to vector<512x1xf32>
    %jit3A_70 = arith.constant -1.000000e+30 : f32
    %broadcast_in_dim3A_71 = vector.shape_cast %broadcast_in_dim3A_69 : vector<512x1xf32> to vector<512x1xf32>
    %broadcast_in_dim3A_72 = vector.broadcast %broadcast_in_dim3A_71 : vector<512x1xf32> to vector<512x16xf32>
    %broadcast_in_dim3A_73 = vector.broadcast %jit3A_70 : f32 to vector<512x16xf32>
    %select_n3A_74 = arith.select %lt3A_68, %broadcast_in_dim3A_72, %broadcast_in_dim3A_73 : vector<512x16xi1>, vector<512x16xf32>
    %jit3A_75 = arith.constant 0.000000e+00 : f32
    %broadcast_in_dim3A_76 = vector.broadcast %jit3A_75 : f32 to vector<512x16xf32>
    %select_n3A_77 = arith.select %eq3A_66, %select_n3A_74, %broadcast_in_dim3A_76 : vector<512x16xi1>, vector<512x16xf32>
    %swap3A_78 = arith.constant 0 : index
    %swap3A_79 = arith.constant 0 : index
    %swap3A_80 = vector.load %arg9[%swap3A_78, %swap3A_79] : memref<512x16xf32, #tpu.memory_space<vmem>>, vector<512x16xf32>
    tpu.vector_store %arg9[%swap3A_78, %swap3A_79], %select_n3A_77 {strides = array<i32>} : memref<512x16xf32, #tpu.memory_space<vmem>>, vector<512x16xf32>,
    return
  }
  func.func @transform_0(%arg0: i32) -> (i32, i32, i32) {
    %c0_i32 = arith.constant 0 : i32
    %c0_i32_0 = arith.constant 0 : i32
    %c0_i32_1 = arith.constant 0 : i32
    return %c0_i32, %arg0, %c0_i32_0 : i32, i32, i32
  }
  func.func @transform_1(%arg0: i32) -> (i32, i32, i32) {
    %c0_i32 = arith.constant 0 : i32
    %c0_i32_0 = arith.constant 0 : i32
    %c0_i32_1 = arith.constant 0 : i32
    return %c0_i32, %arg0, %c0_i32_0 : i32, i32, i32
  }
  func.func @transform_2(%arg0: i32) -> (i32, i32) {
    %c0_i32 = arith.constant 0 : i32
    %c0_i32_0 = arith.constant 0 : i32
    %c0_i32_1 = arith.constant 0 : i32
    return %c0_i32, %c0_i32_0 : i32, i32
  }
  func.func @transform_3(%arg0: i32) -> (i32, i32) {
    %c0_i32 = arith.constant 0 : i32
    %c0_i32_0 = arith.constant 0 : i32
    %c0_i32_1 = arith.constant 0 : i32
    return %c0_i32, %c0_i32_0 : i32, i32
  }
  func.func @transform_4(%arg0: i32) -> (i32, i32) {
    %c0_i32 = arith.constant 0 : i32
    %c0_i32_0 = arith.constant 0 : i32
    %c0_i32_1 = arith.constant 0 : i32
    return %c0_i32, %c0_i32_0 : i32, i32
  }
  func.func @transform_5(%arg0: i32) -> (i32, i32) {
    %c0_i32 = arith.constant 0 : i32
    %c0_i32_0 = arith.constant 0 : i32
    %c0_i32_1 = arith.constant 0 : i32
    return %c0_i32, %c0_i32_0 : i32, i32
  }
  func.func @transform_6(%arg0: i32) -> (i32, i32) {
    %c0_i32 = arith.constant 0 : i32
    %c0_i32_0 = arith.constant 0 : i32
    return %arg0, %c0_i32 : i32, i32
  }
  func.func @transform_7(%arg0: i32) -> (i32, i32) {
    %c0_i32 = arith.constant 0 : i32
    %c0_i32_0 = arith.constant 0 : i32
    return %arg0, %c0_i32 : i32, i32
  }
  func.func @transform_8(%arg0: i32) -> (i32, i32) {
    %c0_i32 = arith.constant 0 : i32
    %c0_i32_0 = arith.constant 0 : i32
    return %arg0, %c0_i32 : i32, i32
  }
}

module attributes {stable_mosaic.version = 14 : i64} {
  func.func @_tc_c_body(%arg0: i32, %arg1: memref<2x512x128xf32, #tpu.memory_space<vmem>>, %arg2: memref<2x512x1xf32, #tpu.memory_space<vmem>>, %arg3: memref<1x16xf32, #tpu.memory_space<vmem>>, %arg4: memref<512x16xf32, #tpu.memory_space<vmem>>) attributes {dimension_semantics = [#tpu.dimension_semantics<arbitrary>], iteration_bounds = array<i64: 20>, scalar_prefetch = 0 : i64, scratch_operands = 0 : i64, tpu.core_type = #tpu.core_type<tc>, window_params = [{transform_indices = @transform_0, window_bounds = array<i64: 2, 512, 128>}, {transform_indices = @transform_1, window_bounds = array<i64: 2, 512, 1>}, {pipeline_mode = #tpu.pipeline_mode<synchronous>, transform_indices = @transform_2, window_bounds = array<i64: 1, 16>}, {transform_indices = @transform_3, window_bounds = array<i64: 512, 16>}]} {
    %get3A = arith.constant 0 : index
    %get3A_0 = arith.constant 0 : index
    %get3A_1 = arith.constant 0 : index
    %get3A_2 = vector.load %arg1[%get3A, %get3A_0, %get3A_1] : memref<2x512x128xf32, #tpu.memory_space<vmem>>, vector<2x512x128xf32>
    %get3A_3 = arith.constant 0 : index
    %get3A_4 = arith.constant 0 : index
    %get3A_5 = arith.constant 0 : index
    %get3A_6 = vector.load %arg2[%get3A_3, %get3A_4, %get3A_5] : memref<2x512x1xf32, #tpu.memory_space<vmem>>, vector<2x512x1xf32>
    %slice3A = vector.extract_strided_slice %get3A_2 {offsets = [0, 0, 0], sizes = [1, 512, 128], strides = [1, 1, 1]} : vector<2x512x128xf32> to vector<1x512x128xf32>
    %squeeze3A = vector.shape_cast %slice3A : vector<1x512x128xf32> to vector<512x128xf32>
    %slice3A_7 = vector.extract_strided_slice %get3A_2 {offsets = [1, 0, 0], sizes = [1, 512, 128], strides = [1, 1, 1]} : vector<2x512x128xf32> to vector<1x512x128xf32>
    %squeeze3A_8 = vector.shape_cast %slice3A_7 : vector<1x512x128xf32> to vector<512x128xf32>
    %add3A = arith.addf %squeeze3A, %squeeze3A_8 : vector<512x128xf32>
    %slice3A_9 = vector.extract_strided_slice %add3A {offsets = [0, 0], sizes = [512, 16], strides = [1, 1]} : vector<512x128xf32> to vector<512x16xf32>
    %slice3A_10 = vector.extract_strided_slice %get3A_6 {offsets = [0, 0, 0], sizes = [1, 512, 1], strides = [1, 1, 1]} : vector<2x512x1xf32> to vector<1x512x1xf32>
    %squeeze3A_11 = vector.shape_cast %slice3A_10 : vector<1x512x1xf32> to vector<512x1xf32>
    %slice3A_12 = vector.extract_strided_slice %get3A_6 {offsets = [1, 0, 0], sizes = [1, 512, 1], strides = [1, 1, 1]} : vector<2x512x1xf32> to vector<1x512x1xf32>
    %squeeze3A_13 = vector.shape_cast %slice3A_12 : vector<1x512x1xf32> to vector<512x1xf32>
    %add3A_14 = arith.addf %squeeze3A_11, %squeeze3A_13 : vector<512x1xf32>
    %add3A_15 = arith.constant 1.000000e-16 : f32
    %add3A_16 = vector.broadcast %add3A_15 : f32 to vector<512x1xf32>
    %add3A_17 = arith.addf %add3A_14, %add3A_16 : vector<512x1xf32>
    %div3A = vector.broadcast %add3A_17 : vector<512x1xf32> to vector<512x16xf32>
    %div3A_18 = arith.divf %slice3A_9, %div3A : vector<512x16xf32>
    %get3A_19 = arith.constant 0 : index
    %get3A_20 = arith.constant 0 : index
    %get3A_21 = vector.load %arg3[%get3A_19, %get3A_20] : memref<1x16xf32, #tpu.memory_space<vmem>>, vector<1x16xf32>
    %add3A_22 = vector.broadcast %get3A_21 : vector<1x16xf32> to vector<512x16xf32>
    %add3A_23 = arith.addf %div3A_18, %add3A_22 : vector<512x16xf32>
    %swap3A = arith.constant 0 : index
    %swap3A_24 = arith.constant 0 : index
    %swap3A_25 = vector.load %arg4[%swap3A, %swap3A_24] : memref<512x16xf32, #tpu.memory_space<vmem>>, vector<512x16xf32>
    tpu.vector_store %arg4[%swap3A, %swap3A_24], %add3A_23 {strides = array<i32>} : memref<512x16xf32, #tpu.memory_space<vmem>>, vector<512x16xf32>,
    return
  }
  func.func @transform_0(%arg0: i32) -> (i32, i32, i32) {
    %c0_i32 = arith.constant 0 : i32
    %c0_i32_0 = arith.constant 0 : i32
    %c0_i32_1 = arith.constant 0 : i32
    return %c0_i32, %arg0, %c0_i32_0 : i32, i32, i32
  }
  func.func @transform_1(%arg0: i32) -> (i32, i32, i32) {
    %c0_i32 = arith.constant 0 : i32
    %c0_i32_0 = arith.constant 0 : i32
    %c0_i32_1 = arith.constant 0 : i32
    return %c0_i32, %arg0, %c0_i32_0 : i32, i32, i32
  }
  func.func @transform_2(%arg0: i32) -> (i32, i32) {
    %c0_i32 = arith.constant 0 : i32
    %c0_i32_0 = arith.constant 0 : i32
    %c0_i32_1 = arith.constant 0 : i32
    return %c0_i32, %c0_i32_0 : i32, i32
  }
  func.func @transform_3(%arg0: i32) -> (i32, i32) {
    %c0_i32 = arith.constant 0 : i32
    %c0_i32_0 = arith.constant 0 : i32
    return %arg0, %c0_i32 : i32, i32
  }
}

</mosaic_0001>

<sc_bundles>
// kernel: kernel.10.cloned.1.call-start
scs
__scs_entry_jumppad:
0x0: {  	(pc) =	sbr.rel $0x88, $3  }
0x1: {  	(tag) =	ssettag $0x0;
	lr =	simm.s32 $0x1  }
0x2: {  	[smem:$0x3F97] =	sst lr;
	_ =	strace $0xD0000000  }
0x3: {  	_ = 	snop  }
0x4: {  	_ = 	snop  }
0x5: {  	_ = 	snop  }
0x6: {  	_ = 	snop  }
0x7: {  	_ = 	snop  }
__scs_overlays_trampoline_lowered:
0x8: {  	[smem:$0x3FA6] =	sst s0  }
0x9: {  	[smem:$0x3FA7] =	sst s1  }
0xa: {  	[smem:$0x3FA8] =	sst s2  }
0xb: {  	[smem:$0x3FA9] =	sst s3  }
0xc: {  	[smem:$0x3FAA] =	sst s4  }
0xd: {  	[smem:$0x3FAB] =	sst s5  }
0xe: {  	[smem:$0x3FAC] =	sst s6  }
0xf: {  	[smem:$0x3FAD] =	sst s7  }
0x10: {  	[smem:$0x3FAE] =	sst s8  }
0x11: {  	[smem:$0x3FAF] =	sst s9;
	s0 =	simm.s32 @!p0 $0x0  }
0x12: {  	s1 =	sld [smem:$0x3F95];
	s0 =	simm.s32 @p0 $0x1  }
0x13: {  	[smem:$0x3FB0] =	sst s0;
	s0 =	simm.s32 @!p1 $0x0  }
0x14: {  	s2 =	sld [smem:$0x3F94];
	s0 =	simm.s32 @p1 $0x1  }
0x15: {  	[smem:$0x3FB1] =	sst s0;
	s0 =	simm.s32 @!p2 $0x0  }
0x16: {  	s3 =	sld [smem:$0x3FDB];
	s0 =	simm.s32 @p2 $0x1  }
0x17: {  	s4 =	simm.s32 $0x1BF5;
	[smem:$0x3FB3] =	sst s0  }
0x18: {  	s0 =	sld [smem:$0x3F96];
	_ =	swait.ge [sflag:s4], $0x0  }
0x19: {  	s7 =	sld [smem:$0x3F97]  }
0x1a: {  	s8 =	sadd.s32 $0xFFFFE003, lr  }
0x1b: {  	s9 =	sadd.s32 $0xFFFFFEF7, lr;
	s5 =	simm.s32 $0xFFFFFFFF;
	p2 =	slt.u32 s8, $0xFFFFF086  }
0x1c: {  	p1 =	slt.u32 s9, $0xF7A;
	s5 =	simm.s32 @!p2 $0x0  }
0x1d: {  	s5 =	simm.s32 @p1 $0x1;
	p0 =	seq.s32 s7, s2  }
0x1e: {  	s7 =	smul.u32 @!p0 $0xF7A, s2;
	p2 =	seq.s32 @!p0 s5, $0x0  }
0x1f: {  	s9 =	smul.u32 $0xF7A, s1;
	s8 =	simm.s32 @!p0 $0x1BF5;
	p2 =	por !p2, p0  }
0x20: {  	[sflag:s8] =	ssyncset.s32 @!p0 $0xFFFFF086;
	s6 =	sadd.s32 @!p0 s3, s7;
	s7 =	simm.s32 @!p0 $0x108  }
0x21: {  	s3 =	sadd.s32 s3, s9;
	s6 =	sadd.s32 @!p0 $0x88, s6;
	s7 =	simm.s32 @p2 $0x1082  }
0x22: {  	[simem:s7], [sflag:s8] =	dma.local @!p0 [hbm:s6], $0xF7A  }
0x23: {  	s9 =	sor.u32 $0xD0000000, s2;
	s6 =	simm.s32 $0x108;
	_ =	swait.ge @!p0 [sflag:s8], $0x0  }
0x24: {  	s3 =	sadd.s32 $0x88, s3;
	s6 =	simm.s32 @!p1 $0x1082;
	[sflag:s4] =	ssyncset.s32 $0xFFFFF086  }
0x25: {  	[simem:s6], [sflag:s4] =	dma.local [hbm:s3], $0xF7A  }
0x26: {  	[smem:$0x3F97] =	sst s1;
	(tag) =	ssettag s2;
	_ =	strace s9  }
0x27: {  	s1 =	sld [smem:$0x3FA7]  }
0x28: {  	s2 =	sld [smem:$0x3FA8]  }
0x29: {  	s4 =	sld [smem:$0x3FAA]  }
0x2a: {  	p0 =	seq.s32 s5, $0x0;
	s5 =	sld [smem:$0x3FAB]  }
0x2b: {  	s6 =	sld [smem:$0x3FAC]  }
0x2c: {  	s7 =	sld [smem:$0x3FAD]  }
0x2d: {  	s3 =	simm.s32 $0x108;
	s8 =	sld [smem:$0x3FAE]  }
0x2e: {  	s3 =	simm.s32 @!p0 $0x1082;
	s9 =	sld [smem:$0x3FAF]  }
0x2f: {  	lr =	sadd.s32 s0, s3;
	s0 =	sld [smem:$0x3FA6]  }
0x30: {  	s3 =	sld [smem:$0x3FA9]  }
0x31: {  	[smem:$0x3FB2] =	sst s10  }
0x32: {  	s10 =	sld [smem:$0x3FB0];
	_ =	sdelay $0x3  }
0x33: {  	p0 =	seq.s32 s10, $0x1;
	s10 =	sld [smem:$0x3FB2];
	_ =	sdelay $0x3  }
0x34: {  	[smem:$0x3FB2] =	sst s10  }
0x35: {  	s10 =	sld [smem:$0x3FB1];
	_ =	sdelay $0x3  }
0x36: {  	p1 =	seq.s32 s10, $0x1;
	s10 =	sld [smem:$0x3FB2];
	_ =	sdelay $0x3  }
0x37: {  	[smem:$0x3FB2] =	sst s10  }
0x38: {  	s10 =	sld [smem:$0x3FB3]  }
0x39: {  	_ = 	snop;
	(pc) =	sbr.ind lr, $3  }
0x3a: {  	_ = 	snop  }
0x3b: {  	_ = 	snop  }
0x3c: {  	p2 =	seq.s32 s10, $0x1;
	s10 =	sld [smem:$0x3FB2]  }
0x3d: {  	_ =	shalt  }
0x3e: {  	_ =	shalt  }
0x3f: {  	_ =	shalt  }
0x40: {  	_ =	shalt  }
0x41: {  	_ =	shalt  }
0x42: {  	_ =	shalt  }
0x43: {  	_ =	shalt  }
0x44: {  	_ =	shalt  }
0x45: {  	_ =	shalt  }
0x46: {  	_ =	shalt  }
0x47: {  	_ =	shalt  }
0x48: {  	_ =	shalt  }
0x49: {  	_ =	shalt  }
0x4a: {  	_ =	shalt  }
0x4b: {  	_ =	shalt  }
0x4c: {  	_ =	shalt  }
0x4d: {  	_ =	shalt  }
0x4e: {  	_ =	shalt  }
0x4f: {  	_ =	shalt  }
0x50: {  	_ =	shalt  }
0x51: {  	_ =	shalt  }
0x52: {  	_ =	shalt  }
0x53: {  	_ =	shalt  }
0x54: {  	_ =	shalt  }
0x55: {  	_ =	shalt  }
0x56: {  	_ =	shalt  }
0x57: {  	_ =	shalt  }
0x58: {  	_ =	shalt  }
0x59: {  	_ =	shalt  }
0x5a: {  	_ =	shalt  }
0x5b: {  	_ =	shalt  }
0x5c: {  	_ =	shalt  }
0x5d: {  	_ =	shalt  }
0x5e: {  	_ =	shalt  }
0x5f: {  	_ =	shalt  }
0x60: {  	_ =	shalt  }
0x61: {  	_ =	shalt  }
0x62: {  	_ =	shalt  }
0x63: {  	_ =	shalt  }
0x64: {  	_ =	shalt  }
0x65: {  	_ =	shalt  }
0x66: {  	_ =	shalt  }
0x67: {  	_ =	shalt  }
0x68: {  	_ =	shalt  }
0x69: {  	_ =	shalt  }
0x6a: {  	_ =	shalt  }
0x6b: {  	_ =	shalt  }
0x6c: {  	_ =	shalt  }
0x6d: {  	_ =	shalt  }
0x6e: {  	_ =	shalt  }
0x6f: {  	_ =	shalt  }
0x70: {  	_ =	shalt  }
0x71: {  	_ =	shalt  }
0x72: {  	_ =	shalt  }
0x73: {  	_ =	shalt  }
0x74: {  	_ =	shalt  }
0x75: {  	_ =	shalt  }
0x76: {  	_ =	shalt  }
0x77: {  	_ =	shalt  }
0x78: {  	_ =	shalt  }
0x79: {  	_ =	shalt  }
0x7a: {  	_ =	shalt  }
0x7b: {  	_ =	shalt  }
0x7c: {  	_ =	shalt  }
0x7d: {  	_ =	shalt  }
0x7e: {  	_ =	shalt  }
0x7f: {  	_ =	shalt  }
0x80: {  	_ =	shalt  }
0x81: {  	_ =	shalt  }
0x82: {  	_ =	shalt  }
0x83: {  	_ =	shalt  }
0x84: {  	_ =	shalt  }
0x85: {  	_ =	shalt  }
0x86: {  	_ =	shalt  }
0x87: {  	_ =	shalt  }
.Lfunc_end0:
.L_simem_size_0:
called_computation.1_lowered:
.L_overlay_start_0:
0x88: {  	s2 =	sld [smem:$0x3FD9]  }
0x89: {  	s3 =	sld [smem:$0x3FFE];
	_ =	sdelay $0x1  }
0x8a: {  	s1 =	srdreg.scid  }
0x8b: {  	s0 =	sand.u32 $0x1, s1  }
0x8c: {  	s17 =	sshll.u32 s0, $0xA;
	s2 =	sadd.s32 s3, s2  }
0x8d: {  	s2 =	sadd.s32 s2, s17  }
0x8e: {  	[smem:$0x3FBE] =	sst s2  }
0x8f: {  	_ = 	snop  }
0x90: {  	s2 =	sld [smem:$0x3FD0];
	(tm) =	ssettm $0x1  }
0x91: {  	s18 =	sld [smem:$0x3FFB];
	_ =	sdelay $0x3  }
0x92: {  	_ =	strace s18  }
0x93: {  	s3 =	sld [smem:$0x3FFC];
	_ =	sdelay $0x3  }
0x94: {  	_ =	strace s3  }
0x95: {  	s3 =	sld [smem:$0x3FFD];
	_ =	sdelay $0x3  }
0x96: {  	_ =	strace s3  }
0x97: {  	_ =	strace $0x8FFFFFFF  }
0x98: {  	s19 =	sld [smem:$0x3FDB];
	_ =	sdelay $0x1  }
0x99: {  	s4 =	simm.s32 $_scs_section_size  }
0x9a: {  	s5 =	simm.s32 $_size__tile_overlayer_lowered;
	s6 =	simm.s32 $_tile_overlayer_lowered  }
0x9b: {  	s22 =	simm.s32 $0x1BFF;
	s21 =	sshll.u32 s6, $0x1;
	s3 =	sadd.s32 s4, s19  }
0x9c: {  	s7 =	simm.s32 $0x0;
	s20 =	sshll.u32 s5, $0x1;
	s5 =	sadd.s32 s21, s3  }
0x9d: {  	[timem:s7], [sflag:s22] =	dma.local [hbm:s5], s20  }
0x9e: {  	_ =	swait.ge [sflag:s22], s20  }
0x9f: {  	s4 =	ssub.s32 $0x0, s20;
	[sflag:s22] =	ssyncset.done $0x0  }
0xa0: {  	[sflag:s22] =	ssyncadd.s32 s4;
	_ =	sdelay $0x1  }
0xa1: {  	s23 =	simm.s32 $0x1B8B  }
0xa2: {  	_ =	swait.ge [sflag:s23], $0x1  }
0xa3: {  	[sflag:s23] =	ssyncset.done $0x0  }
0xa4: {  	s25 =	simm.s32 $0x1B8E;
	s24 =	sld [smem:$0x3FFE];
	[sflag:s23] =	ssyncadd.s32 $0xFFFFFFFF  }
0xa5: {  	s26 =	simm.s32 $execute0_lowered;
	[smem:$0x3FD2] =	sst s25  }
0xa6: {  	s5 =	sshll.u32 s26, $0x1;
	_ =	strace $0x80000049;
	[dreg:$0x1] =	wrdreg $0xFFFFFFFF  }
0xa7: {  	s28 =	simm.s32 $_size_execute0_lowered;
	s3 =	sadd.s32 s3, s5;
	[dreg:$0x0] =	wrdreg $0x0  }
0xa8: {  	s5 =	sshll.u32 s28, $0x1;
	[dreg:$0x2] =	wrdreg s3  }
0xa9: {  	[dreg:$0x3] =	wrdreg s5  }
0xaa: {  	[dreg:$0x4] =	wrdreg $0xC0  }
0xab: {  	_ =	task [dreg:s7], $0x5FFFF  }
0xac: {  	[dreg:$0x1] =	wrdreg $0xFFFFFFFF  }
0xad: {  	[dreg:$0x0] =	wrdreg $0x60  }
0xae: {  	[dreg:$0x2] =	wrdreg s24  }
0xaf: {  	[dreg:$0x3] =	wrdreg s2  }
0xb0: {  	[dreg:$0x4] =	wrdreg $0x0  }
0xb1: {  	[dreg:$0x5] =	wrdreg $0x142800  }
0xb2: {  	[dreg:$0x6] =	wrdreg $0x140000  }
0xb3: {  	[dreg:$0x7] =	wrdreg $0x9  }
0xb4: {  	_ =	task.clear_ibuf [dreg:s7], $0x8FFFF;
	_ =	strace $0x90000049  }
0xb5: {  	s29 =	simm.s32 $0x9;
	_ =	strace $0x8000004B  }
0xb6: {  	_ =	swait.ge [sflag:s29], $0x1  }
0xb7: {  	[sflag:s29] =	ssyncadd.s32 $0xFFFFFFFF  }
0xb8: {  	_ =	strace $0x9000004B  }
0xb9: {  	_ =	sfence  }
0xba: {  	s30 =	sld [smem:$0x0];
	_ =	sdelay $0x2  }
0xbb: {  	s31 =	sshll.u32 s1, $0xD;
	s1 =	sshrl.u32 s1, $0x2  }
0xbc: {  	s3 =	sand.u32 $0x4000, s31;
	s1 =	sadd.s32 s1, s30  }
0xbd: {  	s0 =	sor.u32 s3, s0;
	s1 =	sshll.u32 s1, $0x11  }
0xbe: {  	s0 =	sor.u32 s1, s0  }
0xbf: {  	s0 =	sadd.s32 $0x8F2B, s0  }
0xc0: {  	[sflag:s0] =	ssyncadd.remote.s32 $0x1  }
0xc1: {  	_ =	sfence.sel $0xFFFF  }
0xc2: {  	[dreg:$0x0] =	wrdreg $0xFFFFFFFF;
	(pc) =	sbr.abs _section_cstart, $3  }
0xc3: {  	[dreg:$0x1] =	wrdreg $0xFFFFFFFF  }
0xc4: {  	_ =	task.clear_ibuf [dreg:s7], $0x2FFFF;
	_ =	strace $0x9FFFFFFF  }
0xc5: {  	(tm) =	ssettm $0x7FFFFFFF  }
tec
execute0_lowered:
.L_overlay_start_1:
0x0: {  	(tag) =	ssettag $0x1  }
0x1: {  	s0 =	rddreg [dreg:$0x0]  }
0x2: {  	s10 =	rddreg [dreg:$0x1]  }
0x3: {  	s1 =	rddreg [dreg:$0x2]  }
0x4: {  	s2 =	rddreg [dreg:$0x3]  }
0x5: {  	s3 =	rddreg [dreg:$0x4];
	s7 =	stileid.u32  }
0x6: {  	s4 =	srdreg.scid;
	s5 =	simm.s32 $0x0;
	s21 =	smul.u32 $0x14000, s7  }
0x7: {  	s26 =	stileid.u32;
	s11 =	sand.u32 $0x1, s4;
	s12 =	smul.u32 $0x500, s7  }
0x8: {  	[smem:$0x7FF] =	sst s5;
	s6 =	sadd.s32 $0x54800, s0;
	s20 =	smul.u32 $0x2880, s26  }
0x9: {  	s7 =	sadd.s32 $0x5EA00, s0;
	s8 =	sadd.s32 $0x2000, s0;
	s4 =	smul.u32 $0x140000, s11  }
0xa: {  	_ =	strace $0x8000004A;
	s22 =	sshll.u32 s11, $0x7;
	s24 =	ssub.s32 $0x2, s11  }
0xb: {  	s11 =	smul.u32 $0x28800, s11;
	s9 =	sor.u32 s22, s12;
	s25 =	sshrl.u32 s24, $0x1  }
0xc: {  	v55 =	vlaneseq.u32;
	s14 =	sshrl.u32 s12, $0x3;
	s13 =	sor.u32 $0x10, s12;
	s15 =	sor.u32 $0x20, s12  }
0xd: {  	s16 =	sor.u32 $0x30, s12;
	s17 =	sor.u32 $0x40, s12;
	s18 =	sor.u32 $0x50, s12;
	v0 =	vor.u32 s13, v55  }
0xe: {  	s4 =	sadd.s32 s21, s4;
	s23 =	sshrl.u32 s9, $0x3;
	s9 =	sadd.s32 s10, s14;
	[tilespmem:$0x1FC30] =	vst v0;
	v0 =	vor.u32 s15, v55  }
0xf: {  	s21 =	sor.u32 $0x60, s12;
	s4 =	sshrl.u32 s4, $0x3;
	[dreg:$0x6] =	wrdreg s9;
	[tilespmem:$0x1FC40] =	vst v0;
	v0 =	vor.u32 s16, v55  }
0x10: {  	s9 =	sadd.s32 $0x280, s12;
	s4 =	sadd.s32 s4, s0;
	s0 =	sadd.s32 s23, s0;
	[tilespmem:$0x1FC50] =	vst v0;
	v0 =	vor.u32 s17, v55  }
0x11: {  	s19 =	sshrl.u32 s9, $0x3;
	[dreg:$0xb] =	wrdreg s0;
	s0 =	ssub.s32 s24, s25;
	[tilespmem:$0x1FC60] =	vst v0;
	v0 =	vor.u32 s18, v55  }
0x12: {  	[dreg:$0xa] =	wrdreg s0;
	s0 =	sadd.s32 s10, s19;
	s10 =	sor.u32 $0x70, s12;
	[tilespmem:$0x1FC70] =	vst v0;
	v0 =	vor.u32 s21, v55  }
0x13: {  	s19 =	sor.u32 $0x80, s12;
	[tilespmem:$0x1FC80] =	vst v0;
	v0 =	vor.u32 s10, v55  }
0x14: {  	s11 =	sadd.s32 s20, s11;
	s20 =	sor.u32 $0x90, s12;
	[tilespmem:$0x1FC90] =	vst v0;
	v0 =	vor.u32 s19, v55  }
0x15: {  	s22 =	sor.u32 $0xA0, s12;
	[tilespmem:$0x1FCA0] =	vst v0;
	v0 =	vor.u32 s20, v55  }
0x16: {  	s23 =	sor.u32 $0xB0, s12;
	[tilespmem:$0x1FCB0] =	vst v0;
	v0 =	vor.u32 s22, v55  }
0x17: {  	s24 =	sor.u32 $0xC0, s12;
	[tilespmem:$0x1FCC0] =	vst v0;
	v0 =	vor.u32 s23, v55  }
0x18: {  	s25 =	sor.u32 $0xD0, s12;
	[tilespmem:$0x1FCD0] =	vst v0;
	v0 =	vor.u32 s24, v55  }
0x19: {  	[dreg:$0xc] =	wrdreg s4;
	s4 =	smul.u32 $0x280, s26;
	s26 =	sor.u32 $0xE0, s12;
	[tilespmem:$0x1FCE0] =	vst v0;
	v0 =	vor.u32 s25, v55  }
0x1a: {  	s28 =	sor.u32 $0xF0, s12;
	[tilespmem:$0x1FCF0] =	vst v0;
	v0 =	vor.u32 s26, v55  }
0x1b: {  	s29 =	sadd.s32 $0x100, s12;
	[tilespmem:$0x1FD00] =	vst v0;
	v0 =	vor.u32 s28, v55  }
0x1c: {  	s30 =	sadd.s32 $0x110, s12;
	s13 =	sadd.s32 $0x170, s12;
	[tilespmem:$0x1FD10] =	vst v0;
	v0 =	vor.u32 s29, v55  }
0x1d: {  	s31 =	sadd.s32 $0x120, s12;
	[dreg:$0x15] =	wrdreg s13;
	[tilespmem:$0x1FD20] =	vst v0;
	v0 =	vor.u32 s30, v55  }
0x1e: {  	[dreg:$0x7] =	wrdreg s0;
	s0 =	sadd.s32 $0x130, s12;
	[tilespmem:$0x1FD30] =	vst v0;
	v0 =	vor.u32 s31, v55  }
0x1f: {  	s5 =	sadd.s32 $0x140, s12;
	s13 =	sadd.s32 $0x180, s12;
	[dreg:$0xd] =	wrdreg s9;
	[tilespmem:$0x1FD40] =	vst v0;
	v0 =	vor.u32 s0, v55  }
0x20: {  	s9 =	sadd.s32 $0x150, s12;
	[dreg:$0x14] =	wrdreg s13;
	s13 =	sadd.s32 $0x290, s12;
	[tilespmem:$0x1FD50] =	vst v0;
	v0 =	vor.u32 s5, v55  }
0x21: {  	s14 =	sadd.s32 $0x160, s12;
	[dreg:$0x13] =	wrdreg s13;
	[tilespmem:$0x1FD60] =	vst v0;
	v0 =	vor.u32 s9, v55  }
0x22: {  	s13 =	rddreg [dreg:$0x15];
	[tilespmem:$0x1FD70] =	vst v0;
	v0 =	vor.u32 s14, v55  }
0x23: {  	[tilespmem:$0x1FD80] =	vst v0;
	v0 =	vor.u32 s13, v55;
	s13 =	rddreg [dreg:$0x14]  }
0x24: {  	s15 =	sadd.s32 $0x190, s12;
	[tilespmem:$0x1FD90] =	vst v0;
	v0 =	vor.u32 s13, v55  }
0x25: {  	s16 =	sadd.s32 $0x1A0, s12;
	[tilespmem:$0x1FDA0] =	vst v0;
	v0 =	vor.u32 s15, v55  }
0x26: {  	s17 =	sadd.s32 $0x1B0, s12;
	s18 =	sadd.s32 $0x1D0, s12;
	[tilespmem:$0x1FDB0] =	vst v0;
	v0 =	vor.u32 s16, v55  }
0x27: {  	s21 =	sadd.s32 $0x1E0, s12;
	s10 =	sadd.s32 $0x1C0, s12;
	s19 =	sadd.s32 $0x1F0, s12;
	[tilespmem:$0x1FDC0] =	vst v0;
	v0 =	vor.u32 s17, v55  }
0x28: {  	s20 =	sadd.s32 $0x200, s12;
	s22 =	sadd.s32 $0x210, s12;
	s23 =	sadd.s32 $0x220, s12;
	[tilespmem:$0x1FDD0] =	vst v0;
	v0 =	vor.u32 s10, v55  }
0x29: {  	s24 =	sadd.s32 $0x230, s12;
	s25 =	sadd.s32 $0x240, s12;
	s26 =	sadd.s32 $0x250, s12;
	[tilespmem:$0x1FDE0] =	vst v0;
	v0 =	vor.u32 s18, v55  }
0x2a: {  	s28 =	sadd.s32 $0x260, s12;
	s29 =	sadd.s32 $0x270, s12;
	s0 =	sadd.s32 $0x310, s12;
	[tilespmem:$0x1FDF0] =	vst v0;
	v0 =	vor.u32 s21, v55  }
0x2b: {  	s30 =	sadd.s32 $0x2A0, s12;
	[dreg:$0x12] =	wrdreg s0;
	s0 =	sadd.s32 $0x3A0, s12;
	[tilespmem:$0x1FE00] =	vst v0;
	v0 =	vor.u32 s19, v55  }
0x2c: {  	s31 =	sadd.s32 $0x2B0, s12;
	[dreg:$0xf] =	wrdreg s0;
	s0 =	sadd.s32 $0x400, s12;
	[tilespmem:$0x1FE10] =	vst v0;
	v0 =	vor.u32 s20, v55  }
0x2d: {  	s5 =	sadd.s32 $0x2C0, s12;
	[dreg:$0xe] =	wrdreg s0;
	s0 =	sadd.s32 $0x410, s12;
	[tilespmem:$0x1FE20] =	vst v0;
	v0 =	vor.u32 s22, v55  }
0x2e: {  	s9 =	sadd.s32 $0x2D0, s12;
	s14 =	sadd.s32 $0x2E0, s12;
	v1 =	vor.u32 s0, v55;
	s0 =	sor.u32 $0x50, s4;
	[tilespmem:$0x1FE30] =	vst v0;
	v0 =	vor.u32 s23, v55  }
0x2f: {  	s13 =	sadd.s32 $0x2F0, s12;
	v20 =	vor.u32 s0, v55;
	s0 =	sadd.s32 $0x170, s4;
	s15 =	sadd.s32 $0x300, s12;
	[tilespmem:$0x1FE40] =	vst v0;
	v0 =	vor.u32 s24, v55  }
0x30: {  	v39 =	vor.u32 s0, v55;
	s0 =	simm.s32 $0x2;
	s16 =	sadd.s32 $0x330, s12;
	s17 =	sadd.s32 $0x340, s12;
	[tilespmem:$0x1FE50] =	vst v0;
	v0 =	vor.u32 s25, v55  }
0x31: {  	s10 =	sadd.s32 $0x320, s12;
	s18 =	sadd.s32 $0x350, s12;
	s21 =	sadd.s32 $0x370, s12;
	[tilespmem:$0x1FE60] =	vst v0;
	v0 =	vor.u32 s26, v55  }
0x32: {  	s19 =	sadd.s32 $0x360, s12;
	s20 =	sadd.s32 $0x380, s12;
	s23 =	rddreg [dreg:$0x13];
	[tilespmem:$0x1FE70] =	vst v0;
	v0 =	vor.u32 s28, v55  }
0x33: {  	s22 =	sadd.s32 $0x390, s12;
	s24 =	sadd.s32 $0x3B0, s12;
	s28 =	rddreg [dreg:$0xd];
	[tilespmem:$0x1FE80] =	vst v0;
	v0 =	vor.u32 s29, v55  }
0x34: {  	s25 =	sadd.s32 $0x3C0, s12;
	s26 =	sadd.s32 $0x3D0, s12;
	s29 =	sadd.s32 $0x3F0, s12;
	[tilespmem:$0x1FE90] =	vst v0;
	v0 =	vor.u32 s28, v55  }
0x35: {  	v61 =	vor.u32 s26, v55;
	s26 =	rddreg [dreg:$0xe];
	s28 =	sadd.s32 $0x3E0, s12;
	v63 =	vor.u32 s29, v55;
	s29 =	sadd.s32 $0xD0, s4;
	[tilespmem:$0x1FEA0] =	vst v0;
	v0 =	vor.u32 s23, v55  }
0x36: {  	s23 =	sadd.s32 $0x460, s12;
	v62 =	vor.u32 s28, v55;
	s28 =	sadd.s32 $0xA0, s4;
	v28 =	vor.u32 s29, v55;
	s29 =	sadd.s32 $0x200, s4;
	[tilespmem:$0x1FEB0] =	vst v0;
	v0 =	vor.u32 s30, v55  }
0x37: {  	s30 =	sadd.s32 $0x420, s12;
	[dreg:$0x10] =	wrdreg s23;
	s23 =	sadd.s32 $0x490, s12;
	[tilespmem:$0x1FEC0] =	vst v0;
	v0 =	vor.u32 s31, v55  }
0x38: {  	v25 =	vor.u32 s28, v55;
	s28 =	sadd.s32 $0x1E0, s4;
	v48 =	vor.u32 s29, v55;
	s29 =	simm.s32 $0x15100;
	[dreg:$0x11] =	wrdreg s23;
	[tilespmem:$0x1FED0] =	vst v0;
	v0 =	vor.u32 s5, v55  }
0x39: {  	s31 =	sadd.s32 $0x430, s12;
	s23 =	rddreg [dreg:$0xf];
	v2 =	vor.u32 s30, v55;
	s30 =	sadd.s32 $0x100, s4;
	[tilespmem:$0x1FEE0] =	vst v0;
	v0 =	vor.u32 s9, v55  }
0x3a: {  	v46 =	vor.u32 s28, v55;
	s28 =	simm.s32 $0x15280;
	s5 =	sadd.s32 $0x480, s12;
	v3 =	vor.u32 s31, v55;
	s31 =	sadd.s32 $0x1F0, s4;
	[tilespmem:$0x1FEF0] =	vst v0;
	v0 =	vor.u32 s14, v55  }
0x3b: {  	v31 =	vor.u32 s30, v55;
	s30 =	sadd.s32 $0x230, s4;
	s9 =	sadd.s32 $0x440, s12;
	v8 =	vor.u32 s5, v55;
	s5 =	sadd.s32 $0xB0, s4;
	[tilespmem:$0x1FF00] =	vst v0;
	v0 =	vor.u32 s13, v55  }
0x3c: {  	v47 =	vor.u32 s31, v55;
	v51 =	vor.u32 s30, v55;
	s30 =	simm.s32 $0x15400;
	s31 =	simm.s32 $0x1;
	[tilespmem:$0x1FF10] =	vst v0;
	v0 =	vor.u32 s15, v55;
	s15 =	rddreg [dreg:$0x12]  }
0x3d: {  	s14 =	sadd.s32 $0x450, s12;
	v4 =	vor.u32 s9, v55;
	s9 =	sadd.s32 $0x80, s4;
	s13 =	stileid.u32;
	[tilespmem:$0x1FF20] =	vst v0;
	v0 =	vor.u32 s15, v55  }
0x3e: {  	v26 =	vor.u32 s5, v55;
	s5 =	sadd.s32 $0x1D0, s4;
	v5 =	vor.u32 s14, v55;
	s15 =	sadd.s32 $0x470, s12;
	[tilespmem:$0x1FF30] =	vst v0;
	v0 =	vor.u32 s10, v55;
	s10 =	smul.u32 $0x50000, s13  }
0x3f: {  	s14 =	sadd.s32 $0x90, s4;
	v23 =	vor.u32 s9, v55;
	s9 =	sadd.s32 $0x1A0, s4;
	v7 =	vor.u32 s15, v55;
	s15 =	sadd.s32 $0xC0, s4;
	[tilespmem:$0x1FF40] =	vst v0;
	v0 =	vor.u32 s16, v55  }
0x40: {  	s16 =	sadd.s32 $0x4A0, s12;
	[tilespmem:$0x1FF50] =	vst v0;
	v0 =	vor.u32 s17, v55;
	s17 =	sadd.s32 $0x4B0, s12;
	s10 =	sshrl.u32 s10, $0x2  }
0x41: {  	v10 =	vor.u32 s16, v55;
	s16 =	sadd.s32 $0x220, s4;
	[tilespmem:$0x1FF60] =	vst v0;
	v0 =	vor.u32 s18, v55;
	s18 =	sadd.s32 $0x4C0, s12;
	v11 =	vor.u32 s17, v55;
	s17 =	sadd.s32 $0xF0, s4  }
0x42: {  	[dreg:$0x16] =	wrdreg s16;
	[tilespmem:$0x1FF70] =	vst v0;
	v0 =	vor.u32 s19, v55;
	s19 =	sadd.s32 $0x4D0, s12;
	v12 =	vor.u32 s18, v55;
	s18 =	sadd.s32 $0x110, s4  }
0x43: {  	v45 =	vor.u32 s5, v55;
	v30 =	vor.u32 s17, v55;
	s17 =	sadd.s32 $0x240, s4;
	s5 =	rddreg [dreg:$0x16];
	[tilespmem:$0x1FF80] =	vst v0;
	v0 =	vor.u32 s21, v55;
	s21 =	sadd.s32 $0x4E0, s12  }
0x44: {  	v13 =	vor.u32 s19, v55;
	s19 =	sadd.s32 $0x120, s4;
	v32 =	vor.u32 s18, v55;
	[dreg:$0x17] =	wrdreg s17;
	s18 =	sadd.s32 $0x250, s4  }
0x45: {  	s17 =	simm.s32 $0x14780;
	[tilespmem:$0x1FF90] =	vst v0;
	v0 =	vor.u32 s20, v55;
	s20 =	sor.u32 $0x10, s4;
	[dreg:$0x18] =	wrdreg s18  }
0x46: {  	v42 =	vor.u32 s9, v55;
	v14 =	vor.u32 s21, v55;
	s21 =	sadd.s32 $0x130, s4;
	v33 =	vor.u32 s19, v55;
	s19 =	sadd.s32 $0x260, s4;
	s9 =	rddreg [dreg:$0x17]  }
0x47: {  	s18 =	simm.s32 $0x3;
	[tilespmem:$0x1FFA0] =	vst v0;
	v0 =	vor.u32 s22, v55;
	s22 =	rddreg [dreg:$0xc];
	v16 =	vor.u32 s20, v55;
	s20 =	sadd.s32 $0x150, s4  }
0x48: {  	v34 =	vor.u32 s21, v55;
	[dreg:$0x19] =	wrdreg s19;
	s21 =	sadd.s32 $0x270, s4;
	s19 =	simm.s32 $0x280  }
0x49: {  	s13 =	sadd.s32 $0x68C00, s22;
	s22 =	sor.u32 $0x20, s4;
	[dreg:$0x1a] =	wrdreg s21  }
0x4a: {  	[tilespmem:$0x1FFB0] =	vst v0;
	v0 =	vor.u32 s12, v55;
	s12 =	sadd.s32 $0x4F0, s12;
	v37 =	vor.u32 s20, v55;
	[dreg:$0x8] =	wrdreg s13;
	v17 =	vor.u32 s22, v55;
	s22 =	sadd.s32 $0x160, s4  }
0x4b: {  	s20 =	simm.s32 $0x14A00;
	[tilespmem:$0x1FFC0] =	vst v0;
	v0 =	vor.u32 s23, v55;
	v15 =	vor.u32 s12, v55;
	s12 =	sadd.s32 $0x140, s4;
	v38 =	vor.u32 s22, v55;
	s22 =	rddreg [dreg:$0xa]  }
0x4c: {  	s21 =	simm.s32 $0x120;
	s13 =	sadd.s32 s10, s1;
	[tilespmem:$0x1FFD0] =	vst v0;
	v0 =	vor.u32 s24, v55;
	v36 =	vor.u32 s12, v55;
	s12 =	rddreg [dreg:$0x19]  }
0x4d: {  	s23 =	sor.u32 $0x30, s4;
	s24 =	sor.u32 $0x40, s4;
	[tilespmem:$0x1FFE0] =	vst v0;
	v0 =	vor.u32 s25, v55;
	s25 =	rddreg [dreg:$0xb]  }
0x4e: {  	v27 =	vor.u32 s15, v55;
	s15 =	sshrl.u32 s13, $0x3;
	s13 =	rddreg [dreg:$0x1a];
	s10 =	sadd.s32 $0x2A000, s25  }
0x4f: {  	v56 =	vimm.f32 $0.0e+00;
	v18 =	vor.u32 s23, v55;
	s23 =	sadd.s32 $0x180, s4;
	v19 =	vor.u32 s24, v55;
	s24 =	sadd.s32 $0x190, s4;
	[dreg:$0x9] =	wrdreg s10  }
0x50: {  	v35 =	vor.u32 s4, v55;
	v24 =	vor.u32 s14, v55;
	v50 =	vor.u32 s5, v55;
	s14 =	smax.u32 s22, $0x1;
	s22 =	simm.s32 $0x1E580;
	s10 =	rddreg [dreg:$0x10]  }
0x51: {  	v52 =	vor.u32 s9, v55;
	v40 =	vor.u32 s23, v55;
	s23 =	simm.s32 $0x15580;
	s25 =	sor.u32 $0x60, s4;
	v6 =	vor.u32 s10, v55;
	s10 =	rddreg [dreg:$0x11]  }
0x52: {  	[tilespmem:$0x1FFF0] =	vst v0;
	v0 =	vor.u32 s26, v55;
	s26 =	sor.u32 $0x70, s4;
	v41 =	vor.u32 s24, v55;
	s24 =	simm.s32 $0x14C80;
	v9 =	vor.u32 s10, v55;
	s10 =	sadd.s32 $0xE0, s4  }
0x53: {  	v21 =	vor.u32 s25, v55;
	v22 =	vor.u32 s26, v55;
	s25 =	sadd.s32 $0x1B0, s4;
	s26 =	sadd.s32 $0x1C0, s4;
	v29 =	vor.u32 s10, v55;
	s10 =	sadd.s32 $0x210, s4  }
0x54: {  	v54 =	vor.u32 s12, v55;
	v43 =	vor.u32 s25, v55;
	s25 =	simm.s32 $0x14E00;
	s4 =	sadd.s32 s4, s3;
	v49 =	vor.u32 s10, v55;
	s10 =	rddreg [dreg:$0x18]  }
0x55: {  	v44 =	vor.u32 s26, v55;
	s26 =	simm.s32 $0x14F80;
	s16 =	sshrl.u32 s4, $0x3;
	s4 =	simm.s32 $0x0;
	v53 =	vor.u32 s10, v55;
	v55 =	vor.u32 s13, v55  }
.LBB2_1:
0x56: {  	s5 =	simm.s32 $0x0;
	s9 =	rddreg [dreg:$0x6]  }
0x57: {  	[tilespmem:s17], [sflag:$0x3] =	stream.linear.gather [hbm4b:s9+s5], $0x280, $0x38;
	[tilespmem:$0x1E700] =	vst v63  }
0x58: {  	_ =	swait.ge [sflag:s18], $0x280  }
0x59: {  	v60 =	vld [tilespmem:$0x1FC30];
	_ =	sdelay $0x2  }
0x5a: {  	[sflag:s18] =	ssyncset.done $0x0  }
0x5b: {  	[sflag:s18] =	ssyncadd.s32 $0xFFFFFD80  }
0x5c: {  	[tilespmem:$0x14A10] =	vst v60;
	v60 =	vld [tilespmem:$0x1FC40];
	_ =	sdelay $0x4  }
0x5d: {  	[tilespmem:$0x14A20] =	vst v60;
	v60 =	vld [tilespmem:$0x1FC50];
	_ =	sdelay $0x4  }
0x5e: {  	[tilespmem:$0x14A30] =	vst v60;
	v60 =	vld [tilespmem:$0x1FC60];
	_ =	sdelay $0x4  }
0x5f: {  	[tilespmem:$0x14A40] =	vst v60;
	v60 =	vld [tilespmem:$0x1FC70];
	_ =	sdelay $0x4  }
0x60: {  	[tilespmem:$0x14A50] =	vst v60;
	v60 =	vld [tilespmem:$0x1FC80];
	_ =	sdelay $0x4  }
0x61: {  	[tilespmem:$0x14A60] =	vst v60;
	v60 =	vld [tilespmem:$0x1FC90];
	_ =	sdelay $0x4  }
0x62: {  	[tilespmem:$0x14A70] =	vst v60;
	v60 =	vld [tilespmem:$0x1FCA0];
	_ =	sdelay $0x4  }
0x63: {  	[tilespmem:$0x14A80] =	vst v60;
	v60 =	vld [tilespmem:$0x1FCB0];
	_ =	sdelay $0x4  }
0x64: {  	[tilespmem:$0x14A90] =	vst v60;
	v60 =	vld [tilespmem:$0x1FCC0];
	_ =	sdelay $0x4  }
0x65: {  	[tilespmem:$0x14AA0] =	vst v60;
	v60 =	vld [tilespmem:$0x1FCD0];
	_ =	sdelay $0x4  }
0x66: {  	[tilespmem:$0x14AB0] =	vst v60;
	v60 =	vld [tilespmem:$0x1FCE0];
	_ =	sdelay $0x4  }
0x67: {  	[tilespmem:$0x14AC0] =	vst v60;
	v60 =	vld [tilespmem:$0x1FCF0];
	_ =	sdelay $0x4  }
0x68: {  	[tilespmem:$0x14AD0] =	vst v60;
	v60 =	vld [tilespmem:$0x1FD00];
	_ =	sdelay $0x4  }
0x69: {  	[tilespmem:$0x14AE0] =	vst v60;
	v60 =	vld [tilespmem:$0x1FD10];
	_ =	sdelay $0x4  }
0x6a: {  	[tilespmem:$0x14AF0] =	vst v60;
	v60 =	vld [tilespmem:$0x1FD20];
	_ =	sdelay $0x4  }
0x6b: {  	[tilespmem:$0x14B00] =	vst v60;
	v60 =	vld [tilespmem:$0x1FD30];
	_ =	sdelay $0x4  }
0x6c: {  	[tilespmem:$0x14B10] =	vst v60;
	v60 =	vld [tilespmem:$0x1FD40];
	_ =	sdelay $0x4  }
0x6d: {  	[tilespmem:$0x14B20] =	vst v60;
	v60 =	vld [tilespmem:$0x1FD50];
	_ =	sdelay $0x4  }
0x6e: {  	[tilespmem:$0x14B30] =	vst v60;
	v60 =	vld [tilespmem:$0x1FD60];
	_ =	sdelay $0x4  }
0x6f: {  	[tilespmem:$0x14B40] =	vst v60;
	v60 =	vld [tilespmem:$0x1FD70];
	_ =	sdelay $0x4  }
0x70: {  	[tilespmem:$0x14B50] =	vst v60;
	v60 =	vld [tilespmem:$0x1FD80];
	_ =	sdelay $0x4  }
0x71: {  	[tilespmem:$0x14B60] =	vst v60;
	v60 =	vld [tilespmem:$0x1FD90];
	_ =	sdelay $0x4  }
0x72: {  	[tilespmem:$0x14B70] =	vst v60;
	v60 =	vld [tilespmem:$0x1FDA0];
	_ =	sdelay $0x4  }
0x73: {  	[tilespmem:$0x14B80] =	vst v60;
	v60 =	vld [tilespmem:$0x1FDB0];
	_ =	sdelay $0x4  }
0x74: {  	[tilespmem:$0x14B90] =	vst v60;
	v60 =	vld [tilespmem:$0x1FDC0];
	_ =	sdelay $0x4  }
0x75: {  	[tilespmem:$0x14BA0] =	vst v60;
	v60 =	vld [tilespmem:$0x1FDD0];
	_ =	sdelay $0x4  }
0x76: {  	[tilespmem:$0x14BB0] =	vst v60;
	v60 =	vld [tilespmem:$0x1FDE0];
	_ =	sdelay $0x4  }
0x77: {  	[tilespmem:$0x14BC0] =	vst v60;
	v60 =	vld [tilespmem:$0x1FDF0];
	_ =	sdelay $0x4  }
0x78: {  	[tilespmem:$0x14BD0] =	vst v60;
	v60 =	vld [tilespmem:$0x1FE00];
	_ =	sdelay $0x4  }
0x79: {  	[tilespmem:$0x14BE0] =	vst v60;
	v60 =	vld [tilespmem:$0x1FE10];
	_ =	sdelay $0x4  }
0x7a: {  	[tilespmem:$0x14BF0] =	vst v60;
	v60 =	vld [tilespmem:$0x1FE20];
	_ =	sdelay $0x4  }
0x7b: {  	[tilespmem:$0x14C00] =	vst v60;
	v60 =	vld [tilespmem:$0x1FE30];
	_ =	sdelay $0x4  }
0x7c: {  	[tilespmem:$0x14C10] =	vst v60;
	v60 =	vld [tilespmem:$0x1FE40];
	_ =	sdelay $0x4  }
0x7d: {  	[tilespmem:$0x14C20] =	vst v60;
	v60 =	vld [tilespmem:$0x1FE50];
	_ =	sdelay $0x4  }
0x7e: {  	[tilespmem:$0x14C30] =	vst v60;
	v60 =	vld [tilespmem:$0x1FE60];
	_ =	sdelay $0x4  }
0x7f: {  	[tilespmem:$0x14C40] =	vst v60;
	v60 =	vld [tilespmem:$0x1FE70];
	_ =	sdelay $0x4  }
0x80: {  	[tilespmem:$0x14C50] =	vst v60;
	v60 =	vld [tilespmem:$0x1FE80];
	_ =	sdelay $0x3  }
0x81: {  	v57 =	vld [tilespmem:$0x1FFC0]  }
0x82: {  	[tilespmem:$0x14C60] =	vst v60;
	v60 =	vld [tilespmem:$0x1FE90];
	_ =	sdelay $0x3  }
0x83: {  	[tilespmem:$0x14A00] =	vst v57  }
0x84: {  	[tilespmem:$0x14C70] =	vst v60  }
0x85: {  	[spmem:s2] =	stream.indirect.scatter [tilespmem:s17], [sflag:$0x3], $0x1, s20, s19, $0xb8;
	[tilespmem:$0x1E700] =	vst v63  }
0x86: {  	_ =	swait.ge [sflag:s18], $0x280  }
0x87: {  	[sflag:s18] =	ssyncset.done $0x0  }
0x88: {  	s13 =	rddreg [dreg:$0x7];
	[sflag:s18] =	ssyncadd.s32 $0xFFFFFD80  }
0x89: {  	[tilespmem:s17], [sflag:$0x3] =	stream.linear.gather [hbm4b:s13+s5], $0x280, $0x38;
	[tilespmem:$0x1E700] =	vst v63  }
0x8a: {  	_ =	swait.ge [sflag:s18], $0x280  }
0x8b: {  	v60 =	vld [tilespmem:$0x1FEA0];
	_ =	sdelay $0x2  }
0x8c: {  	[sflag:s18] =	ssyncset.done $0x0  }
0x8d: {  	[sflag:s18] =	ssyncadd.s32 $0xFFFFFD80  }
0x8e: {  	[tilespmem:$0x14A00] =	vst v60;
	v60 =	vld [tilespmem:$0x1FEB0];
	_ =	sdelay $0x4  }
0x8f: {  	[tilespmem:$0x14A10] =	vst v60;
	v60 =	vld [tilespmem:$0x1FEC0];
	_ =	sdelay $0x4  }
0x90: {  	[tilespmem:$0x14A20] =	vst v60;
	v60 =	vld [tilespmem:$0x1FED0];
	_ =	sdelay $0x4  }
0x91: {  	[tilespmem:$0x14A30] =	vst v60;
	v60 =	vld [tilespmem:$0x1FEE0];
	_ =	sdelay $0x4  }
0x92: {  	[tilespmem:$0x14A40] =	vst v60;
	v60 =	vld [tilespmem:$0x1FEF0];
	_ =	sdelay $0x4  }
0x93: {  	[tilespmem:$0x14A50] =	vst v60;
	v60 =	vld [tilespmem:$0x1FF00];
	_ =	sdelay $0x4  }
0x94: {  	[tilespmem:$0x14A60] =	vst v60;
	v60 =	vld [tilespmem:$0x1FF10];
	_ =	sdelay $0x4  }
0x95: {  	[tilespmem:$0x14A70] =	vst v60;
	v60 =	vld [tilespmem:$0x1FF20];
	_ =	sdelay $0x4  }
0x96: {  	[tilespmem:$0x14A80] =	vst v60;
	v60 =	vld [tilespmem:$0x1FF30];
	_ =	sdelay $0x4  }
0x97: {  	[tilespmem:$0x14A90] =	vst v60;
	v60 =	vld [tilespmem:$0x1FF40];
	_ =	sdelay $0x4  }
0x98: {  	[tilespmem:$0x14AA0] =	vst v60;
	v60 =	vld [tilespmem:$0x1FF50];
	_ =	sdelay $0x4  }
0x99: {  	[tilespmem:$0x14AB0] =	vst v60;
	v60 =	vld [tilespmem:$0x1FF60];
	_ =	sdelay $0x4  }
0x9a: {  	[tilespmem:$0x14AC0] =	vst v60;
	v60 =	vld [tilespmem:$0x1FF70];
	_ =	sdelay $0x4  }
0x9b: {  	[tilespmem:$0x14AD0] =	vst v60;
	v60 =	vld [tilespmem:$0x1FF80];
	_ =	sdelay $0x4  }
0x9c: {  	[tilespmem:$0x14AE0] =	vst v60;
	v60 =	vld [tilespmem:$0x1FF90];
	_ =	sdelay $0x4  }
0x9d: {  	[tilespmem:$0x14AF0] =	vst v60;
	v60 =	vld [tilespmem:$0x1FFA0];
	_ =	sdelay $0x1  }
0x9e: {  	[tilespmem:$0x14B50] =	vst v61  }
0x9f: {  	[tilespmem:$0x14B60] =	vst v62  }
0xa0: {  	[tilespmem:$0x14B70] =	vst v63  }
0xa1: {  	[tilespmem:$0x14B00] =	vst v60;
	v60 =	vld [tilespmem:$0x1FFB0]  }
0xa2: {  	[tilespmem:$0x14B80] =	vst v0  }
0xa3: {  	[tilespmem:$0x14B90] =	vst v1  }
0xa4: {  	[tilespmem:$0x14BA0] =	vst v2  }
0xa5: {  	[tilespmem:$0x14BB0] =	vst v3  }
0xa6: {  	[tilespmem:$0x14B10] =	vst v60;
	v60 =	vld [tilespmem:$0x1FFD0]  }
0xa7: {  	[tilespmem:$0x14BC0] =	vst v4  }
0xa8: {  	[tilespmem:$0x14BD0] =	vst v5  }
0xa9: {  	[tilespmem:$0x14BE0] =	vst v6  }
0xaa: {  	[tilespmem:$0x14BF0] =	vst v7  }
0xab: {  	[tilespmem:$0x14B20] =	vst v60;
	v60 =	vld [tilespmem:$0x1FFE0]  }
0xac: {  	[tilespmem:$0x14C00] =	vst v8  }
0xad: {  	[tilespmem:$0x14C10] =	vst v9  }
0xae: {  	[tilespmem:$0x14C20] =	vst v10  }
0xaf: {  	[tilespmem:$0x14C30] =	vst v11  }
0xb0: {  	[tilespmem:$0x14B30] =	vst v60;
	v60 =	vld [tilespmem:$0x1FFF0]  }
0xb1: {  	[tilespmem:$0x14C40] =	vst v12  }
0xb2: {  	[tilespmem:$0x14C50] =	vst v13  }
0xb3: {  	[tilespmem:$0x14C60] =	vst v14  }
0xb4: {  	[tilespmem:$0x14C70] =	vst v15  }
0xb5: {  	[tilespmem:$0x14B40] =	vst v60  }
0xb6: {  	[spmem:s2] =	stream.indirect.scatter [tilespmem:s17], [sflag:$0x3], $0x1, s20, s19, $0xb8;
	[tilespmem:$0x1E700] =	vst v63  }
0xb7: {  	_ =	swait.ge [sflag:s18], $0x280  }
0xb8: {  	[sflag:s18] =	ssyncset.done $0x0  }
0xb9: {  	[sflag:s18] =	ssyncadd.s32 $0xFFFFFD80  }
0xba: {  	[tilespmem:$0x14780] =	vst v56  }
0xbb: {  	[tilespmem:$0x14790] =	vst v56  }
0xbc: {  	[tilespmem:$0x147A0] =	vst v56  }
0xbd: {  	[tilespmem:$0x147B0] =	vst v56  }
0xbe: {  	[tilespmem:$0x147C0] =	vst v56  }
0xbf: {  	[tilespmem:$0x147D0] =	vst v56  }
0xc0: {  	[tilespmem:$0x147E0] =	vst v56  }
0xc1: {  	[tilespmem:$0x147F0] =	vst v56  }
0xc2: {  	[tilespmem:$0x14800] =	vst v56  }
0xc3: {  	[tilespmem:$0x14810] =	vst v56  }
0xc4: {  	[tilespmem:$0x14820] =	vst v56  }
0xc5: {  	[tilespmem:$0x14830] =	vst v56  }
0xc6: {  	[tilespmem:$0x14840] =	vst v56  }
0xc7: {  	[tilespmem:$0x14850] =	vst v56  }
0xc8: {  	[tilespmem:$0x14860] =	vst v56  }
0xc9: {  	[tilespmem:$0x14870] =	vst v56  }
0xca: {  	[tilespmem:$0x14880] =	vst v56  }
0xcb: {  	[tilespmem:$0x14890] =	vst v56  }
0xcc: {  	[tilespmem:$0x148A0] =	vst v56  }
0xcd: {  	[tilespmem:$0x148B0] =	vst v56  }
0xce: {  	[tilespmem:$0x148C0] =	vst v56  }
0xcf: {  	[tilespmem:$0x148D0] =	vst v56  }
0xd0: {  	[tilespmem:$0x148E0] =	vst v56  }
0xd1: {  	[tilespmem:$0x148F0] =	vst v56  }
0xd2: {  	[tilespmem:$0x14900] =	vst v56  }
0xd3: {  	[tilespmem:$0x14910] =	vst v56  }
0xd4: {  	[tilespmem:$0x14920] =	vst v56  }
0xd5: {  	[tilespmem:$0x14930] =	vst v56  }
0xd6: {  	[tilespmem:$0x14940] =	vst v56  }
0xd7: {  	[tilespmem:$0x14950] =	vst v56  }
0xd8: {  	[tilespmem:$0x14960] =	vst v56  }
0xd9: {  	[tilespmem:$0x14970] =	vst v56  }
0xda: {  	[tilespmem:$0x14980] =	vst v56  }
0xdb: {  	[tilespmem:$0x14990] =	vst v56  }
0xdc: {  	[tilespmem:$0x149A0] =	vst v56  }
0xdd: {  	[tilespmem:$0x149B0] =	vst v56  }
0xde: {  	[tilespmem:$0x149C0] =	vst v56  }
0xdf: {  	[tilespmem:$0x149D0] =	vst v56  }
0xe0: {  	[tilespmem:$0x149E0] =	vst v56  }
0xe1: {  	[tilespmem:$0x149F0] =	vst v56  }
0xe2: {  	[tilespmem:$0x14A00] =	vst v35  }
0xe3: {  	[tilespmem:$0x14A10] =	vst v16  }
0xe4: {  	[tilespmem:$0x14A20] =	vst v17  }
0xe5: {  	[tilespmem:$0x14A30] =	vst v18  }
0xe6: {  	[tilespmem:$0x14A40] =	vst v19  }
0xe7: {  	[tilespmem:$0x14A50] =	vst v20  }
0xe8: {  	[tilespmem:$0x14A60] =	vst v21  }
0xe9: {  	[tilespmem:$0x14A70] =	vst v22  }
0xea: {  	[tilespmem:$0x14A80] =	vst v23  }
0xeb: {  	[tilespmem:$0x14A90] =	vst v24  }
0xec: {  	[tilespmem:$0x14AA0] =	vst v25  }
0xed: {  	[tilespmem:$0x14AB0] =	vst v26  }
0xee: {  	[tilespmem:$0x14AC0] =	vst v27  }
0xef: {  	[tilespmem:$0x14AD0] =	vst v28  }
0xf0: {  	[tilespmem:$0x14AE0] =	vst v29  }
0xf1: {  	[tilespmem:$0x14AF0] =	vst v30  }
0xf2: {  	[tilespmem:$0x14B00] =	vst v31  }
0xf3: {  	[tilespmem:$0x14B10] =	vst v32  }
0xf4: {  	[tilespmem:$0x14B20] =	vst v33  }
0xf5: {  	[tilespmem:$0x14B30] =	vst v34  }
0xf6: {  	[tilespmem:$0x14B40] =	vst v36  }
0xf7: {  	[tilespmem:$0x14B50] =	vst v37  }
0xf8: {  	[tilespmem:$0x14B60] =	vst v38  }
0xf9: {  	[tilespmem:$0x14B70] =	vst v39  }
0xfa: {  	[tilespmem:$0x14B80] =	vst v40  }
0xfb: {  	[tilespmem:$0x14B90] =	vst v41  }
0xfc: {  	[tilespmem:$0x14BA0] =	vst v42  }
0xfd: {  	[tilespmem:$0x14BB0] =	vst v43  }
0xfe: {  	[tilespmem:$0x14BC0] =	vst v44  }
0xff: {  	[tilespmem:$0x14BD0] =	vst v45  }
0x100: {  	[tilespmem:$0x14BE0] =	vst v46  }
0x101: {  	[tilespmem:$0x14BF0] =	vst v47  }
0x102: {  	[tilespmem:$0x14C00] =	vst v48  }
0x103: {  	[tilespmem:$0x14C10] =	vst v49  }
0x104: {  	[tilespmem:$0x14C20] =	vst v50  }
0x105: {  	[tilespmem:$0x14C30] =	vst v51  }
0x106: {  	[tilespmem:$0x14C40] =	vst v52  }
0x107: {  	[tilespmem:$0x14C50] =	vst v53  }
0x108: {  	[tilespmem:$0x14C60] =	vst v54  }
0x109: {  	[tilespmem:$0x14C70] =	vst v55  }
0x10a: {  	[spmem:s3] =	stream.indirect.scatter [tilespmem:s17], [sflag:$0x3], $0x1, s20, s19, $0xb8;
	[tilespmem:$0x1E700] =	vst v63  }
0x10b: {  	_ =	swait.ge [sflag:s18], $0x280  }
0x10c: {  	[sflag:s18] =	ssyncset.done $0x0  }
0x10d: {  	s9 =	simm.s32 $0x200;
	s5 =	simm.s32 $0x0;
	[sflag:s18] =	ssyncadd.s32 $0xFFFFFD80  }
.LBB2_2:
0x10e: {  	p0 =	sne.s32 s9, $0x23E00;
	[tilespmem:s5+$0x155F0] =	vst v56  }
0x10f: {  	[tilespmem:s5+$0x15580] =	vst v56  }
0x110: {  	[tilespmem:s5+$0x15590] =	vst v56  }
.Ltmp0:
0x111: {  	[tilespmem:s5+$0x155A0] =	vst v56;
	(pc) =	sbr.rel @p0 .LBB2_2-.Ltmp0, $4  }
0x112: {  	[tilespmem:s5+$0x155B0] =	vst v56  }
0x113: {  	[tilespmem:s5+$0x155C0] =	vst v56  }
0x114: {  	[tilespmem:s5+$0x155D0] =	vst v56  }
0x115: {  	[tilespmem:s5+$0x155E0] =	vst v56;
	s5 =	sshra.s32 s9, $0x2;
	s9 =	sadd.s32 $0x200, s9  }
0x116: {  	[tilespmem:s5+$0x155F0] =	vst v56  }
0x117: {  	[tilespmem:s5+$0x15580] =	vst v56  }
0x118: {  	[tilespmem:s5+$0x15590] =	vst v56  }
0x119: {  	[tilespmem:s5+$0x155A0] =	vst v56  }
0x11a: {  	[tilespmem:s5+$0x155B0] =	vst v56  }
0x11b: {  	[tilespmem:s5+$0x155C0] =	vst v56  }
0x11c: {  	[tilespmem:s5+$0x155D0] =	vst v56  }
0x11d: {  	[tilespmem:s5+$0x155E0] =	vst v56  }
0x11e: {  	[tilespmem:$0x1E580] =	vst v35  }
0x11f: {  	[tilespmem:$0x1E590] =	vst v16  }
0x120: {  	[tilespmem:$0x1E5A0] =	vst v17  }
0x121: {  	[tilespmem:$0x1E5B0] =	vst v18  }
0x122: {  	[tilespmem:$0x1E5C0] =	vst v19  }
0x123: {  	[tilespmem:$0x1E5D0] =	vst v20  }
0x124: {  	[tilespmem:$0x1E5E0] =	vst v21  }
0x125: {  	[tilespmem:$0x1E5F0] =	vst v22  }
0x126: {  	[tilespmem:$0x1E600] =	vst v23  }
0x127: {  	[tilespmem:$0x1E610] =	vst v24  }
0x128: {  	[tilespmem:$0x1E620] =	vst v25  }
0x129: {  	[tilespmem:$0x1E630] =	vst v26  }
0x12a: {  	[tilespmem:$0x1E640] =	vst v27  }
0x12b: {  	[tilespmem:$0x1E650] =	vst v28  }
0x12c: {  	[tilespmem:$0x1E660] =	vst v29  }
0x12d: {  	[tilespmem:$0x1E670] =	vst v30  }
0x12e: {  	[tilespmem:$0x1E680] =	vst v31  }
0x12f: {  	[tilespmem:$0x1E690] =	vst v32  }
0x130: {  	[spmem:s1] =	stream.indirect.scatter [tilespmem:s23], [sflag:$0x3], $0x80, s22, s21, $0xb8;
	[tilespmem:$0x1E700] =	vst v63  }
0x131: {  	_ =	swait.ge [sflag:s18], $0x9000  }
0x132: {  	[sflag:s18] =	ssyncset.done $0x0  }
0x133: {  	[sflag:s18] =	ssyncadd.s32 $0xFFFF7000  }
0x134: {  	[tilespmem:$0x1E580] =	vst v33  }
0x135: {  	[tilespmem:$0x1E590] =	vst v34  }
0x136: {  	[tilespmem:$0x1E5A0] =	vst v36  }
0x137: {  	[tilespmem:$0x1E5B0] =	vst v37  }
0x138: {  	[tilespmem:$0x1E5C0] =	vst v38  }
0x139: {  	[tilespmem:$0x1E5D0] =	vst v39  }
0x13a: {  	[tilespmem:$0x1E5E0] =	vst v40  }
0x13b: {  	[tilespmem:$0x1E5F0] =	vst v41  }
0x13c: {  	[tilespmem:$0x1E600] =	vst v42  }
0x13d: {  	[tilespmem:$0x1E610] =	vst v43  }
0x13e: {  	[tilespmem:$0x1E620] =	vst v44  }
0x13f: {  	[tilespmem:$0x1E630] =	vst v45  }
0x140: {  	[tilespmem:$0x1E640] =	vst v46  }
0x141: {  	[tilespmem:$0x1E650] =	vst v47  }
0x142: {  	[tilespmem:$0x1E660] =	vst v48  }
0x143: {  	[tilespmem:$0x1E670] =	vst v49  }
0x144: {  	[tilespmem:$0x1E680] =	vst v50  }
0x145: {  	[tilespmem:$0x1E690] =	vst v51  }
0x146: {  	[spmem:s1] =	stream.indirect.scatter [tilespmem:s23], [sflag:$0x3], $0x80, s22, s21, $0xb8;
	[tilespmem:$0x1E700] =	vst v63  }
0x147: {  	_ =	swait.ge [sflag:s18], $0x9000  }
0x148: {  	[sflag:s18] =	ssyncset.done $0x0  }
0x149: {  	[sflag:s18] =	ssyncadd.s32 $0xFFFF7000  }
0x14a: {  	[tilespmem:$0x1E580] =	vst v38  }
0x14b: {  	[tilespmem:$0x1E590] =	vst v39  }
0x14c: {  	[tilespmem:$0x1E5A0] =	vst v40  }
0x14d: {  	[tilespmem:$0x1E5B0] =	vst v41  }
0x14e: {  	[tilespmem:$0x1E5C0] =	vst v42  }
0x14f: {  	[tilespmem:$0x1E5D0] =	vst v43  }
0x150: {  	[tilespmem:$0x1E5E0] =	vst v44  }
0x151: {  	[tilespmem:$0x1E5F0] =	vst v45  }
0x152: {  	[tilespmem:$0x1E600] =	vst v46  }
0x153: {  	[tilespmem:$0x1E610] =	vst v47  }
0x154: {  	[tilespmem:$0x1E620] =	vst v48  }
0x155: {  	[tilespmem:$0x1E630] =	vst v49  }
0x156: {  	[tilespmem:$0x1E640] =	vst v50  }
0x157: {  	[tilespmem:$0x1E650] =	vst v51  }
0x158: {  	[tilespmem:$0x1E660] =	vst v52  }
0x159: {  	[tilespmem:$0x1E670] =	vst v53  }
0x15a: {  	[tilespmem:$0x1E680] =	vst v54  }
0x15b: {  	[tilespmem:$0x1E690] =	vst v55  }
0x15c: {  	[spmem:s1] =	stream.indirect.scatter [tilespmem:s23], [sflag:$0x3], $0x80, s22, s21, $0xb8;
	[tilespmem:$0x1E700] =	vst v63  }
0x15d: {  	_ =	swait.ge [sflag:s18], $0x9000  }
0x15e: {  	[sflag:s18] =	ssyncset.done $0x0  }
0x15f: {  	[sflag:s18] =	ssyncadd.s32 $0xFFFF7000  }
0x160: {  	s5 =	simm.s32 $0x0;
	s9 =	simm.s32 $0x0;
	[bflag:$0x0] =	sbarrier.arrive $0xFFFF  }
.LBB2_4:
0x161: {  	s10 =	smul.u32 $0x120, s9;
	_ =	sdelay $0x1  }
0x162: {  	s10 =	sadd.s32 s10, s11  }
0x163: {  	s10 =	sshrl.u32 s10, $0x3  }
0x164: {  	s12 =	sadd.s32 s6, s10  }
0x165: {  	[tilespmem:s24], [sflag:$0x3] =	stream.linear.gather [hbm4b:s12+s5], $0x120, $0x38;
	[tilespmem:$0x1E700] =	vst v63  }
0x166: {  	_ =	swait.ge [sflag:s18], $0x120  }
0x167: {  	[sflag:s18] =	ssyncset.done $0x0  }
0x168: {  	s10 =	sadd.s32 s7, s10;
	[sflag:s18] =	ssyncadd.s32 $0xFFFFFEE0  }
0x169: {  	[tilespmem:s25], [sflag:$0x3] =	stream.linear.gather [hbm4b:s10+s5], $0x120, $0x38;
	[tilespmem:$0x1E700] =	vst v63  }
0x16a: {  	_ =	swait.ge [sflag:s18], $0x120  }
0x16b: {  	[sflag:s18] =	ssyncset.done $0x0  }
0x16c: {  	s10 =	simm.s32 $0x0;
	[sflag:s18] =	ssyncadd.s32 $0xFFFFFEE0  }
0x16d: {  	v57 =	vld [tilespmem:s10+$0x14E00]  }
0x16e: {  	v58 =	vld [tilespmem:s10+$0x14C80]  }
0x16f: {  	s12 =	simm.s32 $0x40  }
.LBB2_5:
0x170: {  	p0 =	sne.s32 s12, $0x440  }
.Ltmp1:
0x171: {  	_ = 	snop;
	(pc) =	sbr.rel @p0 .LBB2_5-.Ltmp1, $4  }
0x172: {  	s13 =	sshra.s32 s12, $0x2  }
0x173: {  	v59 =	vshll.u32 v57, $0x1;
	v57 =	vld [tilespmem:s13+$0x14E00];
	v60 =	vshll.u32 v58, $0x1  }
0x174: {  	v58 =	vld [tilespmem:s13+$0x14C80];
	v59 =	vor.u32 $0x1, v59;
	[tilespmem:s10+$0x14F80] =	vst v60  }
0x175: {  	s12 =	sadd.s32 $0x40, s12;
	[tilespmem:s10+$0x15100] =	vst v59;
	s10 =	smov.u32 s13  }
0x176: {  	_ =	sdelay $0x1  }
0x177: {  	v57 =	vshll.u32 v57, $0x1  }
0x178: {  	v57 =	vor.u32 $0x1, v57  }
0x179: {  	v58 =	vshll.u32 v58, $0x1;
	[tilespmem:s10+$0x15100] =	vst v57  }
0x17a: {  	[tilespmem:s10+$0x14F80] =	vst v58  }
0x17b: {  	[tilespmem:s28], [sflag:$0x1] =	stream.indirect.gather [spmem:s2], $0x1, s26, s21, $0xb8;
	[tilespmem:$0x1E700] =	vst v63  }
0x17c: {  	_ = 	snop  }
0x17d: {  	[tilespmem:s30], [sflag:$0x1] =	stream.indirect.gather [spmem:s2], $0x1, s29, s21, $0xb8;
	[tilespmem:$0x1E700] =	vst v63  }
0x17e: {  	_ = 	snop  }
0x17f: {  	[tilespmem:s23], [sflag:$0x2] =	stream.indirect.gather [hbm4b:s8+s21], $0x80, s24, s21, $0xb8;
	[tilespmem:$0x1E700] =	vst v63  }
0x180: {  	_ =	swait.ge [sflag:s31], $0x120  }
0x181: {  	[sflag:s31] =	ssyncset.done $0x0  }
0x182: {  	[sflag:s31] =	ssyncadd.s32 $0xFFFFFEE0  }
0x183: {  	_ =	swait.ge [sflag:s31], $0x120  }
0x184: {  	[sflag:s31] =	ssyncset.done $0x0  }
0x185: {  	s10 =	simm.s32 $0x0;
	[sflag:s31] =	ssyncadd.s32 $0xFFFFFEE0  }
0x186: {  	s12 =	simm.s32 $0x40;
	v57 =	vld [tilespmem:s10+$0x15400]  }
.LBB2_7:
0x187: {  	p0 =	sne.s32 s12, $0x440;
	v58 =	vld [tilespmem:s10+$0x15280];
	_ =	sdelay $0x4  }
0x188: {  	v57 =	vadd.f32 v57, v58;
	_ =	sdelay $0x1  }
0x189: {  	v58 =	vmul.f32 $2.000000030e-01, v57;
	_ =	sdelay $0x1  }
0x18a: {  	v57 =	vmax.f32 v57, v58  }
0x18b: {  	v57 =	vmul.f32 $1.442695020e+00, v57;
	_ =	sdelay $0x1  }
0x18c: {  	(erf) = vpow2.f32 v57;
	_ =	sdelay $0x5  }
.Ltmp2:
0x18d: {  	(pc) =	sbr.rel @p0 .LBB2_7-.Ltmp2, $3  }
0x18e: {  	_ =	sdelay $0x1  }
0x18f: {  	s13 =	sshra.s32 s12, $0x2;
	v58 =	vpop (erf)  }
0x190: {  	s12 =	sadd.s32 $0x40, s12;
	v57 =	vld [tilespmem:s13+$0x15400];
	[tilespmem:s10+$0x15280] =	vst v58;
	s10 =	smov.u32 s13  }
0x191: {  	v58 =	vld [tilespmem:s10+$0x15280];
	_ =	sdelay $0x4  }
0x192: {  	v57 =	vadd.f32 v57, v58;
	_ =	sdelay $0x1  }
0x193: {  	v58 =	vmul.f32 $2.000000030e-01, v57;
	_ =	sdelay $0x1  }
0x194: {  	v57 =	vmax.f32 v57, v58  }
0x195: {  	v57 =	vmul.f32 $1.442695020e+00, v57;
	_ =	sdelay $0x1  }
0x196: {  	(erf) = vpow2.f32 v57;
	_ =	sdelay $0x7  }
0x197: {  	s12 =	simm.s32 $0x0  }
0x198: {  	v60 =	vmov s12;
	v57 =	vpop (erf)  }
0x199: {  	[tilespmem:s10+$0x15280] =	vst v57  }
0x19a: {  	_ =	swait.ge [sflag:s0], $0x9000  }
0x19b: {  	[sflag:s0] =	ssyncset.done $0x0  }
0x19c: {  	[sflag:s0] =	ssyncadd.s32 $0xFFFF7000  }
0x19d: {  	s10 =	simm.s32 $0x15580;
	v57 =	vld.idx.msk [tilespmem:v60+s28+$0x0], $0xffff  }
0x19e: {  	v59 =	vld [tilespmem:s10+$0x0];
	_ =	sdelay $0x1  }
0x19f: {  	s13 =	simm.s32 $0x1  }
0x1a0: {  	s12 =	simm.s32 $0x2;
	v58 =	vmov s13  }
.LBB2_9:
0x1a1: {  	p0 =	sne.s32 s12, $0x11F  }
0x1a2: {  	v57 =	vmul.f32 v59, v57;
	_ =	sdelay $0x1  }
0x1a3: {  	[tilespmem:s10+$0x0] =	vst v57  }
.Ltmp3:
0x1a4: {  	s10 =	sadd.s32 $0x80, s10;
	v57 =	vld.idx.msk [tilespmem:v58+s28+$0x0], $0xffff;
	(pc) =	sbr.rel @p0 .LBB2_9-.Ltmp3, $2  }
0x1a5: {  	v59 =	vld [tilespmem:s10+$0x0];
	_ =	sdelay $0x2  }
0x1a6: {  	v58 =	vmov s12;
	s12 =	sadd.s32 $0x1, s12  }
0x1a7: {  	_ = 	snop  }
0x1a8: {  	v57 =	vmul.f32 v59, v57;
	_ =	sdelay $0x1  }
0x1a9: {  	[tilespmem:s10+$0x0] =	vst v57  }
0x1aa: {  	s13 =	sadd.s32 $0x80, s10;
	v57 =	vld.idx.msk [tilespmem:v58+s28+$0x0], $0xffff  }
0x1ab: {  	v60 =	vld [tilespmem:s13+$0x0];
	_ =	sdelay $0x4  }
0x1ac: {  	v57 =	vmul.f32 v60, v57;
	_ =	sdelay $0x1  }
0x1ad: {  	[tilespmem:s13+$0x0] =	vst v57  }
0x1ae: {  	[spmem:s3] =	stream.indirect.scatter.add.f32 [tilespmem:s28], [sflag:$0x3], $0x1, s25, s21, $0xb8;
	[tilespmem:$0x1E700] =	vst v63  }
0x1af: {  	s9 =	sadd.s32 $0x1, s9;
	_ =	swait.ge [sflag:s18], $0x120  }
0x1b0: {  	p0 =	sne.s32 s9, $0x24;
	[sflag:s18] =	ssyncset.done $0x0  }
.Ltmp4:
0x1b1: {  	[sflag:s18] =	ssyncadd.s32 $0xFFFFFEE0;
	(pc) =	sbr.rel @p0 .LBB2_4-.Ltmp4, $4  }
0x1b2: {  	[spmem:s1] =	stream.indirect.scatter.add.f32 [tilespmem:s23], [sflag:$0x3], $0x80, s25, s21, $0xb8;
	[tilespmem:$0x1E700] =	vst v63  }
0x1b3: {  	_ =	swait.ge [sflag:s18], $0x9000  }
0x1b4: {  	[sflag:s18] =	ssyncset.done $0x0  }
0x1b5: {  	[sflag:s18] =	ssyncadd.s32 $0xFFFF7000  }
0x1b6: {  	s5 =	stileid.u32  }
0x1b7: {  	[bflag:$0x0] =	sbarrier.arrive $0xFFFF;
	s5 =	sshll.u32 s5, $0x6  }
0x1b8: {  	s9 =	rddreg [dreg:$0x8];
	s5 =	sor.u32 $0x1C03, s5  }
0x1b9: {  	[hbm:s9], [sflag:s5] =	dma.local [spmem:s15], $0x2800  }
0x1ba: {  	s10 =	simm.s32 $0x20;
	s4 =	sadd.s32 $0x1, s4;
	_ =	swait.ge [sflag:s18], $0x2800  }
0x1bb: {  	s12 =	simm.s32 $0x10;
	p0 =	sne.s32 s4, s14;
	[sflag:s18] =	ssyncset.done $0x0  }
.Ltmp5:
0x1bc: {  	s13 =	rddreg [dreg:$0x9];
	[sflag:s18] =	ssyncadd.s32 $0xFFFFD800;
	(pc) =	sbr.rel @p0 .LBB2_1-.Ltmp5, $4  }
0x1bd: {  	[hbm:s13@s10], [sflag:s5] =	dma.strided [spmem:s16@s12], $0x50, s31, $0x10   }
0x1be: {  	_ =	swait.ge [sflag:s18], $0x50  }
0x1bf: {  	[sflag:s18] =	ssyncset.done $0x0  }
0x1c0: {  	[sflag:s18] =	ssyncadd.s32 $0xFFFFFFB0  }
0x1c1: {  	_ =	sfence.sel $0x180000  }
0x1c2: {  	[bflag:$0x0] =	sbarrier.arrive $0xFFFF  }
0x1c3: {  	_ =	strace $0x9000004A  }
0x1c4: {  	s0 =	stileid.u32;
	[bflag:$0x2] =	sbarrier.arrive $0xFFFF  }
0x1c5: {  	p0 =	sne.s32 s0, $0x0;
	s0 =	rddreg [dreg:$0x5]  }
0x1c6: {  	s0 =	sadd.s32 @!p0 $0x100000, s0  }
0x1c7: {  	[sflag:s0] =	ssyncadd.tile.s32 @!p0 $0x1;
	_ =	shalt  }
.Lfunc_end2:
_tile_overlayer_lowered:
.L_overlay_start_2:
0x1c8: {  	(tag) =	ssettag $0x2  }
0x1c9: {  	s0 =	rddreg [dreg:$0x0];
	s2 =	stileid.u32  }
0x1ca: {  	s1 =	rddreg [dreg:$0x1];
	p0 =	sne.s32 s2, $0x0  }
0x1cb: {  	s3 =	rddreg [dreg:$0x2];
	[bflag:$0x3] =	sbarrier.arrive $0xFFFF;
	s2 =	simm.s32 @!p0 $0x1C03  }
0x1cc: {  	[timem:s3], [sflag:s2] =	dma.local @!p0 [hbm:s0], s1  }
0x1cd: {  	s0 =	simm.s32 @!p0 $0x3  }
0x1ce: {  	_ =	swait.ge @!p0 [sflag:s0], s1  }
0x1cf: {  	s1 =	ssub.s32 @!p0 $0x0, s1;
	[sflag:s0] =	ssyncset.done @!p0 $0x0  }
0x1d0: {  	[sflag:s0] =	ssyncadd.s32 @!p0 s1  }
0x1d1: {  	[bflag:$0x3] =	sbarrier.arrive $0xFFFF  }
0x1d2: {  	_ =	shalt  }

// kernel: kernel.7.cloned.1.call-start
scs
__scs_entry_jumppad:
0x0: {  	(pc) =	sbr.rel $0x88, $3  }
0x1: {  	(tag) =	ssettag $0x0;
	lr =	simm.s32 $0x1  }
0x2: {  	[smem:$0x3F97] =	sst lr;
	_ =	strace $0xD0000000  }
0x3: {  	_ = 	snop  }
0x4: {  	_ = 	snop  }
0x5: {  	_ = 	snop  }
0x6: {  	_ = 	snop  }
0x7: {  	_ = 	snop  }
__scs_overlays_trampoline_lowered:
0x8: {  	[smem:$0x3FA6] =	sst s0  }
0x9: {  	[smem:$0x3FA7] =	sst s1  }
0xa: {  	[smem:$0x3FA8] =	sst s2  }
0xb: {  	[smem:$0x3FA9] =	sst s3  }
0xc: {  	[smem:$0x3FAA] =	sst s4  }
0xd: {  	[smem:$0x3FAB] =	sst s5  }
0xe: {  	[smem:$0x3FAC] =	sst s6  }
0xf: {  	[smem:$0x3FAD] =	sst s7  }
0x10: {  	[smem:$0x3FAE] =	sst s8  }
0x11: {  	[smem:$0x3FAF] =	sst s9;
	s0 =	simm.s32 @!p0 $0x0  }
0x12: {  	s1 =	sld [smem:$0x3F95];
	s0 =	simm.s32 @p0 $0x1  }
0x13: {  	[smem:$0x3FB0] =	sst s0;
	s0 =	simm.s32 @!p1 $0x0  }
0x14: {  	s2 =	sld [smem:$0x3F94];
	s0 =	simm.s32 @p1 $0x1  }
0x15: {  	[smem:$0x3FB1] =	sst s0;
	s0 =	simm.s32 @!p2 $0x0  }
0x16: {  	s3 =	sld [smem:$0x3FDB];
	s0 =	simm.s32 @p2 $0x1  }
0x17: {  	s4 =	simm.s32 $0x1BF5;
	[smem:$0x3FB3] =	sst s0  }
0x18: {  	s0 =	sld [smem:$0x3F96];
	_ =	swait.ge [sflag:s4], $0x0  }
0x19: {  	s7 =	sld [smem:$0x3F97]  }
0x1a: {  	s8 =	sadd.s32 $0xFFFFE003, lr  }
0x1b: {  	s9 =	sadd.s32 $0xFFFFFEF7, lr;
	s5 =	simm.s32 $0xFFFFFFFF;
	p2 =	slt.u32 s8, $0xFFFFF086  }
0x1c: {  	p1 =	slt.u32 s9, $0xF7A;
	s5 =	simm.s32 @!p2 $0x0  }
0x1d: {  	s5 =	simm.s32 @p1 $0x1;
	p0 =	seq.s32 s7, s2  }
0x1e: {  	s7 =	smul.u32 @!p0 $0xF7A, s2;
	p2 =	seq.s32 @!p0 s5, $0x0  }
0x1f: {  	s9 =	smul.u32 $0xF7A, s1;
	s8 =	simm.s32 @!p0 $0x1BF5;
	p2 =	por !p2, p0  }
0x20: {  	[sflag:s8] =	ssyncset.s32 @!p0 $0xFFFFF086;
	s6 =	sadd.s32 @!p0 s3, s7;
	s7 =	simm.s32 @!p0 $0x108  }
0x21: {  	s3 =	sadd.s32 s3, s9;
	s6 =	sadd.s32 @!p0 $0x88, s6;
	s7 =	simm.s32 @p2 $0x1082  }
0x22: {  	[simem:s7], [sflag:s8] =	dma.local @!p0 [hbm:s6], $0xF7A  }
0x23: {  	s9 =	sor.u32 $0xD0000000, s2;
	s6 =	simm.s32 $0x108;
	_ =	swait.ge @!p0 [sflag:s8], $0x0  }
0x24: {  	s3 =	sadd.s32 $0x88, s3;
	s6 =	simm.s32 @!p1 $0x1082;
	[sflag:s4] =	ssyncset.s32 $0xFFFFF086  }
0x25: {  	[simem:s6], [sflag:s4] =	dma.local [hbm:s3], $0xF7A  }
0x26: {  	[smem:$0x3F97] =	sst s1;
	(tag) =	ssettag s2;
	_ =	strace s9  }
0x27: {  	s1 =	sld [smem:$0x3FA7]  }
0x28: {  	s2 =	sld [smem:$0x3FA8]  }
0x29: {  	s4 =	sld [smem:$0x3FAA]  }
0x2a: {  	p0 =	seq.s32 s5, $0x0;
	s5 =	sld [smem:$0x3FAB]  }
0x2b: {  	s6 =	sld [smem:$0x3FAC]  }
0x2c: {  	s7 =	sld [smem:$0x3FAD]  }
0x2d: {  	s3 =	simm.s32 $0x108;
	s8 =	sld [smem:$0x3FAE]  }
0x2e: {  	s3 =	simm.s32 @!p0 $0x1082;
	s9 =	sld [smem:$0x3FAF]  }
0x2f: {  	lr =	sadd.s32 s0, s3;
	s0 =	sld [smem:$0x3FA6]  }
0x30: {  	s3 =	sld [smem:$0x3FA9]  }
0x31: {  	[smem:$0x3FB2] =	sst s10  }
0x32: {  	s10 =	sld [smem:$0x3FB0];
	_ =	sdelay $0x3  }
0x33: {  	p0 =	seq.s32 s10, $0x1;
	s10 =	sld [smem:$0x3FB2];
	_ =	sdelay $0x3  }
0x34: {  	[smem:$0x3FB2] =	sst s10  }
0x35: {  	s10 =	sld [smem:$0x3FB1];
	_ =	sdelay $0x3  }
0x36: {  	p1 =	seq.s32 s10, $0x1;
	s10 =	sld [smem:$0x3FB2];
	_ =	sdelay $0x3  }
0x37: {  	[smem:$0x3FB2] =	sst s10  }
0x38: {  	s10 =	sld [smem:$0x3FB3]  }
0x39: {  	_ = 	snop;
	(pc) =	sbr.ind lr, $3  }
0x3a: {  	_ = 	snop  }
0x3b: {  	_ = 	snop  }
0x3c: {  	p2 =	seq.s32 s10, $0x1;
	s10 =	sld [smem:$0x3FB2]  }
0x3d: {  	_ =	shalt  }
0x3e: {  	_ =	shalt  }
0x3f: {  	_ =	shalt  }
0x40: {  	_ =	shalt  }
0x41: {  	_ =	shalt  }
0x42: {  	_ =	shalt  }
0x43: {  	_ =	shalt  }
0x44: {  	_ =	shalt  }
0x45: {  	_ =	shalt  }
0x46: {  	_ =	shalt  }
0x47: {  	_ =	shalt  }
0x48: {  	_ =	shalt  }
0x49: {  	_ =	shalt  }
0x4a: {  	_ =	shalt  }
0x4b: {  	_ =	shalt  }
0x4c: {  	_ =	shalt  }
0x4d: {  	_ =	shalt  }
0x4e: {  	_ =	shalt  }
0x4f: {  	_ =	shalt  }
0x50: {  	_ =	shalt  }
0x51: {  	_ =	shalt  }
0x52: {  	_ =	shalt  }
0x53: {  	_ =	shalt  }
0x54: {  	_ =	shalt  }
0x55: {  	_ =	shalt  }
0x56: {  	_ =	shalt  }
0x57: {  	_ =	shalt  }
0x58: {  	_ =	shalt  }
0x59: {  	_ =	shalt  }
0x5a: {  	_ =	shalt  }
0x5b: {  	_ =	shalt  }
0x5c: {  	_ =	shalt  }
0x5d: {  	_ =	shalt  }
0x5e: {  	_ =	shalt  }
0x5f: {  	_ =	shalt  }
0x60: {  	_ =	shalt  }
0x61: {  	_ =	shalt  }
0x62: {  	_ =	shalt  }
0x63: {  	_ =	shalt  }
0x64: {  	_ =	shalt  }
0x65: {  	_ =	shalt  }
0x66: {  	_ =	shalt  }
0x67: {  	_ =	shalt  }
0x68: {  	_ =	shalt  }
0x69: {  	_ =	shalt  }
0x6a: {  	_ =	shalt  }
0x6b: {  	_ =	shalt  }
0x6c: {  	_ =	shalt  }
0x6d: {  	_ =	shalt  }
0x6e: {  	_ =	shalt  }
0x6f: {  	_ =	shalt  }
0x70: {  	_ =	shalt  }
0x71: {  	_ =	shalt  }
0x72: {  	_ =	shalt  }
0x73: {  	_ =	shalt  }
0x74: {  	_ =	shalt  }
0x75: {  	_ =	shalt  }
0x76: {  	_ =	shalt  }
0x77: {  	_ =	shalt  }
0x78: {  	_ =	shalt  }
0x79: {  	_ =	shalt  }
0x7a: {  	_ =	shalt  }
0x7b: {  	_ =	shalt  }
0x7c: {  	_ =	shalt  }
0x7d: {  	_ =	shalt  }
0x7e: {  	_ =	shalt  }
0x7f: {  	_ =	shalt  }
0x80: {  	_ =	shalt  }
0x81: {  	_ =	shalt  }
0x82: {  	_ =	shalt  }
0x83: {  	_ =	shalt  }
0x84: {  	_ =	shalt  }
0x85: {  	_ =	shalt  }
0x86: {  	_ =	shalt  }
0x87: {  	_ =	shalt  }
.Lfunc_end0:
.L_simem_size_0:
called_computation_lowered:
.L_overlay_start_0:
0x88: {  	s2 =	sld [smem:$0x3FD9]  }
0x89: {  	s3 =	sld [smem:$0x3FFE];
	_ =	sdelay $0x1  }
0x8a: {  	s1 =	srdreg.scid  }
0x8b: {  	s0 =	sand.u32 $0x1, s1  }
0x8c: {  	s17 =	sshll.u32 s0, $0xA;
	s2 =	sadd.s32 s3, s2  }
0x8d: {  	s2 =	sadd.s32 s2, s17  }
0x8e: {  	[smem:$0x3FBE] =	sst s2  }
0x8f: {  	_ = 	snop  }
0x90: {  	s2 =	sld [smem:$0x3FD0];
	(tm) =	ssettm $0x1  }
0x91: {  	s18 =	sld [smem:$0x3FFB];
	_ =	sdelay $0x3  }
0x92: {  	_ =	strace s18  }
0x93: {  	s3 =	sld [smem:$0x3FFC];
	_ =	sdelay $0x3  }
0x94: {  	_ =	strace s3  }
0x95: {  	s3 =	sld [smem:$0x3FFD];
	_ =	sdelay $0x3  }
0x96: {  	_ =	strace s3  }
0x97: {  	_ =	strace $0x8FFFFFFF  }
0x98: {  	s19 =	sld [smem:$0x3FDB];
	_ =	sdelay $0x1  }
0x99: {  	s4 =	simm.s32 $_scs_section_size  }
0x9a: {  	s5 =	simm.s32 $_size__tile_overlayer_lowered;
	s6 =	simm.s32 $_tile_overlayer_lowered  }
0x9b: {  	s22 =	simm.s32 $0x1BFF;
	s21 =	sshll.u32 s6, $0x1;
	s3 =	sadd.s32 s4, s19  }
0x9c: {  	s7 =	simm.s32 $0x0;
	s20 =	sshll.u32 s5, $0x1;
	s5 =	sadd.s32 s21, s3  }
0x9d: {  	[timem:s7], [sflag:s22] =	dma.local [hbm:s5], s20  }
0x9e: {  	_ =	swait.ge [sflag:s22], s20  }
0x9f: {  	s4 =	ssub.s32 $0x0, s20;
	[sflag:s22] =	ssyncset.done $0x0  }
0xa0: {  	[sflag:s22] =	ssyncadd.s32 s4;
	_ =	sdelay $0x1  }
0xa1: {  	s23 =	simm.s32 $0x1B8B  }
0xa2: {  	_ =	swait.ge [sflag:s23], $0x1  }
0xa3: {  	[sflag:s23] =	ssyncset.done $0x0  }
0xa4: {  	s25 =	simm.s32 $0x1B8E;
	s24 =	sld [smem:$0x3FFE];
	[sflag:s23] =	ssyncadd.s32 $0xFFFFFFFF  }
0xa5: {  	s26 =	simm.s32 $execute0_lowered;
	[smem:$0x3FD2] =	sst s25  }
0xa6: {  	s5 =	sshll.u32 s26, $0x1;
	_ =	strace $0x80000046;
	[dreg:$0x1] =	wrdreg $0xFFFFFFFF  }
0xa7: {  	s28 =	simm.s32 $_size_execute0_lowered;
	s3 =	sadd.s32 s3, s5;
	[dreg:$0x0] =	wrdreg $0x0  }
0xa8: {  	s5 =	sshll.u32 s28, $0x1;
	[dreg:$0x2] =	wrdreg s3  }
0xa9: {  	[dreg:$0x3] =	wrdreg s5  }
0xaa: {  	[dreg:$0x4] =	wrdreg $0xC0  }
0xab: {  	_ =	task [dreg:s7], $0x5FFFF  }
0xac: {  	[dreg:$0x1] =	wrdreg $0xFFFFFFFF  }
0xad: {  	[dreg:$0x0] =	wrdreg $0x60  }
0xae: {  	[dreg:$0x2] =	wrdreg s24  }
0xaf: {  	[dreg:$0x3] =	wrdreg s2  }
0xb0: {  	[dreg:$0x4] =	wrdreg $0x0  }
0xb1: {  	[dreg:$0x5] =	wrdreg $0x154000  }
0xb2: {  	[dreg:$0x6] =	wrdreg $0x140000  }
0xb3: {  	[dreg:$0x7] =	wrdreg $0x9  }
0xb4: {  	_ =	task.clear_ibuf [dreg:s7], $0x8FFFF;
	_ =	strace $0x90000046  }
0xb5: {  	s29 =	simm.s32 $0x9;
	_ =	strace $0x80000048  }
0xb6: {  	_ =	swait.ge [sflag:s29], $0x1  }
0xb7: {  	[sflag:s29] =	ssyncadd.s32 $0xFFFFFFFF  }
0xb8: {  	_ =	strace $0x90000048  }
0xb9: {  	_ =	sfence  }
0xba: {  	s30 =	sld [smem:$0x0];
	_ =	sdelay $0x2  }
0xbb: {  	s31 =	sshll.u32 s1, $0xD;
	s1 =	sshrl.u32 s1, $0x2  }
0xbc: {  	s3 =	sand.u32 $0x4000, s31;
	s1 =	sadd.s32 s1, s30  }
0xbd: {  	s0 =	sor.u32 s3, s0;
	s1 =	sshll.u32 s1, $0x11  }
0xbe: {  	s0 =	sor.u32 s1, s0  }
0xbf: {  	s0 =	sadd.s32 $0x8F2B, s0  }
0xc0: {  	[sflag:s0] =	ssyncadd.remote.s32 $0x1  }
0xc1: {  	_ =	sfence.sel $0xFFFF  }
0xc2: {  	[dreg:$0x0] =	wrdreg $0xFFFFFFFF;
	(pc) =	sbr.abs _section_cstart, $3  }
0xc3: {  	[dreg:$0x1] =	wrdreg $0xFFFFFFFF  }
0xc4: {  	_ =	task.clear_ibuf [dreg:s7], $0x2FFFF;
	_ =	strace $0x9FFFFFFF  }
0xc5: {  	(tm) =	ssettm $0x7FFFFFFF  }
tec
execute0_lowered:
.L_overlay_start_1:
0x0: {  	(tag) =	ssettag $0x1  }
0x1: {  	s1 =	rddreg [dreg:$0x0]  }
0x2: {  	s5 =	rddreg [dreg:$0x1]  }
0x3: {  	s2 =	rddreg [dreg:$0x2];
	s0 =	srdreg.scid  }
0x4: {  	s6 =	simm.s32 $0x0;
	s3 =	stileid.u32;
	s0 =	sand.u32 $0x1, s0  }
0x5: {  	[smem:$0x7FF] =	sst s6;
	s14 =	smul.u32 $0x14000, s3;
	s7 =	sadd.s32 $0x54800, s1  }
0x6: {  	s15 =	sadd.s32 $0x5EA00, s1;
	s16 =	smul.u32 $0x2800, s3;
	s8 =	sadd.s32 $0x2000, s1  }
0x7: {  	s11 =	smul.u32 $0x280, s3;
	_ =	strace $0x80000047;
	[dreg:$0x6] =	wrdreg s7  }
0x8: {  	s4 =	smul.u32 $0x140000, s0;
	[dreg:$0x7] =	wrdreg s15;
	s7 =	sadd.s32 $0x52000, s1  }
0x9: {  	[dreg:$0x8] =	wrdreg s8;
	s17 =	sshll.u32 s0, $0x7;
	s18 =	ssub.s32 $0x2, s0  }
0xa: {  	p0 =	seq.s32 s0, $0x1;
	s0 =	smul.u32 $0x2800, s0;
	s6 =	sor.u32 s17, s16  }
0xb: {  	s10 =	sshrl.u32 s18, $0x1;
	s8 =	sor.u32 $0x20, s11;
	s12 =	sor.u32 $0x40, s11  }
0xc: {  	s13 =	sor.u32 $0x50, s11;
	s15 =	sor.u32 $0x70, s11;
	s16 =	sadd.s32 $0x80, s11  }
0xd: {  	s17 =	sadd.s32 $0x90, s11;
	s5 =	smov.u32 @p0 s7;
	s7 =	sadd.s32 $0xB0, s11  }
0xe: {  	s21 =	sadd.s32 $0xF0, s11;
	s22 =	sadd.s32 $0x100, s11;
	s23 =	sadd.s32 $0x110, s11  }
0xf: {  	s24 =	sadd.s32 $0x120, s11;
	s25 =	sadd.s32 $0x130, s11;
	s26 =	sadd.s32 $0x140, s11  }
0x10: {  	s28 =	sadd.s32 $0x150, s11;
	s29 =	sadd.s32 $0x160, s11;
	s30 =	sadd.s32 $0x170, s11  }
0x11: {  	s31 =	sadd.s32 $0x180, s11;
	s9 =	sadd.s32 $0x1B0, s11;
	s4 =	sadd.s32 s14, s4  }
0x12: {  	s6 =	sshrl.u32 s6, $0x3;
	s19 =	ssub.s32 s18, s10;
	s10 =	sor.u32 $0x30, s11  }
0x13: {  	s14 =	sor.u32 $0x60, s11;
	s18 =	sadd.s32 $0xA0, s11;
	s20 =	sadd.s32 s11, s5  }
0x14: {  	v0 =	vlaneseq.u32;
	s5 =	sadd.s32 $0xC0, s11;
	[dreg:$0x15] =	wrdreg s9;
	s9 =	sadd.s32 $0x1C0, s11  }
0x15: {  	v2 =	vor.u32 s8, v0;
	s8 =	sadd.s32 $0x1E0, s11;
	v4 =	vor.u32 s12, v0;
	s12 =	sadd.s32 $0x200, s11;
	v18 =	vor.u32 s23, v0;
	s23 =	rddreg [dreg:$0x4]  }
0x16: {  	v5 =	vor.u32 s13, v0;
	s13 =	sadd.s32 $0x210, s11;
	v7 =	vor.u32 s15, v0;
	s15 =	smul.u32 $0x50000, s3;
	[dreg:$0x11] =	wrdreg s19  }
0x17: {  	v8 =	vor.u32 s16, v0;
	v9 =	vor.u32 s17, v0;
	s16 =	sadd.s32 $0x230, s11;
	s17 =	smul.u32 $0x5000, s3;
	[dreg:$0x9] =	wrdreg s20  }
0x18: {  	v11 =	vor.u32 s7, v0;
	s7 =	sadd.s32 $0x260, s11;
	v22 =	vor.u32 s28, v0;
	s28 =	smul.u32 $0x5100, s3;
	[dreg:$0x14] =	wrdreg s9  }
0x19: {  	v23 =	vor.u32 s29, v0;
	v24 =	vor.u32 s30, v0;
	s29 =	simm.s32 $0x17800;
	s4 =	sshrl.u32 s4, $0x3;
	s30 =	rddreg [dreg:$0x15]  }
0x1a: {  	v19 =	vor.u32 s24, v0;
	s19 =	sadd.s32 $0xD0, s11;
	s20 =	sadd.s32 $0xE0, s11;
	s24 =	rddreg [dreg:$0x11]  }
0x1b: {  	v25 =	vor.u32 s31, v0;
	v3 =	vor.u32 s10, v0;
	s10 =	sadd.s32 $0x1F0, s11;
	v6 =	vor.u32 s14, v0;
	s14 =	sadd.s32 $0x220, s11;
	s31 =	rddreg [dreg:$0x14]  }
0x1c: {  	s9 =	sadd.s32 $0x240, s11;
	v12 =	vor.u32 s5, v0;
	s5 =	sadd.s32 $0x250, s11;
	v32 =	vor.u32 s10, v0;
	s10 =	rddreg [dreg:$0x3]  }
0x1d: {  	v36 =	vor.u32 s16, v0;
	s16 =	simm.s32 $0x0;
	s4 =	sadd.s32 s4, s1;
	[dreg:$0xf] =	wrdreg s28  }
0x1e: {  	s1 =	sadd.s32 s6, s1;
	s6 =	sor.u32 $0x10, s11;
	[dreg:$0x12] =	wrdreg s4  }
0x1f: {  	v43 =	vimm.f32 $0.0e+00;
	v42 =	vand.u32 $0x3, v0;
	v44 =	vshrl.u32 v0, $0x2;
	s15 =	sshrl.u32 s15, $0x2;
	s17 =	sshrl.u32 s17, $0x2;
	[dreg:$0x13] =	wrdreg s1  }
0x20: {  	v45 =	vor.u32 $0x4, v42;
	v15 =	vor.u32 s11, v0;
	s4 =	sadd.s32 $0x190, s11;
	s1 =	sadd.s32 $0x1A0, s11;
	v1 =	vor.u32 s6, v0;
	s6 =	sadd.s32 $0x1D0, s11  }
0x21: {  	v16 =	vor.u32 s21, v0;
	v17 =	vor.u32 s22, v0;
	v20 =	vor.u32 s25, v0;
	s11 =	sadd.s32 $0x270, s11;
	s15 =	sadd.s32 s15, s2;
	s21 =	rddreg [dreg:$0x12]  }
0x22: {  	v21 =	vor.u32 s26, v0;
	v41 =	vmov s0;
	v10 =	vor.u32 s18, v0;
	s17 =	sadd.s32 s17, s23;
	s22 =	rddreg [dreg:$0x13];
	s25 =	sshrl.u32 s15, $0x3  }
0x23: {  	v31 =	vor.u32 s8, v0;
	v33 =	vor.u32 s12, v0;
	v34 =	vor.u32 s13, v0;
	s26 =	sshrl.u32 s17, $0x3;
	s15 =	smul.u32 $0x1400, s3;
	[dreg:$0xd] =	wrdreg s25  }
0x24: {  	v39 =	vor.u32 s7, v0;
	v13 =	vor.u32 s19, v0;
	v14 =	vor.u32 s20, v0;
	s17 =	simm.s32 $0x16800;
	s18 =	sadd.s32 $0x6DC00, s21;
	[dreg:$0xe] =	wrdreg s26  }
0x25: {  	v28 =	vor.u32 s30, v0;
	v35 =	vor.u32 s14, v0;
	v27 =	vor.u32 s1, v0;
	s1 =	simm.s32 $0x0;
	s2 =	sadd.s32 $0x68C00, s22;
	[dreg:$0xa] =	wrdreg s18  }
0x26: {  	v37 =	vor.u32 s9, v0;
	v38 =	vor.u32 s5, v0;
	v29 =	vor.u32 s31, v0;
	s25 =	simm.s32 $0x17000;
	[dreg:$0xb] =	wrdreg s2;
	s2 =	smax.u32 s24, $0x1  }
0x27: {  	v26 =	vor.u32 s4, v0;
	v30 =	vor.u32 s6, v0;
	v40 =	vor.u32 s11, v0;
	s18 =	simm.s32 $0x3;
	s24 =	simm.s32 $0x16F00;
	[dreg:$0xc] =	wrdreg s2  }
.LBB2_1:
0x28: {  	[dreg:$0x10] =	wrdreg s1  }
0x29: {  	s13 =	simm.s32 $0x200;
	s0 =	rddreg [dreg:$0x9]  }
0x2a: {  	[tilespmem:s17], [sflag:$0x3] =	stream.linear.gather [hbm4b:s0+s16], $0x200, $0x38;
	[tilespmem:$0x1DC00] =	vst v63  }
0x2b: {  	s12 =	sadd.s32 $0x0, s15;
	s14 =	sadd.s32 $0x40, s0;
	_ =	swait.ge [sflag:s18], $0x200  }
0x2c: {  	s22 =	sadd.s32 $0x1E0, s12;
	s23 =	sadd.s32 $0x1F0, s12;
	[sflag:s18] =	ssyncset.done $0x0  }
0x2d: {  	s4 =	sadd.s32 $0x1C0, s12;
	s8 =	sadd.s32 $0x1D0, s12;
	v46 =	vor.u32 s23, v0;
	[sflag:s18] =	ssyncadd.s32 $0xFFFFFE00  }
0x2e: {  	s5 =	sadd.s32 $0x190, s12;
	s26 =	sadd.s32 $0x1A0, s12;
	s9 =	sadd.s32 $0x1B0, s12;
	v47 =	vor.u32 s22, v0;
	[tilespmem:$0x16BF0] =	vst v46  }
0x2f: {  	s31 =	sadd.s32 $0x150, s12;
	s6 =	sadd.s32 $0x160, s12;
	s7 =	sadd.s32 $0x180, s12;
	v63 =	vor.u32 s8, v0;
	[tilespmem:$0x16BE0] =	vst v47  }
0x30: {  	s11 =	sadd.s32 $0xF0, s12;
	s0 =	sadd.s32 $0x130, s12;
	s30 =	sadd.s32 $0x140, s12;
	v48 =	vor.u32 s4, v0;
	[tilespmem:$0x16BD0] =	vst v63  }
0x31: {  	s28 =	sadd.s32 $0xD0, s12;
	s1 =	sadd.s32 $0xE0, s12;
	s22 =	sadd.s32 $0xC0, s12;
	v46 =	vor.u32 s26, v0;
	v47 =	vor.u32 s9, v0;
	[tilespmem:$0x16BC0] =	vst v48  }
.LBB2_2:
0x32: {  	s26 =	sadd.s32 $0xA0, s12;
	s3 =	sadd.s32 $0xB0, s12  }
0x33: {  	s2 =	sadd.s32 $0x120, s12;
	[tilespmem:$0x16BB0] =	vst v47;
	s9 =	smov.u32 s13;
	s16 =	sadd.s32 $0x70, s12  }
0x34: {  	s4 =	sadd.s32 $0x80, s12;
	s19 =	sadd.s32 $0x90, s12;
	v47 =	vor.u32 s5, v0;
	s8 =	sadd.s32 $0x50, s12;
	[tilespmem:$0x16BA0] =	vst v46  }
0x35: {  	s20 =	smov.u32 s10;
	s10 =	sadd.s32 $0x60, s12;
	s21 =	sadd.s32 $0x170, s12;
	v46 =	vor.u32 s7, v0;
	[tilespmem:$0x16B90] =	vst v47  }
0x36: {  	s23 =	sadd.s32 $0x30, s12;
	s5 =	sadd.s32 $0x40, s12;
	s7 =	sadd.s32 $0x20, s12;
	v47 =	vor.u32 s21, v0;
	[tilespmem:$0x16B80] =	vst v46  }
0x37: {  	p0 =	sne.s32 s13, $0x1200;
	s13 =	sadd.s32 $0x200, s13;
	s21 =	sadd.s32 $0x10, s12;
	v46 =	vor.u32 s6, v0;
	[tilespmem:$0x16B70] =	vst v47  }
0x38: {  	v47 =	vor.u32 s31, v0;
	[tilespmem:$0x16B60] =	vst v46  }
0x39: {  	v46 =	vor.u32 s30, v0;
	[tilespmem:$0x16B50] =	vst v47  }
0x3a: {  	v47 =	vor.u32 s0, v0;
	[tilespmem:$0x16B40] =	vst v46  }
0x3b: {  	s0 =	sadd.s32 $0x110, s12;
	v46 =	vor.u32 s2, v0;
	[tilespmem:$0x16B30] =	vst v47  }
0x3c: {  	s2 =	sadd.s32 $0x100, s12;
	v47 =	vor.u32 s0, v0;
	[tilespmem:$0x16B20] =	vst v46  }
0x3d: {  	v46 =	vor.u32 s2, v0;
	[tilespmem:$0x16B10] =	vst v47  }
0x3e: {  	v47 =	vor.u32 s11, v0;
	[tilespmem:$0x16B00] =	vst v46  }
0x3f: {  	v46 =	vor.u32 s1, v0;
	[tilespmem:$0x16AF0] =	vst v47  }
0x40: {  	v47 =	vor.u32 s28, v0;
	[tilespmem:$0x16AE0] =	vst v46  }
0x41: {  	v46 =	vor.u32 s22, v0;
	[tilespmem:$0x16AD0] =	vst v47  }
0x42: {  	v47 =	vor.u32 s3, v0;
	[tilespmem:$0x16AC0] =	vst v46  }
0x43: {  	v46 =	vor.u32 s26, v0;
	[tilespmem:$0x16AB0] =	vst v47  }
0x44: {  	v47 =	vor.u32 s19, v0;
	[tilespmem:$0x16AA0] =	vst v46  }
0x45: {  	v46 =	vor.u32 s4, v0;
	[tilespmem:$0x16A90] =	vst v47  }
0x46: {  	v47 =	vor.u32 s16, v0;
	s16 =	simm.s32 $0x0;
	[tilespmem:$0x16A80] =	vst v46  }
0x47: {  	s19 =	simm.s32 $0x200;
	v46 =	vor.u32 s10, v0;
	s10 =	smov.u32 s20;
	s20 =	simm.s32 $0x16A00;
	[tilespmem:$0x16A70] =	vst v47  }
0x48: {  	v47 =	vor.u32 s8, v0;
	[tilespmem:$0x16A60] =	vst v46  }
0x49: {  	v46 =	vor.u32 s5, v0;
	[tilespmem:$0x16A50] =	vst v47  }
0x4a: {  	v47 =	vor.u32 s23, v0;
	[tilespmem:$0x16A40] =	vst v46  }
0x4b: {  	v46 =	vor.u32 s7, v0;
	[tilespmem:$0x16A30] =	vst v47  }
0x4c: {  	v48 =	vor.u32 s21, v0;
	v47 =	vor.u32 s12, v0;
	[tilespmem:$0x16A20] =	vst v46  }
0x4d: {  	[tilespmem:$0x16A00] =	vst v47  }
0x4e: {  	[tilespmem:$0x16A10] =	vst v48  }
0x4f: {  	[spmem:s10] =	stream.indirect.scatter [tilespmem:s17], [sflag:$0x3], $0x1, s20, s19, $0xb8;
	[tilespmem:$0x1DC00] =	vst v63  }
0x50: {  	_ =	swait.ge [sflag:s18], $0x200  }
0x51: {  	[sflag:s18] =	ssyncset.done $0x0  }
0x52: {  	s12 =	sadd.s32 s9, s15;
	[sflag:s18] =	ssyncadd.s32 $0xFFFFFE00  }
0x53: {  	[tilespmem:s17], [sflag:$0x3] =	stream.linear.gather [hbm4b:s14+s16], $0x200, $0x38;
	[tilespmem:$0x1DC00] =	vst v63  }
0x54: {  	s0 =	sadd.s32 $0x1E0, s12;
	s14 =	sadd.s32 $0x40, s14;
	_ =	swait.ge [sflag:s18], $0x200  }
0x55: {  	s1 =	sadd.s32 $0x1F0, s12;
	s2 =	sadd.s32 $0x1C0, s12;
	[sflag:s18] =	ssyncset.done $0x0  }
.Ltmp0:
0x56: {  	s3 =	sadd.s32 $0x1D0, s12;
	v46 =	vor.u32 s1, v0;
	[sflag:s18] =	ssyncadd.s32 $0xFFFFFE00;
	(pc) =	sbr.rel @p0 .LBB2_2-.Ltmp0, $4  }
0x57: {  	s5 =	sadd.s32 $0x190, s12;
	s4 =	sadd.s32 $0x1B0, s12;
	s1 =	sadd.s32 $0x1A0, s12;
	v47 =	vor.u32 s0, v0;
	[tilespmem:$0x16BF0] =	vst v46  }
0x58: {  	s31 =	sadd.s32 $0x150, s12;
	s6 =	sadd.s32 $0x160, s12;
	s7 =	sadd.s32 $0x180, s12;
	v48 =	vor.u32 s3, v0;
	v46 =	vor.u32 s1, v0;
	[tilespmem:$0x16BE0] =	vst v47  }
0x59: {  	s11 =	sadd.s32 $0xF0, s12;
	s30 =	sadd.s32 $0x140, s12;
	s0 =	sadd.s32 $0x130, s12;
	v49 =	vor.u32 s2, v0;
	[tilespmem:$0x16BD0] =	vst v48  }
0x5a: {  	s22 =	sadd.s32 $0xC0, s12;
	s28 =	sadd.s32 $0xD0, s12;
	s1 =	sadd.s32 $0xE0, s12;
	v47 =	vor.u32 s4, v0;
	[tilespmem:$0x16BC0] =	vst v49  }
0x5b: {  	[tilespmem:$0x16BB0] =	vst v47  }
0x5c: {  	v57 =	vor.u32 s5, v0;
	[tilespmem:$0x16BA0] =	vst v46  }
0x5d: {  	v58 =	vor.u32 s7, v0;
	[tilespmem:$0x16B90] =	vst v57  }
0x5e: {  	v60 =	vor.u32 s6, v0;
	[tilespmem:$0x16B80] =	vst v58  }
0x5f: {  	v61 =	vor.u32 s31, v0;
	[tilespmem:$0x16B60] =	vst v60  }
0x60: {  	v62 =	vor.u32 s30, v0;
	[tilespmem:$0x16B50] =	vst v61  }
0x61: {  	v63 =	vor.u32 s0, v0;
	[tilespmem:$0x16B40] =	vst v62  }
0x62: {  	v51 =	vor.u32 s11, v0;
	[tilespmem:$0x16B30] =	vst v63  }
0x63: {  	v52 =	vor.u32 s1, v0;
	[tilespmem:$0x16AF0] =	vst v51  }
0x64: {  	v53 =	vor.u32 s28, v0;
	[tilespmem:$0x16AE0] =	vst v52  }
0x65: {  	s2 =	sadd.s32 $0x170, s12;
	v54 =	vor.u32 s22, v0;
	[tilespmem:$0x16AD0] =	vst v53  }
0x66: {  	s21 =	sadd.s32 $0x120, s12;
	v59 =	vor.u32 s2, v0;
	[tilespmem:$0x16AC0] =	vst v54  }
0x67: {  	s23 =	sadd.s32 $0x110, s12;
	v48 =	vor.u32 s21, v0;
	[tilespmem:$0x16B70] =	vst v59  }
0x68: {  	s26 =	sadd.s32 $0x100, s12;
	v49 =	vor.u32 s23, v0;
	[tilespmem:$0x16B20] =	vst v48  }
0x69: {  	s30 =	sadd.s32 $0xB0, s12;
	v50 =	vor.u32 s26, v0;
	[tilespmem:$0x16B10] =	vst v49  }
0x6a: {  	s31 =	sadd.s32 $0xA0, s12;
	v55 =	vor.u32 s30, v0;
	[tilespmem:$0x16B00] =	vst v50  }
0x6b: {  	s1 =	sadd.s32 $0x90, s12;
	v56 =	vor.u32 s31, v0;
	[tilespmem:$0x16AB0] =	vst v55  }
0x6c: {  	s4 =	sadd.s32 $0x60, s12;
	v57 =	vor.u32 s1, v0;
	[tilespmem:$0x16AA0] =	vst v56  }
0x6d: {  	s5 =	sadd.s32 $0x50, s12;
	v60 =	vor.u32 s4, v0;
	[tilespmem:$0x16A90] =	vst v57  }
0x6e: {  	s6 =	sadd.s32 $0x40, s12;
	v61 =	vor.u32 s5, v0;
	[tilespmem:$0x16A60] =	vst v60  }
0x6f: {  	s7 =	sadd.s32 $0x30, s12;
	v62 =	vor.u32 s6, v0;
	[tilespmem:$0x16A50] =	vst v61  }
0x70: {  	s2 =	sadd.s32 $0x80, s12;
	v63 =	vor.u32 s7, v0;
	[tilespmem:$0x16A40] =	vst v62  }
0x71: {  	s3 =	sadd.s32 $0x70, s12;
	v58 =	vor.u32 s2, v0;
	[tilespmem:$0x16A30] =	vst v63  }
0x72: {  	s8 =	sadd.s32 $0x20, s12;
	v59 =	vor.u32 s3, v0;
	[tilespmem:$0x16A80] =	vst v58  }
0x73: {  	v48 =	vor.u32 s8, v0;
	[tilespmem:$0x16A70] =	vst v59  }
0x74: {  	s9 =	sadd.s32 $0x10, s12;
	v49 =	vor.u32 s12, v0;
	[tilespmem:$0x16A20] =	vst v48  }
0x75: {  	v50 =	vor.u32 s9, v0;
	[tilespmem:$0x16A00] =	vst v49  }
0x76: {  	[tilespmem:$0x16A10] =	vst v50  }
0x77: {  	[spmem:s10] =	stream.indirect.scatter [tilespmem:s17], [sflag:$0x3], $0x1, s20, s19, $0xb8;
	[tilespmem:$0x1DC00] =	vst v63  }
0x78: {  	_ =	swait.ge [sflag:s18], $0x200  }
0x79: {  	[sflag:s18] =	ssyncset.done $0x0  }
0x7a: {  	[sflag:s18] =	ssyncadd.s32 $0xFFFFFE00  }
0x7b: {  	[tilespmem:$0x16800] =	vst v43  }
0x7c: {  	[tilespmem:$0x16810] =	vst v43  }
0x7d: {  	[tilespmem:$0x16820] =	vst v43  }
0x7e: {  	[tilespmem:$0x16830] =	vst v43  }
0x7f: {  	[tilespmem:$0x16840] =	vst v43  }
0x80: {  	[tilespmem:$0x16850] =	vst v43  }
0x81: {  	[tilespmem:$0x16860] =	vst v43  }
0x82: {  	[tilespmem:$0x16870] =	vst v43  }
0x83: {  	[tilespmem:$0x16880] =	vst v43  }
0x84: {  	[tilespmem:$0x16890] =	vst v43  }
0x85: {  	[tilespmem:$0x168A0] =	vst v43  }
0x86: {  	[tilespmem:$0x168B0] =	vst v43  }
0x87: {  	[tilespmem:$0x168C0] =	vst v43  }
0x88: {  	[tilespmem:$0x168D0] =	vst v43  }
0x89: {  	[tilespmem:$0x168E0] =	vst v43  }
0x8a: {  	[tilespmem:$0x168F0] =	vst v43  }
0x8b: {  	[tilespmem:$0x16900] =	vst v43  }
0x8c: {  	[tilespmem:$0x16910] =	vst v43  }
0x8d: {  	[tilespmem:$0x16920] =	vst v43  }
0x8e: {  	[tilespmem:$0x16930] =	vst v43  }
0x8f: {  	[tilespmem:$0x16940] =	vst v43  }
0x90: {  	[tilespmem:$0x16950] =	vst v43  }
0x91: {  	[tilespmem:$0x16960] =	vst v43  }
0x92: {  	[tilespmem:$0x16970] =	vst v43  }
0x93: {  	[tilespmem:$0x16980] =	vst v43  }
0x94: {  	[tilespmem:$0x16990] =	vst v43  }
0x95: {  	[tilespmem:$0x169A0] =	vst v43  }
0x96: {  	[tilespmem:$0x169B0] =	vst v43  }
0x97: {  	[tilespmem:$0x169C0] =	vst v43  }
0x98: {  	[tilespmem:$0x169D0] =	vst v43  }
0x99: {  	s9 =	sadd.s32 $0x0, s15;
	[tilespmem:$0x169E0] =	vst v43  }
0x9a: {  	v51 =	vor.u32 s9, v0;
	s11 =	sadd.s32 $0x1F0, s9;
	[tilespmem:$0x169F0] =	vst v43  }
0x9b: {  	s12 =	sadd.s32 $0x1E0, s9;
	v52 =	vor.u32 s11, v0;
	[tilespmem:$0x16A00] =	vst v51  }
0x9c: {  	s13 =	sadd.s32 $0x1D0, s9;
	v53 =	vor.u32 s12, v0;
	[tilespmem:$0x16BF0] =	vst v52  }
0x9d: {  	s14 =	sadd.s32 $0x1C0, s9;
	v54 =	vor.u32 s13, v0;
	[tilespmem:$0x16BE0] =	vst v53  }
0x9e: {  	s21 =	sadd.s32 $0x1B0, s9;
	v55 =	vor.u32 s14, v0;
	[tilespmem:$0x16BD0] =	vst v54  }
0x9f: {  	s22 =	sadd.s32 $0x1A0, s9;
	v56 =	vor.u32 s21, v0;
	[tilespmem:$0x16BC0] =	vst v55  }
0xa0: {  	s23 =	sadd.s32 $0x190, s9;
	v57 =	vor.u32 s22, v0;
	[tilespmem:$0x16BB0] =	vst v56  }
0xa1: {  	s26 =	sadd.s32 $0x180, s9;
	v58 =	vor.u32 s23, v0;
	[tilespmem:$0x16BA0] =	vst v57  }
0xa2: {  	s28 =	sadd.s32 $0x170, s9;
	v59 =	vor.u32 s26, v0;
	[tilespmem:$0x16B90] =	vst v58  }
0xa3: {  	s30 =	sadd.s32 $0x160, s9;
	v60 =	vor.u32 s28, v0;
	[tilespmem:$0x16B80] =	vst v59  }
0xa4: {  	s31 =	sadd.s32 $0x150, s9;
	v61 =	vor.u32 s30, v0;
	[tilespmem:$0x16B70] =	vst v60  }
0xa5: {  	s1 =	sadd.s32 $0x140, s9;
	v62 =	vor.u32 s31, v0;
	[tilespmem:$0x16B60] =	vst v61  }
0xa6: {  	s2 =	sadd.s32 $0x130, s9;
	v63 =	vor.u32 s1, v0;
	[tilespmem:$0x16B50] =	vst v62  }
0xa7: {  	s3 =	sadd.s32 $0x120, s9;
	v48 =	vor.u32 s2, v0;
	[tilespmem:$0x16B40] =	vst v63  }
0xa8: {  	s4 =	sadd.s32 $0x110, s9;
	v49 =	vor.u32 s3, v0;
	[tilespmem:$0x16B30] =	vst v48  }
0xa9: {  	s5 =	sadd.s32 $0x100, s9;
	v50 =	vor.u32 s4, v0;
	[tilespmem:$0x16B20] =	vst v49  }
0xaa: {  	s6 =	sadd.s32 $0xF0, s9;
	v51 =	vor.u32 s5, v0;
	[tilespmem:$0x16B10] =	vst v50  }
0xab: {  	s7 =	sadd.s32 $0xE0, s9;
	v52 =	vor.u32 s6, v0;
	[tilespmem:$0x16B00] =	vst v51  }
0xac: {  	s8 =	sadd.s32 $0xD0, s9;
	v53 =	vor.u32 s7, v0;
	[tilespmem:$0x16AF0] =	vst v52  }
0xad: {  	s11 =	sadd.s32 $0xC0, s9;
	v54 =	vor.u32 s8, v0;
	[tilespmem:$0x16AE0] =	vst v53  }
0xae: {  	s12 =	sadd.s32 $0xB0, s9;
	v55 =	vor.u32 s11, v0;
	[tilespmem:$0x16AD0] =	vst v54  }
0xaf: {  	s13 =	sadd.s32 $0xA0, s9;
	v56 =	vor.u32 s12, v0;
	[tilespmem:$0x16AC0] =	vst v55  }
0xb0: {  	s14 =	sadd.s32 $0x90, s9;
	v57 =	vor.u32 s13, v0;
	[tilespmem:$0x16AB0] =	vst v56  }
0xb1: {  	s21 =	sadd.s32 $0x80, s9;
	v58 =	vor.u32 s14, v0;
	[tilespmem:$0x16AA0] =	vst v57  }
0xb2: {  	s22 =	sadd.s32 $0x70, s9;
	v59 =	vor.u32 s21, v0;
	[tilespmem:$0x16A90] =	vst v58  }
0xb3: {  	s23 =	sadd.s32 $0x60, s9;
	v60 =	vor.u32 s22, v0;
	[tilespmem:$0x16A80] =	vst v59  }
0xb4: {  	s26 =	sadd.s32 $0x50, s9;
	v61 =	vor.u32 s23, v0;
	[tilespmem:$0x16A70] =	vst v60  }
0xb5: {  	s28 =	sadd.s32 $0x40, s9;
	v62 =	vor.u32 s26, v0;
	[tilespmem:$0x16A60] =	vst v61  }
0xb6: {  	s30 =	sadd.s32 $0x30, s9;
	v63 =	vor.u32 s28, v0;
	[tilespmem:$0x16A50] =	vst v62  }
0xb7: {  	s31 =	sadd.s32 $0x20, s9;
	v48 =	vor.u32 s30, v0;
	[tilespmem:$0x16A40] =	vst v63  }
0xb8: {  	s0 =	sadd.s32 $0x10, s9;
	v46 =	vor.u32 s31, v0;
	s12 =	simm.s32 $0x200;
	s5 =	rddreg [dreg:$0x4];
	[tilespmem:$0x16A30] =	vst v48  }
.LBB2_4:
0xb9: {  	p0 =	sne.s32 s12, $0x1200;
	v47 =	vor.u32 s0, v0;
	[tilespmem:$0x16A20] =	vst v46  }
0xba: {  	[tilespmem:$0x16A10] =	vst v47;
	[spmem:s5] =	stream.indirect.scatter [tilespmem:s17], [sflag:$0x3], $0x1, s20, s19, $0xb8  }
0xbb: {  	_ =	swait.ge [sflag:s18], $0x200  }
0xbc: {  	s9 =	sadd.s32 s12, s15;
	[sflag:s18] =	ssyncset.done $0x0  }
0xbd: {  	v46 =	vor.u32 s9, v0;
	s0 =	sadd.s32 $0x1F0, s9;
	[sflag:s18] =	ssyncadd.s32 $0xFFFFFE00  }
0xbe: {  	s1 =	sadd.s32 $0x1E0, s9;
	[tilespmem:$0x16A00] =	vst v46;
	v46 =	vor.u32 s0, v0  }
0xbf: {  	v47 =	vor.u32 s1, v0;
	s0 =	sadd.s32 $0x1D0, s9;
	[tilespmem:$0x16BF0] =	vst v46  }
0xc0: {  	s1 =	sadd.s32 $0x1C0, s9;
	v46 =	vor.u32 s0, v0;
	[tilespmem:$0x16BE0] =	vst v47  }
0xc1: {  	s0 =	sadd.s32 $0x1B0, s9;
	v47 =	vor.u32 s1, v0;
	[tilespmem:$0x16BD0] =	vst v46  }
0xc2: {  	s1 =	sadd.s32 $0x1A0, s9;
	v46 =	vor.u32 s0, v0;
	[tilespmem:$0x16BC0] =	vst v47  }
0xc3: {  	s0 =	sadd.s32 $0x190, s9;
	v47 =	vor.u32 s1, v0;
	[tilespmem:$0x16BB0] =	vst v46  }
0xc4: {  	s1 =	sadd.s32 $0x180, s9;
	v46 =	vor.u32 s0, v0;
	[tilespmem:$0x16BA0] =	vst v47  }
0xc5: {  	s0 =	sadd.s32 $0x170, s9;
	v47 =	vor.u32 s1, v0;
	[tilespmem:$0x16B90] =	vst v46  }
0xc6: {  	s1 =	sadd.s32 $0x160, s9;
	v46 =	vor.u32 s0, v0;
	[tilespmem:$0x16B80] =	vst v47  }
0xc7: {  	s0 =	sadd.s32 $0x150, s9;
	v47 =	vor.u32 s1, v0;
	[tilespmem:$0x16B70] =	vst v46  }
0xc8: {  	s1 =	sadd.s32 $0x140, s9;
	v46 =	vor.u32 s0, v0;
	[tilespmem:$0x16B60] =	vst v47  }
0xc9: {  	s0 =	sadd.s32 $0x130, s9;
	v47 =	vor.u32 s1, v0;
	[tilespmem:$0x16B50] =	vst v46  }
0xca: {  	s1 =	sadd.s32 $0x120, s9;
	v46 =	vor.u32 s0, v0;
	[tilespmem:$0x16B40] =	vst v47  }
0xcb: {  	s0 =	sadd.s32 $0x110, s9;
	v47 =	vor.u32 s1, v0;
	[tilespmem:$0x16B30] =	vst v46  }
0xcc: {  	s1 =	sadd.s32 $0x100, s9;
	v46 =	vor.u32 s0, v0;
	[tilespmem:$0x16B20] =	vst v47  }
0xcd: {  	s0 =	sadd.s32 $0xF0, s9;
	v47 =	vor.u32 s1, v0;
	[tilespmem:$0x16B10] =	vst v46  }
0xce: {  	s1 =	sadd.s32 $0xE0, s9;
	v46 =	vor.u32 s0, v0;
	[tilespmem:$0x16B00] =	vst v47  }
0xcf: {  	s0 =	sadd.s32 $0xD0, s9;
	v47 =	vor.u32 s1, v0;
	[tilespmem:$0x16AF0] =	vst v46  }
0xd0: {  	s1 =	sadd.s32 $0xC0, s9;
	v46 =	vor.u32 s0, v0;
	[tilespmem:$0x16AE0] =	vst v47  }
0xd1: {  	s0 =	sadd.s32 $0xB0, s9;
	v47 =	vor.u32 s1, v0;
	[tilespmem:$0x16AD0] =	vst v46  }
0xd2: {  	s1 =	sadd.s32 $0xA0, s9;
	v46 =	vor.u32 s0, v0;
	[tilespmem:$0x16AC0] =	vst v47  }
0xd3: {  	s0 =	sadd.s32 $0x90, s9;
	v47 =	vor.u32 s1, v0;
	[tilespmem:$0x16AB0] =	vst v46  }
0xd4: {  	s1 =	sadd.s32 $0x80, s9;
	v46 =	vor.u32 s0, v0;
	[tilespmem:$0x16AA0] =	vst v47  }
0xd5: {  	s0 =	sadd.s32 $0x70, s9;
	v47 =	vor.u32 s1, v0;
	[tilespmem:$0x16A90] =	vst v46  }
0xd6: {  	s1 =	sadd.s32 $0x60, s9;
	v46 =	vor.u32 s0, v0;
	[tilespmem:$0x16A80] =	vst v47  }
.Ltmp1:
0xd7: {  	s0 =	sadd.s32 $0x50, s9;
	v47 =	vor.u32 s1, v0;
	[tilespmem:$0x16A70] =	vst v46;
	(pc) =	sbr.rel @p0 .LBB2_4-.Ltmp1, $4  }
0xd8: {  	s1 =	sadd.s32 $0x40, s9;
	v46 =	vor.u32 s0, v0;
	[tilespmem:$0x16A60] =	vst v47  }
0xd9: {  	s0 =	sadd.s32 $0x30, s9;
	v47 =	vor.u32 s1, v0;
	[tilespmem:$0x16A50] =	vst v46  }
0xda: {  	s1 =	sadd.s32 $0x20, s9;
	v48 =	vor.u32 s0, v0;
	[tilespmem:$0x16A40] =	vst v47  }
0xdb: {  	s12 =	sadd.s32 $0x200, s12;
	s0 =	sadd.s32 $0x10, s9;
	v46 =	vor.u32 s1, v0;
	[tilespmem:$0x16A30] =	vst v48  }
0xdc: {  	v47 =	vor.u32 s0, v0;
	[tilespmem:$0x16A20] =	vst v46  }
0xdd: {  	[tilespmem:$0x16A10] =	vst v47  }
0xde: {  	[spmem:s5] =	stream.indirect.scatter [tilespmem:s17], [sflag:$0x3], $0x1, s20, s19, $0xb8;
	[tilespmem:$0x1DC00] =	vst v63  }
0xdf: {  	_ =	swait.ge [sflag:s18], $0x200  }
0xe0: {  	s0 =	simm.s32 $0x0;
	s1 =	simm.s32 $0x200;
	s6 =	rddreg [dreg:$0x6]  }
0xe1: {  	s21 =	simm.s32 $0x300;
	s22 =	simm.s32 $0x17200;
	s7 =	rddreg [dreg:$0x7]  }
0xe2: {  	s23 =	simm.s32 $0x17500;
	[sflag:s18] =	ssyncset.done $0x0;
	s8 =	rddreg [dreg:$0x8]  }
0xe3: {  	s28 =	simm.s32 $0x17100;
	s19 =	rddreg [dreg:$0xf];
	[sflag:s18] =	ssyncadd.s32 $0xFFFFFE00  }
0xe4: {  	s30 =	simm.s32 $0x1;
	s31 =	simm.s32 $0x2;
	s3 =	rddreg [dreg:$0x2]  }
.LBB2_6:
0xe5: {  	p0 =	sne.s32 s1, $0x17E00;
	[tilespmem:s0+$0x17B70] =	vst v43  }
0xe6: {  	[tilespmem:s0+$0x17B00] =	vst v43  }
0xe7: {  	[tilespmem:s0+$0x17B10] =	vst v43  }
.Ltmp2:
0xe8: {  	[tilespmem:s0+$0x17B20] =	vst v43;
	(pc) =	sbr.rel @p0 .LBB2_6-.Ltmp2, $4  }
0xe9: {  	[tilespmem:s0+$0x17B30] =	vst v43  }
0xea: {  	[tilespmem:s0+$0x17B40] =	vst v43  }
0xeb: {  	[tilespmem:s0+$0x17B50] =	vst v43  }
0xec: {  	[tilespmem:s0+$0x17B60] =	vst v43;
	s0 =	sshra.s32 s1, $0x2;
	s1 =	sadd.s32 $0x200, s1  }
0xed: {  	[tilespmem:s0+$0x17B70] =	vst v43  }
0xee: {  	[tilespmem:s0+$0x17B00] =	vst v43  }
0xef: {  	[tilespmem:s0+$0x17B10] =	vst v43  }
0xf0: {  	[tilespmem:s0+$0x17B20] =	vst v43  }
0xf1: {  	[tilespmem:s0+$0x17B30] =	vst v43  }
0xf2: {  	[tilespmem:s0+$0x17B40] =	vst v43  }
0xf3: {  	[tilespmem:s0+$0x17B50] =	vst v43  }
0xf4: {  	[tilespmem:s0+$0x17B60] =	vst v43  }
0xf5: {  	[tilespmem:$0x1DB00] =	vst v15  }
0xf6: {  	[tilespmem:$0x1DB10] =	vst v1  }
0xf7: {  	[tilespmem:$0x1DB20] =	vst v2  }
0xf8: {  	[tilespmem:$0x1DB30] =	vst v3  }
0xf9: {  	[tilespmem:$0x1DB40] =	vst v4  }
0xfa: {  	[tilespmem:$0x1DB50] =	vst v5  }
0xfb: {  	[tilespmem:$0x1DB60] =	vst v6  }
0xfc: {  	[tilespmem:$0x1DB70] =	vst v7  }
0xfd: {  	[tilespmem:$0x1DB80] =	vst v8  }
0xfe: {  	[tilespmem:$0x1DB90] =	vst v9  }
0xff: {  	[tilespmem:$0x1DBA0] =	vst v10  }
0x100: {  	s11 =	simm.s32 $0xC0;
	s26 =	simm.s32 $0x1DB00;
	s20 =	simm.s32 $0x17B00;
	[tilespmem:$0x1DBB0] =	vst v11  }
0x101: {  	[spmem:s3] =	stream.indirect.scatter [tilespmem:s20], [sflag:$0x3], $0x80, s26, s11, $0xb8;
	[tilespmem:$0x1DC00] =	vst v63  }
0x102: {  	_ =	swait.ge [sflag:s18], $0x6000  }
0x103: {  	[sflag:s18] =	ssyncset.done $0x0  }
0x104: {  	[sflag:s18] =	ssyncadd.s32 $0xFFFFA000  }
0x105: {  	[tilespmem:$0x1DB00] =	vst v12  }
0x106: {  	[tilespmem:$0x1DB10] =	vst v13  }
0x107: {  	[tilespmem:$0x1DB20] =	vst v14  }
0x108: {  	[tilespmem:$0x1DB30] =	vst v16  }
0x109: {  	[tilespmem:$0x1DB40] =	vst v17  }
0x10a: {  	[tilespmem:$0x1DB50] =	vst v18  }
0x10b: {  	[tilespmem:$0x1DB60] =	vst v19  }
0x10c: {  	[tilespmem:$0x1DB70] =	vst v20  }
0x10d: {  	[tilespmem:$0x1DB80] =	vst v21  }
0x10e: {  	[tilespmem:$0x1DB90] =	vst v22  }
0x10f: {  	[tilespmem:$0x1DBA0] =	vst v23  }
0x110: {  	[tilespmem:$0x1DBB0] =	vst v24  }
0x111: {  	[spmem:s3] =	stream.indirect.scatter [tilespmem:s20], [sflag:$0x3], $0x80, s26, s11, $0xb8;
	[tilespmem:$0x1DC00] =	vst v63  }
0x112: {  	_ =	swait.ge [sflag:s18], $0x6000  }
0x113: {  	[sflag:s18] =	ssyncset.done $0x0  }
0x114: {  	[sflag:s18] =	ssyncadd.s32 $0xFFFFA000  }
0x115: {  	[tilespmem:$0x1DB00] =	vst v25  }
0x116: {  	[tilespmem:$0x1DB10] =	vst v26  }
0x117: {  	[tilespmem:$0x1DB20] =	vst v27  }
0x118: {  	[tilespmem:$0x1DB30] =	vst v28  }
0x119: {  	[tilespmem:$0x1DB40] =	vst v29  }
0x11a: {  	[tilespmem:$0x1DB50] =	vst v30  }
0x11b: {  	[tilespmem:$0x1DB60] =	vst v31  }
0x11c: {  	[tilespmem:$0x1DB70] =	vst v32  }
0x11d: {  	[tilespmem:$0x1DB80] =	vst v33  }
0x11e: {  	[tilespmem:$0x1DB90] =	vst v34  }
0x11f: {  	[tilespmem:$0x1DBA0] =	vst v35  }
0x120: {  	[tilespmem:$0x1DBB0] =	vst v36  }
0x121: {  	[spmem:s3] =	stream.indirect.scatter [tilespmem:s20], [sflag:$0x3], $0x80, s26, s11, $0xb8;
	[tilespmem:$0x1DC00] =	vst v63  }
0x122: {  	_ =	swait.ge [sflag:s18], $0x6000  }
0x123: {  	[sflag:s18] =	ssyncset.done $0x0  }
0x124: {  	[sflag:s18] =	ssyncadd.s32 $0xFFFFA000  }
0x125: {  	[tilespmem:$0x1DB00] =	vst v29  }
0x126: {  	[tilespmem:$0x1DB10] =	vst v30  }
0x127: {  	[tilespmem:$0x1DB20] =	vst v31  }
0x128: {  	[tilespmem:$0x1DB30] =	vst v32  }
0x129: {  	[tilespmem:$0x1DB40] =	vst v33  }
0x12a: {  	[tilespmem:$0x1DB50] =	vst v34  }
0x12b: {  	[tilespmem:$0x1DB60] =	vst v35  }
0x12c: {  	[tilespmem:$0x1DB70] =	vst v36  }
0x12d: {  	[tilespmem:$0x1DB80] =	vst v37  }
0x12e: {  	[tilespmem:$0x1DB90] =	vst v38  }
0x12f: {  	[tilespmem:$0x1DBA0] =	vst v39  }
0x130: {  	[tilespmem:$0x1DBB0] =	vst v40  }
0x131: {  	[spmem:s3] =	stream.indirect.scatter [tilespmem:s20], [sflag:$0x3], $0x80, s26, s11, $0xb8;
	[tilespmem:$0x1DC00] =	vst v63  }
0x132: {  	_ =	swait.ge [sflag:s18], $0x6000  }
0x133: {  	[sflag:s18] =	ssyncset.done $0x0  }
0x134: {  	s12 =	simm.s32 $0x0;
	[sflag:s18] =	ssyncadd.s32 $0xFFFFA000  }
0x135: {  	s13 =	simm.s32 $0x0;
	s26 =	simm.s32 $0x16C00;
	[bflag:$0x0] =	sbarrier.arrive $0xFFFF  }
.LBB2_8:
0x136: {  	s0 =	smul.u32 $0xC0, s13;
	_ =	sdelay $0x1  }
0x137: {  	s0 =	sadd.s32 s19, s0  }
0x138: {  	s0 =	sshrl.u32 s0, $0x3  }
0x139: {  	s1 =	sadd.s32 s6, s0  }
0x13a: {  	[tilespmem:s24], [sflag:$0x3] =	stream.linear.gather [hbm4b:s1+s12], $0xC0, $0x38;
	[tilespmem:$0x1DC00] =	vst v63  }
0x13b: {  	_ =	swait.ge [sflag:s18], $0xC0  }
0x13c: {  	[sflag:s18] =	ssyncset.done $0x0  }
0x13d: {  	s0 =	sadd.s32 s7, s0;
	[sflag:s18] =	ssyncadd.s32 $0xFFFFFF40  }
0x13e: {  	[tilespmem:s25], [sflag:$0x3] =	stream.linear.gather [hbm4b:s0+s12], $0xC0, $0x38;
	[tilespmem:$0x1DC00] =	vst v63  }
0x13f: {  	_ =	swait.ge [sflag:s18], $0xC0  }
0x140: {  	[sflag:s18] =	ssyncset.done $0x0  }
0x141: {  	[sflag:s18] =	ssyncadd.s32 $0xFFFFFF40  }
0x142: {  	v46 =	vld [tilespmem:$0x16F00]  }
0x143: {  	v47 =	vld [tilespmem:$0x16F10]  }
0x144: {  	v48 =	vld [tilespmem:$0x16F20]  }
0x145: {  	v49 =	vld [tilespmem:$0x16F30]  }
0x146: {  	v50 =	vld [tilespmem:$0x16F40]  }
0x147: {  	v51 =	vld [tilespmem:$0x16F50];
	v46 =	vadd.s32 v41, v46  }
0x148: {  	v55 =	vld [tilespmem:$0x16F60];
	v54 =	vadd.s32 v41, v47;
	[tilespmem:$0x17100] =	vst v46  }
0x149: {  	v59 =	vld [tilespmem:$0x16F80];
	v56 =	vadd.s32 v41, v48;
	[tilespmem:$0x17110] =	vst v54  }
0x14a: {  	v53 =	vld [tilespmem:$0x16FB0];
	v58 =	vadd.s32 v41, v49;
	[tilespmem:$0x17120] =	vst v56  }
0x14b: {  	v57 =	vld [tilespmem:$0x16F70];
	v60 =	vadd.s32 v41, v50;
	[tilespmem:$0x17130] =	vst v58  }
0x14c: {  	v61 =	vld [tilespmem:$0x16F90];
	v62 =	vadd.s32 v41, v51;
	[tilespmem:$0x17140] =	vst v60  }
0x14d: {  	v63 =	vld [tilespmem:$0x16FA0];
	v52 =	vadd.s32 v41, v55;
	[tilespmem:$0x17150] =	vst v62  }
0x14e: {  	v55 =	vadd.s32 v41, v59;
	[tilespmem:$0x17160] =	vst v52  }
0x14f: {  	v59 =	vadd.s32 v41, v53;
	v56 =	vor.u32 s12, v44;
	[tilespmem:$0x17180] =	vst v55  }
0x150: {  	v54 =	vadd.s32 v41, v57;
	[tilespmem:$0x171B0] =	vst v59  }
0x151: {  	v57 =	vadd.s32 v41, v61;
	[tilespmem:$0x17170] =	vst v54  }
0x152: {  	v58 =	vadd.s32 v41, v63;
	[tilespmem:$0x17190] =	vst v57  }
0x153: {  	[tilespmem:$0x171A0] =	vst v58  }
0x154: {  	v46 =	vld.idx.msk [tilespmem:v56+s24+$0x0], $0xffff  }
0x155: {  	v60 =	vld.idx.msk [tilespmem:v56+s25+$0x0], $0xffff;
	_ =	sdelay $0x1  }
0x156: {  	s14 =	simm.s32 $0x4  }
0x157: {  	v61 =	vor.u32 s14, v44  }
0x158: {  	v46 =	vshll.u32 v46, $0x3  }
0x159: {  	s0 =	simm.s32 $0x17200;
	v47 =	vshll.u32 v60, $0x3;
	v46 =	vor.u32 v42, v46  }
0x15a: {  	s1 =	simm.s32 $0x17500;
	v62 =	vor.u32 v45, v47;
	[tilespmem:s0+$0x0] =	vst v46  }
0x15b: {  	[tilespmem:s1+$0x0] =	vst v62  }
0x15c: {  	v63 =	vld.idx.msk [tilespmem:v61+s24+$0x0], $0xffff  }
0x15d: {  	v47 =	vld.idx.msk [tilespmem:v61+s25+$0x0], $0xffff;
	_ =	sdelay $0x1  }
0x15e: {  	s2 =	simm.s32 $0x8  }
0x15f: {  	v46 =	vor.u32 s2, v44  }
0x160: {  	s4 =	simm.s32 $0xC;
	v48 =	vshll.u32 v63, $0x3  }
.LBB2_9:
0x161: {  	p0 =	sne.s32 s4, $0xBC;
	v48 =	vor.u32 v42, v48;
	v47 =	vshll.u32 v47, $0x3;
	s0 =	sadd.s32 $0x10, s0  }
0x162: {  	s1 =	sadd.s32 $0x10, s1;
	[tilespmem:s0+$0x0] =	vst v48;
	v47 =	vor.u32 v45, v47  }
0x163: {  	[tilespmem:s1+$0x0] =	vst v47  }
0x164: {  	v48 =	vld.idx.msk [tilespmem:v46+s24+$0x0], $0xffff  }
0x165: {  	v47 =	vld.idx.msk [tilespmem:v46+s25+$0x0], $0xffff  }
.Ltmp3:
0x166: {  	(pc) =	sbr.rel @p0 .LBB2_9-.Ltmp3, $3  }
0x167: {  	_ =	sdelay $0x1  }
0x168: {  	v46 =	vor.u32 s4, v44  }
0x169: {  	s4 =	sadd.s32 $0x4, s4;
	v48 =	vshll.u32 v48, $0x3  }
0x16a: {  	_ = 	snop  }
0x16b: {  	v48 =	vor.u32 v42, v48;
	v47 =	vshll.u32 v47, $0x3;
	s0 =	sadd.s32 $0x10, s0  }
0x16c: {  	s1 =	sadd.s32 $0x10, s1;
	[tilespmem:s0+$0x0] =	vst v48;
	v47 =	vor.u32 v45, v47  }
0x16d: {  	[tilespmem:s1+$0x0] =	vst v47  }
0x16e: {  	v47 =	vld.idx.msk [tilespmem:v46+s24+$0x0], $0xffff  }
0x16f: {  	v63 =	vld.idx.msk [tilespmem:v46+s25+$0x0], $0xffff;
	_ =	sdelay $0x3  }
0x170: {  	v47 =	vshll.u32 v47, $0x3  }
0x171: {  	s0 =	sadd.s32 $0x10, s0;
	v46 =	vshll.u32 v63, $0x3;
	v47 =	vor.u32 v42, v47  }
0x172: {  	s14 =	sadd.s32 $0x10, s1;
	v46 =	vor.u32 v45, v46;
	[tilespmem:s0+$0x0] =	vst v47  }
0x173: {  	[tilespmem:s14+$0x0] =	vst v46  }
0x174: {  	[tilespmem:s29], [sflag:$0x1] =	stream.indirect.gather [spmem:s10], $0x1, s22, s21, $0xb8;
	[tilespmem:$0x1DC00] =	vst v63  }
0x175: {  	_ = 	snop  }
0x176: {  	[tilespmem:s26], [sflag:$0x1] =	stream.indirect.gather [spmem:s10], $0x1, s23, s21, $0xb8;
	[tilespmem:$0x1DC00] =	vst v63  }
0x177: {  	_ = 	snop  }
0x178: {  	[tilespmem:s20], [sflag:$0x2] =	stream.indirect.gather [hbm4b:s8+s11], $0x80, s28, s11, $0xb8;
	[tilespmem:$0x1DC00] =	vst v63  }
0x179: {  	_ =	swait.ge [sflag:s30], $0x300  }
0x17a: {  	[sflag:s30] =	ssyncset.done $0x0  }
0x17b: {  	[sflag:s30] =	ssyncadd.s32 $0xFFFFFD00  }
0x17c: {  	_ =	swait.ge [sflag:s30], $0x300  }
0x17d: {  	[sflag:s30] =	ssyncset.done $0x0  }
0x17e: {  	s0 =	simm.s32 $0x0;
	[sflag:s30] =	ssyncadd.s32 $0xFFFFFD00  }
0x17f: {  	s1 =	simm.s32 $0x40;
	v46 =	vld [tilespmem:s0+$0x16C00]  }
.LBB2_11:
0x180: {  	p0 =	sne.s32 s1, $0xBC0;
	v47 =	vld [tilespmem:s0+$0x17800];
	_ =	sdelay $0x4  }
0x181: {  	v46 =	vadd.f32 v46, v47;
	_ =	sdelay $0x1  }
0x182: {  	v47 =	vmul.f32 $2.000000030e-01, v46;
	_ =	sdelay $0x1  }
0x183: {  	v46 =	vmax.f32 v46, v47  }
0x184: {  	v46 =	vmul.f32 $1.442695020e+00, v46;
	_ =	sdelay $0x1  }
0x185: {  	(erf) = vpow2.f32 v46;
	_ =	sdelay $0x5  }
.Ltmp4:
0x186: {  	(pc) =	sbr.rel @p0 .LBB2_11-.Ltmp4, $3  }
0x187: {  	_ =	sdelay $0x1  }
0x188: {  	s2 =	sshra.s32 s1, $0x2;
	v47 =	vpop (erf)  }
0x189: {  	s1 =	sadd.s32 $0x40, s1;
	v46 =	vld [tilespmem:s2+$0x16C00];
	[tilespmem:s0+$0x17800] =	vst v47;
	s0 =	smov.u32 s2  }
0x18a: {  	v47 =	vld [tilespmem:s0+$0x17800];
	_ =	sdelay $0x4  }
0x18b: {  	v46 =	vadd.f32 v46, v47;
	_ =	sdelay $0x1  }
0x18c: {  	v47 =	vmul.f32 $2.000000030e-01, v46;
	_ =	sdelay $0x1  }
0x18d: {  	v46 =	vmax.f32 v46, v47  }
0x18e: {  	v46 =	vmul.f32 $1.442695020e+00, v46;
	_ =	sdelay $0x1  }
0x18f: {  	(erf) = vpow2.f32 v46;
	_ =	sdelay $0x4  }
0x190: {  	s1 =	simm.s32 $0x0  }
0x191: {  	v54 =	vmov s1  }
0x192: {  	v46 =	vand.u32 $0xFFFFFFFC, v54  }
0x193: {  	v46 =	vbroadcast v46, $0x0  }
0x194: {  	v55 =	vpop (erf)  }
0x195: {  	[tilespmem:s0+$0x17800] =	vst v55  }
0x196: {  	_ =	swait.ge [sflag:s31], $0x6000  }
0x197: {  	[sflag:s31] =	ssyncset.done $0x0  }
0x198: {  	[sflag:s31] =	ssyncadd.s32 $0xFFFFA000  }
0x199: {  	s14 =	simm.s32 $0x17B40;
	v46 =	vld.idx.msk [tilespmem:v46+s29+$0x0], $0xffff  }
0x19a: {  	s1 =	simm.s32 $0x1;
	v56 =	vld [tilespmem:s14+$0xFFFFFFC0]  }
0x19b: {  	v49 =	vmov s1;
	v48 =	vld [tilespmem:s14+$0xFFFFFFD0]  }
0x19c: {  	v49 =	vand.u32 $0xFFFFFFFD, v49  }
0x19d: {  	v49 =	vbroadcast v49, $0x0;
	_ =	sdelay $0x1  }
0x19e: {  	v47 =	vmul.f32 v56, v46  }
0x19f: {  	v46 =	vmul.f32 v48, v46  }
0x1a0: {  	[tilespmem:s14+$0xFFFFFFC0] =	vst v47  }
0x1a1: {  	v57 =	vld [tilespmem:s14+$0xFFFFFFE0];
	[tilespmem:s14+$0xFFFFFFD0] =	vst v46  }
0x1a2: {  	s2 =	simm.s32 $0x2;
	v46 =	vld.idx.msk [tilespmem:v49+s29+$0x0], $0xffff  }
0x1a3: {  	v59 =	vmov s2;
	v58 =	vld [tilespmem:s14+$0xFFFFFFF0]  }
0x1a4: {  	v49 =	vand.u32 $0xFFFFFFFE, v59  }
0x1a5: {  	v49 =	vbroadcast v49, $0x0;
	_ =	sdelay $0x1  }
0x1a6: {  	v47 =	vmul.f32 v57, v46  }
0x1a7: {  	v46 =	vmul.f32 v58, v46  }
0x1a8: {  	[tilespmem:s14+$0xFFFFFFE0] =	vst v47  }
0x1a9: {  	v60 =	vld [tilespmem:s14+$0x10];
	[tilespmem:s14+$0xFFFFFFF0] =	vst v46  }
0x1aa: {  	v47 =	vld.idx.msk [tilespmem:v49+s29+$0x0], $0xffff  }
0x1ab: {  	v61 =	vld [tilespmem:s14+$0x0];
	_ =	sdelay $0x1  }
0x1ac: {  	s4 =	simm.s32 $0x3  }
0x1ad: {  	v62 =	vmov s4  }
0x1ae: {  	v46 =	vmul.f32 v60, v47  }
0x1af: {  	v47 =	vmul.f32 v61, v47  }
0x1b0: {  	v48 =	vld [tilespmem:s14+$0x20];
	[tilespmem:s14+$0x10] =	vst v46  }
0x1b1: {  	[tilespmem:s14+$0x0] =	vst v47;
	v46 =	vld [tilespmem:s14+$0x30]  }
0x1b2: {  	s9 =	simm.s32 $0x4;
	v47 =	vld.idx.msk [tilespmem:v62+s29+$0x0], $0xffff  }
0x1b3: {  	v63 =	vmov s9  }
0x1b4: {  	s9 =	simm.s32 $0x7;
	s1 =	simm.s32 $0xB;
	v49 =	vand.u32 $0xFFFFFFFC, v63  }
.LBB2_13:
0x1b5: {  	p0 =	sne.s32 s1, $0x2FF;
	v49 =	vbroadcast v49, $0x0;
	_ =	sdelay $0x1  }
0x1b6: {  	v46 =	vmul.f32 v46, v47;
	v48 =	vmul.f32 v48, v47;
	_ =	sdelay $0x1  }
0x1b7: {  	[tilespmem:s14+$0x20] =	vst v48  }
0x1b8: {  	[tilespmem:s14+$0x30] =	vst v46  }
0x1b9: {  	s14 =	sadd.s32 $0x80, s14;
	v46 =	vld.idx.msk [tilespmem:v49+s29+$0x0], $0xffff  }
0x1ba: {  	s0 =	sadd.s32 $0xFFFFFFFE, s9;
	v47 =	vld [tilespmem:s14+$0xFFFFFFC0]  }
0x1bb: {  	v49 =	vmov s0;
	v48 =	vld [tilespmem:s14+$0xFFFFFFD0]  }
0x1bc: {  	v49 =	vand.u32 $0xFFFFFFFD, v49  }
0x1bd: {  	v49 =	vbroadcast v49, $0x0;
	_ =	sdelay $0x1  }
0x1be: {  	v47 =	vmul.f32 v47, v46  }
0x1bf: {  	v46 =	vmul.f32 v48, v46  }
0x1c0: {  	[tilespmem:s14+$0xFFFFFFC0] =	vst v47  }
0x1c1: {  	[tilespmem:s14+$0xFFFFFFD0] =	vst v46  }
0x1c2: {  	v46 =	vld.idx.msk [tilespmem:v49+s29+$0x0], $0xffff  }
0x1c3: {  	s0 =	sadd.s32 $0xFFFFFFFF, s9;
	v47 =	vld [tilespmem:s14+$0xFFFFFFE0]  }
0x1c4: {  	v49 =	vmov s0;
	v48 =	vld [tilespmem:s14+$0xFFFFFFF0]  }
0x1c5: {  	v49 =	vand.u32 $0xFFFFFFFE, v49  }
0x1c6: {  	v49 =	vbroadcast v49, $0x0;
	_ =	sdelay $0x1  }
0x1c7: {  	v47 =	vmul.f32 v47, v46  }
0x1c8: {  	v46 =	vmul.f32 v48, v46  }
0x1c9: {  	[tilespmem:s14+$0xFFFFFFE0] =	vst v47  }
0x1ca: {  	[tilespmem:s14+$0xFFFFFFF0] =	vst v46;
	v46 =	vld [tilespmem:s14+$0x10]  }
0x1cb: {  	v47 =	vld.idx.msk [tilespmem:v49+s29+$0x0], $0xffff  }
0x1cc: {  	v48 =	vld [tilespmem:s14+$0x0];
	_ =	sdelay $0x3  }
0x1cd: {  	v49 =	vmov s9;
	s9 =	smov.u32 s1  }
0x1ce: {  	v46 =	vmul.f32 v46, v47;
	v48 =	vmul.f32 v48, v47;
	_ =	sdelay $0x1  }
0x1cf: {  	[tilespmem:s14+$0x10] =	vst v46  }
.Ltmp5:
0x1d0: {  	[tilespmem:s14+$0x0] =	vst v48;
	v46 =	vld [tilespmem:s14+$0x30];
	(pc) =	sbr.rel @p0 .LBB2_13-.Ltmp5, $4  }
0x1d1: {  	v47 =	vld.idx.msk [tilespmem:v49+s29+$0x0], $0xffff  }
0x1d2: {  	s0 =	sadd.s32 $0xFFFFFFFD, s1;
	v48 =	vld [tilespmem:s14+$0x20]  }
0x1d3: {  	v49 =	vmov s0  }
0x1d4: {  	s1 =	sadd.s32 $0x4, s1;
	v49 =	vand.u32 $0xFFFFFFFC, v49  }
0x1d5: {  	v49 =	vbroadcast v49, $0x0;
	_ =	sdelay $0x1  }
0x1d6: {  	v46 =	vmul.f32 v46, v47  }
0x1d7: {  	v48 =	vmul.f32 v48, v47  }
0x1d8: {  	s0 =	sadd.s32 $0x80, s14;
	[tilespmem:s14+$0x30] =	vst v46  }
0x1d9: {  	v53 =	vld [tilespmem:s0+$0xFFFFFFC0];
	[tilespmem:s14+$0x20] =	vst v48  }
0x1da: {  	s1 =	sadd.s32 $0xFFFFFFFE, s9;
	v46 =	vld.idx.msk [tilespmem:v49+s29+$0x0], $0xffff  }
0x1db: {  	v54 =	vld [tilespmem:s0+$0xFFFFFFD0];
	v55 =	vmov s1  }
0x1dc: {  	v49 =	vand.u32 $0xFFFFFFFD, v55  }
0x1dd: {  	v49 =	vbroadcast v49, $0x0;
	_ =	sdelay $0x1  }
0x1de: {  	v47 =	vmul.f32 v53, v46  }
0x1df: {  	v46 =	vmul.f32 v54, v46  }
0x1e0: {  	[tilespmem:s0+$0xFFFFFFC0] =	vst v47  }
0x1e1: {  	v56 =	vld [tilespmem:s0+$0xFFFFFFE0];
	[tilespmem:s0+$0xFFFFFFD0] =	vst v46  }
0x1e2: {  	s14 =	sadd.s32 $0xFFFFFFFF, s9;
	v46 =	vld.idx.msk [tilespmem:v49+s29+$0x0], $0xffff  }
0x1e3: {  	v57 =	vld [tilespmem:s0+$0xFFFFFFF0];
	v58 =	vmov s14  }
0x1e4: {  	v49 =	vand.u32 $0xFFFFFFFE, v58  }
0x1e5: {  	v49 =	vbroadcast v49, $0x0;
	_ =	sdelay $0x1  }
0x1e6: {  	v47 =	vmul.f32 v56, v46  }
0x1e7: {  	v46 =	vmul.f32 v57, v46  }
0x1e8: {  	[tilespmem:s0+$0xFFFFFFE0] =	vst v47  }
0x1e9: {  	v59 =	vld [tilespmem:s0+$0x10];
	[tilespmem:s0+$0xFFFFFFF0] =	vst v46  }
0x1ea: {  	v47 =	vld.idx.msk [tilespmem:v49+s29+$0x0], $0xffff  }
0x1eb: {  	v60 =	vld [tilespmem:s0+$0x0];
	_ =	sdelay $0x2  }
0x1ec: {  	v61 =	vmov s9  }
0x1ed: {  	v46 =	vmul.f32 v59, v47  }
0x1ee: {  	v47 =	vmul.f32 v60, v47  }
0x1ef: {  	[tilespmem:s0+$0x10] =	vst v46  }
0x1f0: {  	v62 =	vld [tilespmem:s0+$0x20];
	[tilespmem:s0+$0x0] =	vst v47  }
0x1f1: {  	v46 =	vld.idx.msk [tilespmem:v61+s29+$0x0], $0xffff  }
0x1f2: {  	v63 =	vld [tilespmem:s0+$0x30];
	_ =	sdelay $0x3  }
0x1f3: {  	v47 =	vmul.f32 v62, v46  }
0x1f4: {  	v46 =	vmul.f32 v63, v46  }
0x1f5: {  	[tilespmem:s0+$0x20] =	vst v47  }
0x1f6: {  	[tilespmem:s0+$0x30] =	vst v46  }
0x1f7: {  	[spmem:s5] =	stream.indirect.scatter.add.f32 [tilespmem:s29], [sflag:$0x3], $0x1, s23, s21, $0xb8;
	[tilespmem:$0x1DC00] =	vst v63  }
0x1f8: {  	s13 =	sadd.s32 $0x1, s13;
	_ =	swait.ge [sflag:s18], $0x300  }
0x1f9: {  	p0 =	sne.s32 s13, $0x6C;
	[sflag:s18] =	ssyncset.done $0x0  }
.Ltmp6:
0x1fa: {  	[sflag:s18] =	ssyncadd.s32 $0xFFFFFD00;
	(pc) =	sbr.rel @p0 .LBB2_8-.Ltmp6, $4  }
0x1fb: {  	[spmem:s3] =	stream.indirect.scatter.add.f32 [tilespmem:s20], [sflag:$0x3], $0x80, s25, s11, $0xb8;
	[tilespmem:$0x1DC00] =	vst v63  }
0x1fc: {  	_ =	swait.ge [sflag:s18], $0x6000  }
0x1fd: {  	[sflag:s18] =	ssyncset.done $0x0  }
0x1fe: {  	[sflag:s18] =	ssyncadd.s32 $0xFFFFA000  }
0x1ff: {  	s0 =	stileid.u32;
	[bflag:$0x0] =	sbarrier.arrive $0xFFFF  }
0x200: {  	s0 =	sshll.u32 s0, $0x6;
	s1 =	rddreg [dreg:$0xa]  }
0x201: {  	s2 =	rddreg [dreg:$0xd];
	s0 =	sor.u32 $0x1C03, s0  }
0x202: {  	[hbm:s1], [sflag:s0] =	dma.local [spmem:s2], $0x2800  }
0x203: {  	_ =	swait.ge [sflag:s18], $0x2800  }
0x204: {  	s3 =	simm.s32 $0x20;
	[sflag:s18] =	ssyncset.done $0x0;
	s26 =	rddreg [dreg:$0xb]  }
0x205: {  	s4 =	simm.s32 $0x10;
	s28 =	rddreg [dreg:$0xe];
	[sflag:s18] =	ssyncadd.s32 $0xFFFFD800  }
0x206: {  	[hbm:s26@s3], [sflag:s0] =	dma.strided [spmem:s28@s4], $0x280, s30, $0x10   }
0x207: {  	_ =	swait.ge [sflag:s18], $0x280  }
0x208: {  	s30 =	rddreg [dreg:$0x10]  }
0x209: {  	s31 =	rddreg [dreg:$0xc];
	s1 =	sadd.s32 $0x1, s30  }
0x20a: {  	p0 =	sne.s32 s1, s31  }
.Ltmp7:
0x20b: {  	_ = 	snop;
	(pc) =	sbr.rel @p0 .LBB2_1-.Ltmp7, $3  }
0x20c: {  	_ =	sdelay $0x1  }
0x20d: {  	[sflag:s18] =	ssyncset.done $0x0  }
0x20e: {  	[sflag:s18] =	ssyncadd.s32 $0xFFFFFD80  }
0x20f: {  	_ =	sfence.sel $0x180000  }
0x210: {  	[bflag:$0x0] =	sbarrier.arrive $0xFFFF  }
0x211: {  	_ =	strace $0x90000047  }
0x212: {  	s0 =	stileid.u32;
	[bflag:$0x2] =	sbarrier.arrive $0xFFFF  }
0x213: {  	p0 =	sne.s32 s0, $0x0;
	s0 =	rddreg [dreg:$0x5]  }
0x214: {  	s0 =	sadd.s32 @!p0 $0x100000, s0  }
0x215: {  	[sflag:s0] =	ssyncadd.tile.s32 @!p0 $0x1;
	_ =	shalt  }
.Lfunc_end2:
_tile_overlayer_lowered:
.L_overlay_start_2:
0x216: {  	(tag) =	ssettag $0x2  }
0x217: {  	s0 =	rddreg [dreg:$0x0];
	s2 =	stileid.u32  }
0x218: {  	s1 =	rddreg [dreg:$0x1];
	p0 =	sne.s32 s2, $0x0  }
0x219: {  	s3 =	rddreg [dreg:$0x2];
	[bflag:$0x3] =	sbarrier.arrive $0xFFFF;
	s2 =	simm.s32 @!p0 $0x1C03  }
0x21a: {  	[timem:s3], [sflag:s2] =	dma.local @!p0 [hbm:s0], s1  }
0x21b: {  	s0 =	simm.s32 @!p0 $0x3  }
0x21c: {  	_ =	swait.ge @!p0 [sflag:s0], s1  }
0x21d: {  	s1 =	ssub.s32 @!p0 $0x0, s1;
	[sflag:s0] =	ssyncset.done @!p0 $0x0  }
0x21e: {  	[sflag:s0] =	ssyncadd.s32 @!p0 s1  }
0x21f: {  	[bflag:$0x3] =	sbarrier.arrive $0xFFFF  }
0x220: {  	_ =	shalt  }

</sc_bundles>
